<compile_context>
chip_gen: v7x
topology: tpu7x:2x2x1
jax: 0.10.2.dev20260603
libtpu: 0.0.44.dev20260713+nightly
codegen_flags: <defaults>
</compile_context>

<pallas_src>
import functools

import jax
import jax.numpy as jnp
from jax import lax
from jax.experimental import pallas as pl
from jax.experimental.pallas import tpu as pltpu
from jax.experimental.pallas import tpu_sc as plsc

N = 10000
E = 320000
D = 128

NC = 2
NS = 16
CHB = 128
NCH = 80
BK = 40
EP = NC * NS * NCH * CHB
NP = 10240
RPT = NP // NS
STRIP = 128
F = 128

_mesh = plsc.VectorSubcoreMesh(core_axis_name="c", subcore_axis_name="s")



HR = 40
NPASS = NP // (HR * 128)


@functools.partial(
    pl.kernel,
    out_type=jax.ShapeDtypeStruct((NC, NS, NPASS * HR, 128), jnp.float32),
    mesh=_mesh,
    scratch_types=[
        pltpu.VMEM((NCH, CHB), jnp.int32),
        pltpu.VMEM((16 * HR * 128,), jnp.float32),
        pltpu.VMEM((HR, 128), jnp.float32),
    ],
    compiler_params=pltpu.CompilerParams(needs_layout_passes=False),
)
def _sc_degree(dst_hbm, zflat_hbm, out_hbm, dstv, hist, deg2):
    c = lax.axis_index("c")
    s = lax.axis_index("s")
    pltpu.sync_copy(dst_hbm.at[c, s], dstv)
    lane = jax.lax.iota(jnp.int32, 16)
    ones = jnp.full((16,), 1.0, jnp.float32)
    for p in range(NPASS):
        base = p * HR * 128
        pltpu.sync_copy(zflat_hbm, hist)

        def chunk(i, carry):
            def sub(j, carry2):
                d = dstv[i, pl.ds(j * 16, 16)]
                m = (d >= base) & (d < base + HR * 128)
                idx = (lane * HR + ((d - base) >> 7)) * 128 + (d & 127)
                plsc.addupdate_scatter(hist, (idx,), ones, mask=m)
                return carry2
            return lax.fori_loop(0, CHB // 16, sub, carry)

        lax.fori_loop(0, NCH, chunk, 0)

        def fold(r, carry):
            for g in range(128 // 16):
                acc = hist[pl.ds(r * 128 + g * 16, 16)]
                for l in range(1, 16):
                    acc = acc + hist[pl.ds((l * HR + r) * 128 + g * 16, 16)]
                deg2[r, pl.ds(g * 16, 16)] = acc
            return carry

        lax.fori_loop(0, HR, fold, 0)
        pltpu.sync_copy(deg2, out_hbm.at[c, s, pl.ds(p * HR, HR)])


@functools.partial(
    pl.kernel,
    out_type=jax.ShapeDtypeStruct((NC, NP, F), jnp.float32),
    mesh=_mesh,
    scratch_types=[
        pltpu.VMEM((BK, CHB), jnp.int32),
        pltpu.VMEM((BK, CHB), jnp.int32),
        pltpu.VMEM((CHB, F), jnp.float32),
        pltpu.VMEM((CHB, F), jnp.float32),
        pltpu.VMEM_SHARED((NP, F), jnp.float32),
        pltpu.SemaphoreType.DMA,
        pltpu.SemaphoreType.DMA,
        pltpu.SemaphoreType.DMA,
        pltpu.SemaphoreType.DMA,
    ],
)
def _sc_segsum(src_hbm, dst_hbm, hp_hbm, out_hbm,
               srcv, dstv, rows0, rows1, agg_sh, g0, g1, s0, s1):
    c = lax.axis_index("c")
    s = lax.axis_index("s")
    base = s * RPT
    zv = jnp.zeros((16,), jnp.float32)

    def zero(k, carry):
        rows0[pl.ds(k * 16, 16), :] = jnp.zeros((16, F), jnp.float32)
        return carry

    lax.fori_loop(0, CHB // 16, zero, 0)
    for k in range(RPT // STRIP):
        pltpu.sync_copy(rows0, agg_sh.at[pl.ds(base + k * STRIP, STRIP)])
    plsc.subcore_barrier()

    for b in range(NCH // BK):
        pltpu.sync_copy(src_hbm.at[c, s, pl.ds(b * BK, BK)], srcv)
        pltpu.sync_copy(dst_hbm.at[c, s, pl.ds(b * BK, BK)], dstv)
        pltpu.async_copy(hp_hbm.at[srcv.at[0]], rows0, g0)

        def pair(k, carry):
            c0 = 2 * k

            @pl.when(k > 0)
            def _():
                pltpu.make_async_copy(rows1, agg_sh.at[dstv.at[c0 - 1]], s1).wait()

            pltpu.async_copy(hp_hbm.at[srcv.at[c0 + 1]], rows1, g1)
            pltpu.make_async_copy(hp_hbm.at[srcv.at[c0]], rows0, g0).wait()
            pltpu.async_copy(rows0, agg_sh.at[dstv.at[c0]], s0, add=True)
            pltpu.make_async_copy(rows0, agg_sh.at[dstv.at[c0]], s0).wait()

            @pl.when(k < BK // 2 - 1)
            def _():
                pltpu.async_copy(hp_hbm.at[srcv.at[c0 + 2]], rows0, g0)

            pltpu.make_async_copy(hp_hbm.at[srcv.at[c0 + 1]], rows1, g1).wait()
            pltpu.async_copy(rows1, agg_sh.at[dstv.at[c0 + 1]], s1, add=True)
            return carry

        lax.fori_loop(0, BK // 2, pair, 0)
        pltpu.make_async_copy(rows1, agg_sh.at[dstv.at[BK - 1]], s1).wait()
    plsc.subcore_barrier()
    for k in range(RPT // STRIP):
        off = base + k * STRIP
        buf = rows0 if k % 2 == 0 else rows1
        pltpu.sync_copy(agg_sh.at[pl.ds(off, STRIP)], buf)
        pltpu.sync_copy(buf, out_hbm.at[c, pl.ds(off, STRIP)])



def _tc0_body(deg, dinv2d_out):
    hist = jnp.sum(deg[...], axis=(0, 1))
    dinv2d_out[...] = lax.rsqrt(hist + 1.0)


def _tc1_body(dinv, x, w1p, hp_out):
    h = jnp.dot(x[...], w1p[...], preferred_element_type=jnp.float32)
    hp_out[...] = h * dinv[...]


def _tc2_body(a0, a1, hp1, dinv, b1, w2p, hp2_out):
    dv = dinv[...]
    agg = a0[0:N, 0:64] + a1[0:N, 0:64] + hp1[0:N, 0:64]
    h1 = jnp.maximum(agg * dv + b1[...], 0.0)
    hp2_out[...] = jnp.dot(h1, w2p[...],
                           preferred_element_type=jnp.float32) * dv


def _tc3_body(a0, a1, hp2, dinv, b2, fw1, fb1, fw2, fb2, y_out):
    dv = dinv[...]
    agg = a0[0:N, 0:32] + a1[0:N, 0:32] + hp2[0:N, 0:32]
    h2 = jnp.maximum(agg * dv + b2[...], 0.0)
    h3 = jnp.maximum(
        jnp.dot(h2, fw1[...], preferred_element_type=jnp.float32) + fb1[...], 0.0)
    y_out[...] = jnp.dot(h3, fw2[...], preferred_element_type=jnp.float32) + fb2[...]


_tc0 = pl.pallas_call(
    _tc0_body,
    out_shape=jax.ShapeDtypeStruct((NPASS * HR, 128), jnp.float32),
)
_tc1 = pl.pallas_call(
    _tc1_body,
    out_shape=jax.ShapeDtypeStruct((N, F), jnp.float32),
)
_tc2 = pl.pallas_call(
    _tc2_body,
    out_shape=jax.ShapeDtypeStruct((N, F), jnp.float32),
)
_tc3 = pl.pallas_call(
    _tc3_body,
    out_shape=jax.ShapeDtypeStruct((N, 1), jnp.float32),
)



def kernel(x, edge_index, W1, b1, W2, b2, fw1, fb1, fw2, fb2):
    pad = EP - E
    pad_ar = jnp.arange(pad, dtype=jnp.int32)
    src_p = jnp.concatenate([edge_index[0], pad_ar % N]).reshape(NC, NS, NCH, CHB)
    dst_p = jnp.concatenate([edge_index[1], N + (pad_ar % (NP - N))]
                            ).reshape(NC, NS, NCH, CHB)

    w1p = jnp.pad(W1, ((0, 0), (0, F - 64)))
    w2p = jnp.pad(W2, ((0, 0), (0, F - 32)))

    deg_slabs = _sc_degree(dst_p, jnp.zeros((16 * HR * 128,), jnp.float32))
    dinv2d = _tc0(deg_slabs)
    dinv = jnp.reshape(dinv2d, (NP, 1))[:N]
    hp1 = _tc1(dinv, x, w1p)
    agg1 = _sc_segsum(src_p, dst_p, hp1)
    hp2 = _tc2(agg1[0], agg1[1], hp1, dinv, b1[None, :], w2p)
    agg2 = _sc_segsum(src_p, dst_p, hp2)
    y = _tc3(agg2[0], agg2[1], hp2, dinv, b2[None, :],
             fw1, fb1[None, :], fw2, fb2[None, :])
    return jnp.squeeze(y, axis=-1)

# --- scband reference (transcript-rebuilt; emitter-appended) ---
"""Pipeline reference for scband-gnn-23407571763485 (READ-ONLY COPY).

The authoritative reference and input builder live on the scoring server;
editing this copy changes nothing except your own understanding.
"""

import jax, jax.numpy as jnp
import numpy as np

N = 10000
E = 320000
D = 128


def setup_inputs(seed: int = 0) -> dict:
    key = jax.random.key(seed)
    ks = jax.random.split(key, 12)
    x = jax.random.normal(ks[0], (N, D), dtype=jnp.float32)
    edge_index = jax.random.randint(ks[1], (2, E), 0, N, dtype=jnp.int32)
    # GCNConv weights (stored [in, out]) and biases
    W1 = jax.random.normal(ks[2], (D, 64), dtype=jnp.float32) * (1.0 / np.sqrt(D))
    b1 = jnp.zeros((64,), dtype=jnp.float32)
    W2 = jax.random.normal(ks[3], (64, 32), dtype=jnp.float32) * (1.0 / np.sqrt(64))
    b2 = jnp.zeros((32,), dtype=jnp.float32)
    # Linear layers (stored [in, out])
    fw1 = jax.random.normal(ks[4], (32, 16), dtype=jnp.float32) * (1.0 / np.sqrt(32))
    fb1 = jax.random.normal(ks[5], (16,), dtype=jnp.float32) * (1.0 / np.sqrt(32))
    fw2 = jax.random.normal(ks[6], (16, 1), dtype=jnp.float32) * (1.0 / np.sqrt(16))
    fb2 = jax.random.normal(ks[7], (1,), dtype=jnp.float32) * (1.0 / np.sqrt(16))
    return {"x": x, "edge_index": edge_index, "W1": W1, "b1": b1, "W2": W2, "b2": b2,
            "fw1": fw1, "fb1": fb1, "fw2": fw2, "fb2": fb2}


def gcn_conv(x, edge_index, W, b):
    # PyG-style GCNConv: add self-loops, symmetric normalization, scatter-add aggregation
    n = x.shape[0]
    h = x @ W
    src = edge_index[0]
    dst = edge_index[1]
    loop = jnp.arange(n, dtype=src.dtype)
    src = jnp.concatenate([src, loop])
    dst = jnp.concatenate([dst, loop])
    deg = jnp.zeros((n,), dtype=x.dtype).at[dst].add(1.0)
    dinv = jnp.where(deg > 0, 1.0 / jnp.sqrt(deg), 0.0)
    norm = dinv[src] * dinv[dst]
    msg = h[src] * norm[:, None]
    out = jax.ops.segment_sum(msg, dst, num_segments=n)
    return out + b


def reference(x, edge_index, W1, b1, W2, b2, fw1, fb1, fw2, fb2):
    h = jax.nn.relu(gcn_conv(x, edge_index, W1, b1))
    h = jax.nn.relu(gcn_conv(h, edge_index, W2, b2))
    h = jax.nn.relu(h @ fw1 + fb1)
    h = h @ fw2 + fb2
    return jnp.squeeze(h, axis=-1)

if __name__ == "__main__":
    import jax
    _d = setup_inputs()
    print(jax.jit(kernel)(*tuple(_d.values())))

</pallas_src>

<mosaic_0001>
#map = affine_map<(d0, d1) -> (0, 0, 0, 0)>
#map1 = affine_map<(d0, d1) -> (0)>
module attributes {stable_mosaic.version = 14 : i64} {
  func.func @_sc_degree(%arg0: i32, %arg1: i32, %arg2: memref<2x16x80x128xi32, #tpu.memory_space<hbm>>, %arg3: memref<81920xf32, #tpu.memory_space<hbm>>, %arg4: memref<2x16x80x128xf32, #tpu.memory_space<hbm>>, %arg5: memref<80x128xi32, #tpu.memory_space<vmem>>, %arg6: memref<81920xf32, #tpu.memory_space<vmem>>, %arg7: memref<40x128xf32, #tpu.memory_space<vmem>>) attributes {dimension_semantics = [#tpu.dimension_semantics<core_parallel>, #tpu.dimension_semantics<subcore_parallel>], iteration_bounds = array<i64: 2, 16>, scalar_prefetch = 0 : i64, scratch_operands = 3 : i64, tpu.core_type = #tpu.core_type<sc_vector_subcore>, window_params = [{transform_indices = #map}, {transform_indices = #map1}, {transform_indices = #map}]} {
    "tpu.region"() ({
      %run_scoped3A = tpu.sem_alloc : memref<!tpu.dma_semaphore, #tpu.memory_space<semaphore_mem>>
      %dma_start3A = arith.constant 0 : i32
      %dma_start3A_24 = arith.constant 0 : i32
      %dma_start3A_25 = tpu.memref_slice %arg2[%arg0, %arg1, %dma_start3A, %dma_start3A_24] : memref<2x16x80x128xi32, #tpu.memory_space<hbm>> -> memref<1x1x80x128xi32, #tpu.memory_space<hbm>>
      %dma_start3A_26 = tpu.memref_squeeze %dma_start3A_25 : memref<1x1x80x128xi32, #tpu.memory_space<hbm>> -> memref<80x128xi32, #tpu.memory_space<hbm>>
      %dma_start3A_27 = arith.constant 0 : i32
      %dma_start3A_28 = arith.constant 0 : i32
      %dma_start3A_29 = tpu.memref_slice %arg2[%arg0, %arg1, %dma_start3A_27, %dma_start3A_28] : memref<2x16x80x128xi32, #tpu.memory_space<hbm>> -> memref<1x1x80x128xi32, #tpu.memory_space<hbm>>
      %dma_start3A_30 = tpu.memref_squeeze %dma_start3A_29 : memref<1x1x80x128xi32, #tpu.memory_space<hbm>> -> memref<80x128xi32, #tpu.memory_space<hbm>>
      tpu.enqueue_dma source(%dma_start3A_30 : memref<80x128xi32, #tpu.memory_space<hbm>>) target(%arg5 : memref<80x128xi32, #tpu.memory_space<vmem>>) target_semaphore(%run_scoped3A : memref<!tpu.dma_semaphore, #tpu.memory_space<semaphore_mem>>)
      %dma_wait3A = arith.constant 0 : i32
      %dma_wait3A_31 = arith.constant 0 : i32
      %dma_wait3A_32 = tpu.memref_slice %arg2[%arg0, %arg1, %dma_wait3A, %dma_wait3A_31] : memref<2x16x80x128xi32, #tpu.memory_space<hbm>> -> memref<1x1x80x128xi32, #tpu.memory_space<hbm>>
      %dma_wait3A_33 = tpu.memref_squeeze %dma_wait3A_32 : memref<1x1x80x128xi32, #tpu.memory_space<hbm>> -> memref<80x128xi32, #tpu.memory_space<hbm>>
      %dma_wait3A_34 = arith.constant 0 : i32
      %dma_wait3A_35 = arith.constant 0 : i32
      %dma_wait3A_36 = tpu.memref_slice %arg2[%arg0, %arg1, %dma_wait3A_34, %dma_wait3A_35] : memref<2x16x80x128xi32, #tpu.memory_space<hbm>> -> memref<1x1x80x128xi32, #tpu.memory_space<hbm>>
      %dma_wait3A_37 = tpu.memref_squeeze %dma_wait3A_36 : memref<1x1x80x128xi32, #tpu.memory_space<hbm>> -> memref<80x128xi32, #tpu.memory_space<hbm>>
      tpu.wait_dma2 semaphore(%run_scoped3A : memref<!tpu.dma_semaphore, #tpu.memory_space<semaphore_mem>>) src(%dma_wait3A_37 : memref<80x128xi32, #tpu.memory_space<hbm>>) dst(%arg5 : memref<80x128xi32, #tpu.memory_space<vmem>>)
      tpu.yield
    }) : () -> ()
    %iota3A = tpu.iota {dimensions = array<i32: 0>} : vector<16xi32>
    %broadcast_in_dim3A = arith.constant 1.000000e+00 : f32
    %broadcast_in_dim3A_0 = vector.broadcast %broadcast_in_dim3A : f32 to vector<16xf32>
    "tpu.region"() ({
      %run_scoped3A = tpu.sem_alloc : memref<!tpu.dma_semaphore, #tpu.memory_space<semaphore_mem>>
      tpu.enqueue_dma source(%arg3 : memref<81920xf32, #tpu.memory_space<hbm>>) target(%arg6 : memref<81920xf32, #tpu.memory_space<vmem>>) target_semaphore(%run_scoped3A : memref<!tpu.dma_semaphore, #tpu.memory_space<semaphore_mem>>)
      tpu.wait_dma2 semaphore(%run_scoped3A : memref<!tpu.dma_semaphore, #tpu.memory_space<semaphore_mem>>) src(%arg3 : memref<81920xf32, #tpu.memory_space<hbm>>) dst(%arg6 : memref<81920xf32, #tpu.memory_space<vmem>>)
      tpu.yield
    }) : () -> ()
    %scan3A = arith.constant 0 : i32
    %scan3A_1 = arith.constant 0 : i32
    %scan3A_2 = arith.constant 80 : i32
    %scan3A_3 = arith.addi %scan3A_1, %scan3A_2 : i32
    %scan3A_4 = arith.constant 1 : i32
    scf.for %scan3A_24 = %scan3A_1 to %scan3A_3 step %scan3A_4  : i32 {
      %scan3A_25 = arith.constant 0 : i32
      %scan3A_26 = arith.constant 8 : i32
      %scan3A_27 = arith.addi %scan3A_25, %scan3A_26 : i32
      %scan3A_28 = arith.constant 1 : i32
      scf.for %scan3A_30 = %scan3A_25 to %scan3A_27 step %scan3A_28  : i32 {
        %mul3A = arith.constant 16 : i32
        %mul3A_31 = arith.muli %scan3A_30, %mul3A : i32
        %get3A = arith.index_cast %scan3A_24 : i32 to index
        %get3A_32 = arith.index_cast %mul3A_31 : i32 to index
        %get3A_33 = tpu.vector_load %arg5[%get3A, %get3A_32] {strides = array<i32>} : memref<80x128xi32, #tpu.memory_space<vmem>>, vector<16xi32>,
        %ge3A = arith.constant 0 : i32
        %ge3A_34 = vector.broadcast %ge3A : i32 to vector<16xi32>
        %ge3A_35 = arith.cmpi sge, %get3A_33, %ge3A_34 : vector<16xi32>
        %lt3A = arith.constant 5120 : i32
        %lt3A_36 = vector.broadcast %lt3A : i32 to vector<16xi32>
        %lt3A_37 = arith.cmpi slt, %get3A_33, %lt3A_36 : vector<16xi32>
        %and3A = arith.andi %ge3A_35, %lt3A_37 : vector<16xi1>
        %mul3A_38 = arith.constant 40 : i32
        %mul3A_39 = vector.broadcast %mul3A_38 : i32 to vector<16xi32>
        %mul3A_40 = arith.muli %iota3A, %mul3A_39 : vector<16xi32>
        %sub3A = arith.constant 0 : i32
        %sub3A_41 = vector.broadcast %sub3A : i32 to vector<16xi32>
        %sub3A_42 = arith.subi %get3A_33, %sub3A_41 : vector<16xi32>
        %shift_right_arithmetic3A = arith.constant 7 : i32
        %shift_right_arithmetic3A_43 = vector.broadcast %shift_right_arithmetic3A : i32 to vector<16xi32>
        %shift_right_arithmetic3A_44 = arith.shrsi %sub3A_42, %shift_right_arithmetic3A_43 : vector<16xi32>
        %add3A = arith.addi %mul3A_40, %shift_right_arithmetic3A_44 : vector<16xi32>
        %mul3A_45 = arith.constant 128 : i32
        %mul3A_46 = vector.broadcast %mul3A_45 : i32 to vector<16xi32>
        %mul3A_47 = arith.muli %add3A, %mul3A_46 : vector<16xi32>
        %and3A_48 = arith.constant 127 : i32
        %and3A_49 = vector.broadcast %and3A_48 : i32 to vector<16xi32>
        %and3A_50 = arith.andi %get3A_33, %and3A_49 : vector<16xi32>
        %add3A_51 = arith.addi %mul3A_47, %and3A_50 : vector<16xi32>
        tpu.vector_store_idx %arg6[%add3A_51], %broadcast_in_dim3A_0 masked %and3A {add = true} : memref<81920xf32, #tpu.memory_space<vmem>>[vector<16xi32>], vector<16xf32>, vector<16xi1>
      }
      %scan3A_29 = arith.constant 8 : i32
    }
    %scan3A_5 = arith.constant 80 : i32
    %scan3A_6 = arith.constant 0 : i32
    %scan3A_7 = arith.constant 0 : i32
    %scan3A_8 = arith.constant 40 : i32
    %scan3A_9 = arith.addi %scan3A_7, %scan3A_8 : i32
    %scan3A_10 = arith.constant 1 : i32
    scf.for %scan3A_24 = %scan3A_7 to %scan3A_9 step %scan3A_10  : i32 {
      %mul3A = arith.constant 128 : i32
      %mul3A_25 = arith.muli %scan3A_24, %mul3A : i32
      %add3A = arith.constant 0 : i32
      %add3A_26 = arith.addi %mul3A_25, %add3A : i32
      %get3A = arith.index_cast %add3A_26 : i32 to index
      %get3A_27 = tpu.vector_load %arg6[%get3A] {strides = array<i32>} : memref<81920xf32, #tpu.memory_space<vmem>>, vector<16xf32>,
      %add3A_28 = arith.constant 40 : i32
      %add3A_29 = arith.addi %add3A_28, %scan3A_24 : i32
      %mul3A_30 = arith.constant 128 : i32
      %mul3A_31 = arith.muli %add3A_29, %mul3A_30 : i32
      %add3A_32 = arith.constant 0 : i32
      %add3A_33 = arith.addi %mul3A_31, %add3A_32 : i32
      %get3A_34 = arith.index_cast %add3A_33 : i32 to index
      %get3A_35 = tpu.vector_load %arg6[%get3A_34] {strides = array<i32>} : memref<81920xf32, #tpu.memory_space<vmem>>, vector<16xf32>,
      %add3A_36 = arith.addf %get3A_27, %get3A_35 : vector<16xf32>
      %add3A_37 = arith.constant 80 : i32
      %add3A_38 = arith.addi %add3A_37, %scan3A_24 : i32
      %mul3A_39 = arith.constant 128 : i32
      %mul3A_40 = arith.muli %add3A_38, %mul3A_39 : i32
      %add3A_41 = arith.constant 0 : i32
      %add3A_42 = arith.addi %mul3A_40, %add3A_41 : i32
      %get3A_43 = arith.index_cast %add3A_42 : i32 to index
      %get3A_44 = tpu.vector_load %arg6[%get3A_43] {strides = array<i32>} : memref<81920xf32, #tpu.memory_space<vmem>>, vector<16xf32>,
      %add3A_45 = arith.addf %add3A_36, %get3A_44 : vector<16xf32>
      %add3A_46 = arith.constant 120 : i32
      %add3A_47 = arith.addi %add3A_46, %scan3A_24 : i32
      %mul3A_48 = arith.constant 128 : i32
      %mul3A_49 = arith.muli %add3A_47, %mul3A_48 : i32
      %add3A_50 = arith.constant 0 : i32
      %add3A_51 = arith.addi %mul3A_49, %add3A_50 : i32
      %get3A_52 = arith.index_cast %add3A_51 : i32 to index
      %get3A_53 = tpu.vector_load %arg6[%get3A_52] {strides = array<i32>} : memref<81920xf32, #tpu.memory_space<vmem>>, vector<16xf32>,
      %add3A_54 = arith.addf %add3A_45, %get3A_53 : vector<16xf32>
      %add3A_55 = arith.constant 160 : i32
      %add3A_56 = arith.addi %add3A_55, %scan3A_24 : i32
      %mul3A_57 = arith.constant 128 : i32
      %mul3A_58 = arith.muli %add3A_56, %mul3A_57 : i32
      %add3A_59 = arith.constant 0 : i32
      %add3A_60 = arith.addi %mul3A_58, %add3A_59 : i32
      %get3A_61 = arith.index_cast %add3A_60 : i32 to index
      %get3A_62 = tpu.vector_load %arg6[%get3A_61] {strides = array<i32>} : memref<81920xf32, #tpu.memory_space<vmem>>, vector<16xf32>,
      %add3A_63 = arith.addf %add3A_54, %get3A_62 : vector<16xf32>
      %add3A_64 = arith.constant 200 : i32
      %add3A_65 = arith.addi %add3A_64, %scan3A_24 : i32
      %mul3A_66 = arith.constant 128 : i32
      %mul3A_67 = arith.muli %add3A_65, %mul3A_66 : i32
      %add3A_68 = arith.constant 0 : i32
      %add3A_69 = arith.addi %mul3A_67, %add3A_68 : i32
      %get3A_70 = arith.index_cast %add3A_69 : i32 to index
      %get3A_71 = tpu.vector_load %arg6[%get3A_70] {strides = array<i32>} : memref<81920xf32, #tpu.memory_space<vmem>>, vector<16xf32>,
      %add3A_72 = arith.addf %add3A_63, %get3A_71 : vector<16xf32>
      %add3A_73 = arith.constant 240 : i32
      %add3A_74 = arith.addi %add3A_73, %scan3A_24 : i32
      %mul3A_75 = arith.constant 128 : i32
      %mul3A_76 = arith.muli %add3A_74, %mul3A_75 : i32
      %add3A_77 = arith.constant 0 : i32
      %add3A_78 = arith.addi %mul3A_76, %add3A_77 : i32
      %get3A_79 = arith.index_cast %add3A_78 : i32 to index
      %get3A_80 = tpu.vector_load %arg6[%get3A_79] {strides = array<i32>} : memref<81920xf32, #tpu.memory_space<vmem>>, vector<16xf32>,
      %add3A_81 = arith.addf %add3A_72, %get3A_80 : vector<16xf32>
      %add3A_82 = arith.constant 280 : i32
      %add3A_83 = arith.addi %add3A_82, %scan3A_24 : i32
      %mul3A_84 = arith.constant 128 : i32
      %mul3A_85 = arith.muli %add3A_83, %mul3A_84 : i32
      %add3A_86 = arith.constant 0 : i32
      %add3A_87 = arith.addi %mul3A_85, %add3A_86 : i32
      %get3A_88 = arith.index_cast %add3A_87 : i32 to index
      %get3A_89 = tpu.vector_load %arg6[%get3A_88] {strides = array<i32>} : memref<81920xf32, #tpu.memory_space<vmem>>, vector<16xf32>,
      %add3A_90 = arith.addf %add3A_81, %get3A_89 : vector<16xf32>
      %add3A_91 = arith.constant 320 : i32
      %add3A_92 = arith.addi %add3A_91, %scan3A_24 : i32
      %mul3A_93 = arith.constant 128 : i32
      %mul3A_94 = arith.muli %add3A_92, %mul3A_93 : i32
      %add3A_95 = arith.constant 0 : i32
      %add3A_96 = arith.addi %mul3A_94, %add3A_95 : i32
      %get3A_97 = arith.index_cast %add3A_96 : i32 to index
      %get3A_98 = tpu.vector_load %arg6[%get3A_97] {strides = array<i32>} : memref<81920xf32, #tpu.memory_space<vmem>>, vector<16xf32>,
      %add3A_99 = arith.addf %add3A_90, %get3A_98 : vector<16xf32>
      %add3A_100 = arith.constant 360 : i32
      %add3A_101 = arith.addi %add3A_100, %scan3A_24 : i32
      %mul3A_102 = arith.constant 128 : i32
      %mul3A_103 = arith.muli %add3A_101, %mul3A_102 : i32
      %add3A_104 = arith.constant 0 : i32
      %add3A_105 = arith.addi %mul3A_103, %add3A_104 : i32
      %get3A_106 = arith.index_cast %add3A_105 : i32 to index
      %get3A_107 = tpu.vector_load %arg6[%get3A_106] {strides = array<i32>} : memref<81920xf32, #tpu.memory_space<vmem>>, vector<16xf32>,
      %add3A_108 = arith.addf %add3A_99, %get3A_107 : vector<16xf32>
      %add3A_109 = arith.constant 400 : i32
      %add3A_110 = arith.addi %add3A_109, %scan3A_24 : i32
      %mul3A_111 = arith.constant 128 : i32
      %mul3A_112 = arith.muli %add3A_110, %mul3A_111 : i32
      %add3A_113 = arith.constant 0 : i32
      %add3A_114 = arith.addi %mul3A_112, %add3A_113 : i32
      %get3A_115 = arith.index_cast %add3A_114 : i32 to index
      %get3A_116 = tpu.vector_load %arg6[%get3A_115] {strides = array<i32>} : memref<81920xf32, #tpu.memory_space<vmem>>, vector<16xf32>,
      %add3A_117 = arith.addf %add3A_108, %get3A_116 : vector<16xf32>
      %add3A_118 = arith.constant 440 : i32
      %add3A_119 = arith.addi %add3A_118, %scan3A_24 : i32
      %mul3A_120 = arith.constant 128 : i32
      %mul3A_121 = arith.muli %add3A_119, %mul3A_120 : i32
      %add3A_122 = arith.constant 0 : i32
      %add3A_123 = arith.addi %mul3A_121, %add3A_122 : i32
      %get3A_124 = arith.index_cast %add3A_123 : i32 to index
      %get3A_125 = tpu.vector_load %arg6[%get3A_124] {strides = array<i32>} : memref<81920xf32, #tpu.memory_space<vmem>>, vector<16xf32>,
      %add3A_126 = arith.addf %add3A_117, %get3A_125 : vector<16xf32>
      %add3A_127 = arith.constant 480 : i32
      %add3A_128 = arith.addi %add3A_127, %scan3A_24 : i32
      %mul3A_129 = arith.constant 128 : i32
      %mul3A_130 = arith.muli %add3A_128, %mul3A_129 : i32
      %add3A_131 = arith.constant 0 : i32
      %add3A_132 = arith.addi %mul3A_130, %add3A_131 : i32
      %get3A_133 = arith.index_cast %add3A_132 : i32 to index
      %get3A_134 = tpu.vector_load %arg6[%get3A_133] {strides = array<i32>} : memref<81920xf32, #tpu.memory_space<vmem>>, vector<16xf32>,
      %add3A_135 = arith.addf %add3A_126, %get3A_134 : vector<16xf32>
      %add3A_136 = arith.constant 520 : i32
      %add3A_137 = arith.addi %add3A_136, %scan3A_24 : i32
      %mul3A_138 = arith.constant 128 : i32
      %mul3A_139 = arith.muli %add3A_137, %mul3A_138 : i32
      %add3A_140 = arith.constant 0 : i32
      %add3A_141 = arith.addi %mul3A_139, %add3A_140 : i32
      %get3A_142 = arith.index_cast %add3A_141 : i32 to index
      %get3A_143 = tpu.vector_load %arg6[%get3A_142] {strides = array<i32>} : memref<81920xf32, #tpu.memory_space<vmem>>, vector<16xf32>,
      %add3A_144 = arith.addf %add3A_135, %get3A_143 : vector<16xf32>
      %add3A_145 = arith.constant 560 : i32
      %add3A_146 = arith.addi %add3A_145, %scan3A_24 : i32
      %mul3A_147 = arith.constant 128 : i32
      %mul3A_148 = arith.muli %add3A_146, %mul3A_147 : i32
      %add3A_149 = arith.constant 0 : i32
      %add3A_150 = arith.addi %mul3A_148, %add3A_149 : i32
      %get3A_151 = arith.index_cast %add3A_150 : i32 to index
      %get3A_152 = tpu.vector_load %arg6[%get3A_151] {strides = array<i32>} : memref<81920xf32, #tpu.memory_space<vmem>>, vector<16xf32>,
      %add3A_153 = arith.addf %add3A_144, %get3A_152 : vector<16xf32>
      %add3A_154 = arith.constant 600 : i32
      %add3A_155 = arith.addi %add3A_154, %scan3A_24 : i32
      %mul3A_156 = arith.constant 128 : i32
      %mul3A_157 = arith.muli %add3A_155, %mul3A_156 : i32
      %add3A_158 = arith.constant 0 : i32
      %add3A_159 = arith.addi %mul3A_157, %add3A_158 : i32
      %get3A_160 = arith.index_cast %add3A_159 : i32 to index
      %get3A_161 = tpu.vector_load %arg6[%get3A_160] {strides = array<i32>} : memref<81920xf32, #tpu.memory_space<vmem>>, vector<16xf32>,
      %add3A_162 = arith.addf %add3A_153, %get3A_161 : vector<16xf32>
      %swap3A = arith.index_cast %scan3A_24 : i32 to index
      %swap3A_163 = arith.constant 0 : index
      %swap3A_164 = tpu.vector_load %arg7[%swap3A, %swap3A_163] {strides = array<i32>} : memref<40x128xf32, #tpu.memory_space<vmem>>, vector<16xf32>,
      tpu.vector_store %arg7[%swap3A, %swap3A_163], %add3A_162 {strides = array<i32>} : memref<40x128xf32, #tpu.memory_space<vmem>>, vector<16xf32>,
      %mul3A_165 = arith.constant 128 : i32
      %mul3A_166 = arith.muli %scan3A_24, %mul3A_165 : i32
      %add3A_167 = arith.constant 16 : i32
      %add3A_168 = arith.addi %mul3A_166, %add3A_167 : i32
      %get3A_169 = arith.index_cast %add3A_168 : i32 to index
      %get3A_170 = tpu.vector_load %arg6[%get3A_169] {strides = array<i32>} : memref<81920xf32, #tpu.memory_space<vmem>>, vector<16xf32>,
      %add3A_171 = arith.constant 40 : i32
      %add3A_172 = arith.addi %add3A_171, %scan3A_24 : i32
      %mul3A_173 = arith.constant 128 : i32
      %mul3A_174 = arith.muli %add3A_172, %mul3A_173 : i32
      %add3A_175 = arith.constant 16 : i32
      %add3A_176 = arith.addi %mul3A_174, %add3A_175 : i32
      %get3A_177 = arith.index_cast %add3A_176 : i32 to index
      %get3A_178 = tpu.vector_load %arg6[%get3A_177] {strides = array<i32>} : memref<81920xf32, #tpu.memory_space<vmem>>, vector<16xf32>,
      %add3A_179 = arith.addf %get3A_170, %get3A_178 : vector<16xf32>
      %add3A_180 = arith.constant 80 : i32
      %add3A_181 = arith.addi %add3A_180, %scan3A_24 : i32
      %mul3A_182 = arith.constant 128 : i32
      %mul3A_183 = arith.muli %add3A_181, %mul3A_182 : i32
      %add3A_184 = arith.constant 16 : i32
      %add3A_185 = arith.addi %mul3A_183, %add3A_184 : i32
      %get3A_186 = arith.index_cast %add3A_185 : i32 to index
      %get3A_187 = tpu.vector_load %arg6[%get3A_186] {strides = array<i32>} : memref<81920xf32, #tpu.memory_space<vmem>>, vector<16xf32>,
      %add3A_188 = arith.addf %add3A_179, %get3A_187 : vector<16xf32>
      %add3A_189 = arith.constant 120 : i32
      %add3A_190 = arith.addi %add3A_189, %scan3A_24 : i32
      %mul3A_191 = arith.constant 128 : i32
      %mul3A_192 = arith.muli %add3A_190, %mul3A_191 : i32
      %add3A_193 = arith.constant 16 : i32
      %add3A_194 = arith.addi %mul3A_192, %add3A_193 : i32
      %get3A_195 = arith.index_cast %add3A_194 : i32 to index
      %get3A_196 = tpu.vector_load %arg6[%get3A_195] {strides = array<i32>} : memref<81920xf32, #tpu.memory_space<vmem>>, vector<16xf32>,
      %add3A_197 = arith.addf %add3A_188, %get3A_196 : vector<16xf32>
      %add3A_198 = arith.constant 160 : i32
      %add3A_199 = arith.addi %add3A_198, %scan3A_24 : i32
      %mul3A_200 = arith.constant 128 : i32
      %mul3A_201 = arith.muli %add3A_199, %mul3A_200 : i32
      %add3A_202 = arith.constant 16 : i32
      %add3A_203 = arith.addi %mul3A_201, %add3A_202 : i32
      %get3A_204 = arith.index_cast %add3A_203 : i32 to index
      %get3A_205 = tpu.vector_load %arg6[%get3A_204] {strides = array<i32>} : memref<81920xf32, #tpu.memory_space<vmem>>, vector<16xf32>,
      %add3A_206 = arith.addf %add3A_197, %get3A_205 : vector<16xf32>
      %add3A_207 = arith.constant 200 : i32
      %add3A_208 = arith.addi %add3A_207, %scan3A_24 : i32
      %mul3A_209 = arith.constant 128 : i32
      %mul3A_210 = arith.muli %add3A_208, %mul3A_209 : i32
      %add3A_211 = arith.constant 16 : i32
      %add3A_212 = arith.addi %mul3A_210, %add3A_211 : i32
      %get3A_213 = arith.index_cast %add3A_212 : i32 to index
      %get3A_214 = tpu.vector_load %arg6[%get3A_213] {strides = array<i32>} : memref<81920xf32, #tpu.memory_space<vmem>>, vector<16xf32>,
      %add3A_215 = arith.addf %add3A_206, %get3A_214 : vector<16xf32>
      %add3A_216 = arith.constant 240 : i32
      %add3A_217 = arith.addi %add3A_216, %scan3A_24 : i32
      %mul3A_218 = arith.constant 128 : i32
      %mul3A_219 = arith.muli %add3A_217, %mul3A_218 : i32
      %add3A_220 = arith.constant 16 : i32
      %add3A_221 = arith.addi %mul3A_219, %add3A_220 : i32
      %get3A_222 = arith.index_cast %add3A_221 : i32 to index
      %get3A_223 = tpu.vector_load %arg6[%get3A_222] {strides = array<i32>} : memref<81920xf32, #tpu.memory_space<vmem>>, vector<16xf32>,
      %add3A_224 = arith.addf %add3A_215, %get3A_223 : vector<16xf32>
      %add3A_225 = arith.constant 280 : i32
      %add3A_226 = arith.addi %add3A_225, %scan3A_24 : i32
      %mul3A_227 = arith.constant 128 : i32
      %mul3A_228 = arith.muli %add3A_226, %mul3A_227 : i32
      %add3A_229 = arith.constant 16 : i32
      %add3A_230 = arith.addi %mul3A_228, %add3A_229 : i32
      %get3A_231 = arith.index_cast %add3A_230 : i32 to index
      %get3A_232 = tpu.vector_load %arg6[%get3A_231] {strides = array<i32>} : memref<81920xf32, #tpu.memory_space<vmem>>, vector<16xf32>,
      %add3A_233 = arith.addf %add3A_224, %get3A_232 : vector<16xf32>
      %add3A_234 = arith.constant 320 : i32
      %add3A_235 = arith.addi %add3A_234, %scan3A_24 : i32
      %mul3A_236 = arith.constant 128 : i32
      %mul3A_237 = arith.muli %add3A_235, %mul3A_236 : i32
      %add3A_238 = arith.constant 16 : i32
      %add3A_239 = arith.addi %mul3A_237, %add3A_238 : i32
      %get3A_240 = arith.index_cast %add3A_239 : i32 to index
      %get3A_241 = tpu.vector_load %arg6[%get3A_240] {strides = array<i32>} : memref<81920xf32, #tpu.memory_space<vmem>>, vector<16xf32>,
      %add3A_242 = arith.addf %add3A_233, %get3A_241 : vector<16xf32>
      %add3A_243 = arith.constant 360 : i32
      %add3A_244 = arith.addi %add3A_243, %scan3A_24 : i32
      %mul3A_245 = arith.constant 128 : i32
      %mul3A_246 = arith.muli %add3A_244, %mul3A_245 : i32
      %add3A_247 = arith.constant 16 : i32
      %add3A_248 = arith.addi %mul3A_246, %add3A_247 : i32
      %get3A_249 = arith.index_cast %add3A_248 : i32 to index
      %get3A_250 = tpu.vector_load %arg6[%get3A_249] {strides = array<i32>} : memref<81920xf32, #tpu.memory_space<vmem>>, vector<16xf32>,
      %add3A_251 = arith.addf %add3A_242, %get3A_250 : vector<16xf32>
      %add3A_252 = arith.constant 400 : i32
      %add3A_253 = arith.addi %add3A_252, %scan3A_24 : i32
      %mul3A_254 = arith.constant 128 : i32
      %mul3A_255 = arith.muli %add3A_253, %mul3A_254 : i32
      %add3A_256 = arith.constant 16 : i32
      %add3A_257 = arith.addi %mul3A_255, %add3A_256 : i32
      %get3A_258 = arith.index_cast %add3A_257 : i32 to index
      %get3A_259 = tpu.vector_load %arg6[%get3A_258] {strides = array<i32>} : memref<81920xf32, #tpu.memory_space<vmem>>, vector<16xf32>,
      %add3A_260 = arith.addf %add3A_251, %get3A_259 : vector<16xf32>
      %add3A_261 = arith.constant 440 : i32
      %add3A_262 = arith.addi %add3A_261, %scan3A_24 : i32
      %mul3A_263 = arith.constant 128 : i32
      %mul3A_264 = arith.muli %add3A_262, %mul3A_263 : i32
      %add3A_265 = arith.constant 16 : i32
      %add3A_266 = arith.addi %mul3A_264, %add3A_265 : i32
      %get3A_267 = arith.index_cast %add3A_266 : i32 to index
      %get3A_268 = tpu.vector_load %arg6[%get3A_267] {strides = array<i32>} : memref<81920xf32, #tpu.memory_space<vmem>>, vector<16xf32>,
      %add3A_269 = arith.addf %add3A_260, %get3A_268 : vector<16xf32>
      %add3A_270 = arith.constant 480 : i32
      %add3A_271 = arith.addi %add3A_270, %scan3A_24 : i32
      %mul3A_272 = arith.constant 128 : i32
      %mul3A_273 = arith.muli %add3A_271, %mul3A_272 : i32
      %add3A_274 = arith.constant 16 : i32
      %add3A_275 = arith.addi %mul3A_273, %add3A_274 : i32
      %get3A_276 = arith.index_cast %add3A_275 : i32 to index
      %get3A_277 = tpu.vector_load %arg6[%get3A_276] {strides = array<i32>} : memref<81920xf32, #tpu.memory_space<vmem>>, vector<16xf32>,
      %add3A_278 = arith.addf %add3A_269, %get3A_277 : vector<16xf32>
      %add3A_279 = arith.constant 520 : i32
      %add3A_280 = arith.addi %add3A_279, %scan3A_24 : i32
      %mul3A_281 = arith.constant 128 : i32
      %mul3A_282 = arith.muli %add3A_280, %mul3A_281 : i32
      %add3A_283 = arith.constant 16 : i32
      %add3A_284 = arith.addi %mul3A_282, %add3A_283 : i32
      %get3A_285 = arith.index_cast %add3A_284 : i32 to index
      %get3A_286 = tpu.vector_load %arg6[%get3A_285] {strides = array<i32>} : memref<81920xf32, #tpu.memory_space<vmem>>, vector<16xf32>,
      %add3A_287 = arith.addf %add3A_278, %get3A_286 : vector<16xf32>
      %add3A_288 = arith.constant 560 : i32
      %add3A_289 = arith.addi %add3A_288, %scan3A_24 : i32
      %mul3A_290 = arith.constant 128 : i32
      %mul3A_291 = arith.muli %add3A_289, %mul3A_290 : i32
      %add3A_292 = arith.constant 16 : i32
      %add3A_293 = arith.addi %mul3A_291, %add3A_292 : i32
      %get3A_294 = arith.index_cast %add3A_293 : i32 to index
      %get3A_295 = tpu.vector_load %arg6[%get3A_294] {strides = array<i32>} : memref<81920xf32, #tpu.memory_space<vmem>>, vector<16xf32>,
      %add3A_296 = arith.addf %add3A_287, %get3A_295 : vector<16xf32>
      %add3A_297 = arith.constant 600 : i32
      %add3A_298 = arith.addi %add3A_297, %scan3A_24 : i32
      %mul3A_299 = arith.constant 128 : i32
      %mul3A_300 = arith.muli %add3A_298, %mul3A_299 : i32
      %add3A_301 = arith.constant 16 : i32
      %add3A_302 = arith.addi %mul3A_300, %add3A_301 : i32
      %get3A_303 = arith.index_cast %add3A_302 : i32 to index
      %get3A_304 = tpu.vector_load %arg6[%get3A_303] {strides = array<i32>} : memref<81920xf32, #tpu.memory_space<vmem>>, vector<16xf32>,
      %add3A_305 = arith.addf %add3A_296, %get3A_304 : vector<16xf32>
      %swap3A_306 = arith.index_cast %scan3A_24 : i32 to index
      %swap3A_307 = arith.constant 16 : index
      %swap3A_308 = tpu.vector_load %arg7[%swap3A_306, %swap3A_307] {strides = array<i32>} : memref<40x128xf32, #tpu.memory_space<vmem>>, vector<16xf32>,
      tpu.vector_store %arg7[%swap3A_306, %swap3A_307], %add3A_305 {strides = array<i32>} : memref<40x128xf32, #tpu.memory_space<vmem>>, vector<16xf32>,
      %mul3A_309 = arith.constant 128 : i32
      %mul3A_310 = arith.muli %scan3A_24, %mul3A_309 : i32
      %add3A_311 = arith.constant 32 : i32
      %add3A_312 = arith.addi %mul3A_310, %add3A_311 : i32
      %get3A_313 = arith.index_cast %add3A_312 : i32 to index
      %get3A_314 = tpu.vector_load %arg6[%get3A_313] {strides = array<i32>} : memref<81920xf32, #tpu.memory_space<vmem>>, vector<16xf32>,
      %add3A_315 = arith.constant 40 : i32
      %add3A_316 = arith.addi %add3A_315, %scan3A_24 : i32
      %mul3A_317 = arith.constant 128 : i32
      %mul3A_318 = arith.muli %add3A_316, %mul3A_317 : i32
      %add3A_319 = arith.constant 32 : i32
      %add3A_320 = arith.addi %mul3A_318, %add3A_319 : i32
      %get3A_321 = arith.index_cast %add3A_320 : i32 to index
      %get3A_322 = tpu.vector_load %arg6[%get3A_321] {strides = array<i32>} : memref<81920xf32, #tpu.memory_space<vmem>>, vector<16xf32>,
      %add3A_323 = arith.addf %get3A_314, %get3A_322 : vector<16xf32>
      %add3A_324 = arith.constant 80 : i32
      %add3A_325 = arith.addi %add3A_324, %scan3A_24 : i32
      %mul3A_326 = arith.constant 128 : i32
      %mul3A_327 = arith.muli %add3A_325, %mul3A_326 : i32
      %add3A_328 = arith.constant 32 : i32
      %add3A_329 = arith.addi %mul3A_327, %add3A_328 : i32
      %get3A_330 = arith.index_cast %add3A_329 : i32 to index
      %get3A_331 = tpu.vector_load %arg6[%get3A_330] {strides = array<i32>} : memref<81920xf32, #tpu.memory_space<vmem>>, vector<16xf32>,
      %add3A_332 = arith.addf %add3A_323, %get3A_331 : vector<16xf32>
      %add3A_333 = arith.constant 120 : i32
      %add3A_334 = arith.addi %add3A_333, %scan3A_24 : i32
      %mul3A_335 = arith.constant 128 : i32
      %mul3A_336 = arith.muli %add3A_334, %mul3A_335 : i32
      %add3A_337 = arith.constant 32 : i32
      %add3A_338 = arith.addi %mul3A_336, %add3A_337 : i32
      %get3A_339 = arith.index_cast %add3A_338 : i32 to index
      %get3A_340 = tpu.vector_load %arg6[%get3A_339] {strides = array<i32>} : memref<81920xf32, #tpu.memory_space<vmem>>, vector<16xf32>,
      %add3A_341 = arith.addf %add3A_332, %get3A_340 : vector<16xf32>
      %add3A_342 = arith.constant 160 : i32
      %add3A_343 = arith.addi %add3A_342, %scan3A_24 : i32
      %mul3A_344 = arith.constant 128 : i32
      %mul3A_345 = arith.muli %add3A_343, %mul3A_344 : i32
      %add3A_346 = arith.constant 32 : i32
      %add3A_347 = arith.addi %mul3A_345, %add3A_346 : i32
      %get3A_348 = arith.index_cast %add3A_347 : i32 to index
      %get3A_349 = tpu.vector_load %arg6[%get3A_348] {strides = array<i32>} : memref<81920xf32, #tpu.memory_space<vmem>>, vector<16xf32>,
      %add3A_350 = arith.addf %add3A_341, %get3A_349 : vector<16xf32>
      %add3A_351 = arith.constant 200 : i32
      %add3A_352 = arith.addi %add3A_351, %scan3A_24 : i32
      %mul3A_353 = arith.constant 128 : i32
      %mul3A_354 = arith.muli %add3A_352, %mul3A_353 : i32
      %add3A_355 = arith.constant 32 : i32
      %add3A_356 = arith.addi %mul3A_354, %add3A_355 : i32
      %get3A_357 = arith.index_cast %add3A_356 : i32 to index
      %get3A_358 = tpu.vector_load %arg6[%get3A_357] {strides = array<i32>} : memref<81920xf32, #tpu.memory_space<vmem>>, vector<16xf32>,
      %add3A_359 = arith.addf %add3A_350, %get3A_358 : vector<16xf32>
      %add3A_360 = arith.constant 240 : i32
      %add3A_361 = arith.addi %add3A_360, %scan3A_24 : i32
      %mul3A_362 = arith.constant 128 : i32
      %mul3A_363 = arith.muli %add3A_361, %mul3A_362 : i32
      %add3A_364 = arith.constant 32 : i32
      %add3A_365 = arith.addi %mul3A_363, %add3A_364 : i32
      %get3A_366 = arith.index_cast %add3A_365 : i32 to index
      %get3A_367 = tpu.vector_load %arg6[%get3A_366] {strides = array<i32>} : memref<81920xf32, #tpu.memory_space<vmem>>, vector<16xf32>,
      %add3A_368 = arith.addf %add3A_359, %get3A_367 : vector<16xf32>
      %add3A_369 = arith.constant 280 : i32
      %add3A_370 = arith.addi %add3A_369, %scan3A_24 : i32
      %mul3A_371 = arith.constant 128 : i32
      %mul3A_372 = arith.muli %add3A_370, %mul3A_371 : i32
      %add3A_373 = arith.constant 32 : i32
      %add3A_374 = arith.addi %mul3A_372, %add3A_373 : i32
      %get3A_375 = arith.index_cast %add3A_374 : i32 to index
      %get3A_376 = tpu.vector_load %arg6[%get3A_375] {strides = array<i32>} : memref<81920xf32, #tpu.memory_space<vmem>>, vector<16xf32>,
      %add3A_377 = arith.addf %add3A_368, %get3A_376 : vector<16xf32>
      %add3A_378 = arith.constant 320 : i32
      %add3A_379 = arith.addi %add3A_378, %scan3A_24 : i32
      %mul3A_380 = arith.constant 128 : i32
      %mul3A_381 = arith.muli %add3A_379, %mul3A_380 : i32
      %add3A_382 = arith.constant 32 : i32
      %add3A_383 = arith.addi %mul3A_381, %add3A_382 : i32
      %get3A_384 = arith.index_cast %add3A_383 : i32 to index
      %get3A_385 = tpu.vector_load %arg6[%get3A_384] {strides = array<i32>} : memref<81920xf32, #tpu.memory_space<vmem>>, vector<16xf32>,
      %add3A_386 = arith.addf %add3A_377, %get3A_385 : vector<16xf32>
      %add3A_387 = arith.constant 360 : i32
      %add3A_388 = arith.addi %add3A_387, %scan3A_24 : i32
      %mul3A_389 = arith.constant 128 : i32
      %mul3A_390 = arith.muli %add3A_388, %mul3A_389 : i32
      %add3A_391 = arith.constant 32 : i32
      %add3A_392 = arith.addi %mul3A_390, %add3A_391 : i32
      %get3A_393 = arith.index_cast %add3A_392 : i32 to index
      %get3A_394 = tpu.vector_load %arg6[%get3A_393] {strides = array<i32>} : memref<81920xf32, #tpu.memory_space<vmem>>, vector<16xf32>,
      %add3A_395 = arith.addf %add3A_386, %get3A_394 : vector<16xf32>
      %add3A_396 = arith.constant 400 : i32
      %add3A_397 = arith.addi %add3A_396, %scan3A_24 : i32
      %mul3A_398 = arith.constant 128 : i32
      %mul3A_399 = arith.muli %add3A_397, %mul3A_398 : i32
      %add3A_400 = arith.constant 32 : i32
      %add3A_401 = arith.addi %mul3A_399, %add3A_400 : i32
      %get3A_402 = arith.index_cast %add3A_401 : i32 to index
      %get3A_403 = tpu.vector_load %arg6[%get3A_402] {strides = array<i32>} : memref<81920xf32, #tpu.memory_space<vmem>>, vector<16xf32>,
      %add3A_404 = arith.addf %add3A_395, %get3A_403 : vector<16xf32>
      %add3A_405 = arith.constant 440 : i32
      %add3A_406 = arith.addi %add3A_405, %scan3A_24 : i32
      %mul3A_407 = arith.constant 128 : i32
      %mul3A_408 = arith.muli %add3A_406, %mul3A_407 : i32
      %add3A_409 = arith.constant 32 : i32
      %add3A_410 = arith.addi %mul3A_408, %add3A_409 : i32
      %get3A_411 = arith.index_cast %add3A_410 : i32 to index
      %get3A_412 = tpu.vector_load %arg6[%get3A_411] {strides = array<i32>} : memref<81920xf32, #tpu.memory_space<vmem>>, vector<16xf32>,
      %add3A_413 = arith.addf %add3A_404, %get3A_412 : vector<16xf32>
      %add3A_414 = arith.constant 480 : i32
      %add3A_415 = arith.addi %add3A_414, %scan3A_24 : i32
      %mul3A_416 = arith.constant 128 : i32
      %mul3A_417 = arith.muli %add3A_415, %mul3A_416 : i32
      %add3A_418 = arith.constant 32 : i32
      %add3A_419 = arith.addi %mul3A_417, %add3A_418 : i32
      %get3A_420 = arith.index_cast %add3A_419 : i32 to index
      %get3A_421 = tpu.vector_load %arg6[%get3A_420] {strides = array<i32>} : memref<81920xf32, #tpu.memory_space<vmem>>, vector<16xf32>,
      %add3A_422 = arith.addf %add3A_413, %get3A_421 : vector<16xf32>
      %add3A_423 = arith.constant 520 : i32
      %add3A_424 = arith.addi %add3A_423, %scan3A_24 : i32
      %mul3A_425 = arith.constant 128 : i32
      %mul3A_426 = arith.muli %add3A_424, %mul3A_425 : i32
      %add3A_427 = arith.constant 32 : i32
      %add3A_428 = arith.addi %mul3A_426, %add3A_427 : i32
      %get3A_429 = arith.index_cast %add3A_428 : i32 to index
      %get3A_430 = tpu.vector_load %arg6[%get3A_429] {strides = array<i32>} : memref<81920xf32, #tpu.memory_space<vmem>>, vector<16xf32>,
      %add3A_431 = arith.addf %add3A_422, %get3A_430 : vector<16xf32>
      %add3A_432 = arith.constant 560 : i32
      %add3A_433 = arith.addi %add3A_432, %scan3A_24 : i32
      %mul3A_434 = arith.constant 128 : i32
      %mul3A_435 = arith.muli %add3A_433, %mul3A_434 : i32
      %add3A_436 = arith.constant 32 : i32
      %add3A_437 = arith.addi %mul3A_435, %add3A_436 : i32
      %get3A_438 = arith.index_cast %add3A_437 : i32 to index
      %get3A_439 = tpu.vector_load %arg6[%get3A_438] {strides = array<i32>} : memref<81920xf32, #tpu.memory_space<vmem>>, vector<16xf32>,
      %add3A_440 = arith.addf %add3A_431, %get3A_439 : vector<16xf32>
      %add3A_441 = arith.constant 600 : i32
      %add3A_442 = arith.addi %add3A_441, %scan3A_24 : i32
      %mul3A_443 = arith.constant 128 : i32
      %mul3A_444 = arith.muli %add3A_442, %mul3A_443 : i32
      %add3A_445 = arith.constant 32 : i32
      %add3A_446 = arith.addi %mul3A_444, %add3A_445 : i32
      %get3A_447 = arith.index_cast %add3A_446 : i32 to index
      %get3A_448 = tpu.vector_load %arg6[%get3A_447] {strides = array<i32>} : memref<81920xf32, #tpu.memory_space<vmem>>, vector<16xf32>,
      %add3A_449 = arith.addf %add3A_440, %get3A_448 : vector<16xf32>
      %swap3A_450 = arith.index_cast %scan3A_24 : i32 to index
      %swap3A_451 = arith.constant 32 : index
      %swap3A_452 = tpu.vector_load %arg7[%swap3A_450, %swap3A_451] {strides = array<i32>} : memref<40x128xf32, #tpu.memory_space<vmem>>, vector<16xf32>,
      tpu.vector_store %arg7[%swap3A_450, %swap3A_451], %add3A_449 {strides = array<i32>} : memref<40x128xf32, #tpu.memory_space<vmem>>, vector<16xf32>,
      %mul3A_453 = arith.constant 128 : i32
      %mul3A_454 = arith.muli %scan3A_24, %mul3A_453 : i32
      %add3A_455 = arith.constant 48 : i32
      %add3A_456 = arith.addi %mul3A_454, %add3A_455 : i32
      %get3A_457 = arith.index_cast %add3A_456 : i32 to index
      %get3A_458 = tpu.vector_load %arg6[%get3A_457] {strides = array<i32>} : memref<81920xf32, #tpu.memory_space<vmem>>, vector<16xf32>,
      %add3A_459 = arith.constant 40 : i32
      %add3A_460 = arith.addi %add3A_459, %scan3A_24 : i32
      %mul3A_461 = arith.constant 128 : i32
      %mul3A_462 = arith.muli %add3A_460, %mul3A_461 : i32
      %add3A_463 = arith.constant 48 : i32
      %add3A_464 = arith.addi %mul3A_462, %add3A_463 : i32
      %get3A_465 = arith.index_cast %add3A_464 : i32 to index
      %get3A_466 = tpu.vector_load %arg6[%get3A_465] {strides = array<i32>} : memref<81920xf32, #tpu.memory_space<vmem>>, vector<16xf32>,
      %add3A_467 = arith.addf %get3A_458, %get3A_466 : vector<16xf32>
      %add3A_468 = arith.constant 80 : i32
      %add3A_469 = arith.addi %add3A_468, %scan3A_24 : i32
      %mul3A_470 = arith.constant 128 : i32
      %mul3A_471 = arith.muli %add3A_469, %mul3A_470 : i32
      %add3A_472 = arith.constant 48 : i32
      %add3A_473 = arith.addi %mul3A_471, %add3A_472 : i32
      %get3A_474 = arith.index_cast %add3A_473 : i32 to index
      %get3A_475 = tpu.vector_load %arg6[%get3A_474] {strides = array<i32>} : memref<81920xf32, #tpu.memory_space<vmem>>, vector<16xf32>,
      %add3A_476 = arith.addf %add3A_467, %get3A_475 : vector<16xf32>
      %add3A_477 = arith.constant 120 : i32
      %add3A_478 = arith.addi %add3A_477, %scan3A_24 : i32
      %mul3A_479 = arith.constant 128 : i32
      %mul3A_480 = arith.muli %add3A_478, %mul3A_479 : i32
      %add3A_481 = arith.constant 48 : i32
      %add3A_482 = arith.addi %mul3A_480, %add3A_481 : i32
      %get3A_483 = arith.index_cast %add3A_482 : i32 to index
      %get3A_484 = tpu.vector_load %arg6[%get3A_483] {strides = array<i32>} : memref<81920xf32, #tpu.memory_space<vmem>>, vector<16xf32>,
      %add3A_485 = arith.addf %add3A_476, %get3A_484 : vector<16xf32>
      %add3A_486 = arith.constant 160 : i32
      %add3A_487 = arith.addi %add3A_486, %scan3A_24 : i32
      %mul3A_488 = arith.constant 128 : i32
      %mul3A_489 = arith.muli %add3A_487, %mul3A_488 : i32
      %add3A_490 = arith.constant 48 : i32
      %add3A_491 = arith.addi %mul3A_489, %add3A_490 : i32
      %get3A_492 = arith.index_cast %add3A_491 : i32 to index
      %get3A_493 = tpu.vector_load %arg6[%get3A_492] {strides = array<i32>} : memref<81920xf32, #tpu.memory_space<vmem>>, vector<16xf32>,
      %add3A_494 = arith.addf %add3A_485, %get3A_493 : vector<16xf32>
      %add3A_495 = arith.constant 200 : i32
      %add3A_496 = arith.addi %add3A_495, %scan3A_24 : i32
      %mul3A_497 = arith.constant 128 : i32
      %mul3A_498 = arith.muli %add3A_496, %mul3A_497 : i32
      %add3A_499 = arith.constant 48 : i32
      %add3A_500 = arith.addi %mul3A_498, %add3A_499 : i32
      %get3A_501 = arith.index_cast %add3A_500 : i32 to index
      %get3A_502 = tpu.vector_load %arg6[%get3A_501] {strides = array<i32>} : memref<81920xf32, #tpu.memory_space<vmem>>, vector<16xf32>,
      %add3A_503 = arith.addf %add3A_494, %get3A_502 : vector<16xf32>
      %add3A_504 = arith.constant 240 : i32
      %add3A_505 = arith.addi %add3A_504, %scan3A_24 : i32
      %mul3A_506 = arith.constant 128 : i32
      %mul3A_507 = arith.muli %add3A_505, %mul3A_506 : i32
      %add3A_508 = arith.constant 48 : i32
      %add3A_509 = arith.addi %mul3A_507, %add3A_508 : i32
      %get3A_510 = arith.index_cast %add3A_509 : i32 to index
      %get3A_511 = tpu.vector_load %arg6[%get3A_510] {strides = array<i32>} : memref<81920xf32, #tpu.memory_space<vmem>>, vector<16xf32>,
      %add3A_512 = arith.addf %add3A_503, %get3A_511 : vector<16xf32>
      %add3A_513 = arith.constant 280 : i32
      %add3A_514 = arith.addi %add3A_513, %scan3A_24 : i32
      %mul3A_515 = arith.constant 128 : i32
      %mul3A_516 = arith.muli %add3A_514, %mul3A_515 : i32
      %add3A_517 = arith.constant 48 : i32
      %add3A_518 = arith.addi %mul3A_516, %add3A_517 : i32
      %get3A_519 = arith.index_cast %add3A_518 : i32 to index
      %get3A_520 = tpu.vector_load %arg6[%get3A_519] {strides = array<i32>} : memref<81920xf32, #tpu.memory_space<vmem>>, vector<16xf32>,
      %add3A_521 = arith.addf %add3A_512, %get3A_520 : vector<16xf32>
      %add3A_522 = arith.constant 320 : i32
      %add3A_523 = arith.addi %add3A_522, %scan3A_24 : i32
      %mul3A_524 = arith.constant 128 : i32
      %mul3A_525 = arith.muli %add3A_523, %mul3A_524 : i32
      %add3A_526 = arith.constant 48 : i32
      %add3A_527 = arith.addi %mul3A_525, %add3A_526 : i32
      %get3A_528 = arith.index_cast %add3A_527 : i32 to index
      %get3A_529 = tpu.vector_load %arg6[%get3A_528] {strides = array<i32>} : memref<81920xf32, #tpu.memory_space<vmem>>, vector<16xf32>,
      %add3A_530 = arith.addf %add3A_521, %get3A_529 : vector<16xf32>
      %add3A_531 = arith.constant 360 : i32
      %add3A_532 = arith.addi %add3A_531, %scan3A_24 : i32
      %mul3A_533 = arith.constant 128 : i32
      %mul3A_534 = arith.muli %add3A_532, %mul3A_533 : i32
      %add3A_535 = arith.constant 48 : i32
      %add3A_536 = arith.addi %mul3A_534, %add3A_535 : i32
      %get3A_537 = arith.index_cast %add3A_536 : i32 to index
      %get3A_538 = tpu.vector_load %arg6[%get3A_537] {strides = array<i32>} : memref<81920xf32, #tpu.memory_space<vmem>>, vector<16xf32>,
      %add3A_539 = arith.addf %add3A_530, %get3A_538 : vector<16xf32>
      %add3A_540 = arith.constant 400 : i32
      %add3A_541 = arith.addi %add3A_540, %scan3A_24 : i32
      %mul3A_542 = arith.constant 128 : i32
      %mul3A_543 = arith.muli %add3A_541, %mul3A_542 : i32
      %add3A_544 = arith.constant 48 : i32
      %add3A_545 = arith.addi %mul3A_543, %add3A_544 : i32
      %get3A_546 = arith.index_cast %add3A_545 : i32 to index
      %get3A_547 = tpu.vector_load %arg6[%get3A_546] {strides = array<i32>} : memref<81920xf32, #tpu.memory_space<vmem>>, vector<16xf32>,
      %add3A_548 = arith.addf %add3A_539, %get3A_547 : vector<16xf32>
      %add3A_549 = arith.constant 440 : i32
      %add3A_550 = arith.addi %add3A_549, %scan3A_24 : i32
      %mul3A_551 = arith.constant 128 : i32
      %mul3A_552 = arith.muli %add3A_550, %mul3A_551 : i32
      %add3A_553 = arith.constant 48 : i32
      %add3A_554 = arith.addi %mul3A_552, %add3A_553 : i32
      %get3A_555 = arith.index_cast %add3A_554 : i32 to index
      %get3A_556 = tpu.vector_load %arg6[%get3A_555] {strides = array<i32>} : memref<81920xf32, #tpu.memory_space<vmem>>, vector<16xf32>,
      %add3A_557 = arith.addf %add3A_548, %get3A_556 : vector<16xf32>
      %add3A_558 = arith.constant 480 : i32
      %add3A_559 = arith.addi %add3A_558, %scan3A_24 : i32
      %mul3A_560 = arith.constant 128 : i32
      %mul3A_561 = arith.muli %add3A_559, %mul3A_560 : i32
      %add3A_562 = arith.constant 48 : i32
      %add3A_563 = arith.addi %mul3A_561, %add3A_562 : i32
      %get3A_564 = arith.index_cast %add3A_563 : i32 to index
      %get3A_565 = tpu.vector_load %arg6[%get3A_564] {strides = array<i32>} : memref<81920xf32, #tpu.memory_space<vmem>>, vector<16xf32>,
      %add3A_566 = arith.addf %add3A_557, %get3A_565 : vector<16xf32>
      %add3A_567 = arith.constant 520 : i32
      %add3A_568 = arith.addi %add3A_567, %scan3A_24 : i32
      %mul3A_569 = arith.constant 128 : i32
      %mul3A_570 = arith.muli %add3A_568, %mul3A_569 : i32
      %add3A_571 = arith.constant 48 : i32
      %add3A_572 = arith.addi %mul3A_570, %add3A_571 : i32
      %get3A_573 = arith.index_cast %add3A_572 : i32 to index
      %get3A_574 = tpu.vector_load %arg6[%get3A_573] {strides = array<i32>} : memref<81920xf32, #tpu.memory_space<vmem>>, vector<16xf32>,
      %add3A_575 = arith.addf %add3A_566, %get3A_574 : vector<16xf32>
      %add3A_576 = arith.constant 560 : i32
      %add3A_577 = arith.addi %add3A_576, %scan3A_24 : i32
      %mul3A_578 = arith.constant 128 : i32
      %mul3A_579 = arith.muli %add3A_577, %mul3A_578 : i32
      %add3A_580 = arith.constant 48 : i32
      %add3A_581 = arith.addi %mul3A_579, %add3A_580 : i32
      %get3A_582 = arith.index_cast %add3A_581 : i32 to index
      %get3A_583 = tpu.vector_load %arg6[%get3A_582] {strides = array<i32>} : memref<81920xf32, #tpu.memory_space<vmem>>, vector<16xf32>,
      %add3A_584 = arith.addf %add3A_575, %get3A_583 : vector<16xf32>
      %add3A_585 = arith.constant 600 : i32
      %add3A_586 = arith.addi %add3A_585, %scan3A_24 : i32
      %mul3A_587 = arith.constant 128 : i32
      %mul3A_588 = arith.muli %add3A_586, %mul3A_587 : i32
      %add3A_589 = arith.constant 48 : i32
      %add3A_590 = arith.addi %mul3A_588, %add3A_589 : i32
      %get3A_591 = arith.index_cast %add3A_590 : i32 to index
      %get3A_592 = tpu.vector_load %arg6[%get3A_591] {strides = array<i32>} : memref<81920xf32, #tpu.memory_space<vmem>>, vector<16xf32>,
      %add3A_593 = arith.addf %add3A_584, %get3A_592 : vector<16xf32>
      %swap3A_594 = arith.index_cast %scan3A_24 : i32 to index
      %swap3A_595 = arith.constant 48 : index
      %swap3A_596 = tpu.vector_load %arg7[%swap3A_594, %swap3A_595] {strides = array<i32>} : memref<40x128xf32, #tpu.memory_space<vmem>>, vector<16xf32>,
      tpu.vector_store %arg7[%swap3A_594, %swap3A_595], %add3A_593 {strides = array<i32>} : memref<40x128xf32, #tpu.memory_space<vmem>>, vector<16xf32>,
      %mul3A_597 = arith.constant 128 : i32
      %mul3A_598 = arith.muli %scan3A_24, %mul3A_597 : i32
      %add3A_599 = arith.constant 64 : i32
      %add3A_600 = arith.addi %mul3A_598, %add3A_599 : i32
      %get3A_601 = arith.index_cast %add3A_600 : i32 to index
      %get3A_602 = tpu.vector_load %arg6[%get3A_601] {strides = array<i32>} : memref<81920xf32, #tpu.memory_space<vmem>>, vector<16xf32>,
      %add3A_603 = arith.constant 40 : i32
      %add3A_604 = arith.addi %add3A_603, %scan3A_24 : i32
      %mul3A_605 = arith.constant 128 : i32
      %mul3A_606 = arith.muli %add3A_604, %mul3A_605 : i32
      %add3A_607 = arith.constant 64 : i32
      %add3A_608 = arith.addi %mul3A_606, %add3A_607 : i32
      %get3A_609 = arith.index_cast %add3A_608 : i32 to index
      %get3A_610 = tpu.vector_load %arg6[%get3A_609] {strides = array<i32>} : memref<81920xf32, #tpu.memory_space<vmem>>, vector<16xf32>,
      %add3A_611 = arith.addf %get3A_602, %get3A_610 : vector<16xf32>
      %add3A_612 = arith.constant 80 : i32
      %add3A_613 = arith.addi %add3A_612, %scan3A_24 : i32
      %mul3A_614 = arith.constant 128 : i32
      %mul3A_615 = arith.muli %add3A_613, %mul3A_614 : i32
      %add3A_616 = arith.constant 64 : i32
      %add3A_617 = arith.addi %mul3A_615, %add3A_616 : i32
      %get3A_618 = arith.index_cast %add3A_617 : i32 to index
      %get3A_619 = tpu.vector_load %arg6[%get3A_618] {strides = array<i32>} : memref<81920xf32, #tpu.memory_space<vmem>>, vector<16xf32>,
      %add3A_620 = arith.addf %add3A_611, %get3A_619 : vector<16xf32>
      %add3A_621 = arith.constant 120 : i32
      %add3A_622 = arith.addi %add3A_621, %scan3A_24 : i32
      %mul3A_623 = arith.constant 128 : i32
      %mul3A_624 = arith.muli %add3A_622, %mul3A_623 : i32
      %add3A_625 = arith.constant 64 : i32
      %add3A_626 = arith.addi %mul3A_624, %add3A_625 : i32
      %get3A_627 = arith.index_cast %add3A_626 : i32 to index
      %get3A_628 = tpu.vector_load %arg6[%get3A_627] {strides = array<i32>} : memref<81920xf32, #tpu.memory_space<vmem>>, vector<16xf32>,
      %add3A_629 = arith.addf %add3A_620, %get3A_628 : vector<16xf32>
      %add3A_630 = arith.constant 160 : i32
      %add3A_631 = arith.addi %add3A_630, %scan3A_24 : i32
      %mul3A_632 = arith.constant 128 : i32
      %mul3A_633 = arith.muli %add3A_631, %mul3A_632 : i32
      %add3A_634 = arith.constant 64 : i32
      %add3A_635 = arith.addi %mul3A_633, %add3A_634 : i32
      %get3A_636 = arith.index_cast %add3A_635 : i32 to index
      %get3A_637 = tpu.vector_load %arg6[%get3A_636] {strides = array<i32>} : memref<81920xf32, #tpu.memory_space<vmem>>, vector<16xf32>,
      %add3A_638 = arith.addf %add3A_629, %get3A_637 : vector<16xf32>
      %add3A_639 = arith.constant 200 : i32
      %add3A_640 = arith.addi %add3A_639, %scan3A_24 : i32
      %mul3A_641 = arith.constant 128 : i32
      %mul3A_642 = arith.muli %add3A_640, %mul3A_641 : i32
      %add3A_643 = arith.constant 64 : i32
      %add3A_644 = arith.addi %mul3A_642, %add3A_643 : i32
      %get3A_645 = arith.index_cast %add3A_644 : i32 to index
      %get3A_646 = tpu.vector_load %arg6[%get3A_645] {strides = array<i32>} : memref<81920xf32, #tpu.memory_space<vmem>>, vector<16xf32>,
      %add3A_647 = arith.addf %add3A_638, %get3A_646 : vector<16xf32>
      %add3A_648 = arith.constant 240 : i32
      %add3A_649 = arith.addi %add3A_648, %scan3A_24 : i32
      %mul3A_650 = arith.constant 128 : i32
      %mul3A_651 = arith.muli %add3A_649, %mul3A_650 : i32
      %add3A_652 = arith.constant 64 : i32
      %add3A_653 = arith.addi %mul3A_651, %add3A_652 : i32
      %get3A_654 = arith.index_cast %add3A_653 : i32 to index
      %get3A_655 = tpu.vector_load %arg6[%get3A_654] {strides = array<i32>} : memref<81920xf32, #tpu.memory_space<vmem>>, vector<16xf32>,
      %add3A_656 = arith.addf %add3A_647, %get3A_655 : vector<16xf32>
      %add3A_657 = arith.constant 280 : i32
      %add3A_658 = arith.addi %add3A_657, %scan3A_24 : i32
      %mul3A_659 = arith.constant 128 : i32
      %mul3A_660 = arith.muli %add3A_658, %mul3A_659 : i32
      %add3A_661 = arith.constant 64 : i32
      %add3A_662 = arith.addi %mul3A_660, %add3A_661 : i32
      %get3A_663 = arith.index_cast %add3A_662 : i32 to index
      %get3A_664 = tpu.vector_load %arg6[%get3A_663] {strides = array<i32>} : memref<81920xf32, #tpu.memory_space<vmem>>, vector<16xf32>,
      %add3A_665 = arith.addf %add3A_656, %get3A_664 : vector<16xf32>
      %add3A_666 = arith.constant 320 : i32
      %add3A_667 = arith.addi %add3A_666, %scan3A_24 : i32
      %mul3A_668 = arith.constant 128 : i32
      %mul3A_669 = arith.muli %add3A_667, %mul3A_668 : i32
      %add3A_670 = arith.constant 64 : i32
      %add3A_671 = arith.addi %mul3A_669, %add3A_670 : i32
      %get3A_672 = arith.index_cast %add3A_671 : i32 to index
      %get3A_673 = tpu.vector_load %arg6[%get3A_672] {strides = array<i32>} : memref<81920xf32, #tpu.memory_space<vmem>>, vector<16xf32>,
      %add3A_674 = arith.addf %add3A_665, %get3A_673 : vector<16xf32>
      %add3A_675 = arith.constant 360 : i32
      %add3A_676 = arith.addi %add3A_675, %scan3A_24 : i32
      %mul3A_677 = arith.constant 128 : i32
      %mul3A_678 = arith.muli %add3A_676, %mul3A_677 : i32
      %add3A_679 = arith.constant 64 : i32
      %add3A_680 = arith.addi %mul3A_678, %add3A_679 : i32
      %get3A_681 = arith.index_cast %add3A_680 : i32 to index
      %get3A_682 = tpu.vector_load %arg6[%get3A_681] {strides = array<i32>} : memref<81920xf32, #tpu.memory_space<vmem>>, vector<16xf32>,
      %add3A_683 = arith.addf %add3A_674, %get3A_682 : vector<16xf32>
      %add3A_684 = arith.constant 400 : i32
      %add3A_685 = arith.addi %add3A_684, %scan3A_24 : i32
      %mul3A_686 = arith.constant 128 : i32
      %mul3A_687 = arith.muli %add3A_685, %mul3A_686 : i32
      %add3A_688 = arith.constant 64 : i32
      %add3A_689 = arith.addi %mul3A_687, %add3A_688 : i32
      %get3A_690 = arith.index_cast %add3A_689 : i32 to index
      %get3A_691 = tpu.vector_load %arg6[%get3A_690] {strides = array<i32>} : memref<81920xf32, #tpu.memory_space<vmem>>, vector<16xf32>,
      %add3A_692 = arith.addf %add3A_683, %get3A_691 : vector<16xf32>
      %add3A_693 = arith.constant 440 : i32
      %add3A_694 = arith.addi %add3A_693, %scan3A_24 : i32
      %mul3A_695 = arith.constant 128 : i32
      %mul3A_696 = arith.muli %add3A_694, %mul3A_695 : i32
      %add3A_697 = arith.constant 64 : i32
      %add3A_698 = arith.addi %mul3A_696, %add3A_697 : i32
      %get3A_699 = arith.index_cast %add3A_698 : i32 to index
      %get3A_700 = tpu.vector_load %arg6[%get3A_699] {strides = array<i32>} : memref<81920xf32, #tpu.memory_space<vmem>>, vector<16xf32>,
      %add3A_701 = arith.addf %add3A_692, %get3A_700 : vector<16xf32>
      %add3A_702 = arith.constant 480 : i32
      %add3A_703 = arith.addi %add3A_702, %scan3A_24 : i32
      %mul3A_704 = arith.constant 128 : i32
      %mul3A_705 = arith.muli %add3A_703, %mul3A_704 : i32
      %add3A_706 = arith.constant 64 : i32
      %add3A_707 = arith.addi %mul3A_705, %add3A_706 : i32
      %get3A_708 = arith.index_cast %add3A_707 : i32 to index
      %get3A_709 = tpu.vector_load %arg6[%get3A_708] {strides = array<i32>} : memref<81920xf32, #tpu.memory_space<vmem>>, vector<16xf32>,
      %add3A_710 = arith.addf %add3A_701, %get3A_709 : vector<16xf32>
      %add3A_711 = arith.constant 520 : i32
      %add3A_712 = arith.addi %add3A_711, %scan3A_24 : i32
      %mul3A_713 = arith.constant 128 : i32
      %mul3A_714 = arith.muli %add3A_712, %mul3A_713 : i32
      %add3A_715 = arith.constant 64 : i32
      %add3A_716 = arith.addi %mul3A_714, %add3A_715 : i32
      %get3A_717 = arith.index_cast %add3A_716 : i32 to index
      %get3A_718 = tpu.vector_load %arg6[%get3A_717] {strides = array<i32>} : memref<81920xf32, #tpu.memory_space<vmem>>, vector<16xf32>,
      %add3A_719 = arith.addf %add3A_710, %get3A_718 : vector<16xf32>
      %add3A_720 = arith.constant 560 : i32
      %add3A_721 = arith.addi %add3A_720, %scan3A_24 : i32
      %mul3A_722 = arith.constant 128 : i32
      %mul3A_723 = arith.muli %add3A_721, %mul3A_722 : i32
      %add3A_724 = arith.constant 64 : i32
      %add3A_725 = arith.addi %mul3A_723, %add3A_724 : i32
      %get3A_726 = arith.index_cast %add3A_725 : i32 to index
      %get3A_727 = tpu.vector_load %arg6[%get3A_726] {strides = array<i32>} : memref<81920xf32, #tpu.memory_space<vmem>>, vector<16xf32>,
      %add3A_728 = arith.addf %add3A_719, %get3A_727 : vector<16xf32>
      %add3A_729 = arith.constant 600 : i32
      %add3A_730 = arith.addi %add3A_729, %scan3A_24 : i32
      %mul3A_731 = arith.constant 128 : i32
      %mul3A_732 = arith.muli %add3A_730, %mul3A_731 : i32
      %add3A_733 = arith.constant 64 : i32
      %add3A_734 = arith.addi %mul3A_732, %add3A_733 : i32
      %get3A_735 = arith.index_cast %add3A_734 : i32 to index
      %get3A_736 = tpu.vector_load %arg6[%get3A_735] {strides = array<i32>} : memref<81920xf32, #tpu.memory_space<vmem>>, vector<16xf32>,
      %add3A_737 = arith.addf %add3A_728, %get3A_736 : vector<16xf32>
      %swap3A_738 = arith.index_cast %scan3A_24 : i32 to index
      %swap3A_739 = arith.constant 64 : index
      %swap3A_740 = tpu.vector_load %arg7[%swap3A_738, %swap3A_739] {strides = array<i32>} : memref<40x128xf32, #tpu.memory_space<vmem>>, vector<16xf32>,
      tpu.vector_store %arg7[%swap3A_738, %swap3A_739], %add3A_737 {strides = array<i32>} : memref<40x128xf32, #tpu.memory_space<vmem>>, vector<16xf32>,
      %mul3A_741 = arith.constant 128 : i32
      %mul3A_742 = arith.muli %scan3A_24, %mul3A_741 : i32
      %add3A_743 = arith.constant 80 : i32
      %add3A_744 = arith.addi %mul3A_742, %add3A_743 : i32
      %get3A_745 = arith.index_cast %add3A_744 : i32 to index
      %get3A_746 = tpu.vector_load %arg6[%get3A_745] {strides = array<i32>} : memref<81920xf32, #tpu.memory_space<vmem>>, vector<16xf32>,
      %add3A_747 = arith.constant 40 : i32
      %add3A_748 = arith.addi %add3A_747, %scan3A_24 : i32
      %mul3A_749 = arith.constant 128 : i32
      %mul3A_750 = arith.muli %add3A_748, %mul3A_749 : i32
      %add3A_751 = arith.constant 80 : i32
      %add3A_752 = arith.addi %mul3A_750, %add3A_751 : i32
      %get3A_753 = arith.index_cast %add3A_752 : i32 to index
      %get3A_754 = tpu.vector_load %arg6[%get3A_753] {strides = array<i32>} : memref<81920xf32, #tpu.memory_space<vmem>>, vector<16xf32>,
      %add3A_755 = arith.addf %get3A_746, %get3A_754 : vector<16xf32>
      %add3A_756 = arith.constant 80 : i32
      %add3A_757 = arith.addi %add3A_756, %scan3A_24 : i32
      %mul3A_758 = arith.constant 128 : i32
      %mul3A_759 = arith.muli %add3A_757, %mul3A_758 : i32
      %add3A_760 = arith.constant 80 : i32
      %add3A_761 = arith.addi %mul3A_759, %add3A_760 : i32
      %get3A_762 = arith.index_cast %add3A_761 : i32 to index
      %get3A_763 = tpu.vector_load %arg6[%get3A_762] {strides = array<i32>} : memref<81920xf32, #tpu.memory_space<vmem>>, vector<16xf32>,
      %add3A_764 = arith.addf %add3A_755, %get3A_763 : vector<16xf32>
      %add3A_765 = arith.constant 120 : i32
      %add3A_766 = arith.addi %add3A_765, %scan3A_24 : i32
      %mul3A_767 = arith.constant 128 : i32
      %mul3A_768 = arith.muli %add3A_766, %mul3A_767 : i32
      %add3A_769 = arith.constant 80 : i32
      %add3A_770 = arith.addi %mul3A_768, %add3A_769 : i32
      %get3A_771 = arith.index_cast %add3A_770 : i32 to index
      %get3A_772 = tpu.vector_load %arg6[%get3A_771] {strides = array<i32>} : memref<81920xf32, #tpu.memory_space<vmem>>, vector<16xf32>,
      %add3A_773 = arith.addf %add3A_764, %get3A_772 : vector<16xf32>
      %add3A_774 = arith.constant 160 : i32
      %add3A_775 = arith.addi %add3A_774, %scan3A_24 : i32
      %mul3A_776 = arith.constant 128 : i32
      %mul3A_777 = arith.muli %add3A_775, %mul3A_776 : i32
      %add3A_778 = arith.constant 80 : i32
      %add3A_779 = arith.addi %mul3A_777, %add3A_778 : i32
      %get3A_780 = arith.index_cast %add3A_779 : i32 to index
      %get3A_781 = tpu.vector_load %arg6[%get3A_780] {strides = array<i32>} : memref<81920xf32, #tpu.memory_space<vmem>>, vector<16xf32>,
      %add3A_782 = arith.addf %add3A_773, %get3A_781 : vector<16xf32>
      %add3A_783 = arith.constant 200 : i32
      %add3A_784 = arith.addi %add3A_783, %scan3A_24 : i32
      %mul3A_785 = arith.constant 128 : i32
      %mul3A_786 = arith.muli %add3A_784, %mul3A_785 : i32
      %add3A_787 = arith.constant 80 : i32
      %add3A_788 = arith.addi %mul3A_786, %add3A_787 : i32
      %get3A_789 = arith.index_cast %add3A_788 : i32 to index
      %get3A_790 = tpu.vector_load %arg6[%get3A_789] {strides = array<i32>} : memref<81920xf32, #tpu.memory_space<vmem>>, vector<16xf32>,
      %add3A_791 = arith.addf %add3A_782, %get3A_790 : vector<16xf32>
      %add3A_792 = arith.constant 240 : i32
      %add3A_793 = arith.addi %add3A_792, %scan3A_24 : i32
      %mul3A_794 = arith.constant 128 : i32
      %mul3A_795 = arith.muli %add3A_793, %mul3A_794 : i32
      %add3A_796 = arith.constant 80 : i32
      %add3A_797 = arith.addi %mul3A_795, %add3A_796 : i32
      %get3A_798 = arith.index_cast %add3A_797 : i32 to index
      %get3A_799 = tpu.vector_load %arg6[%get3A_798] {strides = array<i32>} : memref<81920xf32, #tpu.memory_space<vmem>>, vector<16xf32>,
      %add3A_800 = arith.addf %add3A_791, %get3A_799 : vector<16xf32>
      %add3A_801 = arith.constant 280 : i32
      %add3A_802 = arith.addi %add3A_801, %scan3A_24 : i32
      %mul3A_803 = arith.constant 128 : i32
      %mul3A_804 = arith.muli %add3A_802, %mul3A_803 : i32
      %add3A_805 = arith.constant 80 : i32
      %add3A_806 = arith.addi %mul3A_804, %add3A_805 : i32
      %get3A_807 = arith.index_cast %add3A_806 : i32 to index
      %get3A_808 = tpu.vector_load %arg6[%get3A_807] {strides = array<i32>} : memref<81920xf32, #tpu.memory_space<vmem>>, vector<16xf32>,
      %add3A_809 = arith.addf %add3A_800, %get3A_808 : vector<16xf32>
      %add3A_810 = arith.constant 320 : i32
      %add3A_811 = arith.addi %add3A_810, %scan3A_24 : i32
      %mul3A_812 = arith.constant 128 : i32
      %mul3A_813 = arith.muli %add3A_811, %mul3A_812 : i32
      %add3A_814 = arith.constant 80 : i32
      %add3A_815 = arith.addi %mul3A_813, %add3A_814 : i32
      %get3A_816 = arith.index_cast %add3A_815 : i32 to index
      %get3A_817 = tpu.vector_load %arg6[%get3A_816] {strides = array<i32>} : memref<81920xf32, #tpu.memory_space<vmem>>, vector<16xf32>,
      %add3A_818 = arith.addf %add3A_809, %get3A_817 : vector<16xf32>
      %add3A_819 = arith.constant 360 : i32
      %add3A_820 = arith.addi %add3A_819, %scan3A_24 : i32
      %mul3A_821 = arith.constant 128 : i32
      %mul3A_822 = arith.muli %add3A_820, %mul3A_821 : i32
      %add3A_823 = arith.constant 80 : i32
      %add3A_824 = arith.addi %mul3A_822, %add3A_823 : i32
      %get3A_825 = arith.index_cast %add3A_824 : i32 to index
      %get3A_826 = tpu.vector_load %arg6[%get3A_825] {strides = array<i32>} : memref<81920xf32, #tpu.memory_space<vmem>>, vector<16xf32>,
      %add3A_827 = arith.addf %add3A_818, %get3A_826 : vector<16xf32>
      %add3A_828 = arith.constant 400 : i32
      %add3A_829 = arith.addi %add3A_828, %scan3A_24 : i32
      %mul3A_830 = arith.constant 128 : i32
      %mul3A_831 = arith.muli %add3A_829, %mul3A_830 : i32
      %add3A_832 = arith.constant 80 : i32
      %add3A_833 = arith.addi %mul3A_831, %add3A_832 : i32
      %get3A_834 = arith.index_cast %add3A_833 : i32 to index
      %get3A_835 = tpu.vector_load %arg6[%get3A_834] {strides = array<i32>} : memref<81920xf32, #tpu.memory_space<vmem>>, vector<16xf32>,
      %add3A_836 = arith.addf %add3A_827, %get3A_835 : vector<16xf32>
      %add3A_837 = arith.constant 440 : i32
      %add3A_838 = arith.addi %add3A_837, %scan3A_24 : i32
      %mul3A_839 = arith.constant 128 : i32
      %mul3A_840 = arith.muli %add3A_838, %mul3A_839 : i32
      %add3A_841 = arith.constant 80 : i32
      %add3A_842 = arith.addi %mul3A_840, %add3A_841 : i32
      %get3A_843 = arith.index_cast %add3A_842 : i32 to index
      %get3A_844 = tpu.vector_load %arg6[%get3A_843] {strides = array<i32>} : memref<81920xf32, #tpu.memory_space<vmem>>, vector<16xf32>,
      %add3A_845 = arith.addf %add3A_836, %get3A_844 : vector<16xf32>
      %add3A_846 = arith.constant 480 : i32
      %add3A_847 = arith.addi %add3A_846, %scan3A_24 : i32
      %mul3A_848 = arith.constant 128 : i32
      %mul3A_849 = arith.muli %add3A_847, %mul3A_848 : i32
      %add3A_850 = arith.constant 80 : i32
      %add3A_851 = arith.addi %mul3A_849, %add3A_850 : i32
      %get3A_852 = arith.index_cast %add3A_851 : i32 to index
      %get3A_853 = tpu.vector_load %arg6[%get3A_852] {strides = array<i32>} : memref<81920xf32, #tpu.memory_space<vmem>>, vector<16xf32>,
      %add3A_854 = arith.addf %add3A_845, %get3A_853 : vector<16xf32>
      %add3A_855 = arith.constant 520 : i32
      %add3A_856 = arith.addi %add3A_855, %scan3A_24 : i32
      %mul3A_857 = arith.constant 128 : i32
      %mul3A_858 = arith.muli %add3A_856, %mul3A_857 : i32
      %add3A_859 = arith.constant 80 : i32
      %add3A_860 = arith.addi %mul3A_858, %add3A_859 : i32
      %get3A_861 = arith.index_cast %add3A_860 : i32 to index
      %get3A_862 = tpu.vector_load %arg6[%get3A_861] {strides = array<i32>} : memref<81920xf32, #tpu.memory_space<vmem>>, vector<16xf32>,
      %add3A_863 = arith.addf %add3A_854, %get3A_862 : vector<16xf32>
      %add3A_864 = arith.constant 560 : i32
      %add3A_865 = arith.addi %add3A_864, %scan3A_24 : i32
      %mul3A_866 = arith.constant 128 : i32
      %mul3A_867 = arith.muli %add3A_865, %mul3A_866 : i32
      %add3A_868 = arith.constant 80 : i32
      %add3A_869 = arith.addi %mul3A_867, %add3A_868 : i32
      %get3A_870 = arith.index_cast %add3A_869 : i32 to index
      %get3A_871 = tpu.vector_load %arg6[%get3A_870] {strides = array<i32>} : memref<81920xf32, #tpu.memory_space<vmem>>, vector<16xf32>,
      %add3A_872 = arith.addf %add3A_863, %get3A_871 : vector<16xf32>
      %add3A_873 = arith.constant 600 : i32
      %add3A_874 = arith.addi %add3A_873, %scan3A_24 : i32
      %mul3A_875 = arith.constant 128 : i32
      %mul3A_876 = arith.muli %add3A_874, %mul3A_875 : i32
      %add3A_877 = arith.constant 80 : i32
      %add3A_878 = arith.addi %mul3A_876, %add3A_877 : i32
      %get3A_879 = arith.index_cast %add3A_878 : i32 to index
      %get3A_880 = tpu.vector_load %arg6[%get3A_879] {strides = array<i32>} : memref<81920xf32, #tpu.memory_space<vmem>>, vector<16xf32>,
      %add3A_881 = arith.addf %add3A_872, %get3A_880 : vector<16xf32>
      %swap3A_882 = arith.index_cast %scan3A_24 : i32 to index
      %swap3A_883 = arith.constant 80 : index
      %swap3A_884 = tpu.vector_load %arg7[%swap3A_882, %swap3A_883] {strides = array<i32>} : memref<40x128xf32, #tpu.memory_space<vmem>>, vector<16xf32>,
      tpu.vector_store %arg7[%swap3A_882, %swap3A_883], %add3A_881 {strides = array<i32>} : memref<40x128xf32, #tpu.memory_space<vmem>>, vector<16xf32>,
      %mul3A_885 = arith.constant 128 : i32
      %mul3A_886 = arith.muli %scan3A_24, %mul3A_885 : i32
      %add3A_887 = arith.constant 96 : i32
      %add3A_888 = arith.addi %mul3A_886, %add3A_887 : i32
      %get3A_889 = arith.index_cast %add3A_888 : i32 to index
      %get3A_890 = tpu.vector_load %arg6[%get3A_889] {strides = array<i32>} : memref<81920xf32, #tpu.memory_space<vmem>>, vector<16xf32>,
      %add3A_891 = arith.constant 40 : i32
      %add3A_892 = arith.addi %add3A_891, %scan3A_24 : i32
      %mul3A_893 = arith.constant 128 : i32
      %mul3A_894 = arith.muli %add3A_892, %mul3A_893 : i32
      %add3A_895 = arith.constant 96 : i32
      %add3A_896 = arith.addi %mul3A_894, %add3A_895 : i32
      %get3A_897 = arith.index_cast %add3A_896 : i32 to index
      %get3A_898 = tpu.vector_load %arg6[%get3A_897] {strides = array<i32>} : memref<81920xf32, #tpu.memory_space<vmem>>, vector<16xf32>,
      %add3A_899 = arith.addf %get3A_890, %get3A_898 : vector<16xf32>
      %add3A_900 = arith.constant 80 : i32
      %add3A_901 = arith.addi %add3A_900, %scan3A_24 : i32
      %mul3A_902 = arith.constant 128 : i32
      %mul3A_903 = arith.muli %add3A_901, %mul3A_902 : i32
      %add3A_904 = arith.constant 96 : i32
      %add3A_905 = arith.addi %mul3A_903, %add3A_904 : i32
      %get3A_906 = arith.index_cast %add3A_905 : i32 to index
      %get3A_907 = tpu.vector_load %arg6[%get3A_906] {strides = array<i32>} : memref<81920xf32, #tpu.memory_space<vmem>>, vector<16xf32>,
      %add3A_908 = arith.addf %add3A_899, %get3A_907 : vector<16xf32>
      %add3A_909 = arith.constant 120 : i32
      %add3A_910 = arith.addi %add3A_909, %scan3A_24 : i32
      %mul3A_911 = arith.constant 128 : i32
      %mul3A_912 = arith.muli %add3A_910, %mul3A_911 : i32
      %add3A_913 = arith.constant 96 : i32
      %add3A_914 = arith.addi %mul3A_912, %add3A_913 : i32
      %get3A_915 = arith.index_cast %add3A_914 : i32 to index
      %get3A_916 = tpu.vector_load %arg6[%get3A_915] {strides = array<i32>} : memref<81920xf32, #tpu.memory_space<vmem>>, vector<16xf32>,
      %add3A_917 = arith.addf %add3A_908, %get3A_916 : vector<16xf32>
      %add3A_918 = arith.constant 160 : i32
      %add3A_919 = arith.addi %add3A_918, %scan3A_24 : i32
      %mul3A_920 = arith.constant 128 : i32
      %mul3A_921 = arith.muli %add3A_919, %mul3A_920 : i32
      %add3A_922 = arith.constant 96 : i32
      %add3A_923 = arith.addi %mul3A_921, %add3A_922 : i32
      %get3A_924 = arith.index_cast %add3A_923 : i32 to index
      %get3A_925 = tpu.vector_load %arg6[%get3A_924] {strides = array<i32>} : memref<81920xf32, #tpu.memory_space<vmem>>, vector<16xf32>,
      %add3A_926 = arith.addf %add3A_917, %get3A_925 : vector<16xf32>
      %add3A_927 = arith.constant 200 : i32
      %add3A_928 = arith.addi %add3A_927, %scan3A_24 : i32
      %mul3A_929 = arith.constant 128 : i32
      %mul3A_930 = arith.muli %add3A_928, %mul3A_929 : i32
      %add3A_931 = arith.constant 96 : i32
      %add3A_932 = arith.addi %mul3A_930, %add3A_931 : i32
      %get3A_933 = arith.index_cast %add3A_932 : i32 to index
      %get3A_934 = tpu.vector_load %arg6[%get3A_933] {strides = array<i32>} : memref<81920xf32, #tpu.memory_space<vmem>>, vector<16xf32>,
      %add3A_935 = arith.addf %add3A_926, %get3A_934 : vector<16xf32>
      %add3A_936 = arith.constant 240 : i32
      %add3A_937 = arith.addi %add3A_936, %scan3A_24 : i32
      %mul3A_938 = arith.constant 128 : i32
      %mul3A_939 = arith.muli %add3A_937, %mul3A_938 : i32
      %add3A_940 = arith.constant 96 : i32
      %add3A_941 = arith.addi %mul3A_939, %add3A_940 : i32
      %get3A_942 = arith.index_cast %add3A_941 : i32 to index
      %get3A_943 = tpu.vector_load %arg6[%get3A_942] {strides = array<i32>} : memref<81920xf32, #tpu.memory_space<vmem>>, vector<16xf32>,
      %add3A_944 = arith.addf %add3A_935, %get3A_943 : vector<16xf32>
      %add3A_945 = arith.constant 280 : i32
      %add3A_946 = arith.addi %add3A_945, %scan3A_24 : i32
      %mul3A_947 = arith.constant 128 : i32
      %mul3A_948 = arith.muli %add3A_946, %mul3A_947 : i32
      %add3A_949 = arith.constant 96 : i32
      %add3A_950 = arith.addi %mul3A_948, %add3A_949 : i32
      %get3A_951 = arith.index_cast %add3A_950 : i32 to index
      %get3A_952 = tpu.vector_load %arg6[%get3A_951] {strides = array<i32>} : memref<81920xf32, #tpu.memory_space<vmem>>, vector<16xf32>,
      %add3A_953 = arith.addf %add3A_944, %get3A_952 : vector<16xf32>
      %add3A_954 = arith.constant 320 : i32
      %add3A_955 = arith.addi %add3A_954, %scan3A_24 : i32
      %mul3A_956 = arith.constant 128 : i32
      %mul3A_957 = arith.muli %add3A_955, %mul3A_956 : i32
      %add3A_958 = arith.constant 96 : i32
      %add3A_959 = arith.addi %mul3A_957, %add3A_958 : i32
      %get3A_960 = arith.index_cast %add3A_959 : i32 to index
      %get3A_961 = tpu.vector_load %arg6[%get3A_960] {strides = array<i32>} : memref<81920xf32, #tpu.memory_space<vmem>>, vector<16xf32>,
      %add3A_962 = arith.addf %add3A_953, %get3A_961 : vector<16xf32>
      %add3A_963 = arith.constant 360 : i32
      %add3A_964 = arith.addi %add3A_963, %scan3A_24 : i32
      %mul3A_965 = arith.constant 128 : i32
      %mul3A_966 = arith.muli %add3A_964, %mul3A_965 : i32
      %add3A_967 = arith.constant 96 : i32
      %add3A_968 = arith.addi %mul3A_966, %add3A_967 : i32
      %get3A_969 = arith.index_cast %add3A_968 : i32 to index
      %get3A_970 = tpu.vector_load %arg6[%get3A_969] {strides = array<i32>} : memref<81920xf32, #tpu.memory_space<vmem>>, vector<16xf32>,
      %add3A_971 = arith.addf %add3A_962, %get3A_970 : vector<16xf32>
      %add3A_972 = arith.constant 400 : i32
      %add3A_973 = arith.addi %add3A_972, %scan3A_24 : i32
      %mul3A_974 = arith.constant 128 : i32
      %mul3A_975 = arith.muli %add3A_973, %mul3A_974 : i32
      %add3A_976 = arith.constant 96 : i32
      %add3A_977 = arith.addi %mul3A_975, %add3A_976 : i32
      %get3A_978 = arith.index_cast %add3A_977 : i32 to index
      %get3A_979 = tpu.vector_load %arg6[%get3A_978] {strides = array<i32>} : memref<81920xf32, #tpu.memory_space<vmem>>, vector<16xf32>,
      %add3A_980 = arith.addf %add3A_971, %get3A_979 : vector<16xf32>
      %add3A_981 = arith.constant 440 : i32
      %add3A_982 = arith.addi %add3A_981, %scan3A_24 : i32
      %mul3A_983 = arith.constant 128 : i32
      %mul3A_984 = arith.muli %add3A_982, %mul3A_983 : i32
      %add3A_985 = arith.constant 96 : i32
      %add3A_986 = arith.addi %mul3A_984, %add3A_985 : i32
      %get3A_987 = arith.index_cast %add3A_986 : i32 to index
      %get3A_988 = tpu.vector_load %arg6[%get3A_987] {strides = array<i32>} : memref<81920xf32, #tpu.memory_space<vmem>>, vector<16xf32>,
      %add3A_989 = arith.addf %add3A_980, %get3A_988 : vector<16xf32>
      %add3A_990 = arith.constant 480 : i32
      %add3A_991 = arith.addi %add3A_990, %scan3A_24 : i32
      %mul3A_992 = arith.constant 128 : i32
      %mul3A_993 = arith.muli %add3A_991, %mul3A_992 : i32
      %add3A_994 = arith.constant 96 : i32
      %add3A_995 = arith.addi %mul3A_993, %add3A_994 : i32
      %get3A_996 = arith.index_cast %add3A_995 : i32 to index
      %get3A_997 = tpu.vector_load %arg6[%get3A_996] {strides = array<i32>} : memref<81920xf32, #tpu.memory_space<vmem>>, vector<16xf32>,
      %add3A_998 = arith.addf %add3A_989, %get3A_997 : vector<16xf32>
      %add3A_999 = arith.constant 520 : i32
      %add3A_1000 = arith.addi %add3A_999, %scan3A_24 : i32
      %mul3A_1001 = arith.constant 128 : i32
      %mul3A_1002 = arith.muli %add3A_1000, %mul3A_1001 : i32
      %add3A_1003 = arith.constant 96 : i32
      %add3A_1004 = arith.addi %mul3A_1002, %add3A_1003 : i32
      %get3A_1005 = arith.index_cast %add3A_1004 : i32 to index
      %get3A_1006 = tpu.vector_load %arg6[%get3A_1005] {strides = array<i32>} : memref<81920xf32, #tpu.memory_space<vmem>>, vector<16xf32>,
      %add3A_1007 = arith.addf %add3A_998, %get3A_1006 : vector<16xf32>
      %add3A_1008 = arith.constant 560 : i32
      %add3A_1009 = arith.addi %add3A_1008, %scan3A_24 : i32
      %mul3A_1010 = arith.constant 128 : i32
      %mul3A_1011 = arith.muli %add3A_1009, %mul3A_1010 : i32
      %add3A_1012 = arith.constant 96 : i32
      %add3A_1013 = arith.addi %mul3A_1011, %add3A_1012 : i32
      %get3A_1014 = arith.index_cast %add3A_1013 : i32 to index
      %get3A_1015 = tpu.vector_load %arg6[%get3A_1014] {strides = array<i32>} : memref<81920xf32, #tpu.memory_space<vmem>>, vector<16xf32>,
      %add3A_1016 = arith.addf %add3A_1007, %get3A_1015 : vector<16xf32>
      %add3A_1017 = arith.constant 600 : i32
      %add3A_1018 = arith.addi %add3A_1017, %scan3A_24 : i32
      %mul3A_1019 = arith.constant 128 : i32
      %mul3A_1020 = arith.muli %add3A_1018, %mul3A_1019 : i32
      %add3A_1021 = arith.constant 96 : i32
      %add3A_1022 = arith.addi %mul3A_1020, %add3A_1021 : i32
      %get3A_1023 = arith.index_cast %add3A_1022 : i32 to index
      %get3A_1024 = tpu.vector_load %arg6[%get3A_1023] {strides = array<i32>} : memref<81920xf32, #tpu.memory_space<vmem>>, vector<16xf32>,
      %add3A_1025 = arith.addf %add3A_1016, %get3A_1024 : vector<16xf32>
      %swap3A_1026 = arith.index_cast %scan3A_24 : i32 to index
      %swap3A_1027 = arith.constant 96 : index
      %swap3A_1028 = tpu.vector_load %arg7[%swap3A_1026, %swap3A_1027] {strides = array<i32>} : memref<40x128xf32, #tpu.memory_space<vmem>>, vector<16xf32>,
      tpu.vector_store %arg7[%swap3A_1026, %swap3A_1027], %add3A_1025 {strides = array<i32>} : memref<40x128xf32, #tpu.memory_space<vmem>>, vector<16xf32>,
      %mul3A_1029 = arith.constant 128 : i32
      %mul3A_1030 = arith.muli %scan3A_24, %mul3A_1029 : i32
      %add3A_1031 = arith.constant 112 : i32
      %add3A_1032 = arith.addi %mul3A_1030, %add3A_1031 : i32
      %get3A_1033 = arith.index_cast %add3A_1032 : i32 to index
      %get3A_1034 = tpu.vector_load %arg6[%get3A_1033] {strides = array<i32>} : memref<81920xf32, #tpu.memory_space<vmem>>, vector<16xf32>,
      %add3A_1035 = arith.constant 40 : i32
      %add3A_1036 = arith.addi %add3A_1035, %scan3A_24 : i32
      %mul3A_1037 = arith.constant 128 : i32
      %mul3A_1038 = arith.muli %add3A_1036, %mul3A_1037 : i32
      %add3A_1039 = arith.constant 112 : i32
      %add3A_1040 = arith.addi %mul3A_1038, %add3A_1039 : i32
      %get3A_1041 = arith.index_cast %add3A_1040 : i32 to index
      %get3A_1042 = tpu.vector_load %arg6[%get3A_1041] {strides = array<i32>} : memref<81920xf32, #tpu.memory_space<vmem>>, vector<16xf32>,
      %add3A_1043 = arith.addf %get3A_1034, %get3A_1042 : vector<16xf32>
      %add3A_1044 = arith.constant 80 : i32
      %add3A_1045 = arith.addi %add3A_1044, %scan3A_24 : i32
      %mul3A_1046 = arith.constant 128 : i32
      %mul3A_1047 = arith.muli %add3A_1045, %mul3A_1046 : i32
      %add3A_1048 = arith.constant 112 : i32
      %add3A_1049 = arith.addi %mul3A_1047, %add3A_1048 : i32
      %get3A_1050 = arith.index_cast %add3A_1049 : i32 to index
      %get3A_1051 = tpu.vector_load %arg6[%get3A_1050] {strides = array<i32>} : memref<81920xf32, #tpu.memory_space<vmem>>, vector<16xf32>,
      %add3A_1052 = arith.addf %add3A_1043, %get3A_1051 : vector<16xf32>
      %add3A_1053 = arith.constant 120 : i32
      %add3A_1054 = arith.addi %add3A_1053, %scan3A_24 : i32
      %mul3A_1055 = arith.constant 128 : i32
      %mul3A_1056 = arith.muli %add3A_1054, %mul3A_1055 : i32
      %add3A_1057 = arith.constant 112 : i32
      %add3A_1058 = arith.addi %mul3A_1056, %add3A_1057 : i32
      %get3A_1059 = arith.index_cast %add3A_1058 : i32 to index
      %get3A_1060 = tpu.vector_load %arg6[%get3A_1059] {strides = array<i32>} : memref<81920xf32, #tpu.memory_space<vmem>>, vector<16xf32>,
      %add3A_1061 = arith.addf %add3A_1052, %get3A_1060 : vector<16xf32>
      %add3A_1062 = arith.constant 160 : i32
      %add3A_1063 = arith.addi %add3A_1062, %scan3A_24 : i32
      %mul3A_1064 = arith.constant 128 : i32
      %mul3A_1065 = arith.muli %add3A_1063, %mul3A_1064 : i32
      %add3A_1066 = arith.constant 112 : i32
      %add3A_1067 = arith.addi %mul3A_1065, %add3A_1066 : i32
      %get3A_1068 = arith.index_cast %add3A_1067 : i32 to index
      %get3A_1069 = tpu.vector_load %arg6[%get3A_1068] {strides = array<i32>} : memref<81920xf32, #tpu.memory_space<vmem>>, vector<16xf32>,
      %add3A_1070 = arith.addf %add3A_1061, %get3A_1069 : vector<16xf32>
      %add3A_1071 = arith.constant 200 : i32
      %add3A_1072 = arith.addi %add3A_1071, %scan3A_24 : i32
      %mul3A_1073 = arith.constant 128 : i32
      %mul3A_1074 = arith.muli %add3A_1072, %mul3A_1073 : i32
      %add3A_1075 = arith.constant 112 : i32
      %add3A_1076 = arith.addi %mul3A_1074, %add3A_1075 : i32
      %get3A_1077 = arith.index_cast %add3A_1076 : i32 to index
      %get3A_1078 = tpu.vector_load %arg6[%get3A_1077] {strides = array<i32>} : memref<81920xf32, #tpu.memory_space<vmem>>, vector<16xf32>,
      %add3A_1079 = arith.addf %add3A_1070, %get3A_1078 : vector<16xf32>
      %add3A_1080 = arith.constant 240 : i32
      %add3A_1081 = arith.addi %add3A_1080, %scan3A_24 : i32
      %mul3A_1082 = arith.constant 128 : i32
      %mul3A_1083 = arith.muli %add3A_1081, %mul3A_1082 : i32
      %add3A_1084 = arith.constant 112 : i32
      %add3A_1085 = arith.addi %mul3A_1083, %add3A_1084 : i32
      %get3A_1086 = arith.index_cast %add3A_1085 : i32 to index
      %get3A_1087 = tpu.vector_load %arg6[%get3A_1086] {strides = array<i32>} : memref<81920xf32, #tpu.memory_space<vmem>>, vector<16xf32>,
      %add3A_1088 = arith.addf %add3A_1079, %get3A_1087 : vector<16xf32>
      %add3A_1089 = arith.constant 280 : i32
      %add3A_1090 = arith.addi %add3A_1089, %scan3A_24 : i32
      %mul3A_1091 = arith.constant 128 : i32
      %mul3A_1092 = arith.muli %add3A_1090, %mul3A_1091 : i32
      %add3A_1093 = arith.constant 112 : i32
      %add3A_1094 = arith.addi %mul3A_1092, %add3A_1093 : i32
      %get3A_1095 = arith.index_cast %add3A_1094 : i32 to index
      %get3A_1096 = tpu.vector_load %arg6[%get3A_1095] {strides = array<i32>} : memref<81920xf32, #tpu.memory_space<vmem>>, vector<16xf32>,
      %add3A_1097 = arith.addf %add3A_1088, %get3A_1096 : vector<16xf32>
      %add3A_1098 = arith.constant 320 : i32
      %add3A_1099 = arith.addi %add3A_1098, %scan3A_24 : i32
      %mul3A_1100 = arith.constant 128 : i32
      %mul3A_1101 = arith.muli %add3A_1099, %mul3A_1100 : i32
      %add3A_1102 = arith.constant 112 : i32
      %add3A_1103 = arith.addi %mul3A_1101, %add3A_1102 : i32
      %get3A_1104 = arith.index_cast %add3A_1103 : i32 to index
      %get3A_1105 = tpu.vector_load %arg6[%get3A_1104] {strides = array<i32>} : memref<81920xf32, #tpu.memory_space<vmem>>, vector<16xf32>,
      %add3A_1106 = arith.addf %add3A_1097, %get3A_1105 : vector<16xf32>
      %add3A_1107 = arith.constant 360 : i32
      %add3A_1108 = arith.addi %add3A_1107, %scan3A_24 : i32
      %mul3A_1109 = arith.constant 128 : i32
      %mul3A_1110 = arith.muli %add3A_1108, %mul3A_1109 : i32
      %add3A_1111 = arith.constant 112 : i32
      %add3A_1112 = arith.addi %mul3A_1110, %add3A_1111 : i32
      %get3A_1113 = arith.index_cast %add3A_1112 : i32 to index
      %get3A_1114 = tpu.vector_load %arg6[%get3A_1113] {strides = array<i32>} : memref<81920xf32, #tpu.memory_space<vmem>>, vector<16xf32>,
      %add3A_1115 = arith.addf %add3A_1106, %get3A_1114 : vector<16xf32>
      %add3A_1116 = arith.constant 400 : i32
      %add3A_1117 = arith.addi %add3A_1116, %scan3A_24 : i32
      %mul3A_1118 = arith.constant 128 : i32
      %mul3A_1119 = arith.muli %add3A_1117, %mul3A_1118 : i32
      %add3A_1120 = arith.constant 112 : i32
      %add3A_1121 = arith.addi %mul3A_1119, %add3A_1120 : i32
      %get3A_1122 = arith.index_cast %add3A_1121 : i32 to index
      %get3A_1123 = tpu.vector_load %arg6[%get3A_1122] {strides = array<i32>} : memref<81920xf32, #tpu.memory_space<vmem>>, vector<16xf32>,
      %add3A_1124 = arith.addf %add3A_1115, %get3A_1123 : vector<16xf32>
      %add3A_1125 = arith.constant 440 : i32
      %add3A_1126 = arith.addi %add3A_1125, %scan3A_24 : i32
      %mul3A_1127 = arith.constant 128 : i32
      %mul3A_1128 = arith.muli %add3A_1126, %mul3A_1127 : i32
      %add3A_1129 = arith.constant 112 : i32
      %add3A_1130 = arith.addi %mul3A_1128, %add3A_1129 : i32
      %get3A_1131 = arith.index_cast %add3A_1130 : i32 to index
      %get3A_1132 = tpu.vector_load %arg6[%get3A_1131] {strides = array<i32>} : memref<81920xf32, #tpu.memory_space<vmem>>, vector<16xf32>,
      %add3A_1133 = arith.addf %add3A_1124, %get3A_1132 : vector<16xf32>
      %add3A_1134 = arith.constant 480 : i32
      %add3A_1135 = arith.addi %add3A_1134, %scan3A_24 : i32
      %mul3A_1136 = arith.constant 128 : i32
      %mul3A_1137 = arith.muli %add3A_1135, %mul3A_1136 : i32
      %add3A_1138 = arith.constant 112 : i32
      %add3A_1139 = arith.addi %mul3A_1137, %add3A_1138 : i32
      %get3A_1140 = arith.index_cast %add3A_1139 : i32 to index
      %get3A_1141 = tpu.vector_load %arg6[%get3A_1140] {strides = array<i32>} : memref<81920xf32, #tpu.memory_space<vmem>>, vector<16xf32>,
      %add3A_1142 = arith.addf %add3A_1133, %get3A_1141 : vector<16xf32>
      %add3A_1143 = arith.constant 520 : i32
      %add3A_1144 = arith.addi %add3A_1143, %scan3A_24 : i32
      %mul3A_1145 = arith.constant 128 : i32
      %mul3A_1146 = arith.muli %add3A_1144, %mul3A_1145 : i32
      %add3A_1147 = arith.constant 112 : i32
      %add3A_1148 = arith.addi %mul3A_1146, %add3A_1147 : i32
      %get3A_1149 = arith.index_cast %add3A_1148 : i32 to index
      %get3A_1150 = tpu.vector_load %arg6[%get3A_1149] {strides = array<i32>} : memref<81920xf32, #tpu.memory_space<vmem>>, vector<16xf32>,
      %add3A_1151 = arith.addf %add3A_1142, %get3A_1150 : vector<16xf32>
      %add3A_1152 = arith.constant 560 : i32
      %add3A_1153 = arith.addi %add3A_1152, %scan3A_24 : i32
      %mul3A_1154 = arith.constant 128 : i32
      %mul3A_1155 = arith.muli %add3A_1153, %mul3A_1154 : i32
      %add3A_1156 = arith.constant 112 : i32
      %add3A_1157 = arith.addi %mul3A_1155, %add3A_1156 : i32
      %get3A_1158 = arith.index_cast %add3A_1157 : i32 to index
      %get3A_1159 = tpu.vector_load %arg6[%get3A_1158] {strides = array<i32>} : memref<81920xf32, #tpu.memory_space<vmem>>, vector<16xf32>,
      %add3A_1160 = arith.addf %add3A_1151, %get3A_1159 : vector<16xf32>
      %add3A_1161 = arith.constant 600 : i32
      %add3A_1162 = arith.addi %add3A_1161, %scan3A_24 : i32
      %mul3A_1163 = arith.constant 128 : i32
      %mul3A_1164 = arith.muli %add3A_1162, %mul3A_1163 : i32
      %add3A_1165 = arith.constant 112 : i32
      %add3A_1166 = arith.addi %mul3A_1164, %add3A_1165 : i32
      %get3A_1167 = arith.index_cast %add3A_1166 : i32 to index
      %get3A_1168 = tpu.vector_load %arg6[%get3A_1167] {strides = array<i32>} : memref<81920xf32, #tpu.memory_space<vmem>>, vector<16xf32>,
      %add3A_1169 = arith.addf %add3A_1160, %get3A_1168 : vector<16xf32>
      %swap3A_1170 = arith.index_cast %scan3A_24 : i32 to index
      %swap3A_1171 = arith.constant 112 : index
      %swap3A_1172 = tpu.vector_load %arg7[%swap3A_1170, %swap3A_1171] {strides = array<i32>} : memref<40x128xf32, #tpu.memory_space<vmem>>, vector<16xf32>,
      tpu.vector_store %arg7[%swap3A_1170, %swap3A_1171], %add3A_1169 {strides = array<i32>} : memref<40x128xf32, #tpu.memory_space<vmem>>, vector<16xf32>,
    }
    %scan3A_11 = arith.constant 40 : i32
    "tpu.region"() ({
      %run_scoped3A = tpu.sem_alloc : memref<!tpu.dma_semaphore, #tpu.memory_space<semaphore_mem>>
      %dma_start3A = arith.constant 0 : i32
      %dma_start3A_24 = arith.constant 0 : i32
      %dma_start3A_25 = tpu.memref_slice %arg4[%arg0, %arg1, %dma_start3A, %dma_start3A_24] : memref<2x16x80x128xf32, #tpu.memory_space<hbm>> -> memref<1x1x40x128xf32, #tpu.memory_space<hbm>>
      %dma_start3A_26 = tpu.memref_squeeze %dma_start3A_25 : memref<1x1x40x128xf32, #tpu.memory_space<hbm>> -> memref<40x128xf32, #tpu.memory_space<hbm>>
      %dma_start3A_27 = arith.constant 0 : i32
      %dma_start3A_28 = arith.constant 0 : i32
      %dma_start3A_29 = tpu.memref_slice %arg4[%arg0, %arg1, %dma_start3A_27, %dma_start3A_28] : memref<2x16x80x128xf32, #tpu.memory_space<hbm>> -> memref<1x1x40x128xf32, #tpu.memory_space<hbm>>
      %dma_start3A_30 = tpu.memref_squeeze %dma_start3A_29 : memref<1x1x40x128xf32, #tpu.memory_space<hbm>> -> memref<40x128xf32, #tpu.memory_space<hbm>>
      tpu.enqueue_dma source(%arg7 : memref<40x128xf32, #tpu.memory_space<vmem>>) target(%dma_start3A_30 : memref<40x128xf32, #tpu.memory_space<hbm>>) target_semaphore(%run_scoped3A : memref<!tpu.dma_semaphore, #tpu.memory_space<semaphore_mem>>)
      %dma_wait3A = arith.constant 0 : i32
      %dma_wait3A_31 = arith.constant 0 : i32
      %dma_wait3A_32 = tpu.memref_slice %arg4[%arg0, %arg1, %dma_wait3A, %dma_wait3A_31] : memref<2x16x80x128xf32, #tpu.memory_space<hbm>> -> memref<1x1x40x128xf32, #tpu.memory_space<hbm>>
      %dma_wait3A_33 = tpu.memref_squeeze %dma_wait3A_32 : memref<1x1x40x128xf32, #tpu.memory_space<hbm>> -> memref<40x128xf32, #tpu.memory_space<hbm>>
      %dma_wait3A_34 = arith.constant 0 : i32
      %dma_wait3A_35 = arith.constant 0 : i32
      %dma_wait3A_36 = tpu.memref_slice %arg4[%arg0, %arg1, %dma_wait3A_34, %dma_wait3A_35] : memref<2x16x80x128xf32, #tpu.memory_space<hbm>> -> memref<1x1x40x128xf32, #tpu.memory_space<hbm>>
      %dma_wait3A_37 = tpu.memref_squeeze %dma_wait3A_36 : memref<1x1x40x128xf32, #tpu.memory_space<hbm>> -> memref<40x128xf32, #tpu.memory_space<hbm>>
      tpu.wait_dma2 semaphore(%run_scoped3A : memref<!tpu.dma_semaphore, #tpu.memory_space<semaphore_mem>>) src(%arg7 : memref<40x128xf32, #tpu.memory_space<vmem>>) dst(%dma_wait3A_37 : memref<40x128xf32, #tpu.memory_space<hbm>>)
      tpu.yield
    }) : () -> ()
    "tpu.region"() ({
      %run_scoped3A = tpu.sem_alloc : memref<!tpu.dma_semaphore, #tpu.memory_space<semaphore_mem>>
      tpu.enqueue_dma source(%arg3 : memref<81920xf32, #tpu.memory_space<hbm>>) target(%arg6 : memref<81920xf32, #tpu.memory_space<vmem>>) target_semaphore(%run_scoped3A : memref<!tpu.dma_semaphore, #tpu.memory_space<semaphore_mem>>)
      tpu.wait_dma2 semaphore(%run_scoped3A : memref<!tpu.dma_semaphore, #tpu.memory_space<semaphore_mem>>) src(%arg3 : memref<81920xf32, #tpu.memory_space<hbm>>) dst(%arg6 : memref<81920xf32, #tpu.memory_space<vmem>>)
      tpu.yield
    }) : () -> ()
    %scan3A_12 = arith.constant 0 : i32
    %scan3A_13 = arith.constant 0 : i32
    %scan3A_14 = arith.constant 80 : i32
    %scan3A_15 = arith.addi %scan3A_13, %scan3A_14 : i32
    %scan3A_16 = arith.constant 1 : i32
    scf.for %scan3A_24 = %scan3A_13 to %scan3A_15 step %scan3A_16  : i32 {
      %scan3A_25 = arith.constant 0 : i32
      %scan3A_26 = arith.constant 8 : i32
      %scan3A_27 = arith.addi %scan3A_25, %scan3A_26 : i32
      %scan3A_28 = arith.constant 1 : i32
      scf.for %scan3A_30 = %scan3A_25 to %scan3A_27 step %scan3A_28  : i32 {
        %mul3A = arith.constant 16 : i32
        %mul3A_31 = arith.muli %scan3A_30, %mul3A : i32
        %get3A = arith.index_cast %scan3A_24 : i32 to index
        %get3A_32 = arith.index_cast %mul3A_31 : i32 to index
        %get3A_33 = tpu.vector_load %arg5[%get3A, %get3A_32] {strides = array<i32>} : memref<80x128xi32, #tpu.memory_space<vmem>>, vector<16xi32>,
        %ge3A = arith.constant 5120 : i32
        %ge3A_34 = vector.broadcast %ge3A : i32 to vector<16xi32>
        %ge3A_35 = arith.cmpi sge, %get3A_33, %ge3A_34 : vector<16xi32>
        %lt3A = arith.constant 10240 : i32
        %lt3A_36 = vector.broadcast %lt3A : i32 to vector<16xi32>
        %lt3A_37 = arith.cmpi slt, %get3A_33, %lt3A_36 : vector<16xi32>
        %and3A = arith.andi %ge3A_35, %lt3A_37 : vector<16xi1>
        %mul3A_38 = arith.constant 40 : i32
        %mul3A_39 = vector.broadcast %mul3A_38 : i32 to vector<16xi32>
        %mul3A_40 = arith.muli %iota3A, %mul3A_39 : vector<16xi32>
        %sub3A = arith.constant 5120 : i32
        %sub3A_41 = vector.broadcast %sub3A : i32 to vector<16xi32>
        %sub3A_42 = arith.subi %get3A_33, %sub3A_41 : vector<16xi32>
        %shift_right_arithmetic3A = arith.constant 7 : i32
        %shift_right_arithmetic3A_43 = vector.broadcast %shift_right_arithmetic3A : i32 to vector<16xi32>
        %shift_right_arithmetic3A_44 = arith.shrsi %sub3A_42, %shift_right_arithmetic3A_43 : vector<16xi32>
        %add3A = arith.addi %mul3A_40, %shift_right_arithmetic3A_44 : vector<16xi32>
        %mul3A_45 = arith.constant 128 : i32
        %mul3A_46 = vector.broadcast %mul3A_45 : i32 to vector<16xi32>
        %mul3A_47 = arith.muli %add3A, %mul3A_46 : vector<16xi32>
        %and3A_48 = arith.constant 127 : i32
        %and3A_49 = vector.broadcast %and3A_48 : i32 to vector<16xi32>
        %and3A_50 = arith.andi %get3A_33, %and3A_49 : vector<16xi32>
        %add3A_51 = arith.addi %mul3A_47, %and3A_50 : vector<16xi32>
        tpu.vector_store_idx %arg6[%add3A_51], %broadcast_in_dim3A_0 masked %and3A {add = true} : memref<81920xf32, #tpu.memory_space<vmem>>[vector<16xi32>], vector<16xf32>, vector<16xi1>
      }
      %scan3A_29 = arith.constant 8 : i32
    }
    %scan3A_17 = arith.constant 80 : i32
    %scan3A_18 = arith.constant 0 : i32
    %scan3A_19 = arith.constant 0 : i32
    %scan3A_20 = arith.constant 40 : i32
    %scan3A_21 = arith.addi %scan3A_19, %scan3A_20 : i32
    %scan3A_22 = arith.constant 1 : i32
    scf.for %scan3A_24 = %scan3A_19 to %scan3A_21 step %scan3A_22  : i32 {
      %mul3A = arith.constant 128 : i32
      %mul3A_25 = arith.muli %scan3A_24, %mul3A : i32
      %add3A = arith.constant 0 : i32
      %add3A_26 = arith.addi %mul3A_25, %add3A : i32
      %get3A = arith.index_cast %add3A_26 : i32 to index
      %get3A_27 = tpu.vector_load %arg6[%get3A] {strides = array<i32>} : memref<81920xf32, #tpu.memory_space<vmem>>, vector<16xf32>,
      %add3A_28 = arith.constant 40 : i32
      %add3A_29 = arith.addi %add3A_28, %scan3A_24 : i32
      %mul3A_30 = arith.constant 128 : i32
      %mul3A_31 = arith.muli %add3A_29, %mul3A_30 : i32
      %add3A_32 = arith.constant 0 : i32
      %add3A_33 = arith.addi %mul3A_31, %add3A_32 : i32
      %get3A_34 = arith.index_cast %add3A_33 : i32 to index
      %get3A_35 = tpu.vector_load %arg6[%get3A_34] {strides = array<i32>} : memref<81920xf32, #tpu.memory_space<vmem>>, vector<16xf32>,
      %add3A_36 = arith.addf %get3A_27, %get3A_35 : vector<16xf32>
      %add3A_37 = arith.constant 80 : i32
      %add3A_38 = arith.addi %add3A_37, %scan3A_24 : i32
      %mul3A_39 = arith.constant 128 : i32
      %mul3A_40 = arith.muli %add3A_38, %mul3A_39 : i32
      %add3A_41 = arith.constant 0 : i32
      %add3A_42 = arith.addi %mul3A_40, %add3A_41 : i32
      %get3A_43 = arith.index_cast %add3A_42 : i32 to index
      %get3A_44 = tpu.vector_load %arg6[%get3A_43] {strides = array<i32>} : memref<81920xf32, #tpu.memory_space<vmem>>, vector<16xf32>,
      %add3A_45 = arith.addf %add3A_36, %get3A_44 : vector<16xf32>
      %add3A_46 = arith.constant 120 : i32
      %add3A_47 = arith.addi %add3A_46, %scan3A_24 : i32
      %mul3A_48 = arith.constant 128 : i32
      %mul3A_49 = arith.muli %add3A_47, %mul3A_48 : i32
      %add3A_50 = arith.constant 0 : i32
      %add3A_51 = arith.addi %mul3A_49, %add3A_50 : i32
      %get3A_52 = arith.index_cast %add3A_51 : i32 to index
      %get3A_53 = tpu.vector_load %arg6[%get3A_52] {strides = array<i32>} : memref<81920xf32, #tpu.memory_space<vmem>>, vector<16xf32>,
      %add3A_54 = arith.addf %add3A_45, %get3A_53 : vector<16xf32>
      %add3A_55 = arith.constant 160 : i32
      %add3A_56 = arith.addi %add3A_55, %scan3A_24 : i32
      %mul3A_57 = arith.constant 128 : i32
      %mul3A_58 = arith.muli %add3A_56, %mul3A_57 : i32
      %add3A_59 = arith.constant 0 : i32
      %add3A_60 = arith.addi %mul3A_58, %add3A_59 : i32
      %get3A_61 = arith.index_cast %add3A_60 : i32 to index
      %get3A_62 = tpu.vector_load %arg6[%get3A_61] {strides = array<i32>} : memref<81920xf32, #tpu.memory_space<vmem>>, vector<16xf32>,
      %add3A_63 = arith.addf %add3A_54, %get3A_62 : vector<16xf32>
      %add3A_64 = arith.constant 200 : i32
      %add3A_65 = arith.addi %add3A_64, %scan3A_24 : i32
      %mul3A_66 = arith.constant 128 : i32
      %mul3A_67 = arith.muli %add3A_65, %mul3A_66 : i32
      %add3A_68 = arith.constant 0 : i32
      %add3A_69 = arith.addi %mul3A_67, %add3A_68 : i32
      %get3A_70 = arith.index_cast %add3A_69 : i32 to index
      %get3A_71 = tpu.vector_load %arg6[%get3A_70] {strides = array<i32>} : memref<81920xf32, #tpu.memory_space<vmem>>, vector<16xf32>,
      %add3A_72 = arith.addf %add3A_63, %get3A_71 : vector<16xf32>
      %add3A_73 = arith.constant 240 : i32
      %add3A_74 = arith.addi %add3A_73, %scan3A_24 : i32
      %mul3A_75 = arith.constant 128 : i32
      %mul3A_76 = arith.muli %add3A_74, %mul3A_75 : i32
      %add3A_77 = arith.constant 0 : i32
      %add3A_78 = arith.addi %mul3A_76, %add3A_77 : i32
      %get3A_79 = arith.index_cast %add3A_78 : i32 to index
      %get3A_80 = tpu.vector_load %arg6[%get3A_79] {strides = array<i32>} : memref<81920xf32, #tpu.memory_space<vmem>>, vector<16xf32>,
      %add3A_81 = arith.addf %add3A_72, %get3A_80 : vector<16xf32>
      %add3A_82 = arith.constant 280 : i32
      %add3A_83 = arith.addi %add3A_82, %scan3A_24 : i32
      %mul3A_84 = arith.constant 128 : i32
      %mul3A_85 = arith.muli %add3A_83, %mul3A_84 : i32
      %add3A_86 = arith.constant 0 : i32
      %add3A_87 = arith.addi %mul3A_85, %add3A_86 : i32
      %get3A_88 = arith.index_cast %add3A_87 : i32 to index
      %get3A_89 = tpu.vector_load %arg6[%get3A_88] {strides = array<i32>} : memref<81920xf32, #tpu.memory_space<vmem>>, vector<16xf32>,
      %add3A_90 = arith.addf %add3A_81, %get3A_89 : vector<16xf32>
      %add3A_91 = arith.constant 320 : i32
      %add3A_92 = arith.addi %add3A_91, %scan3A_24 : i32
      %mul3A_93 = arith.constant 128 : i32
      %mul3A_94 = arith.muli %add3A_92, %mul3A_93 : i32
      %add3A_95 = arith.constant 0 : i32
      %add3A_96 = arith.addi %mul3A_94, %add3A_95 : i32
      %get3A_97 = arith.index_cast %add3A_96 : i32 to index
      %get3A_98 = tpu.vector_load %arg6[%get3A_97] {strides = array<i32>} : memref<81920xf32, #tpu.memory_space<vmem>>, vector<16xf32>,
      %add3A_99 = arith.addf %add3A_90, %get3A_98 : vector<16xf32>
      %add3A_100 = arith.constant 360 : i32
      %add3A_101 = arith.addi %add3A_100, %scan3A_24 : i32
      %mul3A_102 = arith.constant 128 : i32
      %mul3A_103 = arith.muli %add3A_101, %mul3A_102 : i32
      %add3A_104 = arith.constant 0 : i32
      %add3A_105 = arith.addi %mul3A_103, %add3A_104 : i32
      %get3A_106 = arith.index_cast %add3A_105 : i32 to index
      %get3A_107 = tpu.vector_load %arg6[%get3A_106] {strides = array<i32>} : memref<81920xf32, #tpu.memory_space<vmem>>, vector<16xf32>,
      %add3A_108 = arith.addf %add3A_99, %get3A_107 : vector<16xf32>
      %add3A_109 = arith.constant 400 : i32
      %add3A_110 = arith.addi %add3A_109, %scan3A_24 : i32
      %mul3A_111 = arith.constant 128 : i32
      %mul3A_112 = arith.muli %add3A_110, %mul3A_111 : i32
      %add3A_113 = arith.constant 0 : i32
      %add3A_114 = arith.addi %mul3A_112, %add3A_113 : i32
      %get3A_115 = arith.index_cast %add3A_114 : i32 to index
      %get3A_116 = tpu.vector_load %arg6[%get3A_115] {strides = array<i32>} : memref<81920xf32, #tpu.memory_space<vmem>>, vector<16xf32>,
      %add3A_117 = arith.addf %add3A_108, %get3A_116 : vector<16xf32>
      %add3A_118 = arith.constant 440 : i32
      %add3A_119 = arith.addi %add3A_118, %scan3A_24 : i32
      %mul3A_120 = arith.constant 128 : i32
      %mul3A_121 = arith.muli %add3A_119, %mul3A_120 : i32
      %add3A_122 = arith.constant 0 : i32
      %add3A_123 = arith.addi %mul3A_121, %add3A_122 : i32
      %get3A_124 = arith.index_cast %add3A_123 : i32 to index
      %get3A_125 = tpu.vector_load %arg6[%get3A_124] {strides = array<i32>} : memref<81920xf32, #tpu.memory_space<vmem>>, vector<16xf32>,
      %add3A_126 = arith.addf %add3A_117, %get3A_125 : vector<16xf32>
      %add3A_127 = arith.constant 480 : i32
      %add3A_128 = arith.addi %add3A_127, %scan3A_24 : i32
      %mul3A_129 = arith.constant 128 : i32
      %mul3A_130 = arith.muli %add3A_128, %mul3A_129 : i32
      %add3A_131 = arith.constant 0 : i32
      %add3A_132 = arith.addi %mul3A_130, %add3A_131 : i32
      %get3A_133 = arith.index_cast %add3A_132 : i32 to index
      %get3A_134 = tpu.vector_load %arg6[%get3A_133] {strides = array<i32>} : memref<81920xf32, #tpu.memory_space<vmem>>, vector<16xf32>,
      %add3A_135 = arith.addf %add3A_126, %get3A_134 : vector<16xf32>
      %add3A_136 = arith.constant 520 : i32
      %add3A_137 = arith.addi %add3A_136, %scan3A_24 : i32
      %mul3A_138 = arith.constant 128 : i32
      %mul3A_139 = arith.muli %add3A_137, %mul3A_138 : i32
      %add3A_140 = arith.constant 0 : i32
      %add3A_141 = arith.addi %mul3A_139, %add3A_140 : i32
      %get3A_142 = arith.index_cast %add3A_141 : i32 to index
      %get3A_143 = tpu.vector_load %arg6[%get3A_142] {strides = array<i32>} : memref<81920xf32, #tpu.memory_space<vmem>>, vector<16xf32>,
      %add3A_144 = arith.addf %add3A_135, %get3A_143 : vector<16xf32>
      %add3A_145 = arith.constant 560 : i32
      %add3A_146 = arith.addi %add3A_145, %scan3A_24 : i32
      %mul3A_147 = arith.constant 128 : i32
      %mul3A_148 = arith.muli %add3A_146, %mul3A_147 : i32
      %add3A_149 = arith.constant 0 : i32
      %add3A_150 = arith.addi %mul3A_148, %add3A_149 : i32
      %get3A_151 = arith.index_cast %add3A_150 : i32 to index
      %get3A_152 = tpu.vector_load %arg6[%get3A_151] {strides = array<i32>} : memref<81920xf32, #tpu.memory_space<vmem>>, vector<16xf32>,
      %add3A_153 = arith.addf %add3A_144, %get3A_152 : vector<16xf32>
      %add3A_154 = arith.constant 600 : i32
      %add3A_155 = arith.addi %add3A_154, %scan3A_24 : i32
      %mul3A_156 = arith.constant 128 : i32
      %mul3A_157 = arith.muli %add3A_155, %mul3A_156 : i32
      %add3A_158 = arith.constant 0 : i32
      %add3A_159 = arith.addi %mul3A_157, %add3A_158 : i32
      %get3A_160 = arith.index_cast %add3A_159 : i32 to index
      %get3A_161 = tpu.vector_load %arg6[%get3A_160] {strides = array<i32>} : memref<81920xf32, #tpu.memory_space<vmem>>, vector<16xf32>,
      %add3A_162 = arith.addf %add3A_153, %get3A_161 : vector<16xf32>
      %swap3A = arith.index_cast %scan3A_24 : i32 to index
      %swap3A_163 = arith.constant 0 : index
      %swap3A_164 = tpu.vector_load %arg7[%swap3A, %swap3A_163] {strides = array<i32>} : memref<40x128xf32, #tpu.memory_space<vmem>>, vector<16xf32>,
      tpu.vector_store %arg7[%swap3A, %swap3A_163], %add3A_162 {strides = array<i32>} : memref<40x128xf32, #tpu.memory_space<vmem>>, vector<16xf32>,
      %mul3A_165 = arith.constant 128 : i32
      %mul3A_166 = arith.muli %scan3A_24, %mul3A_165 : i32
      %add3A_167 = arith.constant 16 : i32
      %add3A_168 = arith.addi %mul3A_166, %add3A_167 : i32
      %get3A_169 = arith.index_cast %add3A_168 : i32 to index
      %get3A_170 = tpu.vector_load %arg6[%get3A_169] {strides = array<i32>} : memref<81920xf32, #tpu.memory_space<vmem>>, vector<16xf32>,
      %add3A_171 = arith.constant 40 : i32
      %add3A_172 = arith.addi %add3A_171, %scan3A_24 : i32
      %mul3A_173 = arith.constant 128 : i32
      %mul3A_174 = arith.muli %add3A_172, %mul3A_173 : i32
      %add3A_175 = arith.constant 16 : i32
      %add3A_176 = arith.addi %mul3A_174, %add3A_175 : i32
      %get3A_177 = arith.index_cast %add3A_176 : i32 to index
      %get3A_178 = tpu.vector_load %arg6[%get3A_177] {strides = array<i32>} : memref<81920xf32, #tpu.memory_space<vmem>>, vector<16xf32>,
      %add3A_179 = arith.addf %get3A_170, %get3A_178 : vector<16xf32>
      %add3A_180 = arith.constant 80 : i32
      %add3A_181 = arith.addi %add3A_180, %scan3A_24 : i32
      %mul3A_182 = arith.constant 128 : i32
      %mul3A_183 = arith.muli %add3A_181, %mul3A_182 : i32
      %add3A_184 = arith.constant 16 : i32
      %add3A_185 = arith.addi %mul3A_183, %add3A_184 : i32
      %get3A_186 = arith.index_cast %add3A_185 : i32 to index
      %get3A_187 = tpu.vector_load %arg6[%get3A_186] {strides = array<i32>} : memref<81920xf32, #tpu.memory_space<vmem>>, vector<16xf32>,
      %add3A_188 = arith.addf %add3A_179, %get3A_187 : vector<16xf32>
      %add3A_189 = arith.constant 120 : i32
      %add3A_190 = arith.addi %add3A_189, %scan3A_24 : i32
      %mul3A_191 = arith.constant 128 : i32
      %mul3A_192 = arith.muli %add3A_190, %mul3A_191 : i32
      %add3A_193 = arith.constant 16 : i32
      %add3A_194 = arith.addi %mul3A_192, %add3A_193 : i32
      %get3A_195 = arith.index_cast %add3A_194 : i32 to index
      %get3A_196 = tpu.vector_load %arg6[%get3A_195] {strides = array<i32>} : memref<81920xf32, #tpu.memory_space<vmem>>, vector<16xf32>,
      %add3A_197 = arith.addf %add3A_188, %get3A_196 : vector<16xf32>
      %add3A_198 = arith.constant 160 : i32
      %add3A_199 = arith.addi %add3A_198, %scan3A_24 : i32
      %mul3A_200 = arith.constant 128 : i32
      %mul3A_201 = arith.muli %add3A_199, %mul3A_200 : i32
      %add3A_202 = arith.constant 16 : i32
      %add3A_203 = arith.addi %mul3A_201, %add3A_202 : i32
      %get3A_204 = arith.index_cast %add3A_203 : i32 to index
      %get3A_205 = tpu.vector_load %arg6[%get3A_204] {strides = array<i32>} : memref<81920xf32, #tpu.memory_space<vmem>>, vector<16xf32>,
      %add3A_206 = arith.addf %add3A_197, %get3A_205 : vector<16xf32>
      %add3A_207 = arith.constant 200 : i32
      %add3A_208 = arith.addi %add3A_207, %scan3A_24 : i32
      %mul3A_209 = arith.constant 128 : i32
      %mul3A_210 = arith.muli %add3A_208, %mul3A_209 : i32
      %add3A_211 = arith.constant 16 : i32
      %add3A_212 = arith.addi %mul3A_210, %add3A_211 : i32
      %get3A_213 = arith.index_cast %add3A_212 : i32 to index
      %get3A_214 = tpu.vector_load %arg6[%get3A_213] {strides = array<i32>} : memref<81920xf32, #tpu.memory_space<vmem>>, vector<16xf32>,
      %add3A_215 = arith.addf %add3A_206, %get3A_214 : vector<16xf32>
      %add3A_216 = arith.constant 240 : i32
      %add3A_217 = arith.addi %add3A_216, %scan3A_24 : i32
      %mul3A_218 = arith.constant 128 : i32
      %mul3A_219 = arith.muli %add3A_217, %mul3A_218 : i32
      %add3A_220 = arith.constant 16 : i32
      %add3A_221 = arith.addi %mul3A_219, %add3A_220 : i32
      %get3A_222 = arith.index_cast %add3A_221 : i32 to index
      %get3A_223 = tpu.vector_load %arg6[%get3A_222] {strides = array<i32>} : memref<81920xf32, #tpu.memory_space<vmem>>, vector<16xf32>,
      %add3A_224 = arith.addf %add3A_215, %get3A_223 : vector<16xf32>
      %add3A_225 = arith.constant 280 : i32
      %add3A_226 = arith.addi %add3A_225, %scan3A_24 : i32
      %mul3A_227 = arith.constant 128 : i32
      %mul3A_228 = arith.muli %add3A_226, %mul3A_227 : i32
      %add3A_229 = arith.constant 16 : i32
      %add3A_230 = arith.addi %mul3A_228, %add3A_229 : i32
      %get3A_231 = arith.index_cast %add3A_230 : i32 to index
      %get3A_232 = tpu.vector_load %arg6[%get3A_231] {strides = array<i32>} : memref<81920xf32, #tpu.memory_space<vmem>>, vector<16xf32>,
      %add3A_233 = arith.addf %add3A_224, %get3A_232 : vector<16xf32>
      %add3A_234 = arith.constant 320 : i32
      %add3A_235 = arith.addi %add3A_234, %scan3A_24 : i32
      %mul3A_236 = arith.constant 128 : i32
      %mul3A_237 = arith.muli %add3A_235, %mul3A_236 : i32
      %add3A_238 = arith.constant 16 : i32
      %add3A_239 = arith.addi %mul3A_237, %add3A_238 : i32
      %get3A_240 = arith.index_cast %add3A_239 : i32 to index
      %get3A_241 = tpu.vector_load %arg6[%get3A_240] {strides = array<i32>} : memref<81920xf32, #tpu.memory_space<vmem>>, vector<16xf32>,
      %add3A_242 = arith.addf %add3A_233, %get3A_241 : vector<16xf32>
      %add3A_243 = arith.constant 360 : i32
      %add3A_244 = arith.addi %add3A_243, %scan3A_24 : i32
      %mul3A_245 = arith.constant 128 : i32
      %mul3A_246 = arith.muli %add3A_244, %mul3A_245 : i32
      %add3A_247 = arith.constant 16 : i32
      %add3A_248 = arith.addi %mul3A_246, %add3A_247 : i32
      %get3A_249 = arith.index_cast %add3A_248 : i32 to index
      %get3A_250 = tpu.vector_load %arg6[%get3A_249] {strides = array<i32>} : memref<81920xf32, #tpu.memory_space<vmem>>, vector<16xf32>,
      %add3A_251 = arith.addf %add3A_242, %get3A_250 : vector<16xf32>
      %add3A_252 = arith.constant 400 : i32
      %add3A_253 = arith.addi %add3A_252, %scan3A_24 : i32
      %mul3A_254 = arith.constant 128 : i32
      %mul3A_255 = arith.muli %add3A_253, %mul3A_254 : i32
      %add3A_256 = arith.constant 16 : i32
      %add3A_257 = arith.addi %mul3A_255, %add3A_256 : i32
      %get3A_258 = arith.index_cast %add3A_257 : i32 to index
      %get3A_259 = tpu.vector_load %arg6[%get3A_258] {strides = array<i32>} : memref<81920xf32, #tpu.memory_space<vmem>>, vector<16xf32>,
      %add3A_260 = arith.addf %add3A_251, %get3A_259 : vector<16xf32>
      %add3A_261 = arith.constant 440 : i32
      %add3A_262 = arith.addi %add3A_261, %scan3A_24 : i32
      %mul3A_263 = arith.constant 128 : i32
      %mul3A_264 = arith.muli %add3A_262, %mul3A_263 : i32
      %add3A_265 = arith.constant 16 : i32
      %add3A_266 = arith.addi %mul3A_264, %add3A_265 : i32
      %get3A_267 = arith.index_cast %add3A_266 : i32 to index
      %get3A_268 = tpu.vector_load %arg6[%get3A_267] {strides = array<i32>} : memref<81920xf32, #tpu.memory_space<vmem>>, vector<16xf32>,
      %add3A_269 = arith.addf %add3A_260, %get3A_268 : vector<16xf32>
      %add3A_270 = arith.constant 480 : i32
      %add3A_271 = arith.addi %add3A_270, %scan3A_24 : i32
      %mul3A_272 = arith.constant 128 : i32
      %mul3A_273 = arith.muli %add3A_271, %mul3A_272 : i32
      %add3A_274 = arith.constant 16 : i32
      %add3A_275 = arith.addi %mul3A_273, %add3A_274 : i32
      %get3A_276 = arith.index_cast %add3A_275 : i32 to index
      %get3A_277 = tpu.vector_load %arg6[%get3A_276] {strides = array<i32>} : memref<81920xf32, #tpu.memory_space<vmem>>, vector<16xf32>,
      %add3A_278 = arith.addf %add3A_269, %get3A_277 : vector<16xf32>
      %add3A_279 = arith.constant 520 : i32
      %add3A_280 = arith.addi %add3A_279, %scan3A_24 : i32
      %mul3A_281 = arith.constant 128 : i32
      %mul3A_282 = arith.muli %add3A_280, %mul3A_281 : i32
      %add3A_283 = arith.constant 16 : i32
      %add3A_284 = arith.addi %mul3A_282, %add3A_283 : i32
      %get3A_285 = arith.index_cast %add3A_284 : i32 to index
      %get3A_286 = tpu.vector_load %arg6[%get3A_285] {strides = array<i32>} : memref<81920xf32, #tpu.memory_space<vmem>>, vector<16xf32>,
      %add3A_287 = arith.addf %add3A_278, %get3A_286 : vector<16xf32>
      %add3A_288 = arith.constant 560 : i32
      %add3A_289 = arith.addi %add3A_288, %scan3A_24 : i32
      %mul3A_290 = arith.constant 128 : i32
      %mul3A_291 = arith.muli %add3A_289, %mul3A_290 : i32
      %add3A_292 = arith.constant 16 : i32
      %add3A_293 = arith.addi %mul3A_291, %add3A_292 : i32
      %get3A_294 = arith.index_cast %add3A_293 : i32 to index
      %get3A_295 = tpu.vector_load %arg6[%get3A_294] {strides = array<i32>} : memref<81920xf32, #tpu.memory_space<vmem>>, vector<16xf32>,
      %add3A_296 = arith.addf %add3A_287, %get3A_295 : vector<16xf32>
      %add3A_297 = arith.constant 600 : i32
      %add3A_298 = arith.addi %add3A_297, %scan3A_24 : i32
      %mul3A_299 = arith.constant 128 : i32
      %mul3A_300 = arith.muli %add3A_298, %mul3A_299 : i32
      %add3A_301 = arith.constant 16 : i32
      %add3A_302 = arith.addi %mul3A_300, %add3A_301 : i32
      %get3A_303 = arith.index_cast %add3A_302 : i32 to index
      %get3A_304 = tpu.vector_load %arg6[%get3A_303] {strides = array<i32>} : memref<81920xf32, #tpu.memory_space<vmem>>, vector<16xf32>,
      %add3A_305 = arith.addf %add3A_296, %get3A_304 : vector<16xf32>
      %swap3A_306 = arith.index_cast %scan3A_24 : i32 to index
      %swap3A_307 = arith.constant 16 : index
      %swap3A_308 = tpu.vector_load %arg7[%swap3A_306, %swap3A_307] {strides = array<i32>} : memref<40x128xf32, #tpu.memory_space<vmem>>, vector<16xf32>,
      tpu.vector_store %arg7[%swap3A_306, %swap3A_307], %add3A_305 {strides = array<i32>} : memref<40x128xf32, #tpu.memory_space<vmem>>, vector<16xf32>,
      %mul3A_309 = arith.constant 128 : i32
      %mul3A_310 = arith.muli %scan3A_24, %mul3A_309 : i32
      %add3A_311 = arith.constant 32 : i32
      %add3A_312 = arith.addi %mul3A_310, %add3A_311 : i32
      %get3A_313 = arith.index_cast %add3A_312 : i32 to index
      %get3A_314 = tpu.vector_load %arg6[%get3A_313] {strides = array<i32>} : memref<81920xf32, #tpu.memory_space<vmem>>, vector<16xf32>,
      %add3A_315 = arith.constant 40 : i32
      %add3A_316 = arith.addi %add3A_315, %scan3A_24 : i32
      %mul3A_317 = arith.constant 128 : i32
      %mul3A_318 = arith.muli %add3A_316, %mul3A_317 : i32
      %add3A_319 = arith.constant 32 : i32
      %add3A_320 = arith.addi %mul3A_318, %add3A_319 : i32
      %get3A_321 = arith.index_cast %add3A_320 : i32 to index
      %get3A_322 = tpu.vector_load %arg6[%get3A_321] {strides = array<i32>} : memref<81920xf32, #tpu.memory_space<vmem>>, vector<16xf32>,
      %add3A_323 = arith.addf %get3A_314, %get3A_322 : vector<16xf32>
      %add3A_324 = arith.constant 80 : i32
      %add3A_325 = arith.addi %add3A_324, %scan3A_24 : i32
      %mul3A_326 = arith.constant 128 : i32
      %mul3A_327 = arith.muli %add3A_325, %mul3A_326 : i32
      %add3A_328 = arith.constant 32 : i32
      %add3A_329 = arith.addi %mul3A_327, %add3A_328 : i32
      %get3A_330 = arith.index_cast %add3A_329 : i32 to index
      %get3A_331 = tpu.vector_load %arg6[%get3A_330] {strides = array<i32>} : memref<81920xf32, #tpu.memory_space<vmem>>, vector<16xf32>,
      %add3A_332 = arith.addf %add3A_323, %get3A_331 : vector<16xf32>
      %add3A_333 = arith.constant 120 : i32
      %add3A_334 = arith.addi %add3A_333, %scan3A_24 : i32
      %mul3A_335 = arith.constant 128 : i32
      %mul3A_336 = arith.muli %add3A_334, %mul3A_335 : i32
      %add3A_337 = arith.constant 32 : i32
      %add3A_338 = arith.addi %mul3A_336, %add3A_337 : i32
      %get3A_339 = arith.index_cast %add3A_338 : i32 to index
      %get3A_340 = tpu.vector_load %arg6[%get3A_339] {strides = array<i32>} : memref<81920xf32, #tpu.memory_space<vmem>>, vector<16xf32>,
      %add3A_341 = arith.addf %add3A_332, %get3A_340 : vector<16xf32>
      %add3A_342 = arith.constant 160 : i32
      %add3A_343 = arith.addi %add3A_342, %scan3A_24 : i32
      %mul3A_344 = arith.constant 128 : i32
      %mul3A_345 = arith.muli %add3A_343, %mul3A_344 : i32
      %add3A_346 = arith.constant 32 : i32
      %add3A_347 = arith.addi %mul3A_345, %add3A_346 : i32
      %get3A_348 = arith.index_cast %add3A_347 : i32 to index
      %get3A_349 = tpu.vector_load %arg6[%get3A_348] {strides = array<i32>} : memref<81920xf32, #tpu.memory_space<vmem>>, vector<16xf32>,
      %add3A_350 = arith.addf %add3A_341, %get3A_349 : vector<16xf32>
      %add3A_351 = arith.constant 200 : i32
      %add3A_352 = arith.addi %add3A_351, %scan3A_24 : i32
      %mul3A_353 = arith.constant 128 : i32
      %mul3A_354 = arith.muli %add3A_352, %mul3A_353 : i32
      %add3A_355 = arith.constant 32 : i32
      %add3A_356 = arith.addi %mul3A_354, %add3A_355 : i32
      %get3A_357 = arith.index_cast %add3A_356 : i32 to index
      %get3A_358 = tpu.vector_load %arg6[%get3A_357] {strides = array<i32>} : memref<81920xf32, #tpu.memory_space<vmem>>, vector<16xf32>,
      %add3A_359 = arith.addf %add3A_350, %get3A_358 : vector<16xf32>
      %add3A_360 = arith.constant 240 : i32
      %add3A_361 = arith.addi %add3A_360, %scan3A_24 : i32
      %mul3A_362 = arith.constant 128 : i32
      %mul3A_363 = arith.muli %add3A_361, %mul3A_362 : i32
      %add3A_364 = arith.constant 32 : i32
      %add3A_365 = arith.addi %mul3A_363, %add3A_364 : i32
      %get3A_366 = arith.index_cast %add3A_365 : i32 to index
      %get3A_367 = tpu.vector_load %arg6[%get3A_366] {strides = array<i32>} : memref<81920xf32, #tpu.memory_space<vmem>>, vector<16xf32>,
      %add3A_368 = arith.addf %add3A_359, %get3A_367 : vector<16xf32>
      %add3A_369 = arith.constant 280 : i32
      %add3A_370 = arith.addi %add3A_369, %scan3A_24 : i32
      %mul3A_371 = arith.constant 128 : i32
      %mul3A_372 = arith.muli %add3A_370, %mul3A_371 : i32
      %add3A_373 = arith.constant 32 : i32
      %add3A_374 = arith.addi %mul3A_372, %add3A_373 : i32
      %get3A_375 = arith.index_cast %add3A_374 : i32 to index
      %get3A_376 = tpu.vector_load %arg6[%get3A_375] {strides = array<i32>} : memref<81920xf32, #tpu.memory_space<vmem>>, vector<16xf32>,
      %add3A_377 = arith.addf %add3A_368, %get3A_376 : vector<16xf32>
      %add3A_378 = arith.constant 320 : i32
      %add3A_379 = arith.addi %add3A_378, %scan3A_24 : i32
      %mul3A_380 = arith.constant 128 : i32
      %mul3A_381 = arith.muli %add3A_379, %mul3A_380 : i32
      %add3A_382 = arith.constant 32 : i32
      %add3A_383 = arith.addi %mul3A_381, %add3A_382 : i32
      %get3A_384 = arith.index_cast %add3A_383 : i32 to index
      %get3A_385 = tpu.vector_load %arg6[%get3A_384] {strides = array<i32>} : memref<81920xf32, #tpu.memory_space<vmem>>, vector<16xf32>,
      %add3A_386 = arith.addf %add3A_377, %get3A_385 : vector<16xf32>
      %add3A_387 = arith.constant 360 : i32
      %add3A_388 = arith.addi %add3A_387, %scan3A_24 : i32
      %mul3A_389 = arith.constant 128 : i32
      %mul3A_390 = arith.muli %add3A_388, %mul3A_389 : i32
      %add3A_391 = arith.constant 32 : i32
      %add3A_392 = arith.addi %mul3A_390, %add3A_391 : i32
      %get3A_393 = arith.index_cast %add3A_392 : i32 to index
      %get3A_394 = tpu.vector_load %arg6[%get3A_393] {strides = array<i32>} : memref<81920xf32, #tpu.memory_space<vmem>>, vector<16xf32>,
      %add3A_395 = arith.addf %add3A_386, %get3A_394 : vector<16xf32>
      %add3A_396 = arith.constant 400 : i32
      %add3A_397 = arith.addi %add3A_396, %scan3A_24 : i32
      %mul3A_398 = arith.constant 128 : i32
      %mul3A_399 = arith.muli %add3A_397, %mul3A_398 : i32
      %add3A_400 = arith.constant 32 : i32
      %add3A_401 = arith.addi %mul3A_399, %add3A_400 : i32
      %get3A_402 = arith.index_cast %add3A_401 : i32 to index
      %get3A_403 = tpu.vector_load %arg6[%get3A_402] {strides = array<i32>} : memref<81920xf32, #tpu.memory_space<vmem>>, vector<16xf32>,
      %add3A_404 = arith.addf %add3A_395, %get3A_403 : vector<16xf32>
      %add3A_405 = arith.constant 440 : i32
      %add3A_406 = arith.addi %add3A_405, %scan3A_24 : i32
      %mul3A_407 = arith.constant 128 : i32
      %mul3A_408 = arith.muli %add3A_406, %mul3A_407 : i32
      %add3A_409 = arith.constant 32 : i32
      %add3A_410 = arith.addi %mul3A_408, %add3A_409 : i32
      %get3A_411 = arith.index_cast %add3A_410 : i32 to index
      %get3A_412 = tpu.vector_load %arg6[%get3A_411] {strides = array<i32>} : memref<81920xf32, #tpu.memory_space<vmem>>, vector<16xf32>,
      %add3A_413 = arith.addf %add3A_404, %get3A_412 : vector<16xf32>
      %add3A_414 = arith.constant 480 : i32
      %add3A_415 = arith.addi %add3A_414, %scan3A_24 : i32
      %mul3A_416 = arith.constant 128 : i32
      %mul3A_417 = arith.muli %add3A_415, %mul3A_416 : i32
      %add3A_418 = arith.constant 32 : i32
      %add3A_419 = arith.addi %mul3A_417, %add3A_418 : i32
      %get3A_420 = arith.index_cast %add3A_419 : i32 to index
      %get3A_421 = tpu.vector_load %arg6[%get3A_420] {strides = array<i32>} : memref<81920xf32, #tpu.memory_space<vmem>>, vector<16xf32>,
      %add3A_422 = arith.addf %add3A_413, %get3A_421 : vector<16xf32>
      %add3A_423 = arith.constant 520 : i32
      %add3A_424 = arith.addi %add3A_423, %scan3A_24 : i32
      %mul3A_425 = arith.constant 128 : i32
      %mul3A_426 = arith.muli %add3A_424, %mul3A_425 : i32
      %add3A_427 = arith.constant 32 : i32
      %add3A_428 = arith.addi %mul3A_426, %add3A_427 : i32
      %get3A_429 = arith.index_cast %add3A_428 : i32 to index
      %get3A_430 = tpu.vector_load %arg6[%get3A_429] {strides = array<i32>} : memref<81920xf32, #tpu.memory_space<vmem>>, vector<16xf32>,
      %add3A_431 = arith.addf %add3A_422, %get3A_430 : vector<16xf32>
      %add3A_432 = arith.constant 560 : i32
      %add3A_433 = arith.addi %add3A_432, %scan3A_24 : i32
      %mul3A_434 = arith.constant 128 : i32
      %mul3A_435 = arith.muli %add3A_433, %mul3A_434 : i32
      %add3A_436 = arith.constant 32 : i32
      %add3A_437 = arith.addi %mul3A_435, %add3A_436 : i32
      %get3A_438 = arith.index_cast %add3A_437 : i32 to index
      %get3A_439 = tpu.vector_load %arg6[%get3A_438] {strides = array<i32>} : memref<81920xf32, #tpu.memory_space<vmem>>, vector<16xf32>,
      %add3A_440 = arith.addf %add3A_431, %get3A_439 : vector<16xf32>
      %add3A_441 = arith.constant 600 : i32
      %add3A_442 = arith.addi %add3A_441, %scan3A_24 : i32
      %mul3A_443 = arith.constant 128 : i32
      %mul3A_444 = arith.muli %add3A_442, %mul3A_443 : i32
      %add3A_445 = arith.constant 32 : i32
      %add3A_446 = arith.addi %mul3A_444, %add3A_445 : i32
      %get3A_447 = arith.index_cast %add3A_446 : i32 to index
      %get3A_448 = tpu.vector_load %arg6[%get3A_447] {strides = array<i32>} : memref<81920xf32, #tpu.memory_space<vmem>>, vector<16xf32>,
      %add3A_449 = arith.addf %add3A_440, %get3A_448 : vector<16xf32>
      %swap3A_450 = arith.index_cast %scan3A_24 : i32 to index
      %swap3A_451 = arith.constant 32 : index
      %swap3A_452 = tpu.vector_load %arg7[%swap3A_450, %swap3A_451] {strides = array<i32>} : memref<40x128xf32, #tpu.memory_space<vmem>>, vector<16xf32>,
      tpu.vector_store %arg7[%swap3A_450, %swap3A_451], %add3A_449 {strides = array<i32>} : memref<40x128xf32, #tpu.memory_space<vmem>>, vector<16xf32>,
      %mul3A_453 = arith.constant 128 : i32
      %mul3A_454 = arith.muli %scan3A_24, %mul3A_453 : i32
      %add3A_455 = arith.constant 48 : i32
      %add3A_456 = arith.addi %mul3A_454, %add3A_455 : i32
      %get3A_457 = arith.index_cast %add3A_456 : i32 to index
      %get3A_458 = tpu.vector_load %arg6[%get3A_457] {strides = array<i32>} : memref<81920xf32, #tpu.memory_space<vmem>>, vector<16xf32>,
      %add3A_459 = arith.constant 40 : i32
      %add3A_460 = arith.addi %add3A_459, %scan3A_24 : i32
      %mul3A_461 = arith.constant 128 : i32
      %mul3A_462 = arith.muli %add3A_460, %mul3A_461 : i32
      %add3A_463 = arith.constant 48 : i32
      %add3A_464 = arith.addi %mul3A_462, %add3A_463 : i32
      %get3A_465 = arith.index_cast %add3A_464 : i32 to index
      %get3A_466 = tpu.vector_load %arg6[%get3A_465] {strides = array<i32>} : memref<81920xf32, #tpu.memory_space<vmem>>, vector<16xf32>,
      %add3A_467 = arith.addf %get3A_458, %get3A_466 : vector<16xf32>
      %add3A_468 = arith.constant 80 : i32
      %add3A_469 = arith.addi %add3A_468, %scan3A_24 : i32
      %mul3A_470 = arith.constant 128 : i32
      %mul3A_471 = arith.muli %add3A_469, %mul3A_470 : i32
      %add3A_472 = arith.constant 48 : i32
      %add3A_473 = arith.addi %mul3A_471, %add3A_472 : i32
      %get3A_474 = arith.index_cast %add3A_473 : i32 to index
      %get3A_475 = tpu.vector_load %arg6[%get3A_474] {strides = array<i32>} : memref<81920xf32, #tpu.memory_space<vmem>>, vector<16xf32>,
      %add3A_476 = arith.addf %add3A_467, %get3A_475 : vector<16xf32>
      %add3A_477 = arith.constant 120 : i32
      %add3A_478 = arith.addi %add3A_477, %scan3A_24 : i32
      %mul3A_479 = arith.constant 128 : i32
      %mul3A_480 = arith.muli %add3A_478, %mul3A_479 : i32
      %add3A_481 = arith.constant 48 : i32
      %add3A_482 = arith.addi %mul3A_480, %add3A_481 : i32
      %get3A_483 = arith.index_cast %add3A_482 : i32 to index
      %get3A_484 = tpu.vector_load %arg6[%get3A_483] {strides = array<i32>} : memref<81920xf32, #tpu.memory_space<vmem>>, vector<16xf32>,
      %add3A_485 = arith.addf %add3A_476, %get3A_484 : vector<16xf32>
      %add3A_486 = arith.constant 160 : i32
      %add3A_487 = arith.addi %add3A_486, %scan3A_24 : i32
      %mul3A_488 = arith.constant 128 : i32
      %mul3A_489 = arith.muli %add3A_487, %mul3A_488 : i32
      %add3A_490 = arith.constant 48 : i32
      %add3A_491 = arith.addi %mul3A_489, %add3A_490 : i32
      %get3A_492 = arith.index_cast %add3A_491 : i32 to index
      %get3A_493 = tpu.vector_load %arg6[%get3A_492] {strides = array<i32>} : memref<81920xf32, #tpu.memory_space<vmem>>, vector<16xf32>,
      %add3A_494 = arith.addf %add3A_485, %get3A_493 : vector<16xf32>
      %add3A_495 = arith.constant 200 : i32
      %add3A_496 = arith.addi %add3A_495, %scan3A_24 : i32
      %mul3A_497 = arith.constant 128 : i32
      %mul3A_498 = arith.muli %add3A_496, %mul3A_497 : i32
      %add3A_499 = arith.constant 48 : i32
      %add3A_500 = arith.addi %mul3A_498, %add3A_499 : i32
      %get3A_501 = arith.index_cast %add3A_500 : i32 to index
      %get3A_502 = tpu.vector_load %arg6[%get3A_501] {strides = array<i32>} : memref<81920xf32, #tpu.memory_space<vmem>>, vector<16xf32>,
      %add3A_503 = arith.addf %add3A_494, %get3A_502 : vector<16xf32>
      %add3A_504 = arith.constant 240 : i32
      %add3A_505 = arith.addi %add3A_504, %scan3A_24 : i32
      %mul3A_506 = arith.constant 128 : i32
      %mul3A_507 = arith.muli %add3A_505, %mul3A_506 : i32
      %add3A_508 = arith.constant 48 : i32
      %add3A_509 = arith.addi %mul3A_507, %add3A_508 : i32
      %get3A_510 = arith.index_cast %add3A_509 : i32 to index
      %get3A_511 = tpu.vector_load %arg6[%get3A_510] {strides = array<i32>} : memref<81920xf32, #tpu.memory_space<vmem>>, vector<16xf32>,
      %add3A_512 = arith.addf %add3A_503, %get3A_511 : vector<16xf32>
      %add3A_513 = arith.constant 280 : i32
      %add3A_514 = arith.addi %add3A_513, %scan3A_24 : i32
      %mul3A_515 = arith.constant 128 : i32
      %mul3A_516 = arith.muli %add3A_514, %mul3A_515 : i32
      %add3A_517 = arith.constant 48 : i32
      %add3A_518 = arith.addi %mul3A_516, %add3A_517 : i32
      %get3A_519 = arith.index_cast %add3A_518 : i32 to index
      %get3A_520 = tpu.vector_load %arg6[%get3A_519] {strides = array<i32>} : memref<81920xf32, #tpu.memory_space<vmem>>, vector<16xf32>,
      %add3A_521 = arith.addf %add3A_512, %get3A_520 : vector<16xf32>
      %add3A_522 = arith.constant 320 : i32
      %add3A_523 = arith.addi %add3A_522, %scan3A_24 : i32
      %mul3A_524 = arith.constant 128 : i32
      %mul3A_525 = arith.muli %add3A_523, %mul3A_524 : i32
      %add3A_526 = arith.constant 48 : i32
      %add3A_527 = arith.addi %mul3A_525, %add3A_526 : i32
      %get3A_528 = arith.index_cast %add3A_527 : i32 to index
      %get3A_529 = tpu.vector_load %arg6[%get3A_528] {strides = array<i32>} : memref<81920xf32, #tpu.memory_space<vmem>>, vector<16xf32>,
      %add3A_530 = arith.addf %add3A_521, %get3A_529 : vector<16xf32>
      %add3A_531 = arith.constant 360 : i32
      %add3A_532 = arith.addi %add3A_531, %scan3A_24 : i32
      %mul3A_533 = arith.constant 128 : i32
      %mul3A_534 = arith.muli %add3A_532, %mul3A_533 : i32
      %add3A_535 = arith.constant 48 : i32
      %add3A_536 = arith.addi %mul3A_534, %add3A_535 : i32
      %get3A_537 = arith.index_cast %add3A_536 : i32 to index
      %get3A_538 = tpu.vector_load %arg6[%get3A_537] {strides = array<i32>} : memref<81920xf32, #tpu.memory_space<vmem>>, vector<16xf32>,
      %add3A_539 = arith.addf %add3A_530, %get3A_538 : vector<16xf32>
      %add3A_540 = arith.constant 400 : i32
      %add3A_541 = arith.addi %add3A_540, %scan3A_24 : i32
      %mul3A_542 = arith.constant 128 : i32
      %mul3A_543 = arith.muli %add3A_541, %mul3A_542 : i32
      %add3A_544 = arith.constant 48 : i32
      %add3A_545 = arith.addi %mul3A_543, %add3A_544 : i32
      %get3A_546 = arith.index_cast %add3A_545 : i32 to index
      %get3A_547 = tpu.vector_load %arg6[%get3A_546] {strides = array<i32>} : memref<81920xf32, #tpu.memory_space<vmem>>, vector<16xf32>,
      %add3A_548 = arith.addf %add3A_539, %get3A_547 : vector<16xf32>
      %add3A_549 = arith.constant 440 : i32
      %add3A_550 = arith.addi %add3A_549, %scan3A_24 : i32
      %mul3A_551 = arith.constant 128 : i32
      %mul3A_552 = arith.muli %add3A_550, %mul3A_551 : i32
      %add3A_553 = arith.constant 48 : i32
      %add3A_554 = arith.addi %mul3A_552, %add3A_553 : i32
      %get3A_555 = arith.index_cast %add3A_554 : i32 to index
      %get3A_556 = tpu.vector_load %arg6[%get3A_555] {strides = array<i32>} : memref<81920xf32, #tpu.memory_space<vmem>>, vector<16xf32>,
      %add3A_557 = arith.addf %add3A_548, %get3A_556 : vector<16xf32>
      %add3A_558 = arith.constant 480 : i32
      %add3A_559 = arith.addi %add3A_558, %scan3A_24 : i32
      %mul3A_560 = arith.constant 128 : i32
      %mul3A_561 = arith.muli %add3A_559, %mul3A_560 : i32
      %add3A_562 = arith.constant 48 : i32
      %add3A_563 = arith.addi %mul3A_561, %add3A_562 : i32
      %get3A_564 = arith.index_cast %add3A_563 : i32 to index
      %get3A_565 = tpu.vector_load %arg6[%get3A_564] {strides = array<i32>} : memref<81920xf32, #tpu.memory_space<vmem>>, vector<16xf32>,
      %add3A_566 = arith.addf %add3A_557, %get3A_565 : vector<16xf32>
      %add3A_567 = arith.constant 520 : i32
      %add3A_568 = arith.addi %add3A_567, %scan3A_24 : i32
      %mul3A_569 = arith.constant 128 : i32
      %mul3A_570 = arith.muli %add3A_568, %mul3A_569 : i32
      %add3A_571 = arith.constant 48 : i32
      %add3A_572 = arith.addi %mul3A_570, %add3A_571 : i32
      %get3A_573 = arith.index_cast %add3A_572 : i32 to index
      %get3A_574 = tpu.vector_load %arg6[%get3A_573] {strides = array<i32>} : memref<81920xf32, #tpu.memory_space<vmem>>, vector<16xf32>,
      %add3A_575 = arith.addf %add3A_566, %get3A_574 : vector<16xf32>
      %add3A_576 = arith.constant 560 : i32
      %add3A_577 = arith.addi %add3A_576, %scan3A_24 : i32
      %mul3A_578 = arith.constant 128 : i32
      %mul3A_579 = arith.muli %add3A_577, %mul3A_578 : i32
      %add3A_580 = arith.constant 48 : i32
      %add3A_581 = arith.addi %mul3A_579, %add3A_580 : i32
      %get3A_582 = arith.index_cast %add3A_581 : i32 to index
      %get3A_583 = tpu.vector_load %arg6[%get3A_582] {strides = array<i32>} : memref<81920xf32, #tpu.memory_space<vmem>>, vector<16xf32>,
      %add3A_584 = arith.addf %add3A_575, %get3A_583 : vector<16xf32>
      %add3A_585 = arith.constant 600 : i32
      %add3A_586 = arith.addi %add3A_585, %scan3A_24 : i32
      %mul3A_587 = arith.constant 128 : i32
      %mul3A_588 = arith.muli %add3A_586, %mul3A_587 : i32
      %add3A_589 = arith.constant 48 : i32
      %add3A_590 = arith.addi %mul3A_588, %add3A_589 : i32
      %get3A_591 = arith.index_cast %add3A_590 : i32 to index
      %get3A_592 = tpu.vector_load %arg6[%get3A_591] {strides = array<i32>} : memref<81920xf32, #tpu.memory_space<vmem>>, vector<16xf32>,
      %add3A_593 = arith.addf %add3A_584, %get3A_592 : vector<16xf32>
      %swap3A_594 = arith.index_cast %scan3A_24 : i32 to index
      %swap3A_595 = arith.constant 48 : index
      %swap3A_596 = tpu.vector_load %arg7[%swap3A_594, %swap3A_595] {strides = array<i32>} : memref<40x128xf32, #tpu.memory_space<vmem>>, vector<16xf32>,
      tpu.vector_store %arg7[%swap3A_594, %swap3A_595], %add3A_593 {strides = array<i32>} : memref<40x128xf32, #tpu.memory_space<vmem>>, vector<16xf32>,
      %mul3A_597 = arith.constant 128 : i32
      %mul3A_598 = arith.muli %scan3A_24, %mul3A_597 : i32
      %add3A_599 = arith.constant 64 : i32
      %add3A_600 = arith.addi %mul3A_598, %add3A_599 : i32
      %get3A_601 = arith.index_cast %add3A_600 : i32 to index
      %get3A_602 = tpu.vector_load %arg6[%get3A_601] {strides = array<i32>} : memref<81920xf32, #tpu.memory_space<vmem>>, vector<16xf32>,
      %add3A_603 = arith.constant 40 : i32
      %add3A_604 = arith.addi %add3A_603, %scan3A_24 : i32
      %mul3A_605 = arith.constant 128 : i32
      %mul3A_606 = arith.muli %add3A_604, %mul3A_605 : i32
      %add3A_607 = arith.constant 64 : i32
      %add3A_608 = arith.addi %mul3A_606, %add3A_607 : i32
      %get3A_609 = arith.index_cast %add3A_608 : i32 to index
      %get3A_610 = tpu.vector_load %arg6[%get3A_609] {strides = array<i32>} : memref<81920xf32, #tpu.memory_space<vmem>>, vector<16xf32>,
      %add3A_611 = arith.addf %get3A_602, %get3A_610 : vector<16xf32>
      %add3A_612 = arith.constant 80 : i32
      %add3A_613 = arith.addi %add3A_612, %scan3A_24 : i32
      %mul3A_614 = arith.constant 128 : i32
      %mul3A_615 = arith.muli %add3A_613, %mul3A_614 : i32
      %add3A_616 = arith.constant 64 : i32
      %add3A_617 = arith.addi %mul3A_615, %add3A_616 : i32
      %get3A_618 = arith.index_cast %add3A_617 : i32 to index
      %get3A_619 = tpu.vector_load %arg6[%get3A_618] {strides = array<i32>} : memref<81920xf32, #tpu.memory_space<vmem>>, vector<16xf32>,
      %add3A_620 = arith.addf %add3A_611, %get3A_619 : vector<16xf32>
      %add3A_621 = arith.constant 120 : i32
      %add3A_622 = arith.addi %add3A_621, %scan3A_24 : i32
      %mul3A_623 = arith.constant 128 : i32
      %mul3A_624 = arith.muli %add3A_622, %mul3A_623 : i32
      %add3A_625 = arith.constant 64 : i32
      %add3A_626 = arith.addi %mul3A_624, %add3A_625 : i32
      %get3A_627 = arith.index_cast %add3A_626 : i32 to index
      %get3A_628 = tpu.vector_load %arg6[%get3A_627] {strides = array<i32>} : memref<81920xf32, #tpu.memory_space<vmem>>, vector<16xf32>,
      %add3A_629 = arith.addf %add3A_620, %get3A_628 : vector<16xf32>
      %add3A_630 = arith.constant 160 : i32
      %add3A_631 = arith.addi %add3A_630, %scan3A_24 : i32
      %mul3A_632 = arith.constant 128 : i32
      %mul3A_633 = arith.muli %add3A_631, %mul3A_632 : i32
      %add3A_634 = arith.constant 64 : i32
      %add3A_635 = arith.addi %mul3A_633, %add3A_634 : i32
      %get3A_636 = arith.index_cast %add3A_635 : i32 to index
      %get3A_637 = tpu.vector_load %arg6[%get3A_636] {strides = array<i32>} : memref<81920xf32, #tpu.memory_space<vmem>>, vector<16xf32>,
      %add3A_638 = arith.addf %add3A_629, %get3A_637 : vector<16xf32>
      %add3A_639 = arith.constant 200 : i32
      %add3A_640 = arith.addi %add3A_639, %scan3A_24 : i32
      %mul3A_641 = arith.constant 128 : i32
      %mul3A_642 = arith.muli %add3A_640, %mul3A_641 : i32
      %add3A_643 = arith.constant 64 : i32
      %add3A_644 = arith.addi %mul3A_642, %add3A_643 : i32
      %get3A_645 = arith.index_cast %add3A_644 : i32 to index
      %get3A_646 = tpu.vector_load %arg6[%get3A_645] {strides = array<i32>} : memref<81920xf32, #tpu.memory_space<vmem>>, vector<16xf32>,
      %add3A_647 = arith.addf %add3A_638, %get3A_646 : vector<16xf32>
      %add3A_648 = arith.constant 240 : i32
      %add3A_649 = arith.addi %add3A_648, %scan3A_24 : i32
      %mul3A_650 = arith.constant 128 : i32
      %mul3A_651 = arith.muli %add3A_649, %mul3A_650 : i32
      %add3A_652 = arith.constant 64 : i32
      %add3A_653 = arith.addi %mul3A_651, %add3A_652 : i32
      %get3A_654 = arith.index_cast %add3A_653 : i32 to index
      %get3A_655 = tpu.vector_load %arg6[%get3A_654] {strides = array<i32>} : memref<81920xf32, #tpu.memory_space<vmem>>, vector<16xf32>,
      %add3A_656 = arith.addf %add3A_647, %get3A_655 : vector<16xf32>
      %add3A_657 = arith.constant 280 : i32
      %add3A_658 = arith.addi %add3A_657, %scan3A_24 : i32
      %mul3A_659 = arith.constant 128 : i32
      %mul3A_660 = arith.muli %add3A_658, %mul3A_659 : i32
      %add3A_661 = arith.constant 64 : i32
      %add3A_662 = arith.addi %mul3A_660, %add3A_661 : i32
      %get3A_663 = arith.index_cast %add3A_662 : i32 to index
      %get3A_664 = tpu.vector_load %arg6[%get3A_663] {strides = array<i32>} : memref<81920xf32, #tpu.memory_space<vmem>>, vector<16xf32>,
      %add3A_665 = arith.addf %add3A_656, %get3A_664 : vector<16xf32>
      %add3A_666 = arith.constant 320 : i32
      %add3A_667 = arith.addi %add3A_666, %scan3A_24 : i32
      %mul3A_668 = arith.constant 128 : i32
      %mul3A_669 = arith.muli %add3A_667, %mul3A_668 : i32
      %add3A_670 = arith.constant 64 : i32
      %add3A_671 = arith.addi %mul3A_669, %add3A_670 : i32
      %get3A_672 = arith.index_cast %add3A_671 : i32 to index
      %get3A_673 = tpu.vector_load %arg6[%get3A_672] {strides = array<i32>} : memref<81920xf32, #tpu.memory_space<vmem>>, vector<16xf32>,
      %add3A_674 = arith.addf %add3A_665, %get3A_673 : vector<16xf32>
      %add3A_675 = arith.constant 360 : i32
      %add3A_676 = arith.addi %add3A_675, %scan3A_24 : i32
      %mul3A_677 = arith.constant 128 : i32
      %mul3A_678 = arith.muli %add3A_676, %mul3A_677 : i32
      %add3A_679 = arith.constant 64 : i32
      %add3A_680 = arith.addi %mul3A_678, %add3A_679 : i32
      %get3A_681 = arith.index_cast %add3A_680 : i32 to index
      %get3A_682 = tpu.vector_load %arg6[%get3A_681] {strides = array<i32>} : memref<81920xf32, #tpu.memory_space<vmem>>, vector<16xf32>,
      %add3A_683 = arith.addf %add3A_674, %get3A_682 : vector<16xf32>
      %add3A_684 = arith.constant 400 : i32
      %add3A_685 = arith.addi %add3A_684, %scan3A_24 : i32
      %mul3A_686 = arith.constant 128 : i32
      %mul3A_687 = arith.muli %add3A_685, %mul3A_686 : i32
      %add3A_688 = arith.constant 64 : i32
      %add3A_689 = arith.addi %mul3A_687, %add3A_688 : i32
      %get3A_690 = arith.index_cast %add3A_689 : i32 to index
      %get3A_691 = tpu.vector_load %arg6[%get3A_690] {strides = array<i32>} : memref<81920xf32, #tpu.memory_space<vmem>>, vector<16xf32>,
      %add3A_692 = arith.addf %add3A_683, %get3A_691 : vector<16xf32>
      %add3A_693 = arith.constant 440 : i32
      %add3A_694 = arith.addi %add3A_693, %scan3A_24 : i32
      %mul3A_695 = arith.constant 128 : i32
      %mul3A_696 = arith.muli %add3A_694, %mul3A_695 : i32
      %add3A_697 = arith.constant 64 : i32
      %add3A_698 = arith.addi %mul3A_696, %add3A_697 : i32
      %get3A_699 = arith.index_cast %add3A_698 : i32 to index
      %get3A_700 = tpu.vector_load %arg6[%get3A_699] {strides = array<i32>} : memref<81920xf32, #tpu.memory_space<vmem>>, vector<16xf32>,
      %add3A_701 = arith.addf %add3A_692, %get3A_700 : vector<16xf32>
      %add3A_702 = arith.constant 480 : i32
      %add3A_703 = arith.addi %add3A_702, %scan3A_24 : i32
      %mul3A_704 = arith.constant 128 : i32
      %mul3A_705 = arith.muli %add3A_703, %mul3A_704 : i32
      %add3A_706 = arith.constant 64 : i32
      %add3A_707 = arith.addi %mul3A_705, %add3A_706 : i32
      %get3A_708 = arith.index_cast %add3A_707 : i32 to index
      %get3A_709 = tpu.vector_load %arg6[%get3A_708] {strides = array<i32>} : memref<81920xf32, #tpu.memory_space<vmem>>, vector<16xf32>,
      %add3A_710 = arith.addf %add3A_701, %get3A_709 : vector<16xf32>
      %add3A_711 = arith.constant 520 : i32
      %add3A_712 = arith.addi %add3A_711, %scan3A_24 : i32
      %mul3A_713 = arith.constant 128 : i32
      %mul3A_714 = arith.muli %add3A_712, %mul3A_713 : i32
      %add3A_715 = arith.constant 64 : i32
      %add3A_716 = arith.addi %mul3A_714, %add3A_715 : i32
      %get3A_717 = arith.index_cast %add3A_716 : i32 to index
      %get3A_718 = tpu.vector_load %arg6[%get3A_717] {strides = array<i32>} : memref<81920xf32, #tpu.memory_space<vmem>>, vector<16xf32>,
      %add3A_719 = arith.addf %add3A_710, %get3A_718 : vector<16xf32>
      %add3A_720 = arith.constant 560 : i32
      %add3A_721 = arith.addi %add3A_720, %scan3A_24 : i32
      %mul3A_722 = arith.constant 128 : i32
      %mul3A_723 = arith.muli %add3A_721, %mul3A_722 : i32
      %add3A_724 = arith.constant 64 : i32
      %add3A_725 = arith.addi %mul3A_723, %add3A_724 : i32
      %get3A_726 = arith.index_cast %add3A_725 : i32 to index
      %get3A_727 = tpu.vector_load %arg6[%get3A_726] {strides = array<i32>} : memref<81920xf32, #tpu.memory_space<vmem>>, vector<16xf32>,
      %add3A_728 = arith.addf %add3A_719, %get3A_727 : vector<16xf32>
      %add3A_729 = arith.constant 600 : i32
      %add3A_730 = arith.addi %add3A_729, %scan3A_24 : i32
      %mul3A_731 = arith.constant 128 : i32
      %mul3A_732 = arith.muli %add3A_730, %mul3A_731 : i32
      %add3A_733 = arith.constant 64 : i32
      %add3A_734 = arith.addi %mul3A_732, %add3A_733 : i32
      %get3A_735 = arith.index_cast %add3A_734 : i32 to index
      %get3A_736 = tpu.vector_load %arg6[%get3A_735] {strides = array<i32>} : memref<81920xf32, #tpu.memory_space<vmem>>, vector<16xf32>,
      %add3A_737 = arith.addf %add3A_728, %get3A_736 : vector<16xf32>
      %swap3A_738 = arith.index_cast %scan3A_24 : i32 to index
      %swap3A_739 = arith.constant 64 : index
      %swap3A_740 = tpu.vector_load %arg7[%swap3A_738, %swap3A_739] {strides = array<i32>} : memref<40x128xf32, #tpu.memory_space<vmem>>, vector<16xf32>,
      tpu.vector_store %arg7[%swap3A_738, %swap3A_739], %add3A_737 {strides = array<i32>} : memref<40x128xf32, #tpu.memory_space<vmem>>, vector<16xf32>,
      %mul3A_741 = arith.constant 128 : i32
      %mul3A_742 = arith.muli %scan3A_24, %mul3A_741 : i32
      %add3A_743 = arith.constant 80 : i32
      %add3A_744 = arith.addi %mul3A_742, %add3A_743 : i32
      %get3A_745 = arith.index_cast %add3A_744 : i32 to index
      %get3A_746 = tpu.vector_load %arg6[%get3A_745] {strides = array<i32>} : memref<81920xf32, #tpu.memory_space<vmem>>, vector<16xf32>,
      %add3A_747 = arith.constant 40 : i32
      %add3A_748 = arith.addi %add3A_747, %scan3A_24 : i32
      %mul3A_749 = arith.constant 128 : i32
      %mul3A_750 = arith.muli %add3A_748, %mul3A_749 : i32
      %add3A_751 = arith.constant 80 : i32
      %add3A_752 = arith.addi %mul3A_750, %add3A_751 : i32
      %get3A_753 = arith.index_cast %add3A_752 : i32 to index
      %get3A_754 = tpu.vector_load %arg6[%get3A_753] {strides = array<i32>} : memref<81920xf32, #tpu.memory_space<vmem>>, vector<16xf32>,
      %add3A_755 = arith.addf %get3A_746, %get3A_754 : vector<16xf32>
      %add3A_756 = arith.constant 80 : i32
      %add3A_757 = arith.addi %add3A_756, %scan3A_24 : i32
      %mul3A_758 = arith.constant 128 : i32
      %mul3A_759 = arith.muli %add3A_757, %mul3A_758 : i32
      %add3A_760 = arith.constant 80 : i32
      %add3A_761 = arith.addi %mul3A_759, %add3A_760 : i32
      %get3A_762 = arith.index_cast %add3A_761 : i32 to index
      %get3A_763 = tpu.vector_load %arg6[%get3A_762] {strides = array<i32>} : memref<81920xf32, #tpu.memory_space<vmem>>, vector<16xf32>,
      %add3A_764 = arith.addf %add3A_755, %get3A_763 : vector<16xf32>
      %add3A_765 = arith.constant 120 : i32
      %add3A_766 = arith.addi %add3A_765, %scan3A_24 : i32
      %mul3A_767 = arith.constant 128 : i32
      %mul3A_768 = arith.muli %add3A_766, %mul3A_767 : i32
      %add3A_769 = arith.constant 80 : i32
      %add3A_770 = arith.addi %mul3A_768, %add3A_769 : i32
      %get3A_771 = arith.index_cast %add3A_770 : i32 to index
      %get3A_772 = tpu.vector_load %arg6[%get3A_771] {strides = array<i32>} : memref<81920xf32, #tpu.memory_space<vmem>>, vector<16xf32>,
      %add3A_773 = arith.addf %add3A_764, %get3A_772 : vector<16xf32>
      %add3A_774 = arith.constant 160 : i32
      %add3A_775 = arith.addi %add3A_774, %scan3A_24 : i32
      %mul3A_776 = arith.constant 128 : i32
      %mul3A_777 = arith.muli %add3A_775, %mul3A_776 : i32
      %add3A_778 = arith.constant 80 : i32
      %add3A_779 = arith.addi %mul3A_777, %add3A_778 : i32
      %get3A_780 = arith.index_cast %add3A_779 : i32 to index
      %get3A_781 = tpu.vector_load %arg6[%get3A_780] {strides = array<i32>} : memref<81920xf32, #tpu.memory_space<vmem>>, vector<16xf32>,
      %add3A_782 = arith.addf %add3A_773, %get3A_781 : vector<16xf32>
      %add3A_783 = arith.constant 200 : i32
      %add3A_784 = arith.addi %add3A_783, %scan3A_24 : i32
      %mul3A_785 = arith.constant 128 : i32
      %mul3A_786 = arith.muli %add3A_784, %mul3A_785 : i32
      %add3A_787 = arith.constant 80 : i32
      %add3A_788 = arith.addi %mul3A_786, %add3A_787 : i32
      %get3A_789 = arith.index_cast %add3A_788 : i32 to index
      %get3A_790 = tpu.vector_load %arg6[%get3A_789] {strides = array<i32>} : memref<81920xf32, #tpu.memory_space<vmem>>, vector<16xf32>,
      %add3A_791 = arith.addf %add3A_782, %get3A_790 : vector<16xf32>
      %add3A_792 = arith.constant 240 : i32
      %add3A_793 = arith.addi %add3A_792, %scan3A_24 : i32
      %mul3A_794 = arith.constant 128 : i32
      %mul3A_795 = arith.muli %add3A_793, %mul3A_794 : i32
      %add3A_796 = arith.constant 80 : i32
      %add3A_797 = arith.addi %mul3A_795, %add3A_796 : i32
      %get3A_798 = arith.index_cast %add3A_797 : i32 to index
      %get3A_799 = tpu.vector_load %arg6[%get3A_798] {strides = array<i32>} : memref<81920xf32, #tpu.memory_space<vmem>>, vector<16xf32>,
      %add3A_800 = arith.addf %add3A_791, %get3A_799 : vector<16xf32>
      %add3A_801 = arith.constant 280 : i32
      %add3A_802 = arith.addi %add3A_801, %scan3A_24 : i32
      %mul3A_803 = arith.constant 128 : i32
      %mul3A_804 = arith.muli %add3A_802, %mul3A_803 : i32
      %add3A_805 = arith.constant 80 : i32
      %add3A_806 = arith.addi %mul3A_804, %add3A_805 : i32
      %get3A_807 = arith.index_cast %add3A_806 : i32 to index
      %get3A_808 = tpu.vector_load %arg6[%get3A_807] {strides = array<i32>} : memref<81920xf32, #tpu.memory_space<vmem>>, vector<16xf32>,
      %add3A_809 = arith.addf %add3A_800, %get3A_808 : vector<16xf32>
      %add3A_810 = arith.constant 320 : i32
      %add3A_811 = arith.addi %add3A_810, %scan3A_24 : i32
      %mul3A_812 = arith.constant 128 : i32
      %mul3A_813 = arith.muli %add3A_811, %mul3A_812 : i32
      %add3A_814 = arith.constant 80 : i32
      %add3A_815 = arith.addi %mul3A_813, %add3A_814 : i32
      %get3A_816 = arith.index_cast %add3A_815 : i32 to index
      %get3A_817 = tpu.vector_load %arg6[%get3A_816] {strides = array<i32>} : memref<81920xf32, #tpu.memory_space<vmem>>, vector<16xf32>,
      %add3A_818 = arith.addf %add3A_809, %get3A_817 : vector<16xf32>
      %add3A_819 = arith.constant 360 : i32
      %add3A_820 = arith.addi %add3A_819, %scan3A_24 : i32
      %mul3A_821 = arith.constant 128 : i32
      %mul3A_822 = arith.muli %add3A_820, %mul3A_821 : i32
      %add3A_823 = arith.constant 80 : i32
      %add3A_824 = arith.addi %mul3A_822, %add3A_823 : i32
      %get3A_825 = arith.index_cast %add3A_824 : i32 to index
      %get3A_826 = tpu.vector_load %arg6[%get3A_825] {strides = array<i32>} : memref<81920xf32, #tpu.memory_space<vmem>>, vector<16xf32>,
      %add3A_827 = arith.addf %add3A_818, %get3A_826 : vector<16xf32>
      %add3A_828 = arith.constant 400 : i32
      %add3A_829 = arith.addi %add3A_828, %scan3A_24 : i32
      %mul3A_830 = arith.constant 128 : i32
      %mul3A_831 = arith.muli %add3A_829, %mul3A_830 : i32
      %add3A_832 = arith.constant 80 : i32
      %add3A_833 = arith.addi %mul3A_831, %add3A_832 : i32
      %get3A_834 = arith.index_cast %add3A_833 : i32 to index
      %get3A_835 = tpu.vector_load %arg6[%get3A_834] {strides = array<i32>} : memref<81920xf32, #tpu.memory_space<vmem>>, vector<16xf32>,
      %add3A_836 = arith.addf %add3A_827, %get3A_835 : vector<16xf32>
      %add3A_837 = arith.constant 440 : i32
      %add3A_838 = arith.addi %add3A_837, %scan3A_24 : i32
      %mul3A_839 = arith.constant 128 : i32
      %mul3A_840 = arith.muli %add3A_838, %mul3A_839 : i32
      %add3A_841 = arith.constant 80 : i32
      %add3A_842 = arith.addi %mul3A_840, %add3A_841 : i32
      %get3A_843 = arith.index_cast %add3A_842 : i32 to index
      %get3A_844 = tpu.vector_load %arg6[%get3A_843] {strides = array<i32>} : memref<81920xf32, #tpu.memory_space<vmem>>, vector<16xf32>,
      %add3A_845 = arith.addf %add3A_836, %get3A_844 : vector<16xf32>
      %add3A_846 = arith.constant 480 : i32
      %add3A_847 = arith.addi %add3A_846, %scan3A_24 : i32
      %mul3A_848 = arith.constant 128 : i32
      %mul3A_849 = arith.muli %add3A_847, %mul3A_848 : i32
      %add3A_850 = arith.constant 80 : i32
      %add3A_851 = arith.addi %mul3A_849, %add3A_850 : i32
      %get3A_852 = arith.index_cast %add3A_851 : i32 to index
      %get3A_853 = tpu.vector_load %arg6[%get3A_852] {strides = array<i32>} : memref<81920xf32, #tpu.memory_space<vmem>>, vector<16xf32>,
      %add3A_854 = arith.addf %add3A_845, %get3A_853 : vector<16xf32>
      %add3A_855 = arith.constant 520 : i32
      %add3A_856 = arith.addi %add3A_855, %scan3A_24 : i32
      %mul3A_857 = arith.constant 128 : i32
      %mul3A_858 = arith.muli %add3A_856, %mul3A_857 : i32
      %add3A_859 = arith.constant 80 : i32
      %add3A_860 = arith.addi %mul3A_858, %add3A_859 : i32
      %get3A_861 = arith.index_cast %add3A_860 : i32 to index
      %get3A_862 = tpu.vector_load %arg6[%get3A_861] {strides = array<i32>} : memref<81920xf32, #tpu.memory_space<vmem>>, vector<16xf32>,
      %add3A_863 = arith.addf %add3A_854, %get3A_862 : vector<16xf32>
      %add3A_864 = arith.constant 560 : i32
      %add3A_865 = arith.addi %add3A_864, %scan3A_24 : i32
      %mul3A_866 = arith.constant 128 : i32
      %mul3A_867 = arith.muli %add3A_865, %mul3A_866 : i32
      %add3A_868 = arith.constant 80 : i32
      %add3A_869 = arith.addi %mul3A_867, %add3A_868 : i32
      %get3A_870 = arith.index_cast %add3A_869 : i32 to index
      %get3A_871 = tpu.vector_load %arg6[%get3A_870] {strides = array<i32>} : memref<81920xf32, #tpu.memory_space<vmem>>, vector<16xf32>,
      %add3A_872 = arith.addf %add3A_863, %get3A_871 : vector<16xf32>
      %add3A_873 = arith.constant 600 : i32
      %add3A_874 = arith.addi %add3A_873, %scan3A_24 : i32
      %mul3A_875 = arith.constant 128 : i32
      %mul3A_876 = arith.muli %add3A_874, %mul3A_875 : i32
      %add3A_877 = arith.constant 80 : i32
      %add3A_878 = arith.addi %mul3A_876, %add3A_877 : i32
      %get3A_879 = arith.index_cast %add3A_878 : i32 to index
      %get3A_880 = tpu.vector_load %arg6[%get3A_879] {strides = array<i32>} : memref<81920xf32, #tpu.memory_space<vmem>>, vector<16xf32>,
      %add3A_881 = arith.addf %add3A_872, %get3A_880 : vector<16xf32>
      %swap3A_882 = arith.index_cast %scan3A_24 : i32 to index
      %swap3A_883 = arith.constant 80 : index
      %swap3A_884 = tpu.vector_load %arg7[%swap3A_882, %swap3A_883] {strides = array<i32>} : memref<40x128xf32, #tpu.memory_space<vmem>>, vector<16xf32>,
      tpu.vector_store %arg7[%swap3A_882, %swap3A_883], %add3A_881 {strides = array<i32>} : memref<40x128xf32, #tpu.memory_space<vmem>>, vector<16xf32>,
      %mul3A_885 = arith.constant 128 : i32
      %mul3A_886 = arith.muli %scan3A_24, %mul3A_885 : i32
      %add3A_887 = arith.constant 96 : i32
      %add3A_888 = arith.addi %mul3A_886, %add3A_887 : i32
      %get3A_889 = arith.index_cast %add3A_888 : i32 to index
      %get3A_890 = tpu.vector_load %arg6[%get3A_889] {strides = array<i32>} : memref<81920xf32, #tpu.memory_space<vmem>>, vector<16xf32>,
      %add3A_891 = arith.constant 40 : i32
      %add3A_892 = arith.addi %add3A_891, %scan3A_24 : i32
      %mul3A_893 = arith.constant 128 : i32
      %mul3A_894 = arith.muli %add3A_892, %mul3A_893 : i32
      %add3A_895 = arith.constant 96 : i32
      %add3A_896 = arith.addi %mul3A_894, %add3A_895 : i32
      %get3A_897 = arith.index_cast %add3A_896 : i32 to index
      %get3A_898 = tpu.vector_load %arg6[%get3A_897] {strides = array<i32>} : memref<81920xf32, #tpu.memory_space<vmem>>, vector<16xf32>,
      %add3A_899 = arith.addf %get3A_890, %get3A_898 : vector<16xf32>
      %add3A_900 = arith.constant 80 : i32
      %add3A_901 = arith.addi %add3A_900, %scan3A_24 : i32
      %mul3A_902 = arith.constant 128 : i32
      %mul3A_903 = arith.muli %add3A_901, %mul3A_902 : i32
      %add3A_904 = arith.constant 96 : i32
      %add3A_905 = arith.addi %mul3A_903, %add3A_904 : i32
      %get3A_906 = arith.index_cast %add3A_905 : i32 to index
      %get3A_907 = tpu.vector_load %arg6[%get3A_906] {strides = array<i32>} : memref<81920xf32, #tpu.memory_space<vmem>>, vector<16xf32>,
      %add3A_908 = arith.addf %add3A_899, %get3A_907 : vector<16xf32>
      %add3A_909 = arith.constant 120 : i32
      %add3A_910 = arith.addi %add3A_909, %scan3A_24 : i32
      %mul3A_911 = arith.constant 128 : i32
      %mul3A_912 = arith.muli %add3A_910, %mul3A_911 : i32
      %add3A_913 = arith.constant 96 : i32
      %add3A_914 = arith.addi %mul3A_912, %add3A_913 : i32
      %get3A_915 = arith.index_cast %add3A_914 : i32 to index
      %get3A_916 = tpu.vector_load %arg6[%get3A_915] {strides = array<i32>} : memref<81920xf32, #tpu.memory_space<vmem>>, vector<16xf32>,
      %add3A_917 = arith.addf %add3A_908, %get3A_916 : vector<16xf32>
      %add3A_918 = arith.constant 160 : i32
      %add3A_919 = arith.addi %add3A_918, %scan3A_24 : i32
      %mul3A_920 = arith.constant 128 : i32
      %mul3A_921 = arith.muli %add3A_919, %mul3A_920 : i32
      %add3A_922 = arith.constant 96 : i32
      %add3A_923 = arith.addi %mul3A_921, %add3A_922 : i32
      %get3A_924 = arith.index_cast %add3A_923 : i32 to index
      %get3A_925 = tpu.vector_load %arg6[%get3A_924] {strides = array<i32>} : memref<81920xf32, #tpu.memory_space<vmem>>, vector<16xf32>,
      %add3A_926 = arith.addf %add3A_917, %get3A_925 : vector<16xf32>
      %add3A_927 = arith.constant 200 : i32
      %add3A_928 = arith.addi %add3A_927, %scan3A_24 : i32
      %mul3A_929 = arith.constant 128 : i32
      %mul3A_930 = arith.muli %add3A_928, %mul3A_929 : i32
      %add3A_931 = arith.constant 96 : i32
      %add3A_932 = arith.addi %mul3A_930, %add3A_931 : i32
      %get3A_933 = arith.index_cast %add3A_932 : i32 to index
      %get3A_934 = tpu.vector_load %arg6[%get3A_933] {strides = array<i32>} : memref<81920xf32, #tpu.memory_space<vmem>>, vector<16xf32>,
      %add3A_935 = arith.addf %add3A_926, %get3A_934 : vector<16xf32>
      %add3A_936 = arith.constant 240 : i32
      %add3A_937 = arith.addi %add3A_936, %scan3A_24 : i32
      %mul3A_938 = arith.constant 128 : i32
      %mul3A_939 = arith.muli %add3A_937, %mul3A_938 : i32
      %add3A_940 = arith.constant 96 : i32
      %add3A_941 = arith.addi %mul3A_939, %add3A_940 : i32
      %get3A_942 = arith.index_cast %add3A_941 : i32 to index
      %get3A_943 = tpu.vector_load %arg6[%get3A_942] {strides = array<i32>} : memref<81920xf32, #tpu.memory_space<vmem>>, vector<16xf32>,
      %add3A_944 = arith.addf %add3A_935, %get3A_943 : vector<16xf32>
      %add3A_945 = arith.constant 280 : i32
      %add3A_946 = arith.addi %add3A_945, %scan3A_24 : i32
      %mul3A_947 = arith.constant 128 : i32
      %mul3A_948 = arith.muli %add3A_946, %mul3A_947 : i32
      %add3A_949 = arith.constant 96 : i32
      %add3A_950 = arith.addi %mul3A_948, %add3A_949 : i32
      %get3A_951 = arith.index_cast %add3A_950 : i32 to index
      %get3A_952 = tpu.vector_load %arg6[%get3A_951] {strides = array<i32>} : memref<81920xf32, #tpu.memory_space<vmem>>, vector<16xf32>,
      %add3A_953 = arith.addf %add3A_944, %get3A_952 : vector<16xf32>
      %add3A_954 = arith.constant 320 : i32
      %add3A_955 = arith.addi %add3A_954, %scan3A_24 : i32
      %mul3A_956 = arith.constant 128 : i32
      %mul3A_957 = arith.muli %add3A_955, %mul3A_956 : i32
      %add3A_958 = arith.constant 96 : i32
      %add3A_959 = arith.addi %mul3A_957, %add3A_958 : i32
      %get3A_960 = arith.index_cast %add3A_959 : i32 to index
      %get3A_961 = tpu.vector_load %arg6[%get3A_960] {strides = array<i32>} : memref<81920xf32, #tpu.memory_space<vmem>>, vector<16xf32>,
      %add3A_962 = arith.addf %add3A_953, %get3A_961 : vector<16xf32>
      %add3A_963 = arith.constant 360 : i32
      %add3A_964 = arith.addi %add3A_963, %scan3A_24 : i32
      %mul3A_965 = arith.constant 128 : i32
      %mul3A_966 = arith.muli %add3A_964, %mul3A_965 : i32
      %add3A_967 = arith.constant 96 : i32
      %add3A_968 = arith.addi %mul3A_966, %add3A_967 : i32
      %get3A_969 = arith.index_cast %add3A_968 : i32 to index
      %get3A_970 = tpu.vector_load %arg6[%get3A_969] {strides = array<i32>} : memref<81920xf32, #tpu.memory_space<vmem>>, vector<16xf32>,
      %add3A_971 = arith.addf %add3A_962, %get3A_970 : vector<16xf32>
      %add3A_972 = arith.constant 400 : i32
      %add3A_973 = arith.addi %add3A_972, %scan3A_24 : i32
      %mul3A_974 = arith.constant 128 : i32
      %mul3A_975 = arith.muli %add3A_973, %mul3A_974 : i32
      %add3A_976 = arith.constant 96 : i32
      %add3A_977 = arith.addi %mul3A_975, %add3A_976 : i32
      %get3A_978 = arith.index_cast %add3A_977 : i32 to index
      %get3A_979 = tpu.vector_load %arg6[%get3A_978] {strides = array<i32>} : memref<81920xf32, #tpu.memory_space<vmem>>, vector<16xf32>,
      %add3A_980 = arith.addf %add3A_971, %get3A_979 : vector<16xf32>
      %add3A_981 = arith.constant 440 : i32
      %add3A_982 = arith.addi %add3A_981, %scan3A_24 : i32
      %mul3A_983 = arith.constant 128 : i32
      %mul3A_984 = arith.muli %add3A_982, %mul3A_983 : i32
      %add3A_985 = arith.constant 96 : i32
      %add3A_986 = arith.addi %mul3A_984, %add3A_985 : i32
      %get3A_987 = arith.index_cast %add3A_986 : i32 to index
      %get3A_988 = tpu.vector_load %arg6[%get3A_987] {strides = array<i32>} : memref<81920xf32, #tpu.memory_space<vmem>>, vector<16xf32>,
      %add3A_989 = arith.addf %add3A_980, %get3A_988 : vector<16xf32>
      %add3A_990 = arith.constant 480 : i32
      %add3A_991 = arith.addi %add3A_990, %scan3A_24 : i32
      %mul3A_992 = arith.constant 128 : i32
      %mul3A_993 = arith.muli %add3A_991, %mul3A_992 : i32
      %add3A_994 = arith.constant 96 : i32
      %add3A_995 = arith.addi %mul3A_993, %add3A_994 : i32
      %get3A_996 = arith.index_cast %add3A_995 : i32 to index
      %get3A_997 = tpu.vector_load %arg6[%get3A_996] {strides = array<i32>} : memref<81920xf32, #tpu.memory_space<vmem>>, vector<16xf32>,
      %add3A_998 = arith.addf %add3A_989, %get3A_997 : vector<16xf32>
      %add3A_999 = arith.constant 520 : i32
      %add3A_1000 = arith.addi %add3A_999, %scan3A_24 : i32
      %mul3A_1001 = arith.constant 128 : i32
      %mul3A_1002 = arith.muli %add3A_1000, %mul3A_1001 : i32
      %add3A_1003 = arith.constant 96 : i32
      %add3A_1004 = arith.addi %mul3A_1002, %add3A_1003 : i32
      %get3A_1005 = arith.index_cast %add3A_1004 : i32 to index
      %get3A_1006 = tpu.vector_load %arg6[%get3A_1005] {strides = array<i32>} : memref<81920xf32, #tpu.memory_space<vmem>>, vector<16xf32>,
      %add3A_1007 = arith.addf %add3A_998, %get3A_1006 : vector<16xf32>
      %add3A_1008 = arith.constant 560 : i32
      %add3A_1009 = arith.addi %add3A_1008, %scan3A_24 : i32
      %mul3A_1010 = arith.constant 128 : i32
      %mul3A_1011 = arith.muli %add3A_1009, %mul3A_1010 : i32
      %add3A_1012 = arith.constant 96 : i32
      %add3A_1013 = arith.addi %mul3A_1011, %add3A_1012 : i32
      %get3A_1014 = arith.index_cast %add3A_1013 : i32 to index
      %get3A_1015 = tpu.vector_load %arg6[%get3A_1014] {strides = array<i32>} : memref<81920xf32, #tpu.memory_space<vmem>>, vector<16xf32>,
      %add3A_1016 = arith.addf %add3A_1007, %get3A_1015 : vector<16xf32>
      %add3A_1017 = arith.constant 600 : i32
      %add3A_1018 = arith.addi %add3A_1017, %scan3A_24 : i32
      %mul3A_1019 = arith.constant 128 : i32
      %mul3A_1020 = arith.muli %add3A_1018, %mul3A_1019 : i32
      %add3A_1021 = arith.constant 96 : i32
      %add3A_1022 = arith.addi %mul3A_1020, %add3A_1021 : i32
      %get3A_1023 = arith.index_cast %add3A_1022 : i32 to index
      %get3A_1024 = tpu.vector_load %arg6[%get3A_1023] {strides = array<i32>} : memref<81920xf32, #tpu.memory_space<vmem>>, vector<16xf32>,
      %add3A_1025 = arith.addf %add3A_1016, %get3A_1024 : vector<16xf32>
      %swap3A_1026 = arith.index_cast %scan3A_24 : i32 to index
      %swap3A_1027 = arith.constant 96 : index
      %swap3A_1028 = tpu.vector_load %arg7[%swap3A_1026, %swap3A_1027] {strides = array<i32>} : memref<40x128xf32, #tpu.memory_space<vmem>>, vector<16xf32>,
      tpu.vector_store %arg7[%swap3A_1026, %swap3A_1027], %add3A_1025 {strides = array<i32>} : memref<40x128xf32, #tpu.memory_space<vmem>>, vector<16xf32>,
      %mul3A_1029 = arith.constant 128 : i32
      %mul3A_1030 = arith.muli %scan3A_24, %mul3A_1029 : i32
      %add3A_1031 = arith.constant 112 : i32
      %add3A_1032 = arith.addi %mul3A_1030, %add3A_1031 : i32
      %get3A_1033 = arith.index_cast %add3A_1032 : i32 to index
      %get3A_1034 = tpu.vector_load %arg6[%get3A_1033] {strides = array<i32>} : memref<81920xf32, #tpu.memory_space<vmem>>, vector<16xf32>,
      %add3A_1035 = arith.constant 40 : i32
      %add3A_1036 = arith.addi %add3A_1035, %scan3A_24 : i32
      %mul3A_1037 = arith.constant 128 : i32
      %mul3A_1038 = arith.muli %add3A_1036, %mul3A_1037 : i32
      %add3A_1039 = arith.constant 112 : i32
      %add3A_1040 = arith.addi %mul3A_1038, %add3A_1039 : i32
      %get3A_1041 = arith.index_cast %add3A_1040 : i32 to index
      %get3A_1042 = tpu.vector_load %arg6[%get3A_1041] {strides = array<i32>} : memref<81920xf32, #tpu.memory_space<vmem>>, vector<16xf32>,
      %add3A_1043 = arith.addf %get3A_1034, %get3A_1042 : vector<16xf32>
      %add3A_1044 = arith.constant 80 : i32
      %add3A_1045 = arith.addi %add3A_1044, %scan3A_24 : i32
      %mul3A_1046 = arith.constant 128 : i32
      %mul3A_1047 = arith.muli %add3A_1045, %mul3A_1046 : i32
      %add3A_1048 = arith.constant 112 : i32
      %add3A_1049 = arith.addi %mul3A_1047, %add3A_1048 : i32
      %get3A_1050 = arith.index_cast %add3A_1049 : i32 to index
      %get3A_1051 = tpu.vector_load %arg6[%get3A_1050] {strides = array<i32>} : memref<81920xf32, #tpu.memory_space<vmem>>, vector<16xf32>,
      %add3A_1052 = arith.addf %add3A_1043, %get3A_1051 : vector<16xf32>
      %add3A_1053 = arith.constant 120 : i32
      %add3A_1054 = arith.addi %add3A_1053, %scan3A_24 : i32
      %mul3A_1055 = arith.constant 128 : i32
      %mul3A_1056 = arith.muli %add3A_1054, %mul3A_1055 : i32
      %add3A_1057 = arith.constant 112 : i32
      %add3A_1058 = arith.addi %mul3A_1056, %add3A_1057 : i32
      %get3A_1059 = arith.index_cast %add3A_1058 : i32 to index
      %get3A_1060 = tpu.vector_load %arg6[%get3A_1059] {strides = array<i32>} : memref<81920xf32, #tpu.memory_space<vmem>>, vector<16xf32>,
      %add3A_1061 = arith.addf %add3A_1052, %get3A_1060 : vector<16xf32>
      %add3A_1062 = arith.constant 160 : i32
      %add3A_1063 = arith.addi %add3A_1062, %scan3A_24 : i32
      %mul3A_1064 = arith.constant 128 : i32
      %mul3A_1065 = arith.muli %add3A_1063, %mul3A_1064 : i32
      %add3A_1066 = arith.constant 112 : i32
      %add3A_1067 = arith.addi %mul3A_1065, %add3A_1066 : i32
      %get3A_1068 = arith.index_cast %add3A_1067 : i32 to index
      %get3A_1069 = tpu.vector_load %arg6[%get3A_1068] {strides = array<i32>} : memref<81920xf32, #tpu.memory_space<vmem>>, vector<16xf32>,
      %add3A_1070 = arith.addf %add3A_1061, %get3A_1069 : vector<16xf32>
      %add3A_1071 = arith.constant 200 : i32
      %add3A_1072 = arith.addi %add3A_1071, %scan3A_24 : i32
      %mul3A_1073 = arith.constant 128 : i32
      %mul3A_1074 = arith.muli %add3A_1072, %mul3A_1073 : i32
      %add3A_1075 = arith.constant 112 : i32
      %add3A_1076 = arith.addi %mul3A_1074, %add3A_1075 : i32
      %get3A_1077 = arith.index_cast %add3A_1076 : i32 to index
      %get3A_1078 = tpu.vector_load %arg6[%get3A_1077] {strides = array<i32>} : memref<81920xf32, #tpu.memory_space<vmem>>, vector<16xf32>,
      %add3A_1079 = arith.addf %add3A_1070, %get3A_1078 : vector<16xf32>
      %add3A_1080 = arith.constant 240 : i32
      %add3A_1081 = arith.addi %add3A_1080, %scan3A_24 : i32
      %mul3A_1082 = arith.constant 128 : i32
      %mul3A_1083 = arith.muli %add3A_1081, %mul3A_1082 : i32
      %add3A_1084 = arith.constant 112 : i32
      %add3A_1085 = arith.addi %mul3A_1083, %add3A_1084 : i32
      %get3A_1086 = arith.index_cast %add3A_1085 : i32 to index
      %get3A_1087 = tpu.vector_load %arg6[%get3A_1086] {strides = array<i32>} : memref<81920xf32, #tpu.memory_space<vmem>>, vector<16xf32>,
      %add3A_1088 = arith.addf %add3A_1079, %get3A_1087 : vector<16xf32>
      %add3A_1089 = arith.constant 280 : i32
      %add3A_1090 = arith.addi %add3A_1089, %scan3A_24 : i32
      %mul3A_1091 = arith.constant 128 : i32
      %mul3A_1092 = arith.muli %add3A_1090, %mul3A_1091 : i32
      %add3A_1093 = arith.constant 112 : i32
      %add3A_1094 = arith.addi %mul3A_1092, %add3A_1093 : i32
      %get3A_1095 = arith.index_cast %add3A_1094 : i32 to index
      %get3A_1096 = tpu.vector_load %arg6[%get3A_1095] {strides = array<i32>} : memref<81920xf32, #tpu.memory_space<vmem>>, vector<16xf32>,
      %add3A_1097 = arith.addf %add3A_1088, %get3A_1096 : vector<16xf32>
      %add3A_1098 = arith.constant 320 : i32
      %add3A_1099 = arith.addi %add3A_1098, %scan3A_24 : i32
      %mul3A_1100 = arith.constant 128 : i32
      %mul3A_1101 = arith.muli %add3A_1099, %mul3A_1100 : i32
      %add3A_1102 = arith.constant 112 : i32
      %add3A_1103 = arith.addi %mul3A_1101, %add3A_1102 : i32
      %get3A_1104 = arith.index_cast %add3A_1103 : i32 to index
      %get3A_1105 = tpu.vector_load %arg6[%get3A_1104] {strides = array<i32>} : memref<81920xf32, #tpu.memory_space<vmem>>, vector<16xf32>,
      %add3A_1106 = arith.addf %add3A_1097, %get3A_1105 : vector<16xf32>
      %add3A_1107 = arith.constant 360 : i32
      %add3A_1108 = arith.addi %add3A_1107, %scan3A_24 : i32
      %mul3A_1109 = arith.constant 128 : i32
      %mul3A_1110 = arith.muli %add3A_1108, %mul3A_1109 : i32
      %add3A_1111 = arith.constant 112 : i32
      %add3A_1112 = arith.addi %mul3A_1110, %add3A_1111 : i32
      %get3A_1113 = arith.index_cast %add3A_1112 : i32 to index
      %get3A_1114 = tpu.vector_load %arg6[%get3A_1113] {strides = array<i32>} : memref<81920xf32, #tpu.memory_space<vmem>>, vector<16xf32>,
      %add3A_1115 = arith.addf %add3A_1106, %get3A_1114 : vector<16xf32>
      %add3A_1116 = arith.constant 400 : i32
      %add3A_1117 = arith.addi %add3A_1116, %scan3A_24 : i32
      %mul3A_1118 = arith.constant 128 : i32
      %mul3A_1119 = arith.muli %add3A_1117, %mul3A_1118 : i32
      %add3A_1120 = arith.constant 112 : i32
      %add3A_1121 = arith.addi %mul3A_1119, %add3A_1120 : i32
      %get3A_1122 = arith.index_cast %add3A_1121 : i32 to index
      %get3A_1123 = tpu.vector_load %arg6[%get3A_1122] {strides = array<i32>} : memref<81920xf32, #tpu.memory_space<vmem>>, vector<16xf32>,
      %add3A_1124 = arith.addf %add3A_1115, %get3A_1123 : vector<16xf32>
      %add3A_1125 = arith.constant 440 : i32
      %add3A_1126 = arith.addi %add3A_1125, %scan3A_24 : i32
      %mul3A_1127 = arith.constant 128 : i32
      %mul3A_1128 = arith.muli %add3A_1126, %mul3A_1127 : i32
      %add3A_1129 = arith.constant 112 : i32
      %add3A_1130 = arith.addi %mul3A_1128, %add3A_1129 : i32
      %get3A_1131 = arith.index_cast %add3A_1130 : i32 to index
      %get3A_1132 = tpu.vector_load %arg6[%get3A_1131] {strides = array<i32>} : memref<81920xf32, #tpu.memory_space<vmem>>, vector<16xf32>,
      %add3A_1133 = arith.addf %add3A_1124, %get3A_1132 : vector<16xf32>
      %add3A_1134 = arith.constant 480 : i32
      %add3A_1135 = arith.addi %add3A_1134, %scan3A_24 : i32
      %mul3A_1136 = arith.constant 128 : i32
      %mul3A_1137 = arith.muli %add3A_1135, %mul3A_1136 : i32
      %add3A_1138 = arith.constant 112 : i32
      %add3A_1139 = arith.addi %mul3A_1137, %add3A_1138 : i32
      %get3A_1140 = arith.index_cast %add3A_1139 : i32 to index
      %get3A_1141 = tpu.vector_load %arg6[%get3A_1140] {strides = array<i32>} : memref<81920xf32, #tpu.memory_space<vmem>>, vector<16xf32>,
      %add3A_1142 = arith.addf %add3A_1133, %get3A_1141 : vector<16xf32>
      %add3A_1143 = arith.constant 520 : i32
      %add3A_1144 = arith.addi %add3A_1143, %scan3A_24 : i32
      %mul3A_1145 = arith.constant 128 : i32
      %mul3A_1146 = arith.muli %add3A_1144, %mul3A_1145 : i32
      %add3A_1147 = arith.constant 112 : i32
      %add3A_1148 = arith.addi %mul3A_1146, %add3A_1147 : i32
      %get3A_1149 = arith.index_cast %add3A_1148 : i32 to index
      %get3A_1150 = tpu.vector_load %arg6[%get3A_1149] {strides = array<i32>} : memref<81920xf32, #tpu.memory_space<vmem>>, vector<16xf32>,
      %add3A_1151 = arith.addf %add3A_1142, %get3A_1150 : vector<16xf32>
      %add3A_1152 = arith.constant 560 : i32
      %add3A_1153 = arith.addi %add3A_1152, %scan3A_24 : i32
      %mul3A_1154 = arith.constant 128 : i32
      %mul3A_1155 = arith.muli %add3A_1153, %mul3A_1154 : i32
      %add3A_1156 = arith.constant 112 : i32
      %add3A_1157 = arith.addi %mul3A_1155, %add3A_1156 : i32
      %get3A_1158 = arith.index_cast %add3A_1157 : i32 to index
      %get3A_1159 = tpu.vector_load %arg6[%get3A_1158] {strides = array<i32>} : memref<81920xf32, #tpu.memory_space<vmem>>, vector<16xf32>,
      %add3A_1160 = arith.addf %add3A_1151, %get3A_1159 : vector<16xf32>
      %add3A_1161 = arith.constant 600 : i32
      %add3A_1162 = arith.addi %add3A_1161, %scan3A_24 : i32
      %mul3A_1163 = arith.constant 128 : i32
      %mul3A_1164 = arith.muli %add3A_1162, %mul3A_1163 : i32
      %add3A_1165 = arith.constant 112 : i32
      %add3A_1166 = arith.addi %mul3A_1164, %add3A_1165 : i32
      %get3A_1167 = arith.index_cast %add3A_1166 : i32 to index
      %get3A_1168 = tpu.vector_load %arg6[%get3A_1167] {strides = array<i32>} : memref<81920xf32, #tpu.memory_space<vmem>>, vector<16xf32>,
      %add3A_1169 = arith.addf %add3A_1160, %get3A_1168 : vector<16xf32>
      %swap3A_1170 = arith.index_cast %scan3A_24 : i32 to index
      %swap3A_1171 = arith.constant 112 : index
      %swap3A_1172 = tpu.vector_load %arg7[%swap3A_1170, %swap3A_1171] {strides = array<i32>} : memref<40x128xf32, #tpu.memory_space<vmem>>, vector<16xf32>,
      tpu.vector_store %arg7[%swap3A_1170, %swap3A_1171], %add3A_1169 {strides = array<i32>} : memref<40x128xf32, #tpu.memory_space<vmem>>, vector<16xf32>,
    }
    %scan3A_23 = arith.constant 40 : i32
    "tpu.region"() ({
      %run_scoped3A = tpu.sem_alloc : memref<!tpu.dma_semaphore, #tpu.memory_space<semaphore_mem>>
      %dma_start3A = arith.constant 40 : i32
      %dma_start3A_24 = arith.constant 0 : i32
      %dma_start3A_25 = tpu.memref_slice %arg4[%arg0, %arg1, %dma_start3A, %dma_start3A_24] : memref<2x16x80x128xf32, #tpu.memory_space<hbm>> -> memref<1x1x40x128xf32, #tpu.memory_space<hbm>>
      %dma_start3A_26 = tpu.memref_squeeze %dma_start3A_25 : memref<1x1x40x128xf32, #tpu.memory_space<hbm>> -> memref<40x128xf32, #tpu.memory_space<hbm>>
      %dma_start3A_27 = arith.constant 40 : i32
      %dma_start3A_28 = arith.constant 0 : i32
      %dma_start3A_29 = tpu.memref_slice %arg4[%arg0, %arg1, %dma_start3A_27, %dma_start3A_28] : memref<2x16x80x128xf32, #tpu.memory_space<hbm>> -> memref<1x1x40x128xf32, #tpu.memory_space<hbm>>
      %dma_start3A_30 = tpu.memref_squeeze %dma_start3A_29 : memref<1x1x40x128xf32, #tpu.memory_space<hbm>> -> memref<40x128xf32, #tpu.memory_space<hbm>>
      tpu.enqueue_dma source(%arg7 : memref<40x128xf32, #tpu.memory_space<vmem>>) target(%dma_start3A_30 : memref<40x128xf32, #tpu.memory_space<hbm>>) target_semaphore(%run_scoped3A : memref<!tpu.dma_semaphore, #tpu.memory_space<semaphore_mem>>)
      %dma_wait3A = arith.constant 40 : i32
      %dma_wait3A_31 = arith.constant 0 : i32
      %dma_wait3A_32 = tpu.memref_slice %arg4[%arg0, %arg1, %dma_wait3A, %dma_wait3A_31] : memref<2x16x80x128xf32, #tpu.memory_space<hbm>> -> memref<1x1x40x128xf32, #tpu.memory_space<hbm>>
      %dma_wait3A_33 = tpu.memref_squeeze %dma_wait3A_32 : memref<1x1x40x128xf32, #tpu.memory_space<hbm>> -> memref<40x128xf32, #tpu.memory_space<hbm>>
      %dma_wait3A_34 = arith.constant 40 : i32
      %dma_wait3A_35 = arith.constant 0 : i32
      %dma_wait3A_36 = tpu.memref_slice %arg4[%arg0, %arg1, %dma_wait3A_34, %dma_wait3A_35] : memref<2x16x80x128xf32, #tpu.memory_space<hbm>> -> memref<1x1x40x128xf32, #tpu.memory_space<hbm>>
      %dma_wait3A_37 = tpu.memref_squeeze %dma_wait3A_36 : memref<1x1x40x128xf32, #tpu.memory_space<hbm>> -> memref<40x128xf32, #tpu.memory_space<hbm>>
      tpu.wait_dma2 semaphore(%run_scoped3A : memref<!tpu.dma_semaphore, #tpu.memory_space<semaphore_mem>>) src(%arg7 : memref<40x128xf32, #tpu.memory_space<vmem>>) dst(%dma_wait3A_37 : memref<40x128xf32, #tpu.memory_space<hbm>>)
      tpu.yield
    }) : () -> ()
    return
  }
}

#map = affine_map<(d0, d1) -> (0, 0, 0, 0)>
#map1 = affine_map<(d0, d1) -> (0, 0)>
#map2 = affine_map<(d0, d1) -> (0, 0, 0)>
module attributes {stable_mosaic.version = 14 : i64} {
  func.func @_sc_segsum(%arg0: i32, %arg1: i32, %arg2: memref<2x16x80x128xi32, #tpu.memory_space<hbm>>, %arg3: memref<2x16x80x128xi32, #tpu.memory_space<hbm>>, %arg4: memref<10000x128xf32, #tpu.memory_space<hbm>>, %arg5: memref<2x10240x128xf32, #tpu.memory_space<hbm>>, %arg6: memref<40x128xi32, #tpu.memory_space<vmem>>, %arg7: memref<40x128xi32, #tpu.memory_space<vmem>>, %arg8: memref<128x128xf32, #tpu.memory_space<vmem>>, %arg9: memref<128x128xf32, #tpu.memory_space<vmem>>, %arg10: memref<10240x128xf32, #tpu.memory_space<vmem_shared>>, %arg11: memref<!tpu.dma_semaphore, #tpu.memory_space<semaphore_mem>>, %arg12: memref<!tpu.dma_semaphore, #tpu.memory_space<semaphore_mem>>, %arg13: memref<!tpu.dma_semaphore, #tpu.memory_space<semaphore_mem>>, %arg14: memref<!tpu.dma_semaphore, #tpu.memory_space<semaphore_mem>>) attributes {dimension_semantics = [#tpu.dimension_semantics<core_parallel>, #tpu.dimension_semantics<subcore_parallel>], iteration_bounds = array<i64: 2, 16>, scalar_prefetch = 0 : i64, scratch_operands = 9 : i64, tpu.core_type = #tpu.core_type<sc_vector_subcore>, window_params = [{transform_indices = #map}, {transform_indices = #map}, {transform_indices = #map1}, {transform_indices = #map2}]} {
    %mul3A = arith.constant 640 : i32
    %mul3A_0 = arith.muli %arg1, %mul3A : i32
    %broadcast_in_dim3A = arith.constant 0.000000e+00 : f32
    %broadcast_in_dim3A_1 = vector.broadcast %broadcast_in_dim3A : f32 to vector<16xf32>
    %scan3A = arith.constant 0 : i32
    %scan3A_2 = arith.constant 0 : i32
    %scan3A_3 = arith.constant 8 : i32
    %scan3A_4 = arith.addi %scan3A_2, %scan3A_3 : i32
    %scan3A_5 = arith.constant 1 : i32
    scf.for %scan3A_65 = %scan3A_2 to %scan3A_4 step %scan3A_5  : i32 {
      %broadcast_in_dim3A_66 = arith.constant 0.000000e+00 : f32
      %broadcast_in_dim3A_67 = vector.broadcast %broadcast_in_dim3A_66 : f32 to vector<16x128xf32>
      %mul3A_68 = arith.constant 16 : i32
      %mul3A_69 = arith.muli %scan3A_65, %mul3A_68 : i32
      %swap3A = arith.index_cast %mul3A_69 : i32 to index
      %swap3A_70 = arith.constant 0 : index
      %swap3A_71 = tpu.vector_load %arg8[%swap3A, %swap3A_70] {strides = array<i32>} : memref<128x128xf32, #tpu.memory_space<vmem>>, vector<16x128xf32>,
      %swap3A_72 = vector.shape_cast %swap3A_71 : vector<16x128xf32> to vector<16x128xf32>
      %swap3A_73 = vector.shape_cast %broadcast_in_dim3A_67 : vector<16x128xf32> to vector<16x128xf32>
      tpu.vector_store %arg8[%swap3A, %swap3A_70], %swap3A_73 {strides = array<i32>} : memref<128x128xf32, #tpu.memory_space<vmem>>, vector<16x128xf32>,
    }
    %scan3A_6 = arith.constant 8 : i32
    %add3A = arith.constant 0 : i32
    %add3A_7 = arith.addi %mul3A_0, %add3A : i32
    "tpu.region"() ({
      %run_scoped3A = tpu.sem_alloc : memref<!tpu.dma_semaphore, #tpu.memory_space<semaphore_mem>>
      %dma_start3A_65 = arith.constant 0 : i32
      %dma_start3A_66 = tpu.memref_slice %arg10[%add3A_7, %dma_start3A_65] : memref<10240x128xf32, #tpu.memory_space<vmem_shared>> -> memref<128x128xf32, #tpu.memory_space<vmem_shared>>
      %dma_start3A_67 = arith.constant 0 : i32
      %dma_start3A_68 = tpu.memref_slice %arg10[%add3A_7, %dma_start3A_67] : memref<10240x128xf32, #tpu.memory_space<vmem_shared>> -> memref<128x128xf32, #tpu.memory_space<vmem_shared>>
      tpu.enqueue_dma source(%arg8 : memref<128x128xf32, #tpu.memory_space<vmem>>) target(%dma_start3A_68 : memref<128x128xf32, #tpu.memory_space<vmem_shared>>) target_semaphore(%run_scoped3A : memref<!tpu.dma_semaphore, #tpu.memory_space<semaphore_mem>>)
      %dma_wait3A_69 = arith.constant 0 : i32
      %dma_wait3A_70 = tpu.memref_slice %arg10[%add3A_7, %dma_wait3A_69] : memref<10240x128xf32, #tpu.memory_space<vmem_shared>> -> memref<128x128xf32, #tpu.memory_space<vmem_shared>>
      %dma_wait3A_71 = arith.constant 0 : i32
      %dma_wait3A_72 = tpu.memref_slice %arg10[%add3A_7, %dma_wait3A_71] : memref<10240x128xf32, #tpu.memory_space<vmem_shared>> -> memref<128x128xf32, #tpu.memory_space<vmem_shared>>
      tpu.wait_dma2 semaphore(%run_scoped3A : memref<!tpu.dma_semaphore, #tpu.memory_space<semaphore_mem>>) src(%arg8 : memref<128x128xf32, #tpu.memory_space<vmem>>) dst(%dma_wait3A_72 : memref<128x128xf32, #tpu.memory_space<vmem_shared>>)
      tpu.yield
    }) : () -> ()
    %add3A_8 = arith.constant 128 : i32
    %add3A_9 = arith.addi %mul3A_0, %add3A_8 : i32
    "tpu.region"() ({
      %run_scoped3A = tpu.sem_alloc : memref<!tpu.dma_semaphore, #tpu.memory_space<semaphore_mem>>
      %dma_start3A_65 = arith.constant 0 : i32
      %dma_start3A_66 = tpu.memref_slice %arg10[%add3A_9, %dma_start3A_65] : memref<10240x128xf32, #tpu.memory_space<vmem_shared>> -> memref<128x128xf32, #tpu.memory_space<vmem_shared>>
      %dma_start3A_67 = arith.constant 0 : i32
      %dma_start3A_68 = tpu.memref_slice %arg10[%add3A_9, %dma_start3A_67] : memref<10240x128xf32, #tpu.memory_space<vmem_shared>> -> memref<128x128xf32, #tpu.memory_space<vmem_shared>>
      tpu.enqueue_dma source(%arg8 : memref<128x128xf32, #tpu.memory_space<vmem>>) target(%dma_start3A_68 : memref<128x128xf32, #tpu.memory_space<vmem_shared>>) target_semaphore(%run_scoped3A : memref<!tpu.dma_semaphore, #tpu.memory_space<semaphore_mem>>)
      %dma_wait3A_69 = arith.constant 0 : i32
      %dma_wait3A_70 = tpu.memref_slice %arg10[%add3A_9, %dma_wait3A_69] : memref<10240x128xf32, #tpu.memory_space<vmem_shared>> -> memref<128x128xf32, #tpu.memory_space<vmem_shared>>
      %dma_wait3A_71 = arith.constant 0 : i32
      %dma_wait3A_72 = tpu.memref_slice %arg10[%add3A_9, %dma_wait3A_71] : memref<10240x128xf32, #tpu.memory_space<vmem_shared>> -> memref<128x128xf32, #tpu.memory_space<vmem_shared>>
      tpu.wait_dma2 semaphore(%run_scoped3A : memref<!tpu.dma_semaphore, #tpu.memory_space<semaphore_mem>>) src(%arg8 : memref<128x128xf32, #tpu.memory_space<vmem>>) dst(%dma_wait3A_72 : memref<128x128xf32, #tpu.memory_space<vmem_shared>>)
      tpu.yield
    }) : () -> ()
    %add3A_10 = arith.constant 256 : i32
    %add3A_11 = arith.addi %mul3A_0, %add3A_10 : i32
    "tpu.region"() ({
      %run_scoped3A = tpu.sem_alloc : memref<!tpu.dma_semaphore, #tpu.memory_space<semaphore_mem>>
      %dma_start3A_65 = arith.constant 0 : i32
      %dma_start3A_66 = tpu.memref_slice %arg10[%add3A_11, %dma_start3A_65] : memref<10240x128xf32, #tpu.memory_space<vmem_shared>> -> memref<128x128xf32, #tpu.memory_space<vmem_shared>>
      %dma_start3A_67 = arith.constant 0 : i32
      %dma_start3A_68 = tpu.memref_slice %arg10[%add3A_11, %dma_start3A_67] : memref<10240x128xf32, #tpu.memory_space<vmem_shared>> -> memref<128x128xf32, #tpu.memory_space<vmem_shared>>
      tpu.enqueue_dma source(%arg8 : memref<128x128xf32, #tpu.memory_space<vmem>>) target(%dma_start3A_68 : memref<128x128xf32, #tpu.memory_space<vmem_shared>>) target_semaphore(%run_scoped3A : memref<!tpu.dma_semaphore, #tpu.memory_space<semaphore_mem>>)
      %dma_wait3A_69 = arith.constant 0 : i32
      %dma_wait3A_70 = tpu.memref_slice %arg10[%add3A_11, %dma_wait3A_69] : memref<10240x128xf32, #tpu.memory_space<vmem_shared>> -> memref<128x128xf32, #tpu.memory_space<vmem_shared>>
      %dma_wait3A_71 = arith.constant 0 : i32
      %dma_wait3A_72 = tpu.memref_slice %arg10[%add3A_11, %dma_wait3A_71] : memref<10240x128xf32, #tpu.memory_space<vmem_shared>> -> memref<128x128xf32, #tpu.memory_space<vmem_shared>>
      tpu.wait_dma2 semaphore(%run_scoped3A : memref<!tpu.dma_semaphore, #tpu.memory_space<semaphore_mem>>) src(%arg8 : memref<128x128xf32, #tpu.memory_space<vmem>>) dst(%dma_wait3A_72 : memref<128x128xf32, #tpu.memory_space<vmem_shared>>)
      tpu.yield
    }) : () -> ()
    %add3A_12 = arith.constant 384 : i32
    %add3A_13 = arith.addi %mul3A_0, %add3A_12 : i32
    "tpu.region"() ({
      %run_scoped3A = tpu.sem_alloc : memref<!tpu.dma_semaphore, #tpu.memory_space<semaphore_mem>>
      %dma_start3A_65 = arith.constant 0 : i32
      %dma_start3A_66 = tpu.memref_slice %arg10[%add3A_13, %dma_start3A_65] : memref<10240x128xf32, #tpu.memory_space<vmem_shared>> -> memref<128x128xf32, #tpu.memory_space<vmem_shared>>
      %dma_start3A_67 = arith.constant 0 : i32
      %dma_start3A_68 = tpu.memref_slice %arg10[%add3A_13, %dma_start3A_67] : memref<10240x128xf32, #tpu.memory_space<vmem_shared>> -> memref<128x128xf32, #tpu.memory_space<vmem_shared>>
      tpu.enqueue_dma source(%arg8 : memref<128x128xf32, #tpu.memory_space<vmem>>) target(%dma_start3A_68 : memref<128x128xf32, #tpu.memory_space<vmem_shared>>) target_semaphore(%run_scoped3A : memref<!tpu.dma_semaphore, #tpu.memory_space<semaphore_mem>>)
      %dma_wait3A_69 = arith.constant 0 : i32
      %dma_wait3A_70 = tpu.memref_slice %arg10[%add3A_13, %dma_wait3A_69] : memref<10240x128xf32, #tpu.memory_space<vmem_shared>> -> memref<128x128xf32, #tpu.memory_space<vmem_shared>>
      %dma_wait3A_71 = arith.constant 0 : i32
      %dma_wait3A_72 = tpu.memref_slice %arg10[%add3A_13, %dma_wait3A_71] : memref<10240x128xf32, #tpu.memory_space<vmem_shared>> -> memref<128x128xf32, #tpu.memory_space<vmem_shared>>
      tpu.wait_dma2 semaphore(%run_scoped3A : memref<!tpu.dma_semaphore, #tpu.memory_space<semaphore_mem>>) src(%arg8 : memref<128x128xf32, #tpu.memory_space<vmem>>) dst(%dma_wait3A_72 : memref<128x128xf32, #tpu.memory_space<vmem_shared>>)
      tpu.yield
    }) : () -> ()
    %add3A_14 = arith.constant 512 : i32
    %add3A_15 = arith.addi %mul3A_0, %add3A_14 : i32
    "tpu.region"() ({
      %run_scoped3A = tpu.sem_alloc : memref<!tpu.dma_semaphore, #tpu.memory_space<semaphore_mem>>
      %dma_start3A_65 = arith.constant 0 : i32
      %dma_start3A_66 = tpu.memref_slice %arg10[%add3A_15, %dma_start3A_65] : memref<10240x128xf32, #tpu.memory_space<vmem_shared>> -> memref<128x128xf32, #tpu.memory_space<vmem_shared>>
      %dma_start3A_67 = arith.constant 0 : i32
      %dma_start3A_68 = tpu.memref_slice %arg10[%add3A_15, %dma_start3A_67] : memref<10240x128xf32, #tpu.memory_space<vmem_shared>> -> memref<128x128xf32, #tpu.memory_space<vmem_shared>>
      tpu.enqueue_dma source(%arg8 : memref<128x128xf32, #tpu.memory_space<vmem>>) target(%dma_start3A_68 : memref<128x128xf32, #tpu.memory_space<vmem_shared>>) target_semaphore(%run_scoped3A : memref<!tpu.dma_semaphore, #tpu.memory_space<semaphore_mem>>)
      %dma_wait3A_69 = arith.constant 0 : i32
      %dma_wait3A_70 = tpu.memref_slice %arg10[%add3A_15, %dma_wait3A_69] : memref<10240x128xf32, #tpu.memory_space<vmem_shared>> -> memref<128x128xf32, #tpu.memory_space<vmem_shared>>
      %dma_wait3A_71 = arith.constant 0 : i32
      %dma_wait3A_72 = tpu.memref_slice %arg10[%add3A_15, %dma_wait3A_71] : memref<10240x128xf32, #tpu.memory_space<vmem_shared>> -> memref<128x128xf32, #tpu.memory_space<vmem_shared>>
      tpu.wait_dma2 semaphore(%run_scoped3A : memref<!tpu.dma_semaphore, #tpu.memory_space<semaphore_mem>>) src(%arg8 : memref<128x128xf32, #tpu.memory_space<vmem>>) dst(%dma_wait3A_72 : memref<128x128xf32, #tpu.memory_space<vmem_shared>>)
      tpu.yield
    }) : () -> ()
    %barrier3A = arith.constant 0 : index
    tpu.barrier barrier_id(%barrier3A)
    "tpu.region"() ({
      %run_scoped3A = tpu.sem_alloc : memref<!tpu.dma_semaphore, #tpu.memory_space<semaphore_mem>>
      %dma_start3A_65 = arith.constant 0 : i32
      %dma_start3A_66 = arith.constant 0 : i32
      %dma_start3A_67 = tpu.memref_slice %arg2[%arg0, %arg1, %dma_start3A_65, %dma_start3A_66] : memref<2x16x80x128xi32, #tpu.memory_space<hbm>> -> memref<1x1x40x128xi32, #tpu.memory_space<hbm>>
      %dma_start3A_68 = tpu.memref_squeeze %dma_start3A_67 : memref<1x1x40x128xi32, #tpu.memory_space<hbm>> -> memref<40x128xi32, #tpu.memory_space<hbm>>
      %dma_start3A_69 = arith.constant 0 : i32
      %dma_start3A_70 = arith.constant 0 : i32
      %dma_start3A_71 = tpu.memref_slice %arg2[%arg0, %arg1, %dma_start3A_69, %dma_start3A_70] : memref<2x16x80x128xi32, #tpu.memory_space<hbm>> -> memref<1x1x40x128xi32, #tpu.memory_space<hbm>>
      %dma_start3A_72 = tpu.memref_squeeze %dma_start3A_71 : memref<1x1x40x128xi32, #tpu.memory_space<hbm>> -> memref<40x128xi32, #tpu.memory_space<hbm>>
      tpu.enqueue_dma source(%dma_start3A_72 : memref<40x128xi32, #tpu.memory_space<hbm>>) target(%arg6 : memref<40x128xi32, #tpu.memory_space<vmem>>) target_semaphore(%run_scoped3A : memref<!tpu.dma_semaphore, #tpu.memory_space<semaphore_mem>>)
      %dma_wait3A_73 = arith.constant 0 : i32
      %dma_wait3A_74 = arith.constant 0 : i32
      %dma_wait3A_75 = tpu.memref_slice %arg2[%arg0, %arg1, %dma_wait3A_73, %dma_wait3A_74] : memref<2x16x80x128xi32, #tpu.memory_space<hbm>> -> memref<1x1x40x128xi32, #tpu.memory_space<hbm>>
      %dma_wait3A_76 = tpu.memref_squeeze %dma_wait3A_75 : memref<1x1x40x128xi32, #tpu.memory_space<hbm>> -> memref<40x128xi32, #tpu.memory_space<hbm>>
      %dma_wait3A_77 = arith.constant 0 : i32
      %dma_wait3A_78 = arith.constant 0 : i32
      %dma_wait3A_79 = tpu.memref_slice %arg2[%arg0, %arg1, %dma_wait3A_77, %dma_wait3A_78] : memref<2x16x80x128xi32, #tpu.memory_space<hbm>> -> memref<1x1x40x128xi32, #tpu.memory_space<hbm>>
      %dma_wait3A_80 = tpu.memref_squeeze %dma_wait3A_79 : memref<1x1x40x128xi32, #tpu.memory_space<hbm>> -> memref<40x128xi32, #tpu.memory_space<hbm>>
      tpu.wait_dma2 semaphore(%run_scoped3A : memref<!tpu.dma_semaphore, #tpu.memory_space<semaphore_mem>>) src(%dma_wait3A_80 : memref<40x128xi32, #tpu.memory_space<hbm>>) dst(%arg6 : memref<40x128xi32, #tpu.memory_space<vmem>>)
      tpu.yield
    }) : () -> ()
    "tpu.region"() ({
      %run_scoped3A = tpu.sem_alloc : memref<!tpu.dma_semaphore, #tpu.memory_space<semaphore_mem>>
      %dma_start3A_65 = arith.constant 0 : i32
      %dma_start3A_66 = arith.constant 0 : i32
      %dma_start3A_67 = tpu.memref_slice %arg3[%arg0, %arg1, %dma_start3A_65, %dma_start3A_66] : memref<2x16x80x128xi32, #tpu.memory_space<hbm>> -> memref<1x1x40x128xi32, #tpu.memory_space<hbm>>
      %dma_start3A_68 = tpu.memref_squeeze %dma_start3A_67 : memref<1x1x40x128xi32, #tpu.memory_space<hbm>> -> memref<40x128xi32, #tpu.memory_space<hbm>>
      %dma_start3A_69 = arith.constant 0 : i32
      %dma_start3A_70 = arith.constant 0 : i32
      %dma_start3A_71 = tpu.memref_slice %arg3[%arg0, %arg1, %dma_start3A_69, %dma_start3A_70] : memref<2x16x80x128xi32, #tpu.memory_space<hbm>> -> memref<1x1x40x128xi32, #tpu.memory_space<hbm>>
      %dma_start3A_72 = tpu.memref_squeeze %dma_start3A_71 : memref<1x1x40x128xi32, #tpu.memory_space<hbm>> -> memref<40x128xi32, #tpu.memory_space<hbm>>
      tpu.enqueue_dma source(%dma_start3A_72 : memref<40x128xi32, #tpu.memory_space<hbm>>) target(%arg7 : memref<40x128xi32, #tpu.memory_space<vmem>>) target_semaphore(%run_scoped3A : memref<!tpu.dma_semaphore, #tpu.memory_space<semaphore_mem>>)
      %dma_wait3A_73 = arith.constant 0 : i32
      %dma_wait3A_74 = arith.constant 0 : i32
      %dma_wait3A_75 = tpu.memref_slice %arg3[%arg0, %arg1, %dma_wait3A_73, %dma_wait3A_74] : memref<2x16x80x128xi32, #tpu.memory_space<hbm>> -> memref<1x1x40x128xi32, #tpu.memory_space<hbm>>
      %dma_wait3A_76 = tpu.memref_squeeze %dma_wait3A_75 : memref<1x1x40x128xi32, #tpu.memory_space<hbm>> -> memref<40x128xi32, #tpu.memory_space<hbm>>
      %dma_wait3A_77 = arith.constant 0 : i32
      %dma_wait3A_78 = arith.constant 0 : i32
      %dma_wait3A_79 = tpu.memref_slice %arg3[%arg0, %arg1, %dma_wait3A_77, %dma_wait3A_78] : memref<2x16x80x128xi32, #tpu.memory_space<hbm>> -> memref<1x1x40x128xi32, #tpu.memory_space<hbm>>
      %dma_wait3A_80 = tpu.memref_squeeze %dma_wait3A_79 : memref<1x1x40x128xi32, #tpu.memory_space<hbm>> -> memref<40x128xi32, #tpu.memory_space<hbm>>
      tpu.wait_dma2 semaphore(%run_scoped3A : memref<!tpu.dma_semaphore, #tpu.memory_space<semaphore_mem>>) src(%dma_wait3A_80 : memref<40x128xi32, #tpu.memory_space<hbm>>) dst(%arg7 : memref<40x128xi32, #tpu.memory_space<vmem>>)
      tpu.yield
    }) : () -> ()
    %dma_start3A = arith.constant 0 : i32
    %dma_start3A_16 = arith.constant 0 : i32
    %dma_start3A_17 = tpu.memref_slice %arg6[%dma_start3A, %dma_start3A_16] : memref<40x128xi32, #tpu.memory_space<vmem>> -> memref<1x128xi32, #tpu.memory_space<vmem>>
    %dma_start3A_18 = tpu.memref_squeeze %dma_start3A_17 : memref<1x128xi32, #tpu.memory_space<vmem>> -> memref<128xi32, #tpu.memory_space<vmem>>
    %dma_start3A_19 = arith.constant 0 : i32
    %dma_start3A_20 = arith.constant 0 : i32
    %dma_start3A_21 = tpu.memref_slice %arg4[%dma_start3A_19, %dma_start3A_20] : memref<10000x128xf32, #tpu.memory_space<hbm>> -> memref<10000x128xf32, #tpu.memory_space<hbm>>
    tpu.enqueue_indirect_dma source(%dma_start3A_21 : memref<10000x128xf32, #tpu.memory_space<hbm>>) target(%arg8 : memref<128x128xf32, #tpu.memory_space<vmem>>) offsets(%dma_start3A_18 : memref<128xi32, #tpu.memory_space<vmem>>) semaphore(%arg11 : memref<!tpu.dma_semaphore, #tpu.memory_space<semaphore_mem>>)
    %scan3A_22 = arith.constant 0 : i32
    %scan3A_23 = arith.constant 0 : i32
    %scan3A_24 = arith.constant 20 : i32
    %scan3A_25 = arith.addi %scan3A_23, %scan3A_24 : i32
    %scan3A_26 = arith.constant 1 : i32
    scf.for %scan3A_65 = %scan3A_23 to %scan3A_25 step %scan3A_26  : i32 {
      %mul3A_66 = arith.constant 2 : i32
      %mul3A_67 = arith.muli %mul3A_66, %scan3A_65 : i32
      %gt3A = arith.constant 0 : i32
      %gt3A_68 = arith.cmpi sgt, %scan3A_65, %gt3A : i32
      %convert_element_type3A = arith.extui %gt3A_68 : i1 to i32
      %cond3A = arith.constant 0 : i32
      %cond3A_69 = arith.cmpi ne, %convert_element_type3A, %cond3A : i32
      scf.if %cond3A_69 {
        %sub3A = arith.constant 1 : i32
        %sub3A_116 = arith.subi %mul3A_67, %sub3A : i32
        %dma_wait3A_117 = arith.constant 0 : i32
        %dma_wait3A_118 = tpu.memref_slice %arg7[%sub3A_116, %dma_wait3A_117] : memref<40x128xi32, #tpu.memory_space<vmem>> -> memref<1x128xi32, #tpu.memory_space<vmem>>
        %dma_wait3A_119 = tpu.memref_squeeze %dma_wait3A_118 : memref<1x128xi32, #tpu.memory_space<vmem>> -> memref<128xi32, #tpu.memory_space<vmem>>
        %dma_wait3A_120 = arith.constant 0 : i32
        %dma_wait3A_121 = arith.constant 0 : i32
        %dma_wait3A_122 = tpu.memref_slice %arg10[%dma_wait3A_120, %dma_wait3A_121] : memref<10240x128xf32, #tpu.memory_space<vmem_shared>> -> memref<10240x128xf32, #tpu.memory_space<vmem_shared>>
        tpu.wait_indirect_dma semaphore(%arg14 : memref<!tpu.dma_semaphore, #tpu.memory_space<semaphore_mem>>) src(%arg9 : memref<128x128xf32, #tpu.memory_space<vmem>>) dst(%dma_wait3A_122 : memref<10240x128xf32, #tpu.memory_space<vmem_shared>>)
      } else {
      }
      %add3A_70 = arith.constant 1 : i32
      %add3A_71 = arith.addi %mul3A_67, %add3A_70 : i32
      %dma_start3A_72 = arith.constant 0 : i32
      %dma_start3A_73 = tpu.memref_slice %arg6[%add3A_71, %dma_start3A_72] : memref<40x128xi32, #tpu.memory_space<vmem>> -> memref<1x128xi32, #tpu.memory_space<vmem>>
      %dma_start3A_74 = tpu.memref_squeeze %dma_start3A_73 : memref<1x128xi32, #tpu.memory_space<vmem>> -> memref<128xi32, #tpu.memory_space<vmem>>
      %dma_start3A_75 = arith.constant 0 : i32
      %dma_start3A_76 = arith.constant 0 : i32
      %dma_start3A_77 = tpu.memref_slice %arg4[%dma_start3A_75, %dma_start3A_76] : memref<10000x128xf32, #tpu.memory_space<hbm>> -> memref<10000x128xf32, #tpu.memory_space<hbm>>
      tpu.enqueue_indirect_dma source(%dma_start3A_77 : memref<10000x128xf32, #tpu.memory_space<hbm>>) target(%arg9 : memref<128x128xf32, #tpu.memory_space<vmem>>) offsets(%dma_start3A_74 : memref<128xi32, #tpu.memory_space<vmem>>) semaphore(%arg12 : memref<!tpu.dma_semaphore, #tpu.memory_space<semaphore_mem>>)
      %dma_wait3A_78 = arith.constant 0 : i32
      %dma_wait3A_79 = tpu.memref_slice %arg6[%mul3A_67, %dma_wait3A_78] : memref<40x128xi32, #tpu.memory_space<vmem>> -> memref<1x128xi32, #tpu.memory_space<vmem>>
      %dma_wait3A_80 = tpu.memref_squeeze %dma_wait3A_79 : memref<1x128xi32, #tpu.memory_space<vmem>> -> memref<128xi32, #tpu.memory_space<vmem>>
      %dma_wait3A_81 = arith.constant 0 : i32
      %dma_wait3A_82 = arith.constant 0 : i32
      %dma_wait3A_83 = tpu.memref_slice %arg4[%dma_wait3A_81, %dma_wait3A_82] : memref<10000x128xf32, #tpu.memory_space<hbm>> -> memref<10000x128xf32, #tpu.memory_space<hbm>>
      tpu.wait_indirect_dma semaphore(%arg11 : memref<!tpu.dma_semaphore, #tpu.memory_space<semaphore_mem>>) src(%dma_wait3A_83 : memref<10000x128xf32, #tpu.memory_space<hbm>>) dst(%arg8 : memref<128x128xf32, #tpu.memory_space<vmem>>)
      %dma_start3A_84 = arith.constant 0 : i32
      %dma_start3A_85 = tpu.memref_slice %arg7[%mul3A_67, %dma_start3A_84] : memref<40x128xi32, #tpu.memory_space<vmem>> -> memref<1x128xi32, #tpu.memory_space<vmem>>
      %dma_start3A_86 = tpu.memref_squeeze %dma_start3A_85 : memref<1x128xi32, #tpu.memory_space<vmem>> -> memref<128xi32, #tpu.memory_space<vmem>>
      %dma_start3A_87 = arith.constant 0 : i32
      %dma_start3A_88 = arith.constant 0 : i32
      %dma_start3A_89 = tpu.memref_slice %arg10[%dma_start3A_87, %dma_start3A_88] : memref<10240x128xf32, #tpu.memory_space<vmem_shared>> -> memref<10240x128xf32, #tpu.memory_space<vmem_shared>>
      tpu.enqueue_indirect_dma source(%arg8 : memref<128x128xf32, #tpu.memory_space<vmem>>) target(%dma_start3A_89 : memref<10240x128xf32, #tpu.memory_space<vmem_shared>>) offsets(%dma_start3A_86 : memref<128xi32, #tpu.memory_space<vmem>>) semaphore(%arg13 : memref<!tpu.dma_semaphore, #tpu.memory_space<semaphore_mem>>) {add = true}
      %dma_wait3A_90 = arith.constant 0 : i32
      %dma_wait3A_91 = tpu.memref_slice %arg7[%mul3A_67, %dma_wait3A_90] : memref<40x128xi32, #tpu.memory_space<vmem>> -> memref<1x128xi32, #tpu.memory_space<vmem>>
      %dma_wait3A_92 = tpu.memref_squeeze %dma_wait3A_91 : memref<1x128xi32, #tpu.memory_space<vmem>> -> memref<128xi32, #tpu.memory_space<vmem>>
      %dma_wait3A_93 = arith.constant 0 : i32
      %dma_wait3A_94 = arith.constant 0 : i32
      %dma_wait3A_95 = tpu.memref_slice %arg10[%dma_wait3A_93, %dma_wait3A_94] : memref<10240x128xf32, #tpu.memory_space<vmem_shared>> -> memref<10240x128xf32, #tpu.memory_space<vmem_shared>>
      tpu.wait_indirect_dma semaphore(%arg13 : memref<!tpu.dma_semaphore, #tpu.memory_space<semaphore_mem>>) src(%arg8 : memref<128x128xf32, #tpu.memory_space<vmem>>) dst(%dma_wait3A_95 : memref<10240x128xf32, #tpu.memory_space<vmem_shared>>)
      %lt3A = arith.constant 19 : i32
      %lt3A_96 = arith.cmpi slt, %scan3A_65, %lt3A : i32
      %convert_element_type3A_97 = arith.extui %lt3A_96 : i1 to i32
      %cond3A_98 = arith.constant 0 : i32
      %cond3A_99 = arith.cmpi ne, %convert_element_type3A_97, %cond3A_98 : i32
      scf.if %cond3A_99 {
        %add3A_116 = arith.constant 2 : i32
        %add3A_117 = arith.addi %mul3A_67, %add3A_116 : i32
        %dma_start3A_118 = arith.constant 0 : i32
        %dma_start3A_119 = tpu.memref_slice %arg6[%add3A_117, %dma_start3A_118] : memref<40x128xi32, #tpu.memory_space<vmem>> -> memref<1x128xi32, #tpu.memory_space<vmem>>
        %dma_start3A_120 = tpu.memref_squeeze %dma_start3A_119 : memref<1x128xi32, #tpu.memory_space<vmem>> -> memref<128xi32, #tpu.memory_space<vmem>>
        %dma_start3A_121 = arith.constant 0 : i32
        %dma_start3A_122 = arith.constant 0 : i32
        %dma_start3A_123 = tpu.memref_slice %arg4[%dma_start3A_121, %dma_start3A_122] : memref<10000x128xf32, #tpu.memory_space<hbm>> -> memref<10000x128xf32, #tpu.memory_space<hbm>>
        tpu.enqueue_indirect_dma source(%dma_start3A_123 : memref<10000x128xf32, #tpu.memory_space<hbm>>) target(%arg8 : memref<128x128xf32, #tpu.memory_space<vmem>>) offsets(%dma_start3A_120 : memref<128xi32, #tpu.memory_space<vmem>>) semaphore(%arg11 : memref<!tpu.dma_semaphore, #tpu.memory_space<semaphore_mem>>)
      } else {
      }
      %add3A_100 = arith.constant 1 : i32
      %add3A_101 = arith.addi %mul3A_67, %add3A_100 : i32
      %dma_wait3A_102 = arith.constant 0 : i32
      %dma_wait3A_103 = tpu.memref_slice %arg6[%add3A_101, %dma_wait3A_102] : memref<40x128xi32, #tpu.memory_space<vmem>> -> memref<1x128xi32, #tpu.memory_space<vmem>>
      %dma_wait3A_104 = tpu.memref_squeeze %dma_wait3A_103 : memref<1x128xi32, #tpu.memory_space<vmem>> -> memref<128xi32, #tpu.memory_space<vmem>>
      %dma_wait3A_105 = arith.constant 0 : i32
      %dma_wait3A_106 = arith.constant 0 : i32
      %dma_wait3A_107 = tpu.memref_slice %arg4[%dma_wait3A_105, %dma_wait3A_106] : memref<10000x128xf32, #tpu.memory_space<hbm>> -> memref<10000x128xf32, #tpu.memory_space<hbm>>
      tpu.wait_indirect_dma semaphore(%arg12 : memref<!tpu.dma_semaphore, #tpu.memory_space<semaphore_mem>>) src(%dma_wait3A_107 : memref<10000x128xf32, #tpu.memory_space<hbm>>) dst(%arg9 : memref<128x128xf32, #tpu.memory_space<vmem>>)
      %add3A_108 = arith.constant 1 : i32
      %add3A_109 = arith.addi %mul3A_67, %add3A_108 : i32
      %dma_start3A_110 = arith.constant 0 : i32
      %dma_start3A_111 = tpu.memref_slice %arg7[%add3A_109, %dma_start3A_110] : memref<40x128xi32, #tpu.memory_space<vmem>> -> memref<1x128xi32, #tpu.memory_space<vmem>>
      %dma_start3A_112 = tpu.memref_squeeze %dma_start3A_111 : memref<1x128xi32, #tpu.memory_space<vmem>> -> memref<128xi32, #tpu.memory_space<vmem>>
      %dma_start3A_113 = arith.constant 0 : i32
      %dma_start3A_114 = arith.constant 0 : i32
      %dma_start3A_115 = tpu.memref_slice %arg10[%dma_start3A_113, %dma_start3A_114] : memref<10240x128xf32, #tpu.memory_space<vmem_shared>> -> memref<10240x128xf32, #tpu.memory_space<vmem_shared>>
      tpu.enqueue_indirect_dma source(%arg9 : memref<128x128xf32, #tpu.memory_space<vmem>>) target(%dma_start3A_115 : memref<10240x128xf32, #tpu.memory_space<vmem_shared>>) offsets(%dma_start3A_112 : memref<128xi32, #tpu.memory_space<vmem>>) semaphore(%arg14 : memref<!tpu.dma_semaphore, #tpu.memory_space<semaphore_mem>>) {add = true}
    }
    %scan3A_27 = arith.constant 20 : i32
    %dma_wait3A = arith.constant 39 : i32
    %dma_wait3A_28 = arith.constant 0 : i32
    %dma_wait3A_29 = tpu.memref_slice %arg7[%dma_wait3A, %dma_wait3A_28] : memref<40x128xi32, #tpu.memory_space<vmem>> -> memref<1x128xi32, #tpu.memory_space<vmem>>
    %dma_wait3A_30 = tpu.memref_squeeze %dma_wait3A_29 : memref<1x128xi32, #tpu.memory_space<vmem>> -> memref<128xi32, #tpu.memory_space<vmem>>
    %dma_wait3A_31 = arith.constant 0 : i32
    %dma_wait3A_32 = arith.constant 0 : i32
    %dma_wait3A_33 = tpu.memref_slice %arg10[%dma_wait3A_31, %dma_wait3A_32] : memref<10240x128xf32, #tpu.memory_space<vmem_shared>> -> memref<10240x128xf32, #tpu.memory_space<vmem_shared>>
    tpu.wait_indirect_dma semaphore(%arg14 : memref<!tpu.dma_semaphore, #tpu.memory_space<semaphore_mem>>) src(%arg9 : memref<128x128xf32, #tpu.memory_space<vmem>>) dst(%dma_wait3A_33 : memref<10240x128xf32, #tpu.memory_space<vmem_shared>>)
    "tpu.region"() ({
      %run_scoped3A = tpu.sem_alloc : memref<!tpu.dma_semaphore, #tpu.memory_space<semaphore_mem>>
      %dma_start3A_65 = arith.constant 40 : i32
      %dma_start3A_66 = arith.constant 0 : i32
      %dma_start3A_67 = tpu.memref_slice %arg2[%arg0, %arg1, %dma_start3A_65, %dma_start3A_66] : memref<2x16x80x128xi32, #tpu.memory_space<hbm>> -> memref<1x1x40x128xi32, #tpu.memory_space<hbm>>
      %dma_start3A_68 = tpu.memref_squeeze %dma_start3A_67 : memref<1x1x40x128xi32, #tpu.memory_space<hbm>> -> memref<40x128xi32, #tpu.memory_space<hbm>>
      %dma_start3A_69 = arith.constant 40 : i32
      %dma_start3A_70 = arith.constant 0 : i32
      %dma_start3A_71 = tpu.memref_slice %arg2[%arg0, %arg1, %dma_start3A_69, %dma_start3A_70] : memref<2x16x80x128xi32, #tpu.memory_space<hbm>> -> memref<1x1x40x128xi32, #tpu.memory_space<hbm>>
      %dma_start3A_72 = tpu.memref_squeeze %dma_start3A_71 : memref<1x1x40x128xi32, #tpu.memory_space<hbm>> -> memref<40x128xi32, #tpu.memory_space<hbm>>
      tpu.enqueue_dma source(%dma_start3A_72 : memref<40x128xi32, #tpu.memory_space<hbm>>) target(%arg6 : memref<40x128xi32, #tpu.memory_space<vmem>>) target_semaphore(%run_scoped3A : memref<!tpu.dma_semaphore, #tpu.memory_space<semaphore_mem>>)
      %dma_wait3A_73 = arith.constant 40 : i32
      %dma_wait3A_74 = arith.constant 0 : i32
      %dma_wait3A_75 = tpu.memref_slice %arg2[%arg0, %arg1, %dma_wait3A_73, %dma_wait3A_74] : memref<2x16x80x128xi32, #tpu.memory_space<hbm>> -> memref<1x1x40x128xi32, #tpu.memory_space<hbm>>
      %dma_wait3A_76 = tpu.memref_squeeze %dma_wait3A_75 : memref<1x1x40x128xi32, #tpu.memory_space<hbm>> -> memref<40x128xi32, #tpu.memory_space<hbm>>
      %dma_wait3A_77 = arith.constant 40 : i32
      %dma_wait3A_78 = arith.constant 0 : i32
      %dma_wait3A_79 = tpu.memref_slice %arg2[%arg0, %arg1, %dma_wait3A_77, %dma_wait3A_78] : memref<2x16x80x128xi32, #tpu.memory_space<hbm>> -> memref<1x1x40x128xi32, #tpu.memory_space<hbm>>
      %dma_wait3A_80 = tpu.memref_squeeze %dma_wait3A_79 : memref<1x1x40x128xi32, #tpu.memory_space<hbm>> -> memref<40x128xi32, #tpu.memory_space<hbm>>
      tpu.wait_dma2 semaphore(%run_scoped3A : memref<!tpu.dma_semaphore, #tpu.memory_space<semaphore_mem>>) src(%dma_wait3A_80 : memref<40x128xi32, #tpu.memory_space<hbm>>) dst(%arg6 : memref<40x128xi32, #tpu.memory_space<vmem>>)
      tpu.yield
    }) : () -> ()
    "tpu.region"() ({
      %run_scoped3A = tpu.sem_alloc : memref<!tpu.dma_semaphore, #tpu.memory_space<semaphore_mem>>
      %dma_start3A_65 = arith.constant 40 : i32
      %dma_start3A_66 = arith.constant 0 : i32
      %dma_start3A_67 = tpu.memref_slice %arg3[%arg0, %arg1, %dma_start3A_65, %dma_start3A_66] : memref<2x16x80x128xi32, #tpu.memory_space<hbm>> -> memref<1x1x40x128xi32, #tpu.memory_space<hbm>>
      %dma_start3A_68 = tpu.memref_squeeze %dma_start3A_67 : memref<1x1x40x128xi32, #tpu.memory_space<hbm>> -> memref<40x128xi32, #tpu.memory_space<hbm>>
      %dma_start3A_69 = arith.constant 40 : i32
      %dma_start3A_70 = arith.constant 0 : i32
      %dma_start3A_71 = tpu.memref_slice %arg3[%arg0, %arg1, %dma_start3A_69, %dma_start3A_70] : memref<2x16x80x128xi32, #tpu.memory_space<hbm>> -> memref<1x1x40x128xi32, #tpu.memory_space<hbm>>
      %dma_start3A_72 = tpu.memref_squeeze %dma_start3A_71 : memref<1x1x40x128xi32, #tpu.memory_space<hbm>> -> memref<40x128xi32, #tpu.memory_space<hbm>>
      tpu.enqueue_dma source(%dma_start3A_72 : memref<40x128xi32, #tpu.memory_space<hbm>>) target(%arg7 : memref<40x128xi32, #tpu.memory_space<vmem>>) target_semaphore(%run_scoped3A : memref<!tpu.dma_semaphore, #tpu.memory_space<semaphore_mem>>)
      %dma_wait3A_73 = arith.constant 40 : i32
      %dma_wait3A_74 = arith.constant 0 : i32
      %dma_wait3A_75 = tpu.memref_slice %arg3[%arg0, %arg1, %dma_wait3A_73, %dma_wait3A_74] : memref<2x16x80x128xi32, #tpu.memory_space<hbm>> -> memref<1x1x40x128xi32, #tpu.memory_space<hbm>>
      %dma_wait3A_76 = tpu.memref_squeeze %dma_wait3A_75 : memref<1x1x40x128xi32, #tpu.memory_space<hbm>> -> memref<40x128xi32, #tpu.memory_space<hbm>>
      %dma_wait3A_77 = arith.constant 40 : i32
      %dma_wait3A_78 = arith.constant 0 : i32
      %dma_wait3A_79 = tpu.memref_slice %arg3[%arg0, %arg1, %dma_wait3A_77, %dma_wait3A_78] : memref<2x16x80x128xi32, #tpu.memory_space<hbm>> -> memref<1x1x40x128xi32, #tpu.memory_space<hbm>>
      %dma_wait3A_80 = tpu.memref_squeeze %dma_wait3A_79 : memref<1x1x40x128xi32, #tpu.memory_space<hbm>> -> memref<40x128xi32, #tpu.memory_space<hbm>>
      tpu.wait_dma2 semaphore(%run_scoped3A : memref<!tpu.dma_semaphore, #tpu.memory_space<semaphore_mem>>) src(%dma_wait3A_80 : memref<40x128xi32, #tpu.memory_space<hbm>>) dst(%arg7 : memref<40x128xi32, #tpu.memory_space<vmem>>)
      tpu.yield
    }) : () -> ()
    %dma_start3A_34 = arith.constant 0 : i32
    %dma_start3A_35 = arith.constant 0 : i32
    %dma_start3A_36 = tpu.memref_slice %arg6[%dma_start3A_34, %dma_start3A_35] : memref<40x128xi32, #tpu.memory_space<vmem>> -> memref<1x128xi32, #tpu.memory_space<vmem>>
    %dma_start3A_37 = tpu.memref_squeeze %dma_start3A_36 : memref<1x128xi32, #tpu.memory_space<vmem>> -> memref<128xi32, #tpu.memory_space<vmem>>
    %dma_start3A_38 = arith.constant 0 : i32
    %dma_start3A_39 = arith.constant 0 : i32
    %dma_start3A_40 = tpu.memref_slice %arg4[%dma_start3A_38, %dma_start3A_39] : memref<10000x128xf32, #tpu.memory_space<hbm>> -> memref<10000x128xf32, #tpu.memory_space<hbm>>
    tpu.enqueue_indirect_dma source(%dma_start3A_40 : memref<10000x128xf32, #tpu.memory_space<hbm>>) target(%arg8 : memref<128x128xf32, #tpu.memory_space<vmem>>) offsets(%dma_start3A_37 : memref<128xi32, #tpu.memory_space<vmem>>) semaphore(%arg11 : memref<!tpu.dma_semaphore, #tpu.memory_space<semaphore_mem>>)
    %scan3A_41 = arith.constant 0 : i32
    %scan3A_42 = arith.constant 0 : i32
    %scan3A_43 = arith.constant 20 : i32
    %scan3A_44 = arith.addi %scan3A_42, %scan3A_43 : i32
    %scan3A_45 = arith.constant 1 : i32
    scf.for %scan3A_65 = %scan3A_42 to %scan3A_44 step %scan3A_45  : i32 {
      %mul3A_66 = arith.constant 2 : i32
      %mul3A_67 = arith.muli %mul3A_66, %scan3A_65 : i32
      %gt3A = arith.constant 0 : i32
      %gt3A_68 = arith.cmpi sgt, %scan3A_65, %gt3A : i32
      %convert_element_type3A = arith.extui %gt3A_68 : i1 to i32
      %cond3A = arith.constant 0 : i32
      %cond3A_69 = arith.cmpi ne, %convert_element_type3A, %cond3A : i32
      scf.if %cond3A_69 {
        %sub3A = arith.constant 1 : i32
        %sub3A_116 = arith.subi %mul3A_67, %sub3A : i32
        %dma_wait3A_117 = arith.constant 0 : i32
        %dma_wait3A_118 = tpu.memref_slice %arg7[%sub3A_116, %dma_wait3A_117] : memref<40x128xi32, #tpu.memory_space<vmem>> -> memref<1x128xi32, #tpu.memory_space<vmem>>
        %dma_wait3A_119 = tpu.memref_squeeze %dma_wait3A_118 : memref<1x128xi32, #tpu.memory_space<vmem>> -> memref<128xi32, #tpu.memory_space<vmem>>
        %dma_wait3A_120 = arith.constant 0 : i32
        %dma_wait3A_121 = arith.constant 0 : i32
        %dma_wait3A_122 = tpu.memref_slice %arg10[%dma_wait3A_120, %dma_wait3A_121] : memref<10240x128xf32, #tpu.memory_space<vmem_shared>> -> memref<10240x128xf32, #tpu.memory_space<vmem_shared>>
        tpu.wait_indirect_dma semaphore(%arg14 : memref<!tpu.dma_semaphore, #tpu.memory_space<semaphore_mem>>) src(%arg9 : memref<128x128xf32, #tpu.memory_space<vmem>>) dst(%dma_wait3A_122 : memref<10240x128xf32, #tpu.memory_space<vmem_shared>>)
      } else {
      }
      %add3A_70 = arith.constant 1 : i32
      %add3A_71 = arith.addi %mul3A_67, %add3A_70 : i32
      %dma_start3A_72 = arith.constant 0 : i32
      %dma_start3A_73 = tpu.memref_slice %arg6[%add3A_71, %dma_start3A_72] : memref<40x128xi32, #tpu.memory_space<vmem>> -> memref<1x128xi32, #tpu.memory_space<vmem>>
      %dma_start3A_74 = tpu.memref_squeeze %dma_start3A_73 : memref<1x128xi32, #tpu.memory_space<vmem>> -> memref<128xi32, #tpu.memory_space<vmem>>
      %dma_start3A_75 = arith.constant 0 : i32
      %dma_start3A_76 = arith.constant 0 : i32
      %dma_start3A_77 = tpu.memref_slice %arg4[%dma_start3A_75, %dma_start3A_76] : memref<10000x128xf32, #tpu.memory_space<hbm>> -> memref<10000x128xf32, #tpu.memory_space<hbm>>
      tpu.enqueue_indirect_dma source(%dma_start3A_77 : memref<10000x128xf32, #tpu.memory_space<hbm>>) target(%arg9 : memref<128x128xf32, #tpu.memory_space<vmem>>) offsets(%dma_start3A_74 : memref<128xi32, #tpu.memory_space<vmem>>) semaphore(%arg12 : memref<!tpu.dma_semaphore, #tpu.memory_space<semaphore_mem>>)
      %dma_wait3A_78 = arith.constant 0 : i32
      %dma_wait3A_79 = tpu.memref_slice %arg6[%mul3A_67, %dma_wait3A_78] : memref<40x128xi32, #tpu.memory_space<vmem>> -> memref<1x128xi32, #tpu.memory_space<vmem>>
      %dma_wait3A_80 = tpu.memref_squeeze %dma_wait3A_79 : memref<1x128xi32, #tpu.memory_space<vmem>> -> memref<128xi32, #tpu.memory_space<vmem>>
      %dma_wait3A_81 = arith.constant 0 : i32
      %dma_wait3A_82 = arith.constant 0 : i32
      %dma_wait3A_83 = tpu.memref_slice %arg4[%dma_wait3A_81, %dma_wait3A_82] : memref<10000x128xf32, #tpu.memory_space<hbm>> -> memref<10000x128xf32, #tpu.memory_space<hbm>>
      tpu.wait_indirect_dma semaphore(%arg11 : memref<!tpu.dma_semaphore, #tpu.memory_space<semaphore_mem>>) src(%dma_wait3A_83 : memref<10000x128xf32, #tpu.memory_space<hbm>>) dst(%arg8 : memref<128x128xf32, #tpu.memory_space<vmem>>)
      %dma_start3A_84 = arith.constant 0 : i32
      %dma_start3A_85 = tpu.memref_slice %arg7[%mul3A_67, %dma_start3A_84] : memref<40x128xi32, #tpu.memory_space<vmem>> -> memref<1x128xi32, #tpu.memory_space<vmem>>
      %dma_start3A_86 = tpu.memref_squeeze %dma_start3A_85 : memref<1x128xi32, #tpu.memory_space<vmem>> -> memref<128xi32, #tpu.memory_space<vmem>>
      %dma_start3A_87 = arith.constant 0 : i32
      %dma_start3A_88 = arith.constant 0 : i32
      %dma_start3A_89 = tpu.memref_slice %arg10[%dma_start3A_87, %dma_start3A_88] : memref<10240x128xf32, #tpu.memory_space<vmem_shared>> -> memref<10240x128xf32, #tpu.memory_space<vmem_shared>>
      tpu.enqueue_indirect_dma source(%arg8 : memref<128x128xf32, #tpu.memory_space<vmem>>) target(%dma_start3A_89 : memref<10240x128xf32, #tpu.memory_space<vmem_shared>>) offsets(%dma_start3A_86 : memref<128xi32, #tpu.memory_space<vmem>>) semaphore(%arg13 : memref<!tpu.dma_semaphore, #tpu.memory_space<semaphore_mem>>) {add = true}
      %dma_wait3A_90 = arith.constant 0 : i32
      %dma_wait3A_91 = tpu.memref_slice %arg7[%mul3A_67, %dma_wait3A_90] : memref<40x128xi32, #tpu.memory_space<vmem>> -> memref<1x128xi32, #tpu.memory_space<vmem>>
      %dma_wait3A_92 = tpu.memref_squeeze %dma_wait3A_91 : memref<1x128xi32, #tpu.memory_space<vmem>> -> memref<128xi32, #tpu.memory_space<vmem>>
      %dma_wait3A_93 = arith.constant 0 : i32
      %dma_wait3A_94 = arith.constant 0 : i32
      %dma_wait3A_95 = tpu.memref_slice %arg10[%dma_wait3A_93, %dma_wait3A_94] : memref<10240x128xf32, #tpu.memory_space<vmem_shared>> -> memref<10240x128xf32, #tpu.memory_space<vmem_shared>>
      tpu.wait_indirect_dma semaphore(%arg13 : memref<!tpu.dma_semaphore, #tpu.memory_space<semaphore_mem>>) src(%arg8 : memref<128x128xf32, #tpu.memory_space<vmem>>) dst(%dma_wait3A_95 : memref<10240x128xf32, #tpu.memory_space<vmem_shared>>)
      %lt3A = arith.constant 19 : i32
      %lt3A_96 = arith.cmpi slt, %scan3A_65, %lt3A : i32
      %convert_element_type3A_97 = arith.extui %lt3A_96 : i1 to i32
      %cond3A_98 = arith.constant 0 : i32
      %cond3A_99 = arith.cmpi ne, %convert_element_type3A_97, %cond3A_98 : i32
      scf.if %cond3A_99 {
        %add3A_116 = arith.constant 2 : i32
        %add3A_117 = arith.addi %mul3A_67, %add3A_116 : i32
        %dma_start3A_118 = arith.constant 0 : i32
        %dma_start3A_119 = tpu.memref_slice %arg6[%add3A_117, %dma_start3A_118] : memref<40x128xi32, #tpu.memory_space<vmem>> -> memref<1x128xi32, #tpu.memory_space<vmem>>
        %dma_start3A_120 = tpu.memref_squeeze %dma_start3A_119 : memref<1x128xi32, #tpu.memory_space<vmem>> -> memref<128xi32, #tpu.memory_space<vmem>>
        %dma_start3A_121 = arith.constant 0 : i32
        %dma_start3A_122 = arith.constant 0 : i32
        %dma_start3A_123 = tpu.memref_slice %arg4[%dma_start3A_121, %dma_start3A_122] : memref<10000x128xf32, #tpu.memory_space<hbm>> -> memref<10000x128xf32, #tpu.memory_space<hbm>>
        tpu.enqueue_indirect_dma source(%dma_start3A_123 : memref<10000x128xf32, #tpu.memory_space<hbm>>) target(%arg8 : memref<128x128xf32, #tpu.memory_space<vmem>>) offsets(%dma_start3A_120 : memref<128xi32, #tpu.memory_space<vmem>>) semaphore(%arg11 : memref<!tpu.dma_semaphore, #tpu.memory_space<semaphore_mem>>)
      } else {
      }
      %add3A_100 = arith.constant 1 : i32
      %add3A_101 = arith.addi %mul3A_67, %add3A_100 : i32
      %dma_wait3A_102 = arith.constant 0 : i32
      %dma_wait3A_103 = tpu.memref_slice %arg6[%add3A_101, %dma_wait3A_102] : memref<40x128xi32, #tpu.memory_space<vmem>> -> memref<1x128xi32, #tpu.memory_space<vmem>>
      %dma_wait3A_104 = tpu.memref_squeeze %dma_wait3A_103 : memref<1x128xi32, #tpu.memory_space<vmem>> -> memref<128xi32, #tpu.memory_space<vmem>>
      %dma_wait3A_105 = arith.constant 0 : i32
      %dma_wait3A_106 = arith.constant 0 : i32
      %dma_wait3A_107 = tpu.memref_slice %arg4[%dma_wait3A_105, %dma_wait3A_106] : memref<10000x128xf32, #tpu.memory_space<hbm>> -> memref<10000x128xf32, #tpu.memory_space<hbm>>
      tpu.wait_indirect_dma semaphore(%arg12 : memref<!tpu.dma_semaphore, #tpu.memory_space<semaphore_mem>>) src(%dma_wait3A_107 : memref<10000x128xf32, #tpu.memory_space<hbm>>) dst(%arg9 : memref<128x128xf32, #tpu.memory_space<vmem>>)
      %add3A_108 = arith.constant 1 : i32
      %add3A_109 = arith.addi %mul3A_67, %add3A_108 : i32
      %dma_start3A_110 = arith.constant 0 : i32
      %dma_start3A_111 = tpu.memref_slice %arg7[%add3A_109, %dma_start3A_110] : memref<40x128xi32, #tpu.memory_space<vmem>> -> memref<1x128xi32, #tpu.memory_space<vmem>>
      %dma_start3A_112 = tpu.memref_squeeze %dma_start3A_111 : memref<1x128xi32, #tpu.memory_space<vmem>> -> memref<128xi32, #tpu.memory_space<vmem>>
      %dma_start3A_113 = arith.constant 0 : i32
      %dma_start3A_114 = arith.constant 0 : i32
      %dma_start3A_115 = tpu.memref_slice %arg10[%dma_start3A_113, %dma_start3A_114] : memref<10240x128xf32, #tpu.memory_space<vmem_shared>> -> memref<10240x128xf32, #tpu.memory_space<vmem_shared>>
      tpu.enqueue_indirect_dma source(%arg9 : memref<128x128xf32, #tpu.memory_space<vmem>>) target(%dma_start3A_115 : memref<10240x128xf32, #tpu.memory_space<vmem_shared>>) offsets(%dma_start3A_112 : memref<128xi32, #tpu.memory_space<vmem>>) semaphore(%arg14 : memref<!tpu.dma_semaphore, #tpu.memory_space<semaphore_mem>>) {add = true}
    }
    %scan3A_46 = arith.constant 20 : i32
    %dma_wait3A_47 = arith.constant 39 : i32
    %dma_wait3A_48 = arith.constant 0 : i32
    %dma_wait3A_49 = tpu.memref_slice %arg7[%dma_wait3A_47, %dma_wait3A_48] : memref<40x128xi32, #tpu.memory_space<vmem>> -> memref<1x128xi32, #tpu.memory_space<vmem>>
    %dma_wait3A_50 = tpu.memref_squeeze %dma_wait3A_49 : memref<1x128xi32, #tpu.memory_space<vmem>> -> memref<128xi32, #tpu.memory_space<vmem>>
    %dma_wait3A_51 = arith.constant 0 : i32
    %dma_wait3A_52 = arith.constant 0 : i32
    %dma_wait3A_53 = tpu.memref_slice %arg10[%dma_wait3A_51, %dma_wait3A_52] : memref<10240x128xf32, #tpu.memory_space<vmem_shared>> -> memref<10240x128xf32, #tpu.memory_space<vmem_shared>>
    tpu.wait_indirect_dma semaphore(%arg14 : memref<!tpu.dma_semaphore, #tpu.memory_space<semaphore_mem>>) src(%arg9 : memref<128x128xf32, #tpu.memory_space<vmem>>) dst(%dma_wait3A_53 : memref<10240x128xf32, #tpu.memory_space<vmem_shared>>)
    %barrier3A_54 = arith.constant 0 : index
    tpu.barrier barrier_id(%barrier3A_54)
    %add3A_55 = arith.constant 0 : i32
    %add3A_56 = arith.addi %mul3A_0, %add3A_55 : i32
    "tpu.region"() ({
      %run_scoped3A = tpu.sem_alloc : memref<!tpu.dma_semaphore, #tpu.memory_space<semaphore_mem>>
      %dma_start3A_65 = arith.constant 0 : i32
      %dma_start3A_66 = tpu.memref_slice %arg10[%add3A_56, %dma_start3A_65] : memref<10240x128xf32, #tpu.memory_space<vmem_shared>> -> memref<128x128xf32, #tpu.memory_space<vmem_shared>>
      %dma_start3A_67 = arith.constant 0 : i32
      %dma_start3A_68 = tpu.memref_slice %arg10[%add3A_56, %dma_start3A_67] : memref<10240x128xf32, #tpu.memory_space<vmem_shared>> -> memref<128x128xf32, #tpu.memory_space<vmem_shared>>
      tpu.enqueue_dma source(%dma_start3A_68 : memref<128x128xf32, #tpu.memory_space<vmem_shared>>) target(%arg8 : memref<128x128xf32, #tpu.memory_space<vmem>>) target_semaphore(%run_scoped3A : memref<!tpu.dma_semaphore, #tpu.memory_space<semaphore_mem>>)
      %dma_wait3A_69 = arith.constant 0 : i32
      %dma_wait3A_70 = tpu.memref_slice %arg10[%add3A_56, %dma_wait3A_69] : memref<10240x128xf32, #tpu.memory_space<vmem_shared>> -> memref<128x128xf32, #tpu.memory_space<vmem_shared>>
      %dma_wait3A_71 = arith.constant 0 : i32
      %dma_wait3A_72 = tpu.memref_slice %arg10[%add3A_56, %dma_wait3A_71] : memref<10240x128xf32, #tpu.memory_space<vmem_shared>> -> memref<128x128xf32, #tpu.memory_space<vmem_shared>>
      tpu.wait_dma2 semaphore(%run_scoped3A : memref<!tpu.dma_semaphore, #tpu.memory_space<semaphore_mem>>) src(%dma_wait3A_72 : memref<128x128xf32, #tpu.memory_space<vmem_shared>>) dst(%arg8 : memref<128x128xf32, #tpu.memory_space<vmem>>)
      tpu.yield
    }) : () -> ()
    "tpu.region"() ({
      %run_scoped3A = tpu.sem_alloc : memref<!tpu.dma_semaphore, #tpu.memory_space<semaphore_mem>>
      %dma_start3A_65 = arith.constant 0 : i32
      %dma_start3A_66 = tpu.memref_slice %arg5[%arg0, %add3A_56, %dma_start3A_65] : memref<2x10240x128xf32, #tpu.memory_space<hbm>> -> memref<1x128x128xf32, #tpu.memory_space<hbm>>
      %dma_start3A_67 = tpu.memref_squeeze %dma_start3A_66 : memref<1x128x128xf32, #tpu.memory_space<hbm>> -> memref<128x128xf32, #tpu.memory_space<hbm>>
      %dma_start3A_68 = arith.constant 0 : i32
      %dma_start3A_69 = tpu.memref_slice %arg5[%arg0, %add3A_56, %dma_start3A_68] : memref<2x10240x128xf32, #tpu.memory_space<hbm>> -> memref<1x128x128xf32, #tpu.memory_space<hbm>>
      %dma_start3A_70 = tpu.memref_squeeze %dma_start3A_69 : memref<1x128x128xf32, #tpu.memory_space<hbm>> -> memref<128x128xf32, #tpu.memory_space<hbm>>
      tpu.enqueue_dma source(%arg8 : memref<128x128xf32, #tpu.memory_space<vmem>>) target(%dma_start3A_70 : memref<128x128xf32, #tpu.memory_space<hbm>>) target_semaphore(%run_scoped3A : memref<!tpu.dma_semaphore, #tpu.memory_space<semaphore_mem>>)
      %dma_wait3A_71 = arith.constant 0 : i32
      %dma_wait3A_72 = tpu.memref_slice %arg5[%arg0, %add3A_56, %dma_wait3A_71] : memref<2x10240x128xf32, #tpu.memory_space<hbm>> -> memref<1x128x128xf32, #tpu.memory_space<hbm>>
      %dma_wait3A_73 = tpu.memref_squeeze %dma_wait3A_72 : memref<1x128x128xf32, #tpu.memory_space<hbm>> -> memref<128x128xf32, #tpu.memory_space<hbm>>
      %dma_wait3A_74 = arith.constant 0 : i32
      %dma_wait3A_75 = tpu.memref_slice %arg5[%arg0, %add3A_56, %dma_wait3A_74] : memref<2x10240x128xf32, #tpu.memory_space<hbm>> -> memref<1x128x128xf32, #tpu.memory_space<hbm>>
      %dma_wait3A_76 = tpu.memref_squeeze %dma_wait3A_75 : memref<1x128x128xf32, #tpu.memory_space<hbm>> -> memref<128x128xf32, #tpu.memory_space<hbm>>
      tpu.wait_dma2 semaphore(%run_scoped3A : memref<!tpu.dma_semaphore, #tpu.memory_space<semaphore_mem>>) src(%arg8 : memref<128x128xf32, #tpu.memory_space<vmem>>) dst(%dma_wait3A_76 : memref<128x128xf32, #tpu.memory_space<hbm>>)
      tpu.yield
    }) : () -> ()
    %add3A_57 = arith.constant 128 : i32
    %add3A_58 = arith.addi %mul3A_0, %add3A_57 : i32
    "tpu.region"() ({
      %run_scoped3A = tpu.sem_alloc : memref<!tpu.dma_semaphore, #tpu.memory_space<semaphore_mem>>
      %dma_start3A_65 = arith.constant 0 : i32
      %dma_start3A_66 = tpu.memref_slice %arg10[%add3A_58, %dma_start3A_65] : memref<10240x128xf32, #tpu.memory_space<vmem_shared>> -> memref<128x128xf32, #tpu.memory_space<vmem_shared>>
      %dma_start3A_67 = arith.constant 0 : i32
      %dma_start3A_68 = tpu.memref_slice %arg10[%add3A_58, %dma_start3A_67] : memref<10240x128xf32, #tpu.memory_space<vmem_shared>> -> memref<128x128xf32, #tpu.memory_space<vmem_shared>>
      tpu.enqueue_dma source(%dma_start3A_68 : memref<128x128xf32, #tpu.memory_space<vmem_shared>>) target(%arg9 : memref<128x128xf32, #tpu.memory_space<vmem>>) target_semaphore(%run_scoped3A : memref<!tpu.dma_semaphore, #tpu.memory_space<semaphore_mem>>)
      %dma_wait3A_69 = arith.constant 0 : i32
      %dma_wait3A_70 = tpu.memref_slice %arg10[%add3A_58, %dma_wait3A_69] : memref<10240x128xf32, #tpu.memory_space<vmem_shared>> -> memref<128x128xf32, #tpu.memory_space<vmem_shared>>
      %dma_wait3A_71 = arith.constant 0 : i32
      %dma_wait3A_72 = tpu.memref_slice %arg10[%add3A_58, %dma_wait3A_71] : memref<10240x128xf32, #tpu.memory_space<vmem_shared>> -> memref<128x128xf32, #tpu.memory_space<vmem_shared>>
      tpu.wait_dma2 semaphore(%run_scoped3A : memref<!tpu.dma_semaphore, #tpu.memory_space<semaphore_mem>>) src(%dma_wait3A_72 : memref<128x128xf32, #tpu.memory_space<vmem_shared>>) dst(%arg9 : memref<128x128xf32, #tpu.memory_space<vmem>>)
      tpu.yield
    }) : () -> ()
    "tpu.region"() ({
      %run_scoped3A = tpu.sem_alloc : memref<!tpu.dma_semaphore, #tpu.memory_space<semaphore_mem>>
      %dma_start3A_65 = arith.constant 0 : i32
      %dma_start3A_66 = tpu.memref_slice %arg5[%arg0, %add3A_58, %dma_start3A_65] : memref<2x10240x128xf32, #tpu.memory_space<hbm>> -> memref<1x128x128xf32, #tpu.memory_space<hbm>>
      %dma_start3A_67 = tpu.memref_squeeze %dma_start3A_66 : memref<1x128x128xf32, #tpu.memory_space<hbm>> -> memref<128x128xf32, #tpu.memory_space<hbm>>
      %dma_start3A_68 = arith.constant 0 : i32
      %dma_start3A_69 = tpu.memref_slice %arg5[%arg0, %add3A_58, %dma_start3A_68] : memref<2x10240x128xf32, #tpu.memory_space<hbm>> -> memref<1x128x128xf32, #tpu.memory_space<hbm>>
      %dma_start3A_70 = tpu.memref_squeeze %dma_start3A_69 : memref<1x128x128xf32, #tpu.memory_space<hbm>> -> memref<128x128xf32, #tpu.memory_space<hbm>>
      tpu.enqueue_dma source(%arg9 : memref<128x128xf32, #tpu.memory_space<vmem>>) target(%dma_start3A_70 : memref<128x128xf32, #tpu.memory_space<hbm>>) target_semaphore(%run_scoped3A : memref<!tpu.dma_semaphore, #tpu.memory_space<semaphore_mem>>)
      %dma_wait3A_71 = arith.constant 0 : i32
      %dma_wait3A_72 = tpu.memref_slice %arg5[%arg0, %add3A_58, %dma_wait3A_71] : memref<2x10240x128xf32, #tpu.memory_space<hbm>> -> memref<1x128x128xf32, #tpu.memory_space<hbm>>
      %dma_wait3A_73 = tpu.memref_squeeze %dma_wait3A_72 : memref<1x128x128xf32, #tpu.memory_space<hbm>> -> memref<128x128xf32, #tpu.memory_space<hbm>>
      %dma_wait3A_74 = arith.constant 0 : i32
      %dma_wait3A_75 = tpu.memref_slice %arg5[%arg0, %add3A_58, %dma_wait3A_74] : memref<2x10240x128xf32, #tpu.memory_space<hbm>> -> memref<1x128x128xf32, #tpu.memory_space<hbm>>
      %dma_wait3A_76 = tpu.memref_squeeze %dma_wait3A_75 : memref<1x128x128xf32, #tpu.memory_space<hbm>> -> memref<128x128xf32, #tpu.memory_space<hbm>>
      tpu.wait_dma2 semaphore(%run_scoped3A : memref<!tpu.dma_semaphore, #tpu.memory_space<semaphore_mem>>) src(%arg9 : memref<128x128xf32, #tpu.memory_space<vmem>>) dst(%dma_wait3A_76 : memref<128x128xf32, #tpu.memory_space<hbm>>)
      tpu.yield
    }) : () -> ()
    %add3A_59 = arith.constant 256 : i32
    %add3A_60 = arith.addi %mul3A_0, %add3A_59 : i32
    "tpu.region"() ({
      %run_scoped3A = tpu.sem_alloc : memref<!tpu.dma_semaphore, #tpu.memory_space<semaphore_mem>>
      %dma_start3A_65 = arith.constant 0 : i32
      %dma_start3A_66 = tpu.memref_slice %arg10[%add3A_60, %dma_start3A_65] : memref<10240x128xf32, #tpu.memory_space<vmem_shared>> -> memref<128x128xf32, #tpu.memory_space<vmem_shared>>
      %dma_start3A_67 = arith.constant 0 : i32
      %dma_start3A_68 = tpu.memref_slice %arg10[%add3A_60, %dma_start3A_67] : memref<10240x128xf32, #tpu.memory_space<vmem_shared>> -> memref<128x128xf32, #tpu.memory_space<vmem_shared>>
      tpu.enqueue_dma source(%dma_start3A_68 : memref<128x128xf32, #tpu.memory_space<vmem_shared>>) target(%arg8 : memref<128x128xf32, #tpu.memory_space<vmem>>) target_semaphore(%run_scoped3A : memref<!tpu.dma_semaphore, #tpu.memory_space<semaphore_mem>>)
      %dma_wait3A_69 = arith.constant 0 : i32
      %dma_wait3A_70 = tpu.memref_slice %arg10[%add3A_60, %dma_wait3A_69] : memref<10240x128xf32, #tpu.memory_space<vmem_shared>> -> memref<128x128xf32, #tpu.memory_space<vmem_shared>>
      %dma_wait3A_71 = arith.constant 0 : i32
      %dma_wait3A_72 = tpu.memref_slice %arg10[%add3A_60, %dma_wait3A_71] : memref<10240x128xf32, #tpu.memory_space<vmem_shared>> -> memref<128x128xf32, #tpu.memory_space<vmem_shared>>
      tpu.wait_dma2 semaphore(%run_scoped3A : memref<!tpu.dma_semaphore, #tpu.memory_space<semaphore_mem>>) src(%dma_wait3A_72 : memref<128x128xf32, #tpu.memory_space<vmem_shared>>) dst(%arg8 : memref<128x128xf32, #tpu.memory_space<vmem>>)
      tpu.yield
    }) : () -> ()
    "tpu.region"() ({
      %run_scoped3A = tpu.sem_alloc : memref<!tpu.dma_semaphore, #tpu.memory_space<semaphore_mem>>
      %dma_start3A_65 = arith.constant 0 : i32
      %dma_start3A_66 = tpu.memref_slice %arg5[%arg0, %add3A_60, %dma_start3A_65] : memref<2x10240x128xf32, #tpu.memory_space<hbm>> -> memref<1x128x128xf32, #tpu.memory_space<hbm>>
      %dma_start3A_67 = tpu.memref_squeeze %dma_start3A_66 : memref<1x128x128xf32, #tpu.memory_space<hbm>> -> memref<128x128xf32, #tpu.memory_space<hbm>>
      %dma_start3A_68 = arith.constant 0 : i32
      %dma_start3A_69 = tpu.memref_slice %arg5[%arg0, %add3A_60, %dma_start3A_68] : memref<2x10240x128xf32, #tpu.memory_space<hbm>> -> memref<1x128x128xf32, #tpu.memory_space<hbm>>
      %dma_start3A_70 = tpu.memref_squeeze %dma_start3A_69 : memref<1x128x128xf32, #tpu.memory_space<hbm>> -> memref<128x128xf32, #tpu.memory_space<hbm>>
      tpu.enqueue_dma source(%arg8 : memref<128x128xf32, #tpu.memory_space<vmem>>) target(%dma_start3A_70 : memref<128x128xf32, #tpu.memory_space<hbm>>) target_semaphore(%run_scoped3A : memref<!tpu.dma_semaphore, #tpu.memory_space<semaphore_mem>>)
      %dma_wait3A_71 = arith.constant 0 : i32
      %dma_wait3A_72 = tpu.memref_slice %arg5[%arg0, %add3A_60, %dma_wait3A_71] : memref<2x10240x128xf32, #tpu.memory_space<hbm>> -> memref<1x128x128xf32, #tpu.memory_space<hbm>>
      %dma_wait3A_73 = tpu.memref_squeeze %dma_wait3A_72 : memref<1x128x128xf32, #tpu.memory_space<hbm>> -> memref<128x128xf32, #tpu.memory_space<hbm>>
      %dma_wait3A_74 = arith.constant 0 : i32
      %dma_wait3A_75 = tpu.memref_slice %arg5[%arg0, %add3A_60, %dma_wait3A_74] : memref<2x10240x128xf32, #tpu.memory_space<hbm>> -> memref<1x128x128xf32, #tpu.memory_space<hbm>>
      %dma_wait3A_76 = tpu.memref_squeeze %dma_wait3A_75 : memref<1x128x128xf32, #tpu.memory_space<hbm>> -> memref<128x128xf32, #tpu.memory_space<hbm>>
      tpu.wait_dma2 semaphore(%run_scoped3A : memref<!tpu.dma_semaphore, #tpu.memory_space<semaphore_mem>>) src(%arg8 : memref<128x128xf32, #tpu.memory_space<vmem>>) dst(%dma_wait3A_76 : memref<128x128xf32, #tpu.memory_space<hbm>>)
      tpu.yield
    }) : () -> ()
    %add3A_61 = arith.constant 384 : i32
    %add3A_62 = arith.addi %mul3A_0, %add3A_61 : i32
    "tpu.region"() ({
      %run_scoped3A = tpu.sem_alloc : memref<!tpu.dma_semaphore, #tpu.memory_space<semaphore_mem>>
      %dma_start3A_65 = arith.constant 0 : i32
      %dma_start3A_66 = tpu.memref_slice %arg10[%add3A_62, %dma_start3A_65] : memref<10240x128xf32, #tpu.memory_space<vmem_shared>> -> memref<128x128xf32, #tpu.memory_space<vmem_shared>>
      %dma_start3A_67 = arith.constant 0 : i32
      %dma_start3A_68 = tpu.memref_slice %arg10[%add3A_62, %dma_start3A_67] : memref<10240x128xf32, #tpu.memory_space<vmem_shared>> -> memref<128x128xf32, #tpu.memory_space<vmem_shared>>
      tpu.enqueue_dma source(%dma_start3A_68 : memref<128x128xf32, #tpu.memory_space<vmem_shared>>) target(%arg9 : memref<128x128xf32, #tpu.memory_space<vmem>>) target_semaphore(%run_scoped3A : memref<!tpu.dma_semaphore, #tpu.memory_space<semaphore_mem>>)
      %dma_wait3A_69 = arith.constant 0 : i32
      %dma_wait3A_70 = tpu.memref_slice %arg10[%add3A_62, %dma_wait3A_69] : memref<10240x128xf32, #tpu.memory_space<vmem_shared>> -> memref<128x128xf32, #tpu.memory_space<vmem_shared>>
      %dma_wait3A_71 = arith.constant 0 : i32
      %dma_wait3A_72 = tpu.memref_slice %arg10[%add3A_62, %dma_wait3A_71] : memref<10240x128xf32, #tpu.memory_space<vmem_shared>> -> memref<128x128xf32, #tpu.memory_space<vmem_shared>>
      tpu.wait_dma2 semaphore(%run_scoped3A : memref<!tpu.dma_semaphore, #tpu.memory_space<semaphore_mem>>) src(%dma_wait3A_72 : memref<128x128xf32, #tpu.memory_space<vmem_shared>>) dst(%arg9 : memref<128x128xf32, #tpu.memory_space<vmem>>)
      tpu.yield
    }) : () -> ()
    "tpu.region"() ({
      %run_scoped3A = tpu.sem_alloc : memref<!tpu.dma_semaphore, #tpu.memory_space<semaphore_mem>>
      %dma_start3A_65 = arith.constant 0 : i32
      %dma_start3A_66 = tpu.memref_slice %arg5[%arg0, %add3A_62, %dma_start3A_65] : memref<2x10240x128xf32, #tpu.memory_space<hbm>> -> memref<1x128x128xf32, #tpu.memory_space<hbm>>
      %dma_start3A_67 = tpu.memref_squeeze %dma_start3A_66 : memref<1x128x128xf32, #tpu.memory_space<hbm>> -> memref<128x128xf32, #tpu.memory_space<hbm>>
      %dma_start3A_68 = arith.constant 0 : i32
      %dma_start3A_69 = tpu.memref_slice %arg5[%arg0, %add3A_62, %dma_start3A_68] : memref<2x10240x128xf32, #tpu.memory_space<hbm>> -> memref<1x128x128xf32, #tpu.memory_space<hbm>>
      %dma_start3A_70 = tpu.memref_squeeze %dma_start3A_69 : memref<1x128x128xf32, #tpu.memory_space<hbm>> -> memref<128x128xf32, #tpu.memory_space<hbm>>
      tpu.enqueue_dma source(%arg9 : memref<128x128xf32, #tpu.memory_space<vmem>>) target(%dma_start3A_70 : memref<128x128xf32, #tpu.memory_space<hbm>>) target_semaphore(%run_scoped3A : memref<!tpu.dma_semaphore, #tpu.memory_space<semaphore_mem>>)
      %dma_wait3A_71 = arith.constant 0 : i32
      %dma_wait3A_72 = tpu.memref_slice %arg5[%arg0, %add3A_62, %dma_wait3A_71] : memref<2x10240x128xf32, #tpu.memory_space<hbm>> -> memref<1x128x128xf32, #tpu.memory_space<hbm>>
      %dma_wait3A_73 = tpu.memref_squeeze %dma_wait3A_72 : memref<1x128x128xf32, #tpu.memory_space<hbm>> -> memref<128x128xf32, #tpu.memory_space<hbm>>
      %dma_wait3A_74 = arith.constant 0 : i32
      %dma_wait3A_75 = tpu.memref_slice %arg5[%arg0, %add3A_62, %dma_wait3A_74] : memref<2x10240x128xf32, #tpu.memory_space<hbm>> -> memref<1x128x128xf32, #tpu.memory_space<hbm>>
      %dma_wait3A_76 = tpu.memref_squeeze %dma_wait3A_75 : memref<1x128x128xf32, #tpu.memory_space<hbm>> -> memref<128x128xf32, #tpu.memory_space<hbm>>
      tpu.wait_dma2 semaphore(%run_scoped3A : memref<!tpu.dma_semaphore, #tpu.memory_space<semaphore_mem>>) src(%arg9 : memref<128x128xf32, #tpu.memory_space<vmem>>) dst(%dma_wait3A_76 : memref<128x128xf32, #tpu.memory_space<hbm>>)
      tpu.yield
    }) : () -> ()
    %add3A_63 = arith.constant 512 : i32
    %add3A_64 = arith.addi %mul3A_0, %add3A_63 : i32
    "tpu.region"() ({
      %run_scoped3A = tpu.sem_alloc : memref<!tpu.dma_semaphore, #tpu.memory_space<semaphore_mem>>
      %dma_start3A_65 = arith.constant 0 : i32
      %dma_start3A_66 = tpu.memref_slice %arg10[%add3A_64, %dma_start3A_65] : memref<10240x128xf32, #tpu.memory_space<vmem_shared>> -> memref<128x128xf32, #tpu.memory_space<vmem_shared>>
      %dma_start3A_67 = arith.constant 0 : i32
      %dma_start3A_68 = tpu.memref_slice %arg10[%add3A_64, %dma_start3A_67] : memref<10240x128xf32, #tpu.memory_space<vmem_shared>> -> memref<128x128xf32, #tpu.memory_space<vmem_shared>>
      tpu.enqueue_dma source(%dma_start3A_68 : memref<128x128xf32, #tpu.memory_space<vmem_shared>>) target(%arg8 : memref<128x128xf32, #tpu.memory_space<vmem>>) target_semaphore(%run_scoped3A : memref<!tpu.dma_semaphore, #tpu.memory_space<semaphore_mem>>)
      %dma_wait3A_69 = arith.constant 0 : i32
      %dma_wait3A_70 = tpu.memref_slice %arg10[%add3A_64, %dma_wait3A_69] : memref<10240x128xf32, #tpu.memory_space<vmem_shared>> -> memref<128x128xf32, #tpu.memory_space<vmem_shared>>
      %dma_wait3A_71 = arith.constant 0 : i32
      %dma_wait3A_72 = tpu.memref_slice %arg10[%add3A_64, %dma_wait3A_71] : memref<10240x128xf32, #tpu.memory_space<vmem_shared>> -> memref<128x128xf32, #tpu.memory_space<vmem_shared>>
      tpu.wait_dma2 semaphore(%run_scoped3A : memref<!tpu.dma_semaphore, #tpu.memory_space<semaphore_mem>>) src(%dma_wait3A_72 : memref<128x128xf32, #tpu.memory_space<vmem_shared>>) dst(%arg8 : memref<128x128xf32, #tpu.memory_space<vmem>>)
      tpu.yield
    }) : () -> ()
    "tpu.region"() ({
      %run_scoped3A = tpu.sem_alloc : memref<!tpu.dma_semaphore, #tpu.memory_space<semaphore_mem>>
      %dma_start3A_65 = arith.constant 0 : i32
      %dma_start3A_66 = tpu.memref_slice %arg5[%arg0, %add3A_64, %dma_start3A_65] : memref<2x10240x128xf32, #tpu.memory_space<hbm>> -> memref<1x128x128xf32, #tpu.memory_space<hbm>>
      %dma_start3A_67 = tpu.memref_squeeze %dma_start3A_66 : memref<1x128x128xf32, #tpu.memory_space<hbm>> -> memref<128x128xf32, #tpu.memory_space<hbm>>
      %dma_start3A_68 = arith.constant 0 : i32
      %dma_start3A_69 = tpu.memref_slice %arg5[%arg0, %add3A_64, %dma_start3A_68] : memref<2x10240x128xf32, #tpu.memory_space<hbm>> -> memref<1x128x128xf32, #tpu.memory_space<hbm>>
      %dma_start3A_70 = tpu.memref_squeeze %dma_start3A_69 : memref<1x128x128xf32, #tpu.memory_space<hbm>> -> memref<128x128xf32, #tpu.memory_space<hbm>>
      tpu.enqueue_dma source(%arg8 : memref<128x128xf32, #tpu.memory_space<vmem>>) target(%dma_start3A_70 : memref<128x128xf32, #tpu.memory_space<hbm>>) target_semaphore(%run_scoped3A : memref<!tpu.dma_semaphore, #tpu.memory_space<semaphore_mem>>)
      %dma_wait3A_71 = arith.constant 0 : i32
      %dma_wait3A_72 = tpu.memref_slice %arg5[%arg0, %add3A_64, %dma_wait3A_71] : memref<2x10240x128xf32, #tpu.memory_space<hbm>> -> memref<1x128x128xf32, #tpu.memory_space<hbm>>
      %dma_wait3A_73 = tpu.memref_squeeze %dma_wait3A_72 : memref<1x128x128xf32, #tpu.memory_space<hbm>> -> memref<128x128xf32, #tpu.memory_space<hbm>>
      %dma_wait3A_74 = arith.constant 0 : i32
      %dma_wait3A_75 = tpu.memref_slice %arg5[%arg0, %add3A_64, %dma_wait3A_74] : memref<2x10240x128xf32, #tpu.memory_space<hbm>> -> memref<1x128x128xf32, #tpu.memory_space<hbm>>
      %dma_wait3A_76 = tpu.memref_squeeze %dma_wait3A_75 : memref<1x128x128xf32, #tpu.memory_space<hbm>> -> memref<128x128xf32, #tpu.memory_space<hbm>>
      tpu.wait_dma2 semaphore(%run_scoped3A : memref<!tpu.dma_semaphore, #tpu.memory_space<semaphore_mem>>) src(%arg8 : memref<128x128xf32, #tpu.memory_space<vmem>>) dst(%dma_wait3A_76 : memref<128x128xf32, #tpu.memory_space<hbm>>)
      tpu.yield
    }) : () -> ()
    return
  }
}

#map = affine_map<(d0, d1) -> (0, 0, 0, 0)>
#map1 = affine_map<(d0, d1) -> (0, 0)>
#map2 = affine_map<(d0, d1) -> (0, 0, 0)>
module attributes {stable_mosaic.version = 14 : i64} {
  func.func @_sc_segsum(%arg0: i32, %arg1: i32, %arg2: memref<2x16x80x128xi32, #tpu.memory_space<hbm>>, %arg3: memref<2x16x80x128xi32, #tpu.memory_space<hbm>>, %arg4: memref<10000x128xf32, #tpu.memory_space<hbm>>, %arg5: memref<2x10240x128xf32, #tpu.memory_space<hbm>>, %arg6: memref<40x128xi32, #tpu.memory_space<vmem>>, %arg7: memref<40x128xi32, #tpu.memory_space<vmem>>, %arg8: memref<128x128xf32, #tpu.memory_space<vmem>>, %arg9: memref<128x128xf32, #tpu.memory_space<vmem>>, %arg10: memref<10240x128xf32, #tpu.memory_space<vmem_shared>>, %arg11: memref<!tpu.dma_semaphore, #tpu.memory_space<semaphore_mem>>, %arg12: memref<!tpu.dma_semaphore, #tpu.memory_space<semaphore_mem>>, %arg13: memref<!tpu.dma_semaphore, #tpu.memory_space<semaphore_mem>>, %arg14: memref<!tpu.dma_semaphore, #tpu.memory_space<semaphore_mem>>) attributes {dimension_semantics = [#tpu.dimension_semantics<core_parallel>, #tpu.dimension_semantics<subcore_parallel>], iteration_bounds = array<i64: 2, 16>, scalar_prefetch = 0 : i64, scratch_operands = 9 : i64, tpu.core_type = #tpu.core_type<sc_vector_subcore>, window_params = [{transform_indices = #map}, {transform_indices = #map}, {transform_indices = #map1}, {transform_indices = #map2}]} {
    %mul3A = arith.constant 640 : i32
    %mul3A_0 = arith.muli %arg1, %mul3A : i32
    %broadcast_in_dim3A = arith.constant 0.000000e+00 : f32
    %broadcast_in_dim3A_1 = vector.broadcast %broadcast_in_dim3A : f32 to vector<16xf32>
    %scan3A = arith.constant 0 : i32
    %scan3A_2 = arith.constant 0 : i32
    %scan3A_3 = arith.constant 8 : i32
    %scan3A_4 = arith.addi %scan3A_2, %scan3A_3 : i32
    %scan3A_5 = arith.constant 1 : i32
    scf.for %scan3A_65 = %scan3A_2 to %scan3A_4 step %scan3A_5  : i32 {
      %broadcast_in_dim3A_66 = arith.constant 0.000000e+00 : f32
      %broadcast_in_dim3A_67 = vector.broadcast %broadcast_in_dim3A_66 : f32 to vector<16x128xf32>
      %mul3A_68 = arith.constant 16 : i32
      %mul3A_69 = arith.muli %scan3A_65, %mul3A_68 : i32
      %swap3A = arith.index_cast %mul3A_69 : i32 to index
      %swap3A_70 = arith.constant 0 : index
      %swap3A_71 = tpu.vector_load %arg8[%swap3A, %swap3A_70] {strides = array<i32>} : memref<128x128xf32, #tpu.memory_space<vmem>>, vector<16x128xf32>,
      %swap3A_72 = vector.shape_cast %swap3A_71 : vector<16x128xf32> to vector<16x128xf32>
      %swap3A_73 = vector.shape_cast %broadcast_in_dim3A_67 : vector<16x128xf32> to vector<16x128xf32>
      tpu.vector_store %arg8[%swap3A, %swap3A_70], %swap3A_73 {strides = array<i32>} : memref<128x128xf32, #tpu.memory_space<vmem>>, vector<16x128xf32>,
    }
    %scan3A_6 = arith.constant 8 : i32
    %add3A = arith.constant 0 : i32
    %add3A_7 = arith.addi %mul3A_0, %add3A : i32
    "tpu.region"() ({
      %run_scoped3A = tpu.sem_alloc : memref<!tpu.dma_semaphore, #tpu.memory_space<semaphore_mem>>
      %dma_start3A_65 = arith.constant 0 : i32
      %dma_start3A_66 = tpu.memref_slice %arg10[%add3A_7, %dma_start3A_65] : memref<10240x128xf32, #tpu.memory_space<vmem_shared>> -> memref<128x128xf32, #tpu.memory_space<vmem_shared>>
      %dma_start3A_67 = arith.constant 0 : i32
      %dma_start3A_68 = tpu.memref_slice %arg10[%add3A_7, %dma_start3A_67] : memref<10240x128xf32, #tpu.memory_space<vmem_shared>> -> memref<128x128xf32, #tpu.memory_space<vmem_shared>>
      tpu.enqueue_dma source(%arg8 : memref<128x128xf32, #tpu.memory_space<vmem>>) target(%dma_start3A_68 : memref<128x128xf32, #tpu.memory_space<vmem_shared>>) target_semaphore(%run_scoped3A : memref<!tpu.dma_semaphore, #tpu.memory_space<semaphore_mem>>)
      %dma_wait3A_69 = arith.constant 0 : i32
      %dma_wait3A_70 = tpu.memref_slice %arg10[%add3A_7, %dma_wait3A_69] : memref<10240x128xf32, #tpu.memory_space<vmem_shared>> -> memref<128x128xf32, #tpu.memory_space<vmem_shared>>
      %dma_wait3A_71 = arith.constant 0 : i32
      %dma_wait3A_72 = tpu.memref_slice %arg10[%add3A_7, %dma_wait3A_71] : memref<10240x128xf32, #tpu.memory_space<vmem_shared>> -> memref<128x128xf32, #tpu.memory_space<vmem_shared>>
      tpu.wait_dma2 semaphore(%run_scoped3A : memref<!tpu.dma_semaphore, #tpu.memory_space<semaphore_mem>>) src(%arg8 : memref<128x128xf32, #tpu.memory_space<vmem>>) dst(%dma_wait3A_72 : memref<128x128xf32, #tpu.memory_space<vmem_shared>>)
      tpu.yield
    }) : () -> ()
    %add3A_8 = arith.constant 128 : i32
    %add3A_9 = arith.addi %mul3A_0, %add3A_8 : i32
    "tpu.region"() ({
      %run_scoped3A = tpu.sem_alloc : memref<!tpu.dma_semaphore, #tpu.memory_space<semaphore_mem>>
      %dma_start3A_65 = arith.constant 0 : i32
      %dma_start3A_66 = tpu.memref_slice %arg10[%add3A_9, %dma_start3A_65] : memref<10240x128xf32, #tpu.memory_space<vmem_shared>> -> memref<128x128xf32, #tpu.memory_space<vmem_shared>>
      %dma_start3A_67 = arith.constant 0 : i32
      %dma_start3A_68 = tpu.memref_slice %arg10[%add3A_9, %dma_start3A_67] : memref<10240x128xf32, #tpu.memory_space<vmem_shared>> -> memref<128x128xf32, #tpu.memory_space<vmem_shared>>
      tpu.enqueue_dma source(%arg8 : memref<128x128xf32, #tpu.memory_space<vmem>>) target(%dma_start3A_68 : memref<128x128xf32, #tpu.memory_space<vmem_shared>>) target_semaphore(%run_scoped3A : memref<!tpu.dma_semaphore, #tpu.memory_space<semaphore_mem>>)
      %dma_wait3A_69 = arith.constant 0 : i32
      %dma_wait3A_70 = tpu.memref_slice %arg10[%add3A_9, %dma_wait3A_69] : memref<10240x128xf32, #tpu.memory_space<vmem_shared>> -> memref<128x128xf32, #tpu.memory_space<vmem_shared>>
      %dma_wait3A_71 = arith.constant 0 : i32
      %dma_wait3A_72 = tpu.memref_slice %arg10[%add3A_9, %dma_wait3A_71] : memref<10240x128xf32, #tpu.memory_space<vmem_shared>> -> memref<128x128xf32, #tpu.memory_space<vmem_shared>>
      tpu.wait_dma2 semaphore(%run_scoped3A : memref<!tpu.dma_semaphore, #tpu.memory_space<semaphore_mem>>) src(%arg8 : memref<128x128xf32, #tpu.memory_space<vmem>>) dst(%dma_wait3A_72 : memref<128x128xf32, #tpu.memory_space<vmem_shared>>)
      tpu.yield
    }) : () -> ()
    %add3A_10 = arith.constant 256 : i32
    %add3A_11 = arith.addi %mul3A_0, %add3A_10 : i32
    "tpu.region"() ({
      %run_scoped3A = tpu.sem_alloc : memref<!tpu.dma_semaphore, #tpu.memory_space<semaphore_mem>>
      %dma_start3A_65 = arith.constant 0 : i32
      %dma_start3A_66 = tpu.memref_slice %arg10[%add3A_11, %dma_start3A_65] : memref<10240x128xf32, #tpu.memory_space<vmem_shared>> -> memref<128x128xf32, #tpu.memory_space<vmem_shared>>
      %dma_start3A_67 = arith.constant 0 : i32
      %dma_start3A_68 = tpu.memref_slice %arg10[%add3A_11, %dma_start3A_67] : memref<10240x128xf32, #tpu.memory_space<vmem_shared>> -> memref<128x128xf32, #tpu.memory_space<vmem_shared>>
      tpu.enqueue_dma source(%arg8 : memref<128x128xf32, #tpu.memory_space<vmem>>) target(%dma_start3A_68 : memref<128x128xf32, #tpu.memory_space<vmem_shared>>) target_semaphore(%run_scoped3A : memref<!tpu.dma_semaphore, #tpu.memory_space<semaphore_mem>>)
      %dma_wait3A_69 = arith.constant 0 : i32
      %dma_wait3A_70 = tpu.memref_slice %arg10[%add3A_11, %dma_wait3A_69] : memref<10240x128xf32, #tpu.memory_space<vmem_shared>> -> memref<128x128xf32, #tpu.memory_space<vmem_shared>>
      %dma_wait3A_71 = arith.constant 0 : i32
      %dma_wait3A_72 = tpu.memref_slice %arg10[%add3A_11, %dma_wait3A_71] : memref<10240x128xf32, #tpu.memory_space<vmem_shared>> -> memref<128x128xf32, #tpu.memory_space<vmem_shared>>
      tpu.wait_dma2 semaphore(%run_scoped3A : memref<!tpu.dma_semaphore, #tpu.memory_space<semaphore_mem>>) src(%arg8 : memref<128x128xf32, #tpu.memory_space<vmem>>) dst(%dma_wait3A_72 : memref<128x128xf32, #tpu.memory_space<vmem_shared>>)
      tpu.yield
    }) : () -> ()
    %add3A_12 = arith.constant 384 : i32
    %add3A_13 = arith.addi %mul3A_0, %add3A_12 : i32
    "tpu.region"() ({
      %run_scoped3A = tpu.sem_alloc : memref<!tpu.dma_semaphore, #tpu.memory_space<semaphore_mem>>
      %dma_start3A_65 = arith.constant 0 : i32
      %dma_start3A_66 = tpu.memref_slice %arg10[%add3A_13, %dma_start3A_65] : memref<10240x128xf32, #tpu.memory_space<vmem_shared>> -> memref<128x128xf32, #tpu.memory_space<vmem_shared>>
      %dma_start3A_67 = arith.constant 0 : i32
      %dma_start3A_68 = tpu.memref_slice %arg10[%add3A_13, %dma_start3A_67] : memref<10240x128xf32, #tpu.memory_space<vmem_shared>> -> memref<128x128xf32, #tpu.memory_space<vmem_shared>>
      tpu.enqueue_dma source(%arg8 : memref<128x128xf32, #tpu.memory_space<vmem>>) target(%dma_start3A_68 : memref<128x128xf32, #tpu.memory_space<vmem_shared>>) target_semaphore(%run_scoped3A : memref<!tpu.dma_semaphore, #tpu.memory_space<semaphore_mem>>)
      %dma_wait3A_69 = arith.constant 0 : i32
      %dma_wait3A_70 = tpu.memref_slice %arg10[%add3A_13, %dma_wait3A_69] : memref<10240x128xf32, #tpu.memory_space<vmem_shared>> -> memref<128x128xf32, #tpu.memory_space<vmem_shared>>
      %dma_wait3A_71 = arith.constant 0 : i32
      %dma_wait3A_72 = tpu.memref_slice %arg10[%add3A_13, %dma_wait3A_71] : memref<10240x128xf32, #tpu.memory_space<vmem_shared>> -> memref<128x128xf32, #tpu.memory_space<vmem_shared>>
      tpu.wait_dma2 semaphore(%run_scoped3A : memref<!tpu.dma_semaphore, #tpu.memory_space<semaphore_mem>>) src(%arg8 : memref<128x128xf32, #tpu.memory_space<vmem>>) dst(%dma_wait3A_72 : memref<128x128xf32, #tpu.memory_space<vmem_shared>>)
      tpu.yield
    }) : () -> ()
    %add3A_14 = arith.constant 512 : i32
    %add3A_15 = arith.addi %mul3A_0, %add3A_14 : i32
    "tpu.region"() ({
      %run_scoped3A = tpu.sem_alloc : memref<!tpu.dma_semaphore, #tpu.memory_space<semaphore_mem>>
      %dma_start3A_65 = arith.constant 0 : i32
      %dma_start3A_66 = tpu.memref_slice %arg10[%add3A_15, %dma_start3A_65] : memref<10240x128xf32, #tpu.memory_space<vmem_shared>> -> memref<128x128xf32, #tpu.memory_space<vmem_shared>>
      %dma_start3A_67 = arith.constant 0 : i32
      %dma_start3A_68 = tpu.memref_slice %arg10[%add3A_15, %dma_start3A_67] : memref<10240x128xf32, #tpu.memory_space<vmem_shared>> -> memref<128x128xf32, #tpu.memory_space<vmem_shared>>
      tpu.enqueue_dma source(%arg8 : memref<128x128xf32, #tpu.memory_space<vmem>>) target(%dma_start3A_68 : memref<128x128xf32, #tpu.memory_space<vmem_shared>>) target_semaphore(%run_scoped3A : memref<!tpu.dma_semaphore, #tpu.memory_space<semaphore_mem>>)
      %dma_wait3A_69 = arith.constant 0 : i32
      %dma_wait3A_70 = tpu.memref_slice %arg10[%add3A_15, %dma_wait3A_69] : memref<10240x128xf32, #tpu.memory_space<vmem_shared>> -> memref<128x128xf32, #tpu.memory_space<vmem_shared>>
      %dma_wait3A_71 = arith.constant 0 : i32
      %dma_wait3A_72 = tpu.memref_slice %arg10[%add3A_15, %dma_wait3A_71] : memref<10240x128xf32, #tpu.memory_space<vmem_shared>> -> memref<128x128xf32, #tpu.memory_space<vmem_shared>>
      tpu.wait_dma2 semaphore(%run_scoped3A : memref<!tpu.dma_semaphore, #tpu.memory_space<semaphore_mem>>) src(%arg8 : memref<128x128xf32, #tpu.memory_space<vmem>>) dst(%dma_wait3A_72 : memref<128x128xf32, #tpu.memory_space<vmem_shared>>)
      tpu.yield
    }) : () -> ()
    %barrier3A = arith.constant 0 : index
    tpu.barrier barrier_id(%barrier3A)
    "tpu.region"() ({
      %run_scoped3A = tpu.sem_alloc : memref<!tpu.dma_semaphore, #tpu.memory_space<semaphore_mem>>
      %dma_start3A_65 = arith.constant 0 : i32
      %dma_start3A_66 = arith.constant 0 : i32
      %dma_start3A_67 = tpu.memref_slice %arg2[%arg0, %arg1, %dma_start3A_65, %dma_start3A_66] : memref<2x16x80x128xi32, #tpu.memory_space<hbm>> -> memref<1x1x40x128xi32, #tpu.memory_space<hbm>>
      %dma_start3A_68 = tpu.memref_squeeze %dma_start3A_67 : memref<1x1x40x128xi32, #tpu.memory_space<hbm>> -> memref<40x128xi32, #tpu.memory_space<hbm>>
      %dma_start3A_69 = arith.constant 0 : i32
      %dma_start3A_70 = arith.constant 0 : i32
      %dma_start3A_71 = tpu.memref_slice %arg2[%arg0, %arg1, %dma_start3A_69, %dma_start3A_70] : memref<2x16x80x128xi32, #tpu.memory_space<hbm>> -> memref<1x1x40x128xi32, #tpu.memory_space<hbm>>
      %dma_start3A_72 = tpu.memref_squeeze %dma_start3A_71 : memref<1x1x40x128xi32, #tpu.memory_space<hbm>> -> memref<40x128xi32, #tpu.memory_space<hbm>>
      tpu.enqueue_dma source(%dma_start3A_72 : memref<40x128xi32, #tpu.memory_space<hbm>>) target(%arg6 : memref<40x128xi32, #tpu.memory_space<vmem>>) target_semaphore(%run_scoped3A : memref<!tpu.dma_semaphore, #tpu.memory_space<semaphore_mem>>)
      %dma_wait3A_73 = arith.constant 0 : i32
      %dma_wait3A_74 = arith.constant 0 : i32
      %dma_wait3A_75 = tpu.memref_slice %arg2[%arg0, %arg1, %dma_wait3A_73, %dma_wait3A_74] : memref<2x16x80x128xi32, #tpu.memory_space<hbm>> -> memref<1x1x40x128xi32, #tpu.memory_space<hbm>>
      %dma_wait3A_76 = tpu.memref_squeeze %dma_wait3A_75 : memref<1x1x40x128xi32, #tpu.memory_space<hbm>> -> memref<40x128xi32, #tpu.memory_space<hbm>>
      %dma_wait3A_77 = arith.constant 0 : i32
      %dma_wait3A_78 = arith.constant 0 : i32
      %dma_wait3A_79 = tpu.memref_slice %arg2[%arg0, %arg1, %dma_wait3A_77, %dma_wait3A_78] : memref<2x16x80x128xi32, #tpu.memory_space<hbm>> -> memref<1x1x40x128xi32, #tpu.memory_space<hbm>>
      %dma_wait3A_80 = tpu.memref_squeeze %dma_wait3A_79 : memref<1x1x40x128xi32, #tpu.memory_space<hbm>> -> memref<40x128xi32, #tpu.memory_space<hbm>>
      tpu.wait_dma2 semaphore(%run_scoped3A : memref<!tpu.dma_semaphore, #tpu.memory_space<semaphore_mem>>) src(%dma_wait3A_80 : memref<40x128xi32, #tpu.memory_space<hbm>>) dst(%arg6 : memref<40x128xi32, #tpu.memory_space<vmem>>)
      tpu.yield
    }) : () -> ()
    "tpu.region"() ({
      %run_scoped3A = tpu.sem_alloc : memref<!tpu.dma_semaphore, #tpu.memory_space<semaphore_mem>>
      %dma_start3A_65 = arith.constant 0 : i32
      %dma_start3A_66 = arith.constant 0 : i32
      %dma_start3A_67 = tpu.memref_slice %arg3[%arg0, %arg1, %dma_start3A_65, %dma_start3A_66] : memref<2x16x80x128xi32, #tpu.memory_space<hbm>> -> memref<1x1x40x128xi32, #tpu.memory_space<hbm>>
      %dma_start3A_68 = tpu.memref_squeeze %dma_start3A_67 : memref<1x1x40x128xi32, #tpu.memory_space<hbm>> -> memref<40x128xi32, #tpu.memory_space<hbm>>
      %dma_start3A_69 = arith.constant 0 : i32
      %dma_start3A_70 = arith.constant 0 : i32
      %dma_start3A_71 = tpu.memref_slice %arg3[%arg0, %arg1, %dma_start3A_69, %dma_start3A_70] : memref<2x16x80x128xi32, #tpu.memory_space<hbm>> -> memref<1x1x40x128xi32, #tpu.memory_space<hbm>>
      %dma_start3A_72 = tpu.memref_squeeze %dma_start3A_71 : memref<1x1x40x128xi32, #tpu.memory_space<hbm>> -> memref<40x128xi32, #tpu.memory_space<hbm>>
      tpu.enqueue_dma source(%dma_start3A_72 : memref<40x128xi32, #tpu.memory_space<hbm>>) target(%arg7 : memref<40x128xi32, #tpu.memory_space<vmem>>) target_semaphore(%run_scoped3A : memref<!tpu.dma_semaphore, #tpu.memory_space<semaphore_mem>>)
      %dma_wait3A_73 = arith.constant 0 : i32
      %dma_wait3A_74 = arith.constant 0 : i32
      %dma_wait3A_75 = tpu.memref_slice %arg3[%arg0, %arg1, %dma_wait3A_73, %dma_wait3A_74] : memref<2x16x80x128xi32, #tpu.memory_space<hbm>> -> memref<1x1x40x128xi32, #tpu.memory_space<hbm>>
      %dma_wait3A_76 = tpu.memref_squeeze %dma_wait3A_75 : memref<1x1x40x128xi32, #tpu.memory_space<hbm>> -> memref<40x128xi32, #tpu.memory_space<hbm>>
      %dma_wait3A_77 = arith.constant 0 : i32
      %dma_wait3A_78 = arith.constant 0 : i32
      %dma_wait3A_79 = tpu.memref_slice %arg3[%arg0, %arg1, %dma_wait3A_77, %dma_wait3A_78] : memref<2x16x80x128xi32, #tpu.memory_space<hbm>> -> memref<1x1x40x128xi32, #tpu.memory_space<hbm>>
      %dma_wait3A_80 = tpu.memref_squeeze %dma_wait3A_79 : memref<1x1x40x128xi32, #tpu.memory_space<hbm>> -> memref<40x128xi32, #tpu.memory_space<hbm>>
      tpu.wait_dma2 semaphore(%run_scoped3A : memref<!tpu.dma_semaphore, #tpu.memory_space<semaphore_mem>>) src(%dma_wait3A_80 : memref<40x128xi32, #tpu.memory_space<hbm>>) dst(%arg7 : memref<40x128xi32, #tpu.memory_space<vmem>>)
      tpu.yield
    }) : () -> ()
    %dma_start3A = arith.constant 0 : i32
    %dma_start3A_16 = arith.constant 0 : i32
    %dma_start3A_17 = tpu.memref_slice %arg6[%dma_start3A, %dma_start3A_16] : memref<40x128xi32, #tpu.memory_space<vmem>> -> memref<1x128xi32, #tpu.memory_space<vmem>>
    %dma_start3A_18 = tpu.memref_squeeze %dma_start3A_17 : memref<1x128xi32, #tpu.memory_space<vmem>> -> memref<128xi32, #tpu.memory_space<vmem>>
    %dma_start3A_19 = arith.constant 0 : i32
    %dma_start3A_20 = arith.constant 0 : i32
    %dma_start3A_21 = tpu.memref_slice %arg4[%dma_start3A_19, %dma_start3A_20] : memref<10000x128xf32, #tpu.memory_space<hbm>> -> memref<10000x128xf32, #tpu.memory_space<hbm>>
    tpu.enqueue_indirect_dma source(%dma_start3A_21 : memref<10000x128xf32, #tpu.memory_space<hbm>>) target(%arg8 : memref<128x128xf32, #tpu.memory_space<vmem>>) offsets(%dma_start3A_18 : memref<128xi32, #tpu.memory_space<vmem>>) semaphore(%arg11 : memref<!tpu.dma_semaphore, #tpu.memory_space<semaphore_mem>>)
    %scan3A_22 = arith.constant 0 : i32
    %scan3A_23 = arith.constant 0 : i32
    %scan3A_24 = arith.constant 20 : i32
    %scan3A_25 = arith.addi %scan3A_23, %scan3A_24 : i32
    %scan3A_26 = arith.constant 1 : i32
    scf.for %scan3A_65 = %scan3A_23 to %scan3A_25 step %scan3A_26  : i32 {
      %mul3A_66 = arith.constant 2 : i32
      %mul3A_67 = arith.muli %mul3A_66, %scan3A_65 : i32
      %gt3A = arith.constant 0 : i32
      %gt3A_68 = arith.cmpi sgt, %scan3A_65, %gt3A : i32
      %convert_element_type3A = arith.extui %gt3A_68 : i1 to i32
      %cond3A = arith.constant 0 : i32
      %cond3A_69 = arith.cmpi ne, %convert_element_type3A, %cond3A : i32
      scf.if %cond3A_69 {
        %sub3A = arith.constant 1 : i32
        %sub3A_116 = arith.subi %mul3A_67, %sub3A : i32
        %dma_wait3A_117 = arith.constant 0 : i32
        %dma_wait3A_118 = tpu.memref_slice %arg7[%sub3A_116, %dma_wait3A_117] : memref<40x128xi32, #tpu.memory_space<vmem>> -> memref<1x128xi32, #tpu.memory_space<vmem>>
        %dma_wait3A_119 = tpu.memref_squeeze %dma_wait3A_118 : memref<1x128xi32, #tpu.memory_space<vmem>> -> memref<128xi32, #tpu.memory_space<vmem>>
        %dma_wait3A_120 = arith.constant 0 : i32
        %dma_wait3A_121 = arith.constant 0 : i32
        %dma_wait3A_122 = tpu.memref_slice %arg10[%dma_wait3A_120, %dma_wait3A_121] : memref<10240x128xf32, #tpu.memory_space<vmem_shared>> -> memref<10240x128xf32, #tpu.memory_space<vmem_shared>>
        tpu.wait_indirect_dma semaphore(%arg14 : memref<!tpu.dma_semaphore, #tpu.memory_space<semaphore_mem>>) src(%arg9 : memref<128x128xf32, #tpu.memory_space<vmem>>) dst(%dma_wait3A_122 : memref<10240x128xf32, #tpu.memory_space<vmem_shared>>)
      } else {
      }
      %add3A_70 = arith.constant 1 : i32
      %add3A_71 = arith.addi %mul3A_67, %add3A_70 : i32
      %dma_start3A_72 = arith.constant 0 : i32
      %dma_start3A_73 = tpu.memref_slice %arg6[%add3A_71, %dma_start3A_72] : memref<40x128xi32, #tpu.memory_space<vmem>> -> memref<1x128xi32, #tpu.memory_space<vmem>>
      %dma_start3A_74 = tpu.memref_squeeze %dma_start3A_73 : memref<1x128xi32, #tpu.memory_space<vmem>> -> memref<128xi32, #tpu.memory_space<vmem>>
      %dma_start3A_75 = arith.constant 0 : i32
      %dma_start3A_76 = arith.constant 0 : i32
      %dma_start3A_77 = tpu.memref_slice %arg4[%dma_start3A_75, %dma_start3A_76] : memref<10000x128xf32, #tpu.memory_space<hbm>> -> memref<10000x128xf32, #tpu.memory_space<hbm>>
      tpu.enqueue_indirect_dma source(%dma_start3A_77 : memref<10000x128xf32, #tpu.memory_space<hbm>>) target(%arg9 : memref<128x128xf32, #tpu.memory_space<vmem>>) offsets(%dma_start3A_74 : memref<128xi32, #tpu.memory_space<vmem>>) semaphore(%arg12 : memref<!tpu.dma_semaphore, #tpu.memory_space<semaphore_mem>>)
      %dma_wait3A_78 = arith.constant 0 : i32
      %dma_wait3A_79 = tpu.memref_slice %arg6[%mul3A_67, %dma_wait3A_78] : memref<40x128xi32, #tpu.memory_space<vmem>> -> memref<1x128xi32, #tpu.memory_space<vmem>>
      %dma_wait3A_80 = tpu.memref_squeeze %dma_wait3A_79 : memref<1x128xi32, #tpu.memory_space<vmem>> -> memref<128xi32, #tpu.memory_space<vmem>>
      %dma_wait3A_81 = arith.constant 0 : i32
      %dma_wait3A_82 = arith.constant 0 : i32
      %dma_wait3A_83 = tpu.memref_slice %arg4[%dma_wait3A_81, %dma_wait3A_82] : memref<10000x128xf32, #tpu.memory_space<hbm>> -> memref<10000x128xf32, #tpu.memory_space<hbm>>
      tpu.wait_indirect_dma semaphore(%arg11 : memref<!tpu.dma_semaphore, #tpu.memory_space<semaphore_mem>>) src(%dma_wait3A_83 : memref<10000x128xf32, #tpu.memory_space<hbm>>) dst(%arg8 : memref<128x128xf32, #tpu.memory_space<vmem>>)
      %dma_start3A_84 = arith.constant 0 : i32
      %dma_start3A_85 = tpu.memref_slice %arg7[%mul3A_67, %dma_start3A_84] : memref<40x128xi32, #tpu.memory_space<vmem>> -> memref<1x128xi32, #tpu.memory_space<vmem>>
      %dma_start3A_86 = tpu.memref_squeeze %dma_start3A_85 : memref<1x128xi32, #tpu.memory_space<vmem>> -> memref<128xi32, #tpu.memory_space<vmem>>
      %dma_start3A_87 = arith.constant 0 : i32
      %dma_start3A_88 = arith.constant 0 : i32
      %dma_start3A_89 = tpu.memref_slice %arg10[%dma_start3A_87, %dma_start3A_88] : memref<10240x128xf32, #tpu.memory_space<vmem_shared>> -> memref<10240x128xf32, #tpu.memory_space<vmem_shared>>
      tpu.enqueue_indirect_dma source(%arg8 : memref<128x128xf32, #tpu.memory_space<vmem>>) target(%dma_start3A_89 : memref<10240x128xf32, #tpu.memory_space<vmem_shared>>) offsets(%dma_start3A_86 : memref<128xi32, #tpu.memory_space<vmem>>) semaphore(%arg13 : memref<!tpu.dma_semaphore, #tpu.memory_space<semaphore_mem>>) {add = true}
      %dma_wait3A_90 = arith.constant 0 : i32
      %dma_wait3A_91 = tpu.memref_slice %arg7[%mul3A_67, %dma_wait3A_90] : memref<40x128xi32, #tpu.memory_space<vmem>> -> memref<1x128xi32, #tpu.memory_space<vmem>>
      %dma_wait3A_92 = tpu.memref_squeeze %dma_wait3A_91 : memref<1x128xi32, #tpu.memory_space<vmem>> -> memref<128xi32, #tpu.memory_space<vmem>>
      %dma_wait3A_93 = arith.constant 0 : i32
      %dma_wait3A_94 = arith.constant 0 : i32
      %dma_wait3A_95 = tpu.memref_slice %arg10[%dma_wait3A_93, %dma_wait3A_94] : memref<10240x128xf32, #tpu.memory_space<vmem_shared>> -> memref<10240x128xf32, #tpu.memory_space<vmem_shared>>
      tpu.wait_indirect_dma semaphore(%arg13 : memref<!tpu.dma_semaphore, #tpu.memory_space<semaphore_mem>>) src(%arg8 : memref<128x128xf32, #tpu.memory_space<vmem>>) dst(%dma_wait3A_95 : memref<10240x128xf32, #tpu.memory_space<vmem_shared>>)
      %lt3A = arith.constant 19 : i32
      %lt3A_96 = arith.cmpi slt, %scan3A_65, %lt3A : i32
      %convert_element_type3A_97 = arith.extui %lt3A_96 : i1 to i32
      %cond3A_98 = arith.constant 0 : i32
      %cond3A_99 = arith.cmpi ne, %convert_element_type3A_97, %cond3A_98 : i32
      scf.if %cond3A_99 {
        %add3A_116 = arith.constant 2 : i32
        %add3A_117 = arith.addi %mul3A_67, %add3A_116 : i32
        %dma_start3A_118 = arith.constant 0 : i32
        %dma_start3A_119 = tpu.memref_slice %arg6[%add3A_117, %dma_start3A_118] : memref<40x128xi32, #tpu.memory_space<vmem>> -> memref<1x128xi32, #tpu.memory_space<vmem>>
        %dma_start3A_120 = tpu.memref_squeeze %dma_start3A_119 : memref<1x128xi32, #tpu.memory_space<vmem>> -> memref<128xi32, #tpu.memory_space<vmem>>
        %dma_start3A_121 = arith.constant 0 : i32
        %dma_start3A_122 = arith.constant 0 : i32
        %dma_start3A_123 = tpu.memref_slice %arg4[%dma_start3A_121, %dma_start3A_122] : memref<10000x128xf32, #tpu.memory_space<hbm>> -> memref<10000x128xf32, #tpu.memory_space<hbm>>
        tpu.enqueue_indirect_dma source(%dma_start3A_123 : memref<10000x128xf32, #tpu.memory_space<hbm>>) target(%arg8 : memref<128x128xf32, #tpu.memory_space<vmem>>) offsets(%dma_start3A_120 : memref<128xi32, #tpu.memory_space<vmem>>) semaphore(%arg11 : memref<!tpu.dma_semaphore, #tpu.memory_space<semaphore_mem>>)
      } else {
      }
      %add3A_100 = arith.constant 1 : i32
      %add3A_101 = arith.addi %mul3A_67, %add3A_100 : i32
      %dma_wait3A_102 = arith.constant 0 : i32
      %dma_wait3A_103 = tpu.memref_slice %arg6[%add3A_101, %dma_wait3A_102] : memref<40x128xi32, #tpu.memory_space<vmem>> -> memref<1x128xi32, #tpu.memory_space<vmem>>
      %dma_wait3A_104 = tpu.memref_squeeze %dma_wait3A_103 : memref<1x128xi32, #tpu.memory_space<vmem>> -> memref<128xi32, #tpu.memory_space<vmem>>
      %dma_wait3A_105 = arith.constant 0 : i32
      %dma_wait3A_106 = arith.constant 0 : i32
      %dma_wait3A_107 = tpu.memref_slice %arg4[%dma_wait3A_105, %dma_wait3A_106] : memref<10000x128xf32, #tpu.memory_space<hbm>> -> memref<10000x128xf32, #tpu.memory_space<hbm>>
      tpu.wait_indirect_dma semaphore(%arg12 : memref<!tpu.dma_semaphore, #tpu.memory_space<semaphore_mem>>) src(%dma_wait3A_107 : memref<10000x128xf32, #tpu.memory_space<hbm>>) dst(%arg9 : memref<128x128xf32, #tpu.memory_space<vmem>>)
      %add3A_108 = arith.constant 1 : i32
      %add3A_109 = arith.addi %mul3A_67, %add3A_108 : i32
      %dma_start3A_110 = arith.constant 0 : i32
      %dma_start3A_111 = tpu.memref_slice %arg7[%add3A_109, %dma_start3A_110] : memref<40x128xi32, #tpu.memory_space<vmem>> -> memref<1x128xi32, #tpu.memory_space<vmem>>
      %dma_start3A_112 = tpu.memref_squeeze %dma_start3A_111 : memref<1x128xi32, #tpu.memory_space<vmem>> -> memref<128xi32, #tpu.memory_space<vmem>>
      %dma_start3A_113 = arith.constant 0 : i32
      %dma_start3A_114 = arith.constant 0 : i32
      %dma_start3A_115 = tpu.memref_slice %arg10[%dma_start3A_113, %dma_start3A_114] : memref<10240x128xf32, #tpu.memory_space<vmem_shared>> -> memref<10240x128xf32, #tpu.memory_space<vmem_shared>>
      tpu.enqueue_indirect_dma source(%arg9 : memref<128x128xf32, #tpu.memory_space<vmem>>) target(%dma_start3A_115 : memref<10240x128xf32, #tpu.memory_space<vmem_shared>>) offsets(%dma_start3A_112 : memref<128xi32, #tpu.memory_space<vmem>>) semaphore(%arg14 : memref<!tpu.dma_semaphore, #tpu.memory_space<semaphore_mem>>) {add = true}
    }
    %scan3A_27 = arith.constant 20 : i32
    %dma_wait3A = arith.constant 39 : i32
    %dma_wait3A_28 = arith.constant 0 : i32
    %dma_wait3A_29 = tpu.memref_slice %arg7[%dma_wait3A, %dma_wait3A_28] : memref<40x128xi32, #tpu.memory_space<vmem>> -> memref<1x128xi32, #tpu.memory_space<vmem>>
    %dma_wait3A_30 = tpu.memref_squeeze %dma_wait3A_29 : memref<1x128xi32, #tpu.memory_space<vmem>> -> memref<128xi32, #tpu.memory_space<vmem>>
    %dma_wait3A_31 = arith.constant 0 : i32
    %dma_wait3A_32 = arith.constant 0 : i32
    %dma_wait3A_33 = tpu.memref_slice %arg10[%dma_wait3A_31, %dma_wait3A_32] : memref<10240x128xf32, #tpu.memory_space<vmem_shared>> -> memref<10240x128xf32, #tpu.memory_space<vmem_shared>>
    tpu.wait_indirect_dma semaphore(%arg14 : memref<!tpu.dma_semaphore, #tpu.memory_space<semaphore_mem>>) src(%arg9 : memref<128x128xf32, #tpu.memory_space<vmem>>) dst(%dma_wait3A_33 : memref<10240x128xf32, #tpu.memory_space<vmem_shared>>)
    "tpu.region"() ({
      %run_scoped3A = tpu.sem_alloc : memref<!tpu.dma_semaphore, #tpu.memory_space<semaphore_mem>>
      %dma_start3A_65 = arith.constant 40 : i32
      %dma_start3A_66 = arith.constant 0 : i32
      %dma_start3A_67 = tpu.memref_slice %arg2[%arg0, %arg1, %dma_start3A_65, %dma_start3A_66] : memref<2x16x80x128xi32, #tpu.memory_space<hbm>> -> memref<1x1x40x128xi32, #tpu.memory_space<hbm>>
      %dma_start3A_68 = tpu.memref_squeeze %dma_start3A_67 : memref<1x1x40x128xi32, #tpu.memory_space<hbm>> -> memref<40x128xi32, #tpu.memory_space<hbm>>
      %dma_start3A_69 = arith.constant 40 : i32
      %dma_start3A_70 = arith.constant 0 : i32
      %dma_start3A_71 = tpu.memref_slice %arg2[%arg0, %arg1, %dma_start3A_69, %dma_start3A_70] : memref<2x16x80x128xi32, #tpu.memory_space<hbm>> -> memref<1x1x40x128xi32, #tpu.memory_space<hbm>>
      %dma_start3A_72 = tpu.memref_squeeze %dma_start3A_71 : memref<1x1x40x128xi32, #tpu.memory_space<hbm>> -> memref<40x128xi32, #tpu.memory_space<hbm>>
      tpu.enqueue_dma source(%dma_start3A_72 : memref<40x128xi32, #tpu.memory_space<hbm>>) target(%arg6 : memref<40x128xi32, #tpu.memory_space<vmem>>) target_semaphore(%run_scoped3A : memref<!tpu.dma_semaphore, #tpu.memory_space<semaphore_mem>>)
      %dma_wait3A_73 = arith.constant 40 : i32
      %dma_wait3A_74 = arith.constant 0 : i32
      %dma_wait3A_75 = tpu.memref_slice %arg2[%arg0, %arg1, %dma_wait3A_73, %dma_wait3A_74] : memref<2x16x80x128xi32, #tpu.memory_space<hbm>> -> memref<1x1x40x128xi32, #tpu.memory_space<hbm>>
      %dma_wait3A_76 = tpu.memref_squeeze %dma_wait3A_75 : memref<1x1x40x128xi32, #tpu.memory_space<hbm>> -> memref<40x128xi32, #tpu.memory_space<hbm>>
      %dma_wait3A_77 = arith.constant 40 : i32
      %dma_wait3A_78 = arith.constant 0 : i32
      %dma_wait3A_79 = tpu.memref_slice %arg2[%arg0, %arg1, %dma_wait3A_77, %dma_wait3A_78] : memref<2x16x80x128xi32, #tpu.memory_space<hbm>> -> memref<1x1x40x128xi32, #tpu.memory_space<hbm>>
      %dma_wait3A_80 = tpu.memref_squeeze %dma_wait3A_79 : memref<1x1x40x128xi32, #tpu.memory_space<hbm>> -> memref<40x128xi32, #tpu.memory_space<hbm>>
      tpu.wait_dma2 semaphore(%run_scoped3A : memref<!tpu.dma_semaphore, #tpu.memory_space<semaphore_mem>>) src(%dma_wait3A_80 : memref<40x128xi32, #tpu.memory_space<hbm>>) dst(%arg6 : memref<40x128xi32, #tpu.memory_space<vmem>>)
      tpu.yield
    }) : () -> ()
    "tpu.region"() ({
      %run_scoped3A = tpu.sem_alloc : memref<!tpu.dma_semaphore, #tpu.memory_space<semaphore_mem>>
      %dma_start3A_65 = arith.constant 40 : i32
      %dma_start3A_66 = arith.constant 0 : i32
      %dma_start3A_67 = tpu.memref_slice %arg3[%arg0, %arg1, %dma_start3A_65, %dma_start3A_66] : memref<2x16x80x128xi32, #tpu.memory_space<hbm>> -> memref<1x1x40x128xi32, #tpu.memory_space<hbm>>
      %dma_start3A_68 = tpu.memref_squeeze %dma_start3A_67 : memref<1x1x40x128xi32, #tpu.memory_space<hbm>> -> memref<40x128xi32, #tpu.memory_space<hbm>>
      %dma_start3A_69 = arith.constant 40 : i32
      %dma_start3A_70 = arith.constant 0 : i32
      %dma_start3A_71 = tpu.memref_slice %arg3[%arg0, %arg1, %dma_start3A_69, %dma_start3A_70] : memref<2x16x80x128xi32, #tpu.memory_space<hbm>> -> memref<1x1x40x128xi32, #tpu.memory_space<hbm>>
      %dma_start3A_72 = tpu.memref_squeeze %dma_start3A_71 : memref<1x1x40x128xi32, #tpu.memory_space<hbm>> -> memref<40x128xi32, #tpu.memory_space<hbm>>
      tpu.enqueue_dma source(%dma_start3A_72 : memref<40x128xi32, #tpu.memory_space<hbm>>) target(%arg7 : memref<40x128xi32, #tpu.memory_space<vmem>>) target_semaphore(%run_scoped3A : memref<!tpu.dma_semaphore, #tpu.memory_space<semaphore_mem>>)
      %dma_wait3A_73 = arith.constant 40 : i32
      %dma_wait3A_74 = arith.constant 0 : i32
      %dma_wait3A_75 = tpu.memref_slice %arg3[%arg0, %arg1, %dma_wait3A_73, %dma_wait3A_74] : memref<2x16x80x128xi32, #tpu.memory_space<hbm>> -> memref<1x1x40x128xi32, #tpu.memory_space<hbm>>
      %dma_wait3A_76 = tpu.memref_squeeze %dma_wait3A_75 : memref<1x1x40x128xi32, #tpu.memory_space<hbm>> -> memref<40x128xi32, #tpu.memory_space<hbm>>
      %dma_wait3A_77 = arith.constant 40 : i32
      %dma_wait3A_78 = arith.constant 0 : i32
      %dma_wait3A_79 = tpu.memref_slice %arg3[%arg0, %arg1, %dma_wait3A_77, %dma_wait3A_78] : memref<2x16x80x128xi32, #tpu.memory_space<hbm>> -> memref<1x1x40x128xi32, #tpu.memory_space<hbm>>
      %dma_wait3A_80 = tpu.memref_squeeze %dma_wait3A_79 : memref<1x1x40x128xi32, #tpu.memory_space<hbm>> -> memref<40x128xi32, #tpu.memory_space<hbm>>
      tpu.wait_dma2 semaphore(%run_scoped3A : memref<!tpu.dma_semaphore, #tpu.memory_space<semaphore_mem>>) src(%dma_wait3A_80 : memref<40x128xi32, #tpu.memory_space<hbm>>) dst(%arg7 : memref<40x128xi32, #tpu.memory_space<vmem>>)
      tpu.yield
    }) : () -> ()
    %dma_start3A_34 = arith.constant 0 : i32
    %dma_start3A_35 = arith.constant 0 : i32
    %dma_start3A_36 = tpu.memref_slice %arg6[%dma_start3A_34, %dma_start3A_35] : memref<40x128xi32, #tpu.memory_space<vmem>> -> memref<1x128xi32, #tpu.memory_space<vmem>>
    %dma_start3A_37 = tpu.memref_squeeze %dma_start3A_36 : memref<1x128xi32, #tpu.memory_space<vmem>> -> memref<128xi32, #tpu.memory_space<vmem>>
    %dma_start3A_38 = arith.constant 0 : i32
    %dma_start3A_39 = arith.constant 0 : i32
    %dma_start3A_40 = tpu.memref_slice %arg4[%dma_start3A_38, %dma_start3A_39] : memref<10000x128xf32, #tpu.memory_space<hbm>> -> memref<10000x128xf32, #tpu.memory_space<hbm>>
    tpu.enqueue_indirect_dma source(%dma_start3A_40 : memref<10000x128xf32, #tpu.memory_space<hbm>>) target(%arg8 : memref<128x128xf32, #tpu.memory_space<vmem>>) offsets(%dma_start3A_37 : memref<128xi32, #tpu.memory_space<vmem>>) semaphore(%arg11 : memref<!tpu.dma_semaphore, #tpu.memory_space<semaphore_mem>>)
    %scan3A_41 = arith.constant 0 : i32
    %scan3A_42 = arith.constant 0 : i32
    %scan3A_43 = arith.constant 20 : i32
    %scan3A_44 = arith.addi %scan3A_42, %scan3A_43 : i32
    %scan3A_45 = arith.constant 1 : i32
    scf.for %scan3A_65 = %scan3A_42 to %scan3A_44 step %scan3A_45  : i32 {
      %mul3A_66 = arith.constant 2 : i32
      %mul3A_67 = arith.muli %mul3A_66, %scan3A_65 : i32
      %gt3A = arith.constant 0 : i32
      %gt3A_68 = arith.cmpi sgt, %scan3A_65, %gt3A : i32
      %convert_element_type3A = arith.extui %gt3A_68 : i1 to i32
      %cond3A = arith.constant 0 : i32
      %cond3A_69 = arith.cmpi ne, %convert_element_type3A, %cond3A : i32
      scf.if %cond3A_69 {
        %sub3A = arith.constant 1 : i32
        %sub3A_116 = arith.subi %mul3A_67, %sub3A : i32
        %dma_wait3A_117 = arith.constant 0 : i32
        %dma_wait3A_118 = tpu.memref_slice %arg7[%sub3A_116, %dma_wait3A_117] : memref<40x128xi32, #tpu.memory_space<vmem>> -> memref<1x128xi32, #tpu.memory_space<vmem>>
        %dma_wait3A_119 = tpu.memref_squeeze %dma_wait3A_118 : memref<1x128xi32, #tpu.memory_space<vmem>> -> memref<128xi32, #tpu.memory_space<vmem>>
        %dma_wait3A_120 = arith.constant 0 : i32
        %dma_wait3A_121 = arith.constant 0 : i32
        %dma_wait3A_122 = tpu.memref_slice %arg10[%dma_wait3A_120, %dma_wait3A_121] : memref<10240x128xf32, #tpu.memory_space<vmem_shared>> -> memref<10240x128xf32, #tpu.memory_space<vmem_shared>>
        tpu.wait_indirect_dma semaphore(%arg14 : memref<!tpu.dma_semaphore, #tpu.memory_space<semaphore_mem>>) src(%arg9 : memref<128x128xf32, #tpu.memory_space<vmem>>) dst(%dma_wait3A_122 : memref<10240x128xf32, #tpu.memory_space<vmem_shared>>)
      } else {
      }
      %add3A_70 = arith.constant 1 : i32
      %add3A_71 = arith.addi %mul3A_67, %add3A_70 : i32
      %dma_start3A_72 = arith.constant 0 : i32
      %dma_start3A_73 = tpu.memref_slice %arg6[%add3A_71, %dma_start3A_72] : memref<40x128xi32, #tpu.memory_space<vmem>> -> memref<1x128xi32, #tpu.memory_space<vmem>>
      %dma_start3A_74 = tpu.memref_squeeze %dma_start3A_73 : memref<1x128xi32, #tpu.memory_space<vmem>> -> memref<128xi32, #tpu.memory_space<vmem>>
      %dma_start3A_75 = arith.constant 0 : i32
      %dma_start3A_76 = arith.constant 0 : i32
      %dma_start3A_77 = tpu.memref_slice %arg4[%dma_start3A_75, %dma_start3A_76] : memref<10000x128xf32, #tpu.memory_space<hbm>> -> memref<10000x128xf32, #tpu.memory_space<hbm>>
      tpu.enqueue_indirect_dma source(%dma_start3A_77 : memref<10000x128xf32, #tpu.memory_space<hbm>>) target(%arg9 : memref<128x128xf32, #tpu.memory_space<vmem>>) offsets(%dma_start3A_74 : memref<128xi32, #tpu.memory_space<vmem>>) semaphore(%arg12 : memref<!tpu.dma_semaphore, #tpu.memory_space<semaphore_mem>>)
      %dma_wait3A_78 = arith.constant 0 : i32
      %dma_wait3A_79 = tpu.memref_slice %arg6[%mul3A_67, %dma_wait3A_78] : memref<40x128xi32, #tpu.memory_space<vmem>> -> memref<1x128xi32, #tpu.memory_space<vmem>>
      %dma_wait3A_80 = tpu.memref_squeeze %dma_wait3A_79 : memref<1x128xi32, #tpu.memory_space<vmem>> -> memref<128xi32, #tpu.memory_space<vmem>>
      %dma_wait3A_81 = arith.constant 0 : i32
      %dma_wait3A_82 = arith.constant 0 : i32
      %dma_wait3A_83 = tpu.memref_slice %arg4[%dma_wait3A_81, %dma_wait3A_82] : memref<10000x128xf32, #tpu.memory_space<hbm>> -> memref<10000x128xf32, #tpu.memory_space<hbm>>
      tpu.wait_indirect_dma semaphore(%arg11 : memref<!tpu.dma_semaphore, #tpu.memory_space<semaphore_mem>>) src(%dma_wait3A_83 : memref<10000x128xf32, #tpu.memory_space<hbm>>) dst(%arg8 : memref<128x128xf32, #tpu.memory_space<vmem>>)
      %dma_start3A_84 = arith.constant 0 : i32
      %dma_start3A_85 = tpu.memref_slice %arg7[%mul3A_67, %dma_start3A_84] : memref<40x128xi32, #tpu.memory_space<vmem>> -> memref<1x128xi32, #tpu.memory_space<vmem>>
      %dma_start3A_86 = tpu.memref_squeeze %dma_start3A_85 : memref<1x128xi32, #tpu.memory_space<vmem>> -> memref<128xi32, #tpu.memory_space<vmem>>
      %dma_start3A_87 = arith.constant 0 : i32
      %dma_start3A_88 = arith.constant 0 : i32
      %dma_start3A_89 = tpu.memref_slice %arg10[%dma_start3A_87, %dma_start3A_88] : memref<10240x128xf32, #tpu.memory_space<vmem_shared>> -> memref<10240x128xf32, #tpu.memory_space<vmem_shared>>
      tpu.enqueue_indirect_dma source(%arg8 : memref<128x128xf32, #tpu.memory_space<vmem>>) target(%dma_start3A_89 : memref<10240x128xf32, #tpu.memory_space<vmem_shared>>) offsets(%dma_start3A_86 : memref<128xi32, #tpu.memory_space<vmem>>) semaphore(%arg13 : memref<!tpu.dma_semaphore, #tpu.memory_space<semaphore_mem>>) {add = true}
      %dma_wait3A_90 = arith.constant 0 : i32
      %dma_wait3A_91 = tpu.memref_slice %arg7[%mul3A_67, %dma_wait3A_90] : memref<40x128xi32, #tpu.memory_space<vmem>> -> memref<1x128xi32, #tpu.memory_space<vmem>>
      %dma_wait3A_92 = tpu.memref_squeeze %dma_wait3A_91 : memref<1x128xi32, #tpu.memory_space<vmem>> -> memref<128xi32, #tpu.memory_space<vmem>>
      %dma_wait3A_93 = arith.constant 0 : i32
      %dma_wait3A_94 = arith.constant 0 : i32
      %dma_wait3A_95 = tpu.memref_slice %arg10[%dma_wait3A_93, %dma_wait3A_94] : memref<10240x128xf32, #tpu.memory_space<vmem_shared>> -> memref<10240x128xf32, #tpu.memory_space<vmem_shared>>
      tpu.wait_indirect_dma semaphore(%arg13 : memref<!tpu.dma_semaphore, #tpu.memory_space<semaphore_mem>>) src(%arg8 : memref<128x128xf32, #tpu.memory_space<vmem>>) dst(%dma_wait3A_95 : memref<10240x128xf32, #tpu.memory_space<vmem_shared>>)
      %lt3A = arith.constant 19 : i32
      %lt3A_96 = arith.cmpi slt, %scan3A_65, %lt3A : i32
      %convert_element_type3A_97 = arith.extui %lt3A_96 : i1 to i32
      %cond3A_98 = arith.constant 0 : i32
      %cond3A_99 = arith.cmpi ne, %convert_element_type3A_97, %cond3A_98 : i32
      scf.if %cond3A_99 {
        %add3A_116 = arith.constant 2 : i32
        %add3A_117 = arith.addi %mul3A_67, %add3A_116 : i32
        %dma_start3A_118 = arith.constant 0 : i32
        %dma_start3A_119 = tpu.memref_slice %arg6[%add3A_117, %dma_start3A_118] : memref<40x128xi32, #tpu.memory_space<vmem>> -> memref<1x128xi32, #tpu.memory_space<vmem>>
        %dma_start3A_120 = tpu.memref_squeeze %dma_start3A_119 : memref<1x128xi32, #tpu.memory_space<vmem>> -> memref<128xi32, #tpu.memory_space<vmem>>
        %dma_start3A_121 = arith.constant 0 : i32
        %dma_start3A_122 = arith.constant 0 : i32
        %dma_start3A_123 = tpu.memref_slice %arg4[%dma_start3A_121, %dma_start3A_122] : memref<10000x128xf32, #tpu.memory_space<hbm>> -> memref<10000x128xf32, #tpu.memory_space<hbm>>
        tpu.enqueue_indirect_dma source(%dma_start3A_123 : memref<10000x128xf32, #tpu.memory_space<hbm>>) target(%arg8 : memref<128x128xf32, #tpu.memory_space<vmem>>) offsets(%dma_start3A_120 : memref<128xi32, #tpu.memory_space<vmem>>) semaphore(%arg11 : memref<!tpu.dma_semaphore, #tpu.memory_space<semaphore_mem>>)
      } else {
      }
      %add3A_100 = arith.constant 1 : i32
      %add3A_101 = arith.addi %mul3A_67, %add3A_100 : i32
      %dma_wait3A_102 = arith.constant 0 : i32
      %dma_wait3A_103 = tpu.memref_slice %arg6[%add3A_101, %dma_wait3A_102] : memref<40x128xi32, #tpu.memory_space<vmem>> -> memref<1x128xi32, #tpu.memory_space<vmem>>
      %dma_wait3A_104 = tpu.memref_squeeze %dma_wait3A_103 : memref<1x128xi32, #tpu.memory_space<vmem>> -> memref<128xi32, #tpu.memory_space<vmem>>
      %dma_wait3A_105 = arith.constant 0 : i32
      %dma_wait3A_106 = arith.constant 0 : i32
      %dma_wait3A_107 = tpu.memref_slice %arg4[%dma_wait3A_105, %dma_wait3A_106] : memref<10000x128xf32, #tpu.memory_space<hbm>> -> memref<10000x128xf32, #tpu.memory_space<hbm>>
      tpu.wait_indirect_dma semaphore(%arg12 : memref<!tpu.dma_semaphore, #tpu.memory_space<semaphore_mem>>) src(%dma_wait3A_107 : memref<10000x128xf32, #tpu.memory_space<hbm>>) dst(%arg9 : memref<128x128xf32, #tpu.memory_space<vmem>>)
      %add3A_108 = arith.constant 1 : i32
      %add3A_109 = arith.addi %mul3A_67, %add3A_108 : i32
      %dma_start3A_110 = arith.constant 0 : i32
      %dma_start3A_111 = tpu.memref_slice %arg7[%add3A_109, %dma_start3A_110] : memref<40x128xi32, #tpu.memory_space<vmem>> -> memref<1x128xi32, #tpu.memory_space<vmem>>
      %dma_start3A_112 = tpu.memref_squeeze %dma_start3A_111 : memref<1x128xi32, #tpu.memory_space<vmem>> -> memref<128xi32, #tpu.memory_space<vmem>>
      %dma_start3A_113 = arith.constant 0 : i32
      %dma_start3A_114 = arith.constant 0 : i32
      %dma_start3A_115 = tpu.memref_slice %arg10[%dma_start3A_113, %dma_start3A_114] : memref<10240x128xf32, #tpu.memory_space<vmem_shared>> -> memref<10240x128xf32, #tpu.memory_space<vmem_shared>>
      tpu.enqueue_indirect_dma source(%arg9 : memref<128x128xf32, #tpu.memory_space<vmem>>) target(%dma_start3A_115 : memref<10240x128xf32, #tpu.memory_space<vmem_shared>>) offsets(%dma_start3A_112 : memref<128xi32, #tpu.memory_space<vmem>>) semaphore(%arg14 : memref<!tpu.dma_semaphore, #tpu.memory_space<semaphore_mem>>) {add = true}
    }
    %scan3A_46 = arith.constant 20 : i32
    %dma_wait3A_47 = arith.constant 39 : i32
    %dma_wait3A_48 = arith.constant 0 : i32
    %dma_wait3A_49 = tpu.memref_slice %arg7[%dma_wait3A_47, %dma_wait3A_48] : memref<40x128xi32, #tpu.memory_space<vmem>> -> memref<1x128xi32, #tpu.memory_space<vmem>>
    %dma_wait3A_50 = tpu.memref_squeeze %dma_wait3A_49 : memref<1x128xi32, #tpu.memory_space<vmem>> -> memref<128xi32, #tpu.memory_space<vmem>>
    %dma_wait3A_51 = arith.constant 0 : i32
    %dma_wait3A_52 = arith.constant 0 : i32
    %dma_wait3A_53 = tpu.memref_slice %arg10[%dma_wait3A_51, %dma_wait3A_52] : memref<10240x128xf32, #tpu.memory_space<vmem_shared>> -> memref<10240x128xf32, #tpu.memory_space<vmem_shared>>
    tpu.wait_indirect_dma semaphore(%arg14 : memref<!tpu.dma_semaphore, #tpu.memory_space<semaphore_mem>>) src(%arg9 : memref<128x128xf32, #tpu.memory_space<vmem>>) dst(%dma_wait3A_53 : memref<10240x128xf32, #tpu.memory_space<vmem_shared>>)
    %barrier3A_54 = arith.constant 0 : index
    tpu.barrier barrier_id(%barrier3A_54)
    %add3A_55 = arith.constant 0 : i32
    %add3A_56 = arith.addi %mul3A_0, %add3A_55 : i32
    "tpu.region"() ({
      %run_scoped3A = tpu.sem_alloc : memref<!tpu.dma_semaphore, #tpu.memory_space<semaphore_mem>>
      %dma_start3A_65 = arith.constant 0 : i32
      %dma_start3A_66 = tpu.memref_slice %arg10[%add3A_56, %dma_start3A_65] : memref<10240x128xf32, #tpu.memory_space<vmem_shared>> -> memref<128x128xf32, #tpu.memory_space<vmem_shared>>
      %dma_start3A_67 = arith.constant 0 : i32
      %dma_start3A_68 = tpu.memref_slice %arg10[%add3A_56, %dma_start3A_67] : memref<10240x128xf32, #tpu.memory_space<vmem_shared>> -> memref<128x128xf32, #tpu.memory_space<vmem_shared>>
      tpu.enqueue_dma source(%dma_start3A_68 : memref<128x128xf32, #tpu.memory_space<vmem_shared>>) target(%arg8 : memref<128x128xf32, #tpu.memory_space<vmem>>) target_semaphore(%run_scoped3A : memref<!tpu.dma_semaphore, #tpu.memory_space<semaphore_mem>>)
      %dma_wait3A_69 = arith.constant 0 : i32
      %dma_wait3A_70 = tpu.memref_slice %arg10[%add3A_56, %dma_wait3A_69] : memref<10240x128xf32, #tpu.memory_space<vmem_shared>> -> memref<128x128xf32, #tpu.memory_space<vmem_shared>>
      %dma_wait3A_71 = arith.constant 0 : i32
      %dma_wait3A_72 = tpu.memref_slice %arg10[%add3A_56, %dma_wait3A_71] : memref<10240x128xf32, #tpu.memory_space<vmem_shared>> -> memref<128x128xf32, #tpu.memory_space<vmem_shared>>
      tpu.wait_dma2 semaphore(%run_scoped3A : memref<!tpu.dma_semaphore, #tpu.memory_space<semaphore_mem>>) src(%dma_wait3A_72 : memref<128x128xf32, #tpu.memory_space<vmem_shared>>) dst(%arg8 : memref<128x128xf32, #tpu.memory_space<vmem>>)
      tpu.yield
    }) : () -> ()
    "tpu.region"() ({
      %run_scoped3A = tpu.sem_alloc : memref<!tpu.dma_semaphore, #tpu.memory_space<semaphore_mem>>
      %dma_start3A_65 = arith.constant 0 : i32
      %dma_start3A_66 = tpu.memref_slice %arg5[%arg0, %add3A_56, %dma_start3A_65] : memref<2x10240x128xf32, #tpu.memory_space<hbm>> -> memref<1x128x128xf32, #tpu.memory_space<hbm>>
      %dma_start3A_67 = tpu.memref_squeeze %dma_start3A_66 : memref<1x128x128xf32, #tpu.memory_space<hbm>> -> memref<128x128xf32, #tpu.memory_space<hbm>>
      %dma_start3A_68 = arith.constant 0 : i32
      %dma_start3A_69 = tpu.memref_slice %arg5[%arg0, %add3A_56, %dma_start3A_68] : memref<2x10240x128xf32, #tpu.memory_space<hbm>> -> memref<1x128x128xf32, #tpu.memory_space<hbm>>
      %dma_start3A_70 = tpu.memref_squeeze %dma_start3A_69 : memref<1x128x128xf32, #tpu.memory_space<hbm>> -> memref<128x128xf32, #tpu.memory_space<hbm>>
      tpu.enqueue_dma source(%arg8 : memref<128x128xf32, #tpu.memory_space<vmem>>) target(%dma_start3A_70 : memref<128x128xf32, #tpu.memory_space<hbm>>) target_semaphore(%run_scoped3A : memref<!tpu.dma_semaphore, #tpu.memory_space<semaphore_mem>>)
      %dma_wait3A_71 = arith.constant 0 : i32
      %dma_wait3A_72 = tpu.memref_slice %arg5[%arg0, %add3A_56, %dma_wait3A_71] : memref<2x10240x128xf32, #tpu.memory_space<hbm>> -> memref<1x128x128xf32, #tpu.memory_space<hbm>>
      %dma_wait3A_73 = tpu.memref_squeeze %dma_wait3A_72 : memref<1x128x128xf32, #tpu.memory_space<hbm>> -> memref<128x128xf32, #tpu.memory_space<hbm>>
      %dma_wait3A_74 = arith.constant 0 : i32
      %dma_wait3A_75 = tpu.memref_slice %arg5[%arg0, %add3A_56, %dma_wait3A_74] : memref<2x10240x128xf32, #tpu.memory_space<hbm>> -> memref<1x128x128xf32, #tpu.memory_space<hbm>>
      %dma_wait3A_76 = tpu.memref_squeeze %dma_wait3A_75 : memref<1x128x128xf32, #tpu.memory_space<hbm>> -> memref<128x128xf32, #tpu.memory_space<hbm>>
      tpu.wait_dma2 semaphore(%run_scoped3A : memref<!tpu.dma_semaphore, #tpu.memory_space<semaphore_mem>>) src(%arg8 : memref<128x128xf32, #tpu.memory_space<vmem>>) dst(%dma_wait3A_76 : memref<128x128xf32, #tpu.memory_space<hbm>>)
      tpu.yield
    }) : () -> ()
    %add3A_57 = arith.constant 128 : i32
    %add3A_58 = arith.addi %mul3A_0, %add3A_57 : i32
    "tpu.region"() ({
      %run_scoped3A = tpu.sem_alloc : memref<!tpu.dma_semaphore, #tpu.memory_space<semaphore_mem>>
      %dma_start3A_65 = arith.constant 0 : i32
      %dma_start3A_66 = tpu.memref_slice %arg10[%add3A_58, %dma_start3A_65] : memref<10240x128xf32, #tpu.memory_space<vmem_shared>> -> memref<128x128xf32, #tpu.memory_space<vmem_shared>>
      %dma_start3A_67 = arith.constant 0 : i32
      %dma_start3A_68 = tpu.memref_slice %arg10[%add3A_58, %dma_start3A_67] : memref<10240x128xf32, #tpu.memory_space<vmem_shared>> -> memref<128x128xf32, #tpu.memory_space<vmem_shared>>
      tpu.enqueue_dma source(%dma_start3A_68 : memref<128x128xf32, #tpu.memory_space<vmem_shared>>) target(%arg9 : memref<128x128xf32, #tpu.memory_space<vmem>>) target_semaphore(%run_scoped3A : memref<!tpu.dma_semaphore, #tpu.memory_space<semaphore_mem>>)
      %dma_wait3A_69 = arith.constant 0 : i32
      %dma_wait3A_70 = tpu.memref_slice %arg10[%add3A_58, %dma_wait3A_69] : memref<10240x128xf32, #tpu.memory_space<vmem_shared>> -> memref<128x128xf32, #tpu.memory_space<vmem_shared>>
      %dma_wait3A_71 = arith.constant 0 : i32
      %dma_wait3A_72 = tpu.memref_slice %arg10[%add3A_58, %dma_wait3A_71] : memref<10240x128xf32, #tpu.memory_space<vmem_shared>> -> memref<128x128xf32, #tpu.memory_space<vmem_shared>>
      tpu.wait_dma2 semaphore(%run_scoped3A : memref<!tpu.dma_semaphore, #tpu.memory_space<semaphore_mem>>) src(%dma_wait3A_72 : memref<128x128xf32, #tpu.memory_space<vmem_shared>>) dst(%arg9 : memref<128x128xf32, #tpu.memory_space<vmem>>)
      tpu.yield
    }) : () -> ()
    "tpu.region"() ({
      %run_scoped3A = tpu.sem_alloc : memref<!tpu.dma_semaphore, #tpu.memory_space<semaphore_mem>>
      %dma_start3A_65 = arith.constant 0 : i32
      %dma_start3A_66 = tpu.memref_slice %arg5[%arg0, %add3A_58, %dma_start3A_65] : memref<2x10240x128xf32, #tpu.memory_space<hbm>> -> memref<1x128x128xf32, #tpu.memory_space<hbm>>
      %dma_start3A_67 = tpu.memref_squeeze %dma_start3A_66 : memref<1x128x128xf32, #tpu.memory_space<hbm>> -> memref<128x128xf32, #tpu.memory_space<hbm>>
      %dma_start3A_68 = arith.constant 0 : i32
      %dma_start3A_69 = tpu.memref_slice %arg5[%arg0, %add3A_58, %dma_start3A_68] : memref<2x10240x128xf32, #tpu.memory_space<hbm>> -> memref<1x128x128xf32, #tpu.memory_space<hbm>>
      %dma_start3A_70 = tpu.memref_squeeze %dma_start3A_69 : memref<1x128x128xf32, #tpu.memory_space<hbm>> -> memref<128x128xf32, #tpu.memory_space<hbm>>
      tpu.enqueue_dma source(%arg9 : memref<128x128xf32, #tpu.memory_space<vmem>>) target(%dma_start3A_70 : memref<128x128xf32, #tpu.memory_space<hbm>>) target_semaphore(%run_scoped3A : memref<!tpu.dma_semaphore, #tpu.memory_space<semaphore_mem>>)
      %dma_wait3A_71 = arith.constant 0 : i32
      %dma_wait3A_72 = tpu.memref_slice %arg5[%arg0, %add3A_58, %dma_wait3A_71] : memref<2x10240x128xf32, #tpu.memory_space<hbm>> -> memref<1x128x128xf32, #tpu.memory_space<hbm>>
      %dma_wait3A_73 = tpu.memref_squeeze %dma_wait3A_72 : memref<1x128x128xf32, #tpu.memory_space<hbm>> -> memref<128x128xf32, #tpu.memory_space<hbm>>
      %dma_wait3A_74 = arith.constant 0 : i32
      %dma_wait3A_75 = tpu.memref_slice %arg5[%arg0, %add3A_58, %dma_wait3A_74] : memref<2x10240x128xf32, #tpu.memory_space<hbm>> -> memref<1x128x128xf32, #tpu.memory_space<hbm>>
      %dma_wait3A_76 = tpu.memref_squeeze %dma_wait3A_75 : memref<1x128x128xf32, #tpu.memory_space<hbm>> -> memref<128x128xf32, #tpu.memory_space<hbm>>
      tpu.wait_dma2 semaphore(%run_scoped3A : memref<!tpu.dma_semaphore, #tpu.memory_space<semaphore_mem>>) src(%arg9 : memref<128x128xf32, #tpu.memory_space<vmem>>) dst(%dma_wait3A_76 : memref<128x128xf32, #tpu.memory_space<hbm>>)
      tpu.yield
    }) : () -> ()
    %add3A_59 = arith.constant 256 : i32
    %add3A_60 = arith.addi %mul3A_0, %add3A_59 : i32
    "tpu.region"() ({
      %run_scoped3A = tpu.sem_alloc : memref<!tpu.dma_semaphore, #tpu.memory_space<semaphore_mem>>
      %dma_start3A_65 = arith.constant 0 : i32
      %dma_start3A_66 = tpu.memref_slice %arg10[%add3A_60, %dma_start3A_65] : memref<10240x128xf32, #tpu.memory_space<vmem_shared>> -> memref<128x128xf32, #tpu.memory_space<vmem_shared>>
      %dma_start3A_67 = arith.constant 0 : i32
      %dma_start3A_68 = tpu.memref_slice %arg10[%add3A_60, %dma_start3A_67] : memref<10240x128xf32, #tpu.memory_space<vmem_shared>> -> memref<128x128xf32, #tpu.memory_space<vmem_shared>>
      tpu.enqueue_dma source(%dma_start3A_68 : memref<128x128xf32, #tpu.memory_space<vmem_shared>>) target(%arg8 : memref<128x128xf32, #tpu.memory_space<vmem>>) target_semaphore(%run_scoped3A : memref<!tpu.dma_semaphore, #tpu.memory_space<semaphore_mem>>)
      %dma_wait3A_69 = arith.constant 0 : i32
      %dma_wait3A_70 = tpu.memref_slice %arg10[%add3A_60, %dma_wait3A_69] : memref<10240x128xf32, #tpu.memory_space<vmem_shared>> -> memref<128x128xf32, #tpu.memory_space<vmem_shared>>
      %dma_wait3A_71 = arith.constant 0 : i32
      %dma_wait3A_72 = tpu.memref_slice %arg10[%add3A_60, %dma_wait3A_71] : memref<10240x128xf32, #tpu.memory_space<vmem_shared>> -> memref<128x128xf32, #tpu.memory_space<vmem_shared>>
      tpu.wait_dma2 semaphore(%run_scoped3A : memref<!tpu.dma_semaphore, #tpu.memory_space<semaphore_mem>>) src(%dma_wait3A_72 : memref<128x128xf32, #tpu.memory_space<vmem_shared>>) dst(%arg8 : memref<128x128xf32, #tpu.memory_space<vmem>>)
      tpu.yield
    }) : () -> ()
    "tpu.region"() ({
      %run_scoped3A = tpu.sem_alloc : memref<!tpu.dma_semaphore, #tpu.memory_space<semaphore_mem>>
      %dma_start3A_65 = arith.constant 0 : i32
      %dma_start3A_66 = tpu.memref_slice %arg5[%arg0, %add3A_60, %dma_start3A_65] : memref<2x10240x128xf32, #tpu.memory_space<hbm>> -> memref<1x128x128xf32, #tpu.memory_space<hbm>>
      %dma_start3A_67 = tpu.memref_squeeze %dma_start3A_66 : memref<1x128x128xf32, #tpu.memory_space<hbm>> -> memref<128x128xf32, #tpu.memory_space<hbm>>
      %dma_start3A_68 = arith.constant 0 : i32
      %dma_start3A_69 = tpu.memref_slice %arg5[%arg0, %add3A_60, %dma_start3A_68] : memref<2x10240x128xf32, #tpu.memory_space<hbm>> -> memref<1x128x128xf32, #tpu.memory_space<hbm>>
      %dma_start3A_70 = tpu.memref_squeeze %dma_start3A_69 : memref<1x128x128xf32, #tpu.memory_space<hbm>> -> memref<128x128xf32, #tpu.memory_space<hbm>>
      tpu.enqueue_dma source(%arg8 : memref<128x128xf32, #tpu.memory_space<vmem>>) target(%dma_start3A_70 : memref<128x128xf32, #tpu.memory_space<hbm>>) target_semaphore(%run_scoped3A : memref<!tpu.dma_semaphore, #tpu.memory_space<semaphore_mem>>)
      %dma_wait3A_71 = arith.constant 0 : i32
      %dma_wait3A_72 = tpu.memref_slice %arg5[%arg0, %add3A_60, %dma_wait3A_71] : memref<2x10240x128xf32, #tpu.memory_space<hbm>> -> memref<1x128x128xf32, #tpu.memory_space<hbm>>
      %dma_wait3A_73 = tpu.memref_squeeze %dma_wait3A_72 : memref<1x128x128xf32, #tpu.memory_space<hbm>> -> memref<128x128xf32, #tpu.memory_space<hbm>>
      %dma_wait3A_74 = arith.constant 0 : i32
      %dma_wait3A_75 = tpu.memref_slice %arg5[%arg0, %add3A_60, %dma_wait3A_74] : memref<2x10240x128xf32, #tpu.memory_space<hbm>> -> memref<1x128x128xf32, #tpu.memory_space<hbm>>
      %dma_wait3A_76 = tpu.memref_squeeze %dma_wait3A_75 : memref<1x128x128xf32, #tpu.memory_space<hbm>> -> memref<128x128xf32, #tpu.memory_space<hbm>>
      tpu.wait_dma2 semaphore(%run_scoped3A : memref<!tpu.dma_semaphore, #tpu.memory_space<semaphore_mem>>) src(%arg8 : memref<128x128xf32, #tpu.memory_space<vmem>>) dst(%dma_wait3A_76 : memref<128x128xf32, #tpu.memory_space<hbm>>)
      tpu.yield
    }) : () -> ()
    %add3A_61 = arith.constant 384 : i32
    %add3A_62 = arith.addi %mul3A_0, %add3A_61 : i32
    "tpu.region"() ({
      %run_scoped3A = tpu.sem_alloc : memref<!tpu.dma_semaphore, #tpu.memory_space<semaphore_mem>>
      %dma_start3A_65 = arith.constant 0 : i32
      %dma_start3A_66 = tpu.memref_slice %arg10[%add3A_62, %dma_start3A_65] : memref<10240x128xf32, #tpu.memory_space<vmem_shared>> -> memref<128x128xf32, #tpu.memory_space<vmem_shared>>
      %dma_start3A_67 = arith.constant 0 : i32
      %dma_start3A_68 = tpu.memref_slice %arg10[%add3A_62, %dma_start3A_67] : memref<10240x128xf32, #tpu.memory_space<vmem_shared>> -> memref<128x128xf32, #tpu.memory_space<vmem_shared>>
      tpu.enqueue_dma source(%dma_start3A_68 : memref<128x128xf32, #tpu.memory_space<vmem_shared>>) target(%arg9 : memref<128x128xf32, #tpu.memory_space<vmem>>) target_semaphore(%run_scoped3A : memref<!tpu.dma_semaphore, #tpu.memory_space<semaphore_mem>>)
      %dma_wait3A_69 = arith.constant 0 : i32
      %dma_wait3A_70 = tpu.memref_slice %arg10[%add3A_62, %dma_wait3A_69] : memref<10240x128xf32, #tpu.memory_space<vmem_shared>> -> memref<128x128xf32, #tpu.memory_space<vmem_shared>>
      %dma_wait3A_71 = arith.constant 0 : i32
      %dma_wait3A_72 = tpu.memref_slice %arg10[%add3A_62, %dma_wait3A_71] : memref<10240x128xf32, #tpu.memory_space<vmem_shared>> -> memref<128x128xf32, #tpu.memory_space<vmem_shared>>
      tpu.wait_dma2 semaphore(%run_scoped3A : memref<!tpu.dma_semaphore, #tpu.memory_space<semaphore_mem>>) src(%dma_wait3A_72 : memref<128x128xf32, #tpu.memory_space<vmem_shared>>) dst(%arg9 : memref<128x128xf32, #tpu.memory_space<vmem>>)
      tpu.yield
    }) : () -> ()
    "tpu.region"() ({
      %run_scoped3A = tpu.sem_alloc : memref<!tpu.dma_semaphore, #tpu.memory_space<semaphore_mem>>
      %dma_start3A_65 = arith.constant 0 : i32
      %dma_start3A_66 = tpu.memref_slice %arg5[%arg0, %add3A_62, %dma_start3A_65] : memref<2x10240x128xf32, #tpu.memory_space<hbm>> -> memref<1x128x128xf32, #tpu.memory_space<hbm>>
      %dma_start3A_67 = tpu.memref_squeeze %dma_start3A_66 : memref<1x128x128xf32, #tpu.memory_space<hbm>> -> memref<128x128xf32, #tpu.memory_space<hbm>>
      %dma_start3A_68 = arith.constant 0 : i32
      %dma_start3A_69 = tpu.memref_slice %arg5[%arg0, %add3A_62, %dma_start3A_68] : memref<2x10240x128xf32, #tpu.memory_space<hbm>> -> memref<1x128x128xf32, #tpu.memory_space<hbm>>
      %dma_start3A_70 = tpu.memref_squeeze %dma_start3A_69 : memref<1x128x128xf32, #tpu.memory_space<hbm>> -> memref<128x128xf32, #tpu.memory_space<hbm>>
      tpu.enqueue_dma source(%arg9 : memref<128x128xf32, #tpu.memory_space<vmem>>) target(%dma_start3A_70 : memref<128x128xf32, #tpu.memory_space<hbm>>) target_semaphore(%run_scoped3A : memref<!tpu.dma_semaphore, #tpu.memory_space<semaphore_mem>>)
      %dma_wait3A_71 = arith.constant 0 : i32
      %dma_wait3A_72 = tpu.memref_slice %arg5[%arg0, %add3A_62, %dma_wait3A_71] : memref<2x10240x128xf32, #tpu.memory_space<hbm>> -> memref<1x128x128xf32, #tpu.memory_space<hbm>>
      %dma_wait3A_73 = tpu.memref_squeeze %dma_wait3A_72 : memref<1x128x128xf32, #tpu.memory_space<hbm>> -> memref<128x128xf32, #tpu.memory_space<hbm>>
      %dma_wait3A_74 = arith.constant 0 : i32
      %dma_wait3A_75 = tpu.memref_slice %arg5[%arg0, %add3A_62, %dma_wait3A_74] : memref<2x10240x128xf32, #tpu.memory_space<hbm>> -> memref<1x128x128xf32, #tpu.memory_space<hbm>>
      %dma_wait3A_76 = tpu.memref_squeeze %dma_wait3A_75 : memref<1x128x128xf32, #tpu.memory_space<hbm>> -> memref<128x128xf32, #tpu.memory_space<hbm>>
      tpu.wait_dma2 semaphore(%run_scoped3A : memref<!tpu.dma_semaphore, #tpu.memory_space<semaphore_mem>>) src(%arg9 : memref<128x128xf32, #tpu.memory_space<vmem>>) dst(%dma_wait3A_76 : memref<128x128xf32, #tpu.memory_space<hbm>>)
      tpu.yield
    }) : () -> ()
    %add3A_63 = arith.constant 512 : i32
    %add3A_64 = arith.addi %mul3A_0, %add3A_63 : i32
    "tpu.region"() ({
      %run_scoped3A = tpu.sem_alloc : memref<!tpu.dma_semaphore, #tpu.memory_space<semaphore_mem>>
      %dma_start3A_65 = arith.constant 0 : i32
      %dma_start3A_66 = tpu.memref_slice %arg10[%add3A_64, %dma_start3A_65] : memref<10240x128xf32, #tpu.memory_space<vmem_shared>> -> memref<128x128xf32, #tpu.memory_space<vmem_shared>>
      %dma_start3A_67 = arith.constant 0 : i32
      %dma_start3A_68 = tpu.memref_slice %arg10[%add3A_64, %dma_start3A_67] : memref<10240x128xf32, #tpu.memory_space<vmem_shared>> -> memref<128x128xf32, #tpu.memory_space<vmem_shared>>
      tpu.enqueue_dma source(%dma_start3A_68 : memref<128x128xf32, #tpu.memory_space<vmem_shared>>) target(%arg8 : memref<128x128xf32, #tpu.memory_space<vmem>>) target_semaphore(%run_scoped3A : memref<!tpu.dma_semaphore, #tpu.memory_space<semaphore_mem>>)
      %dma_wait3A_69 = arith.constant 0 : i32
      %dma_wait3A_70 = tpu.memref_slice %arg10[%add3A_64, %dma_wait3A_69] : memref<10240x128xf32, #tpu.memory_space<vmem_shared>> -> memref<128x128xf32, #tpu.memory_space<vmem_shared>>
      %dma_wait3A_71 = arith.constant 0 : i32
      %dma_wait3A_72 = tpu.memref_slice %arg10[%add3A_64, %dma_wait3A_71] : memref<10240x128xf32, #tpu.memory_space<vmem_shared>> -> memref<128x128xf32, #tpu.memory_space<vmem_shared>>
      tpu.wait_dma2 semaphore(%run_scoped3A : memref<!tpu.dma_semaphore, #tpu.memory_space<semaphore_mem>>) src(%dma_wait3A_72 : memref<128x128xf32, #tpu.memory_space<vmem_shared>>) dst(%arg8 : memref<128x128xf32, #tpu.memory_space<vmem>>)
      tpu.yield
    }) : () -> ()
    "tpu.region"() ({
      %run_scoped3A = tpu.sem_alloc : memref<!tpu.dma_semaphore, #tpu.memory_space<semaphore_mem>>
      %dma_start3A_65 = arith.constant 0 : i32
      %dma_start3A_66 = tpu.memref_slice %arg5[%arg0, %add3A_64, %dma_start3A_65] : memref<2x10240x128xf32, #tpu.memory_space<hbm>> -> memref<1x128x128xf32, #tpu.memory_space<hbm>>
      %dma_start3A_67 = tpu.memref_squeeze %dma_start3A_66 : memref<1x128x128xf32, #tpu.memory_space<hbm>> -> memref<128x128xf32, #tpu.memory_space<hbm>>
      %dma_start3A_68 = arith.constant 0 : i32
      %dma_start3A_69 = tpu.memref_slice %arg5[%arg0, %add3A_64, %dma_start3A_68] : memref<2x10240x128xf32, #tpu.memory_space<hbm>> -> memref<1x128x128xf32, #tpu.memory_space<hbm>>
      %dma_start3A_70 = tpu.memref_squeeze %dma_start3A_69 : memref<1x128x128xf32, #tpu.memory_space<hbm>> -> memref<128x128xf32, #tpu.memory_space<hbm>>
      tpu.enqueue_dma source(%arg8 : memref<128x128xf32, #tpu.memory_space<vmem>>) target(%dma_start3A_70 : memref<128x128xf32, #tpu.memory_space<hbm>>) target_semaphore(%run_scoped3A : memref<!tpu.dma_semaphore, #tpu.memory_space<semaphore_mem>>)
      %dma_wait3A_71 = arith.constant 0 : i32
      %dma_wait3A_72 = tpu.memref_slice %arg5[%arg0, %add3A_64, %dma_wait3A_71] : memref<2x10240x128xf32, #tpu.memory_space<hbm>> -> memref<1x128x128xf32, #tpu.memory_space<hbm>>
      %dma_wait3A_73 = tpu.memref_squeeze %dma_wait3A_72 : memref<1x128x128xf32, #tpu.memory_space<hbm>> -> memref<128x128xf32, #tpu.memory_space<hbm>>
      %dma_wait3A_74 = arith.constant 0 : i32
      %dma_wait3A_75 = tpu.memref_slice %arg5[%arg0, %add3A_64, %dma_wait3A_74] : memref<2x10240x128xf32, #tpu.memory_space<hbm>> -> memref<1x128x128xf32, #tpu.memory_space<hbm>>
      %dma_wait3A_76 = tpu.memref_squeeze %dma_wait3A_75 : memref<1x128x128xf32, #tpu.memory_space<hbm>> -> memref<128x128xf32, #tpu.memory_space<hbm>>
      tpu.wait_dma2 semaphore(%run_scoped3A : memref<!tpu.dma_semaphore, #tpu.memory_space<semaphore_mem>>) src(%arg8 : memref<128x128xf32, #tpu.memory_space<vmem>>) dst(%dma_wait3A_76 : memref<128x128xf32, #tpu.memory_space<hbm>>)
      tpu.yield
    }) : () -> ()
    return
  }
}

module attributes {stable_mosaic.version = 14 : i64} {
  func.func @_tc0_body(%arg0: memref<2x16x80x128xf32, #tpu.memory_space<vmem>>, %arg1: memref<80x128xf32, #tpu.memory_space<vmem>>) attributes {dimension_semantics = [], scalar_prefetch = 0 : i64, scratch_operands = 0 : i64, tpu.core_type = #tpu.core_type<tc>} {
    %get3A = arith.constant 0 : index
    %get3A_0 = arith.constant 0 : index
    %get3A_1 = arith.constant 0 : index
    %get3A_2 = arith.constant 0 : index
    %get3A_3 = vector.load %arg0[%get3A, %get3A_0, %get3A_1, %get3A_2] : memref<2x16x80x128xf32, #tpu.memory_space<vmem>>, vector<2x16x80x128xf32>
    %reduce_sum3A = arith.constant dense<0.000000e+00> : vector<80x128xf32>
    %reduce_sum3A_4 = vector.multi_reduction <add>, %get3A_3, %reduce_sum3A [0, 1] : vector<2x16x80x128xf32> to vector<80x128xf32>
    %add3A = arith.constant 1.000000e+00 : f32
    %add3A_5 = vector.broadcast %add3A : f32 to vector<80x128xf32>
    %add3A_6 = arith.addf %reduce_sum3A_4, %add3A_5 : vector<80x128xf32>
    %rsqrt3A = math.rsqrt %add3A_6 : vector<80x128xf32>
    %swap3A = arith.constant 0 : index
    %swap3A_7 = arith.constant 0 : index
    %swap3A_8 = vector.load %arg1[%swap3A, %swap3A_7] : memref<80x128xf32, #tpu.memory_space<vmem>>, vector<80x128xf32>
    tpu.vector_store %arg1[%swap3A, %swap3A_7], %rsqrt3A {strides = array<i32>} : memref<80x128xf32, #tpu.memory_space<vmem>>, vector<80x128xf32>,
    return
  }
}

module attributes {stable_mosaic.version = 14 : i64} {
  func.func @_tc1_body(%arg0: memref<10000x1xf32, #tpu.memory_space<vmem>>, %arg1: memref<10000x128xf32, #tpu.memory_space<vmem>>, %arg2: memref<128x128xf32, #tpu.memory_space<vmem>>, %arg3: memref<10000x128xf32, #tpu.memory_space<vmem>>) attributes {dimension_semantics = [], scalar_prefetch = 0 : i64, scratch_operands = 0 : i64, tpu.core_type = #tpu.core_type<tc>} {
    %get3A = arith.constant 0 : index
    %get3A_0 = arith.constant 0 : index
    %get3A_1 = vector.load %arg1[%get3A, %get3A_0] : memref<10000x128xf32, #tpu.memory_space<vmem>>, vector<10000x128xf32>
    %get3A_2 = arith.constant 0 : index
    %get3A_3 = arith.constant 0 : index
    %get3A_4 = vector.load %arg2[%get3A_2, %get3A_3] : memref<128x128xf32, #tpu.memory_space<vmem>>, vector<128x128xf32>
    %dot_general3A = arith.constant dense<0.000000e+00> : vector<10000x128xf32>
    %dot_general3A_5 = tpu.matmul %get3A_1, %get3A_4, %dot_general3A {dimension_numbers = #tpu.dot_dimension_numbers<[1], [0], [0], [1], [0, 0, 1, 1], [], []>, transpose_lhs_hint = false} : vector<10000x128xf32>, vector<128x128xf32>, vector<10000x128xf32> -> vector<10000x128xf32>
    %get3A_6 = arith.constant 0 : index
    %get3A_7 = arith.constant 0 : index
    %get3A_8 = vector.load %arg0[%get3A_6, %get3A_7] : memref<10000x1xf32, #tpu.memory_space<vmem>>, vector<10000x1xf32>
    %mul3A = vector.broadcast %get3A_8 : vector<10000x1xf32> to vector<10000x128xf32>
    %mul3A_9 = arith.mulf %dot_general3A_5, %mul3A : vector<10000x128xf32>
    %swap3A = arith.constant 0 : index
    %swap3A_10 = arith.constant 0 : index
    %swap3A_11 = vector.load %arg3[%swap3A, %swap3A_10] : memref<10000x128xf32, #tpu.memory_space<vmem>>, vector<10000x128xf32>
    tpu.vector_store %arg3[%swap3A, %swap3A_10], %mul3A_9 {strides = array<i32>} : memref<10000x128xf32, #tpu.memory_space<vmem>>, vector<10000x128xf32>,
    return
  }
}

module attributes {stable_mosaic.version = 14 : i64} {
  func.func @_tc2_body(%arg0: memref<10240x128xf32, #tpu.memory_space<vmem>>, %arg1: memref<10240x128xf32, #tpu.memory_space<vmem>>, %arg2: memref<10000x128xf32, #tpu.memory_space<vmem>>, %arg3: memref<10000x1xf32, #tpu.memory_space<vmem>>, %arg4: memref<1x64xf32, #tpu.memory_space<vmem>>, %arg5: memref<64x128xf32, #tpu.memory_space<vmem>>, %arg6: memref<10000x128xf32, #tpu.memory_space<vmem>>) attributes {dimension_semantics = [], scalar_prefetch = 0 : i64, scratch_operands = 0 : i64, tpu.core_type = #tpu.core_type<tc>} {
    %get3A = arith.constant 0 : index
    %get3A_0 = arith.constant 0 : index
    %get3A_1 = vector.load %arg3[%get3A, %get3A_0] : memref<10000x1xf32, #tpu.memory_space<vmem>>, vector<10000x1xf32>
    %get3A_2 = arith.constant 0 : index
    %get3A_3 = arith.constant 0 : index
    %get3A_4 = vector.load %arg0[%get3A_2, %get3A_3] : memref<10240x128xf32, #tpu.memory_space<vmem>>, vector<10000x64xf32>
    %get3A_5 = arith.constant 0 : index
    %get3A_6 = arith.constant 0 : index
    %get3A_7 = vector.load %arg1[%get3A_5, %get3A_6] : memref<10240x128xf32, #tpu.memory_space<vmem>>, vector<10000x64xf32>
    %add3A = arith.addf %get3A_4, %get3A_7 : vector<10000x64xf32>
    %get3A_8 = arith.constant 0 : index
    %get3A_9 = arith.constant 0 : index
    %get3A_10 = vector.load %arg2[%get3A_8, %get3A_9] : memref<10000x128xf32, #tpu.memory_space<vmem>>, vector<10000x64xf32>
    %add3A_11 = arith.addf %add3A, %get3A_10 : vector<10000x64xf32>
    %mul3A = vector.broadcast %get3A_1 : vector<10000x1xf32> to vector<10000x64xf32>
    %mul3A_12 = arith.mulf %add3A_11, %mul3A : vector<10000x64xf32>
    %get3A_13 = arith.constant 0 : index
    %get3A_14 = arith.constant 0 : index
    %get3A_15 = vector.load %arg4[%get3A_13, %get3A_14] : memref<1x64xf32, #tpu.memory_space<vmem>>, vector<1x64xf32>
    %add3A_16 = vector.broadcast %get3A_15 : vector<1x64xf32> to vector<10000x64xf32>
    %add3A_17 = arith.addf %mul3A_12, %add3A_16 : vector<10000x64xf32>
    %max3A = arith.constant 0.000000e+00 : f32
    %max3A_18 = vector.broadcast %max3A : f32 to vector<10000x64xf32>
    %max3A_19 = arith.maximumf %add3A_17, %max3A_18 : vector<10000x64xf32>
    %get3A_20 = arith.constant 0 : index
    %get3A_21 = arith.constant 0 : index
    %get3A_22 = vector.load %arg5[%get3A_20, %get3A_21] : memref<64x128xf32, #tpu.memory_space<vmem>>, vector<64x128xf32>
    %dot_general3A = arith.constant dense<0.000000e+00> : vector<10000x128xf32>
    %dot_general3A_23 = tpu.matmul %max3A_19, %get3A_22, %dot_general3A {dimension_numbers = #tpu.dot_dimension_numbers<[1], [0], [0], [1], [0, 0, 1, 1], [], []>, transpose_lhs_hint = false} : vector<10000x64xf32>, vector<64x128xf32>, vector<10000x128xf32> -> vector<10000x128xf32>
    %mul3A_24 = vector.broadcast %get3A_1 : vector<10000x1xf32> to vector<10000x128xf32>
    %mul3A_25 = arith.mulf %dot_general3A_23, %mul3A_24 : vector<10000x128xf32>
    %swap3A = arith.constant 0 : index
    %swap3A_26 = arith.constant 0 : index
    %swap3A_27 = vector.load %arg6[%swap3A, %swap3A_26] : memref<10000x128xf32, #tpu.memory_space<vmem>>, vector<10000x128xf32>
    tpu.vector_store %arg6[%swap3A, %swap3A_26], %mul3A_25 {strides = array<i32>} : memref<10000x128xf32, #tpu.memory_space<vmem>>, vector<10000x128xf32>,
    return
  }
}

module attributes {stable_mosaic.version = 14 : i64} {
  func.func @_tc3_body(%arg0: memref<10240x128xf32, #tpu.memory_space<vmem>>, %arg1: memref<10240x128xf32, #tpu.memory_space<vmem>>, %arg2: memref<10000x128xf32, #tpu.memory_space<vmem>>, %arg3: memref<10000x1xf32, #tpu.memory_space<vmem>>, %arg4: memref<1x32xf32, #tpu.memory_space<vmem>>, %arg5: memref<32x16xf32, #tpu.memory_space<vmem>>, %arg6: memref<1x16xf32, #tpu.memory_space<vmem>>, %arg7: memref<16x1xf32, #tpu.memory_space<vmem>>, %arg8: memref<1x1xf32, #tpu.memory_space<vmem>>, %arg9: memref<10000x1xf32, #tpu.memory_space<vmem>>) attributes {dimension_semantics = [], scalar_prefetch = 0 : i64, scratch_operands = 0 : i64, tpu.core_type = #tpu.core_type<tc>} {
    %get3A = arith.constant 0 : index
    %get3A_0 = arith.constant 0 : index
    %get3A_1 = vector.load %arg3[%get3A, %get3A_0] : memref<10000x1xf32, #tpu.memory_space<vmem>>, vector<10000x1xf32>
    %get3A_2 = arith.constant 0 : index
    %get3A_3 = arith.constant 0 : index
    %get3A_4 = vector.load %arg0[%get3A_2, %get3A_3] : memref<10240x128xf32, #tpu.memory_space<vmem>>, vector<10000x32xf32>
    %get3A_5 = arith.constant 0 : index
    %get3A_6 = arith.constant 0 : index
    %get3A_7 = vector.load %arg1[%get3A_5, %get3A_6] : memref<10240x128xf32, #tpu.memory_space<vmem>>, vector<10000x32xf32>
    %add3A = arith.addf %get3A_4, %get3A_7 : vector<10000x32xf32>
    %get3A_8 = arith.constant 0 : index
    %get3A_9 = arith.constant 0 : index
    %get3A_10 = vector.load %arg2[%get3A_8, %get3A_9] : memref<10000x128xf32, #tpu.memory_space<vmem>>, vector<10000x32xf32>
    %add3A_11 = arith.addf %add3A, %get3A_10 : vector<10000x32xf32>
    %mul3A = vector.broadcast %get3A_1 : vector<10000x1xf32> to vector<10000x32xf32>
    %mul3A_12 = arith.mulf %add3A_11, %mul3A : vector<10000x32xf32>
    %get3A_13 = arith.constant 0 : index
    %get3A_14 = arith.constant 0 : index
    %get3A_15 = vector.load %arg4[%get3A_13, %get3A_14] : memref<1x32xf32, #tpu.memory_space<vmem>>, vector<1x32xf32>
    %add3A_16 = vector.broadcast %get3A_15 : vector<1x32xf32> to vector<10000x32xf32>
    %add3A_17 = arith.addf %mul3A_12, %add3A_16 : vector<10000x32xf32>
    %max3A = arith.constant 0.000000e+00 : f32
    %max3A_18 = vector.broadcast %max3A : f32 to vector<10000x32xf32>
    %max3A_19 = arith.maximumf %add3A_17, %max3A_18 : vector<10000x32xf32>
    %get3A_20 = arith.constant 0 : index
    %get3A_21 = arith.constant 0 : index
    %get3A_22 = vector.load %arg5[%get3A_20, %get3A_21] : memref<32x16xf32, #tpu.memory_space<vmem>>, vector<32x16xf32>
    %dot_general3A = arith.constant dense<0.000000e+00> : vector<10000x16xf32>
    %dot_general3A_23 = tpu.matmul %max3A_19, %get3A_22, %dot_general3A {dimension_numbers = #tpu.dot_dimension_numbers<[1], [0], [0], [1], [0, 0, 1, 1], [], []>, transpose_lhs_hint = false} : vector<10000x32xf32>, vector<32x16xf32>, vector<10000x16xf32> -> vector<10000x16xf32>
    %get3A_24 = arith.constant 0 : index
    %get3A_25 = arith.constant 0 : index
    %get3A_26 = vector.load %arg6[%get3A_24, %get3A_25] : memref<1x16xf32, #tpu.memory_space<vmem>>, vector<1x16xf32>
    %add3A_27 = vector.broadcast %get3A_26 : vector<1x16xf32> to vector<10000x16xf32>
    %add3A_28 = arith.addf %dot_general3A_23, %add3A_27 : vector<10000x16xf32>
    %max3A_29 = arith.constant 0.000000e+00 : f32
    %max3A_30 = vector.broadcast %max3A_29 : f32 to vector<10000x16xf32>
    %max3A_31 = arith.maximumf %add3A_28, %max3A_30 : vector<10000x16xf32>
    %get3A_32 = arith.constant 0 : index
    %get3A_33 = arith.constant 0 : index
    %get3A_34 = vector.load %arg7[%get3A_32, %get3A_33] : memref<16x1xf32, #tpu.memory_space<vmem>>, vector<16x1xf32>
    %dot_general3A_35 = arith.constant dense<0.000000e+00> : vector<10000x1xf32>
    %dot_general3A_36 = tpu.matmul %max3A_31, %get3A_34, %dot_general3A_35 {dimension_numbers = #tpu.dot_dimension_numbers<[1], [0], [0], [1], [0, 0, 1, 1], [], []>, transpose_lhs_hint = false} : vector<10000x16xf32>, vector<16x1xf32>, vector<10000x1xf32> -> vector<10000x1xf32>
    %get3A_37 = arith.constant 0 : index
    %get3A_38 = arith.constant 0 : index
    %get3A_39 = vector.load %arg8[%get3A_37, %get3A_38] : memref<1x1xf32, #tpu.memory_space<vmem>>, vector<1x1xf32>
    %add3A_40 = vector.broadcast %get3A_39 : vector<1x1xf32> to vector<10000x1xf32>
    %add3A_41 = arith.addf %dot_general3A_36, %add3A_40 : vector<10000x1xf32>
    %swap3A = arith.constant 0 : index
    %swap3A_42 = arith.constant 0 : index
    %swap3A_43 = vector.load %arg9[%swap3A, %swap3A_42] : memref<10000x1xf32, #tpu.memory_space<vmem>>, vector<10000x1xf32>
    tpu.vector_store %arg9[%swap3A, %swap3A_42], %add3A_41 {strides = array<i32>} : memref<10000x1xf32, #tpu.memory_space<vmem>>, vector<10000x1xf32>,
    return
  }
}

</mosaic_0001>

<sc_bundles>
// kernel: kernel.12.cloned.1.call-start
scs
__scs_entry_jumppad:
0x0: {  	(pc) =	sbr.rel $0x88, $3  }
0x1: {  	(tag) =	ssettag $0x0;
	lr =	simm.s32 $0x1  }
0x2: {  	[smem:$0x3F97] =	sst lr;
	_ =	strace $0xD0000000  }
0x3: {  	_ = 	snop  }
0x4: {  	_ = 	snop  }
0x5: {  	_ = 	snop  }
0x6: {  	_ = 	snop  }
0x7: {  	_ = 	snop  }
__scs_overlays_trampoline_lowered:
0x8: {  	[smem:$0x3FA6] =	sst s0  }
0x9: {  	[smem:$0x3FA7] =	sst s1  }
0xa: {  	[smem:$0x3FA8] =	sst s2  }
0xb: {  	[smem:$0x3FA9] =	sst s3  }
0xc: {  	[smem:$0x3FAA] =	sst s4  }
0xd: {  	[smem:$0x3FAB] =	sst s5  }
0xe: {  	[smem:$0x3FAC] =	sst s6  }
0xf: {  	[smem:$0x3FAD] =	sst s7  }
0x10: {  	[smem:$0x3FAE] =	sst s8  }
0x11: {  	[smem:$0x3FAF] =	sst s9;
	s0 =	simm.s32 @!p0 $0x0  }
0x12: {  	s1 =	sld [smem:$0x3F95];
	s0 =	simm.s32 @p0 $0x1  }
0x13: {  	[smem:$0x3FB0] =	sst s0;
	s0 =	simm.s32 @!p1 $0x0  }
0x14: {  	s2 =	sld [smem:$0x3F94];
	s0 =	simm.s32 @p1 $0x1  }
0x15: {  	[smem:$0x3FB1] =	sst s0;
	s0 =	simm.s32 @!p2 $0x0  }
0x16: {  	s3 =	sld [smem:$0x3FDB];
	s0 =	simm.s32 @p2 $0x1  }
0x17: {  	s4 =	simm.s32 $0x1BF5;
	[smem:$0x3FB3] =	sst s0  }
0x18: {  	s0 =	sld [smem:$0x3F96];
	_ =	swait.ge [sflag:s4], $0x0  }
0x19: {  	s7 =	sld [smem:$0x3F97]  }
0x1a: {  	s8 =	sadd.s32 $0xFFFFE003, lr  }
0x1b: {  	s9 =	sadd.s32 $0xFFFFFEF7, lr;
	s5 =	simm.s32 $0xFFFFFFFF;
	p2 =	slt.u32 s8, $0xFFFFF086  }
0x1c: {  	p1 =	slt.u32 s9, $0xF7A;
	s5 =	simm.s32 @!p2 $0x0  }
0x1d: {  	s5 =	simm.s32 @p1 $0x1;
	p0 =	seq.s32 s7, s2  }
0x1e: {  	s7 =	smul.u32 @!p0 $0xF7A, s2;
	p2 =	seq.s32 @!p0 s5, $0x0  }
0x1f: {  	s9 =	smul.u32 $0xF7A, s1;
	s8 =	simm.s32 @!p0 $0x1BF5;
	p2 =	por !p2, p0  }
0x20: {  	[sflag:s8] =	ssyncset.s32 @!p0 $0xFFFFF086;
	s6 =	sadd.s32 @!p0 s3, s7;
	s7 =	simm.s32 @!p0 $0x108  }
0x21: {  	s3 =	sadd.s32 s3, s9;
	s6 =	sadd.s32 @!p0 $0x88, s6;
	s7 =	simm.s32 @p2 $0x1082  }
0x22: {  	[simem:s7], [sflag:s8] =	dma.local @!p0 [hbm:s6], $0xF7A  }
0x23: {  	s9 =	sor.u32 $0xD0000000, s2;
	s6 =	simm.s32 $0x108;
	_ =	swait.ge @!p0 [sflag:s8], $0x0  }
0x24: {  	s3 =	sadd.s32 $0x88, s3;
	s6 =	simm.s32 @!p1 $0x1082;
	[sflag:s4] =	ssyncset.s32 $0xFFFFF086  }
0x25: {  	[simem:s6], [sflag:s4] =	dma.local [hbm:s3], $0xF7A  }
0x26: {  	[smem:$0x3F97] =	sst s1;
	(tag) =	ssettag s2;
	_ =	strace s9  }
0x27: {  	s1 =	sld [smem:$0x3FA7]  }
0x28: {  	s2 =	sld [smem:$0x3FA8]  }
0x29: {  	s4 =	sld [smem:$0x3FAA]  }
0x2a: {  	p0 =	seq.s32 s5, $0x0;
	s5 =	sld [smem:$0x3FAB]  }
0x2b: {  	s6 =	sld [smem:$0x3FAC]  }
0x2c: {  	s7 =	sld [smem:$0x3FAD]  }
0x2d: {  	s3 =	simm.s32 $0x108;
	s8 =	sld [smem:$0x3FAE]  }
0x2e: {  	s3 =	simm.s32 @!p0 $0x1082;
	s9 =	sld [smem:$0x3FAF]  }
0x2f: {  	lr =	sadd.s32 s0, s3;
	s0 =	sld [smem:$0x3FA6]  }
0x30: {  	s3 =	sld [smem:$0x3FA9]  }
0x31: {  	[smem:$0x3FB2] =	sst s10  }
0x32: {  	s10 =	sld [smem:$0x3FB0];
	_ =	sdelay $0x3  }
0x33: {  	p0 =	seq.s32 s10, $0x1;
	s10 =	sld [smem:$0x3FB2];
	_ =	sdelay $0x3  }
0x34: {  	[smem:$0x3FB2] =	sst s10  }
0x35: {  	s10 =	sld [smem:$0x3FB1];
	_ =	sdelay $0x3  }
0x36: {  	p1 =	seq.s32 s10, $0x1;
	s10 =	sld [smem:$0x3FB2];
	_ =	sdelay $0x3  }
0x37: {  	[smem:$0x3FB2] =	sst s10  }
0x38: {  	s10 =	sld [smem:$0x3FB3]  }
0x39: {  	_ = 	snop;
	(pc) =	sbr.ind lr, $3  }
0x3a: {  	_ = 	snop  }
0x3b: {  	_ = 	snop  }
0x3c: {  	p2 =	seq.s32 s10, $0x1;
	s10 =	sld [smem:$0x3FB2]  }
0x3d: {  	_ =	shalt  }
0x3e: {  	_ =	shalt  }
0x3f: {  	_ =	shalt  }
0x40: {  	_ =	shalt  }
0x41: {  	_ =	shalt  }
0x42: {  	_ =	shalt  }
0x43: {  	_ =	shalt  }
0x44: {  	_ =	shalt  }
0x45: {  	_ =	shalt  }
0x46: {  	_ =	shalt  }
0x47: {  	_ =	shalt  }
0x48: {  	_ =	shalt  }
0x49: {  	_ =	shalt  }
0x4a: {  	_ =	shalt  }
0x4b: {  	_ =	shalt  }
0x4c: {  	_ =	shalt  }
0x4d: {  	_ =	shalt  }
0x4e: {  	_ =	shalt  }
0x4f: {  	_ =	shalt  }
0x50: {  	_ =	shalt  }
0x51: {  	_ =	shalt  }
0x52: {  	_ =	shalt  }
0x53: {  	_ =	shalt  }
0x54: {  	_ =	shalt  }
0x55: {  	_ =	shalt  }
0x56: {  	_ =	shalt  }
0x57: {  	_ =	shalt  }
0x58: {  	_ =	shalt  }
0x59: {  	_ =	shalt  }
0x5a: {  	_ =	shalt  }
0x5b: {  	_ =	shalt  }
0x5c: {  	_ =	shalt  }
0x5d: {  	_ =	shalt  }
0x5e: {  	_ =	shalt  }
0x5f: {  	_ =	shalt  }
0x60: {  	_ =	shalt  }
0x61: {  	_ =	shalt  }
0x62: {  	_ =	shalt  }
0x63: {  	_ =	shalt  }
0x64: {  	_ =	shalt  }
0x65: {  	_ =	shalt  }
0x66: {  	_ =	shalt  }
0x67: {  	_ =	shalt  }
0x68: {  	_ =	shalt  }
0x69: {  	_ =	shalt  }
0x6a: {  	_ =	shalt  }
0x6b: {  	_ =	shalt  }
0x6c: {  	_ =	shalt  }
0x6d: {  	_ =	shalt  }
0x6e: {  	_ =	shalt  }
0x6f: {  	_ =	shalt  }
0x70: {  	_ =	shalt  }
0x71: {  	_ =	shalt  }
0x72: {  	_ =	shalt  }
0x73: {  	_ =	shalt  }
0x74: {  	_ =	shalt  }
0x75: {  	_ =	shalt  }
0x76: {  	_ =	shalt  }
0x77: {  	_ =	shalt  }
0x78: {  	_ =	shalt  }
0x79: {  	_ =	shalt  }
0x7a: {  	_ =	shalt  }
0x7b: {  	_ =	shalt  }
0x7c: {  	_ =	shalt  }
0x7d: {  	_ =	shalt  }
0x7e: {  	_ =	shalt  }
0x7f: {  	_ =	shalt  }
0x80: {  	_ =	shalt  }
0x81: {  	_ =	shalt  }
0x82: {  	_ =	shalt  }
0x83: {  	_ =	shalt  }
0x84: {  	_ =	shalt  }
0x85: {  	_ =	shalt  }
0x86: {  	_ =	shalt  }
0x87: {  	_ =	shalt  }
.Lfunc_end0:
.L_simem_size_0:
called_computation.1_lowered:
.L_overlay_start_0:
0x88: {  	s2 =	sld [smem:$0x3FD9]  }
0x89: {  	s3 =	sld [smem:$0x3FFE];
	_ =	sdelay $0x1  }
0x8a: {  	s1 =	srdreg.scid  }
0x8b: {  	s0 =	sand.u32 $0x1, s1  }
0x8c: {  	s16 =	sshll.u32 s0, $0xA;
	s2 =	sadd.s32 s3, s2  }
0x8d: {  	s2 =	sadd.s32 s2, s16  }
0x8e: {  	[smem:$0x3FBE] =	sst s2  }
0x8f: {  	_ = 	snop  }
0x90: {  	(tm) =	ssettm $0x1  }
0x91: {  	s17 =	sld [smem:$0x3FFB];
	_ =	sdelay $0x3  }
0x92: {  	_ =	strace s17  }
0x93: {  	s2 =	sld [smem:$0x3FFC];
	_ =	sdelay $0x3  }
0x94: {  	_ =	strace s2  }
0x95: {  	s2 =	sld [smem:$0x3FFD];
	_ =	sdelay $0x3  }
0x96: {  	_ =	strace s2  }
0x97: {  	_ =	strace $0x8FFFFFFF  }
0x98: {  	s18 =	sld [smem:$0x3FDB];
	_ =	sdelay $0x1  }
0x99: {  	s19 =	simm.s32 $_scs_section_size  }
0x9a: {  	s4 =	simm.s32 $_size__tile_overlayer_lowered;
	s5 =	simm.s32 $_tile_overlayer_lowered  }
0x9b: {  	s22 =	simm.s32 $0x1BFF;
	s21 =	sshll.u32 s5, $0x1;
	s2 =	sadd.s32 s19, s18  }
0x9c: {  	s6 =	simm.s32 $0x0;
	s20 =	sshll.u32 s4, $0x1;
	s4 =	sadd.s32 s21, s2  }
0x9d: {  	[timem:s6], [sflag:s22] =	dma.local [hbm:s4], s20  }
0x9e: {  	_ =	swait.ge [sflag:s22], s20  }
0x9f: {  	s3 =	ssub.s32 $0x0, s20;
	[sflag:s22] =	ssyncset.done $0x0  }
0xa0: {  	[sflag:s22] =	ssyncadd.s32 s3;
	_ =	sdelay $0x1  }
0xa1: {  	s23 =	simm.s32 $0x1B8B  }
0xa2: {  	_ =	swait.ge [sflag:s23], $0x1  }
0xa3: {  	[sflag:s23] =	ssyncset.done $0x0  }
0xa4: {  	s25 =	simm.s32 $0x1B8E;
	s24 =	sld [smem:$0x3FFE];
	[sflag:s23] =	ssyncadd.s32 $0xFFFFFFFF  }
0xa5: {  	s26 =	simm.s32 $execute0_lowered;
	[smem:$0x3FD2] =	sst s25  }
0xa6: {  	s4 =	sshll.u32 s26, $0x1;
	_ =	strace $0x80000049;
	[dreg:$0x1] =	wrdreg $0xFFFFFFFF  }
0xa7: {  	s28 =	simm.s32 $_size_execute0_lowered;
	s2 =	sadd.s32 s2, s4;
	[dreg:$0x0] =	wrdreg $0x0  }
0xa8: {  	s4 =	sshll.u32 s28, $0x1;
	[dreg:$0x2] =	wrdreg s2  }
0xa9: {  	[dreg:$0x3] =	wrdreg s4  }
0xaa: {  	[dreg:$0x4] =	wrdreg $0xC0  }
0xab: {  	_ =	task [dreg:s6], $0x5FFFF  }
0xac: {  	[dreg:$0x1] =	wrdreg $0xFFFFFFFF  }
0xad: {  	[dreg:$0x0] =	wrdreg $0x60  }
0xae: {  	[dreg:$0x2] =	wrdreg s24  }
0xaf: {  	[dreg:$0x3] =	wrdreg $0xA8000  }
0xb0: {  	[dreg:$0x4] =	wrdreg $0x9  }
0xb1: {  	_ =	task.clear_ibuf [dreg:s6], $0x5FFFF;
	_ =	strace $0x90000049  }
0xb2: {  	s29 =	simm.s32 $0x9;
	_ =	strace $0x8000004B  }
0xb3: {  	_ =	swait.ge [sflag:s29], $0x1  }
0xb4: {  	[sflag:s29] =	ssyncadd.s32 $0xFFFFFFFF  }
0xb5: {  	_ =	strace $0x9000004B  }
0xb6: {  	_ =	sfence  }
0xb7: {  	s30 =	sld [smem:$0x0];
	_ =	sdelay $0x2  }
0xb8: {  	s31 =	sshll.u32 s1, $0xD;
	s1 =	sshrl.u32 s1, $0x2  }
0xb9: {  	s3 =	sand.u32 $0x4000, s31;
	s1 =	sadd.s32 s1, s30  }
0xba: {  	s0 =	sor.u32 s3, s0;
	s1 =	sshll.u32 s1, $0x11  }
0xbb: {  	s0 =	sor.u32 s1, s0  }
0xbc: {  	s0 =	sadd.s32 $0x8F2B, s0  }
0xbd: {  	[sflag:s0] =	ssyncadd.remote.s32 $0x1  }
0xbe: {  	_ =	sfence.sel $0xFFFF  }
0xbf: {  	[dreg:$0x0] =	wrdreg $0xFFFFFFFF;
	(pc) =	sbr.abs _section_cstart, $3  }
0xc0: {  	[dreg:$0x1] =	wrdreg $0xFFFFFFFF  }
0xc1: {  	_ =	task.clear_ibuf [dreg:s6], $0x2FFFF;
	_ =	strace $0x9FFFFFFF  }
0xc2: {  	(tm) =	ssettm $0x7FFFFFFF  }
0xc3: {  	_ =	shalt  }
tec
execute0_lowered:
.L_overlay_start_1:
0x0: {  	(tag) =	ssettag $0x1  }
0x1: {  	s0 =	rddreg [dreg:$0x0]  }
0x2: {  	s1 =	rddreg [dreg:$0x1];
	s2 =	simm.s32 $0x0;
	s4 =	srdreg.scid  }
0x3: {  	s8 =	stileid.u32;
	s28 =	simm.s32 $0x100;
	s29 =	simm.s32 $0x2  }
0x4: {  	s30 =	simm.s32 $0x1480;
	s31 =	simm.s32 $0x4;
	s5 =	smul.u32 $0x50000, s8  }
0x5: {  	[smem:$0x7FF] =	sst s2;
	s3 =	sadd.s32 $0x3000, s0;
	s12 =	smul.u32 $0x14000, s8  }
0x6: {  	s10 =	sadd.s32 $0xD000, s0;
	s11 =	sand.u32 $0x1, s4;
	s15 =	smul.u32 $0x2800, s8  }
0x7: {  	s4 =	sadd.s32 $0x17000, s0;
	s0 =	sadd.s32 $0x3E200, s0;
	s9 =	smul.u32 $0x28000, s11  }
0x8: {  	_ =	strace $0x8000004A;
	s6 =	ssub.s32 $0x2, s11;
	s11 =	smul.u32 $0x140000, s11  }
0x9: {  	s7 =	sshrl.u32 s6, $0x1;
	s5 =	sshrl.u32 s5, $0x2;
	s14 =	sadd.s32 $0x4000, s12  }
0xa: {  	s16 =	sadd.s32 $0x8000, s12;
	s17 =	sadd.s32 $0xC000, s12;
	s18 =	sadd.s32 $0x10000, s12  }
0xb: {  	s13 =	ssub.s32 s6, s7;
	s5 =	sadd.s32 s5, s1;
	s6 =	sadd.s32 s14, s1  }
0xc: {  	s7 =	sadd.s32 s16, s1;
	s8 =	sadd.s32 s17, s1;
	s15 =	sadd.s32 s15, s9  }
0xd: {  	s9 =	sadd.s32 s18, s1;
	s20 =	sadd.s32 s12, s11;
	s21 =	sadd.s32 s11, s14  }
0xe: {  	s23 =	sadd.s32 s11, s16;
	s24 =	sadd.s32 s11, s17;
	s11 =	sadd.s32 s11, s18  }
0xf: {  	s15 =	sshrl.u32 s15, $0x3;
	s22 =	sshrl.u32 s21, $0x3;
	s25 =	sshrl.u32 s24, $0x3  }
0x10: {  	s21 =	simm.s32 $0x5;
	s24 =	simm.s32 $0x6800;
	s19 =	sadd.s32 s3, s15  }
0x11: {  	s26 =	sadd.s32 s10, s15;
	s15 =	sadd.s32 $0x280, s15;
	[dreg:$0x3] =	wrdreg s19  }
0x12: {  	s17 =	sadd.s32 s0, s25;
	s25 =	simm.s32 $0x1;
	[dreg:$0x4] =	wrdreg s26  }
0x13: {  	s3 =	sadd.s32 s3, s15;
	s10 =	sadd.s32 s10, s15;
	s15 =	sadd.s32 s0, s22  }
0x14: {  	s26 =	sshrl.u32 s11, $0x3;
	s19 =	smax.u32 s13, $0x1;
	[dreg:$0x5] =	wrdreg s3  }
0x15: {  	s22 =	simm.s32 $0x1400;
	s11 =	simm.s32 $0x0;
	[dreg:$0x6] =	wrdreg s10  }
0x16: {  	s3 =	sshrl.u32 s20, $0x3;
	s18 =	sadd.s32 s0, s26;
	s20 =	simm.s32 $0x2800  }
0x17: {  	s26 =	simm.s32 $0x3;
	s10 =	simm.s32 $0x2780;
	s3 =	sadd.s32 s0, s3  }
0x18: {  	[dreg:$0x7] =	wrdreg s3;
	s3 =	sshrl.u32 s23, $0x3;
	s23 =	simm.s32 $0x80  }
0x19: {  	v0 =	vimm.f32 $0.0e+00;
	s16 =	sadd.s32 s0, s3;
	s0 =	simm.s32 $0x1380;
	s3 =	simm.s32 $0x2700  }
.LBB2_1:
0x1a: {  	s12 =	simm.s32 $0x0;
	s13 =	simm.s32 $0x2000  }
.LBB2_2:
0x1b: {  	p0 =	sne.s32 s13, $0xE000;
	[tilespmem:s12+$0x2FF0] =	vst v0  }
0x1c: {  	[tilespmem:s12+$0x2800] =	vst v0  }
0x1d: {  	[tilespmem:s12+$0x2810] =	vst v0  }
0x1e: {  	[tilespmem:s12+$0x2820] =	vst v0  }
0x1f: {  	[tilespmem:s12+$0x2830] =	vst v0  }
0x20: {  	[tilespmem:s12+$0x2840] =	vst v0  }
0x21: {  	[tilespmem:s12+$0x2850] =	vst v0  }
0x22: {  	[tilespmem:s12+$0x2860] =	vst v0  }
0x23: {  	[tilespmem:s12+$0x2870] =	vst v0  }
0x24: {  	[tilespmem:s12+$0x2880] =	vst v0  }
0x25: {  	[tilespmem:s12+$0x2890] =	vst v0  }
0x26: {  	[tilespmem:s12+$0x28A0] =	vst v0  }
0x27: {  	[tilespmem:s12+$0x28B0] =	vst v0  }
0x28: {  	[tilespmem:s12+$0x28C0] =	vst v0  }
0x29: {  	[tilespmem:s12+$0x28D0] =	vst v0  }
0x2a: {  	[tilespmem:s12+$0x28E0] =	vst v0  }
0x2b: {  	[tilespmem:s12+$0x28F0] =	vst v0  }
0x2c: {  	[tilespmem:s12+$0x2900] =	vst v0  }
0x2d: {  	[tilespmem:s12+$0x2910] =	vst v0  }
0x2e: {  	[tilespmem:s12+$0x2920] =	vst v0  }
0x2f: {  	[tilespmem:s12+$0x2930] =	vst v0  }
0x30: {  	[tilespmem:s12+$0x2940] =	vst v0  }
0x31: {  	[tilespmem:s12+$0x2950] =	vst v0  }
0x32: {  	[tilespmem:s12+$0x2960] =	vst v0  }
0x33: {  	[tilespmem:s12+$0x2970] =	vst v0  }
0x34: {  	[tilespmem:s12+$0x2980] =	vst v0  }
0x35: {  	[tilespmem:s12+$0x2990] =	vst v0  }
0x36: {  	[tilespmem:s12+$0x29A0] =	vst v0  }
0x37: {  	[tilespmem:s12+$0x29B0] =	vst v0  }
0x38: {  	[tilespmem:s12+$0x29C0] =	vst v0  }
0x39: {  	[tilespmem:s12+$0x29D0] =	vst v0  }
0x3a: {  	[tilespmem:s12+$0x29E0] =	vst v0  }
0x3b: {  	[tilespmem:s12+$0x29F0] =	vst v0  }
0x3c: {  	[tilespmem:s12+$0x2A00] =	vst v0  }
0x3d: {  	[tilespmem:s12+$0x2A10] =	vst v0  }
0x3e: {  	[tilespmem:s12+$0x2A20] =	vst v0  }
0x3f: {  	[tilespmem:s12+$0x2A30] =	vst v0  }
0x40: {  	[tilespmem:s12+$0x2A40] =	vst v0  }
0x41: {  	[tilespmem:s12+$0x2A50] =	vst v0  }
0x42: {  	[tilespmem:s12+$0x2A60] =	vst v0  }
0x43: {  	[tilespmem:s12+$0x2A70] =	vst v0  }
0x44: {  	[tilespmem:s12+$0x2A80] =	vst v0  }
0x45: {  	[tilespmem:s12+$0x2A90] =	vst v0  }
0x46: {  	[tilespmem:s12+$0x2AA0] =	vst v0  }
0x47: {  	[tilespmem:s12+$0x2AB0] =	vst v0  }
0x48: {  	[tilespmem:s12+$0x2AC0] =	vst v0  }
0x49: {  	[tilespmem:s12+$0x2AD0] =	vst v0  }
0x4a: {  	[tilespmem:s12+$0x2AE0] =	vst v0  }
0x4b: {  	[tilespmem:s12+$0x2AF0] =	vst v0  }
0x4c: {  	[tilespmem:s12+$0x2B00] =	vst v0  }
0x4d: {  	[tilespmem:s12+$0x2B10] =	vst v0  }
0x4e: {  	[tilespmem:s12+$0x2B20] =	vst v0  }
0x4f: {  	[tilespmem:s12+$0x2B30] =	vst v0  }
0x50: {  	[tilespmem:s12+$0x2B40] =	vst v0  }
0x51: {  	[tilespmem:s12+$0x2B50] =	vst v0  }
0x52: {  	[tilespmem:s12+$0x2B60] =	vst v0  }
0x53: {  	[tilespmem:s12+$0x2B70] =	vst v0  }
0x54: {  	[tilespmem:s12+$0x2B80] =	vst v0  }
0x55: {  	[tilespmem:s12+$0x2B90] =	vst v0  }
0x56: {  	[tilespmem:s12+$0x2BA0] =	vst v0  }
0x57: {  	[tilespmem:s12+$0x2BB0] =	vst v0  }
0x58: {  	[tilespmem:s12+$0x2BC0] =	vst v0  }
0x59: {  	[tilespmem:s12+$0x2BD0] =	vst v0  }
0x5a: {  	[tilespmem:s12+$0x2BE0] =	vst v0  }
0x5b: {  	[tilespmem:s12+$0x2BF0] =	vst v0  }
0x5c: {  	[tilespmem:s12+$0x2C00] =	vst v0  }
0x5d: {  	[tilespmem:s12+$0x2C10] =	vst v0  }
0x5e: {  	[tilespmem:s12+$0x2C20] =	vst v0  }
0x5f: {  	[tilespmem:s12+$0x2C30] =	vst v0  }
0x60: {  	[tilespmem:s12+$0x2C40] =	vst v0  }
0x61: {  	[tilespmem:s12+$0x2C50] =	vst v0  }
0x62: {  	[tilespmem:s12+$0x2C60] =	vst v0  }
0x63: {  	[tilespmem:s12+$0x2C70] =	vst v0  }
0x64: {  	[tilespmem:s12+$0x2C80] =	vst v0  }
0x65: {  	[tilespmem:s12+$0x2C90] =	vst v0  }
0x66: {  	[tilespmem:s12+$0x2CA0] =	vst v0  }
0x67: {  	[tilespmem:s12+$0x2CB0] =	vst v0  }
0x68: {  	[tilespmem:s12+$0x2CC0] =	vst v0  }
0x69: {  	[tilespmem:s12+$0x2CD0] =	vst v0  }
0x6a: {  	[tilespmem:s12+$0x2CE0] =	vst v0  }
0x6b: {  	[tilespmem:s12+$0x2CF0] =	vst v0  }
0x6c: {  	[tilespmem:s12+$0x2D00] =	vst v0  }
0x6d: {  	[tilespmem:s12+$0x2D10] =	vst v0  }
0x6e: {  	[tilespmem:s12+$0x2D20] =	vst v0  }
0x6f: {  	[tilespmem:s12+$0x2D30] =	vst v0  }
0x70: {  	[tilespmem:s12+$0x2D40] =	vst v0  }
0x71: {  	[tilespmem:s12+$0x2D50] =	vst v0  }
0x72: {  	[tilespmem:s12+$0x2D60] =	vst v0  }
0x73: {  	[tilespmem:s12+$0x2D70] =	vst v0  }
0x74: {  	[tilespmem:s12+$0x2D80] =	vst v0  }
0x75: {  	[tilespmem:s12+$0x2D90] =	vst v0  }
0x76: {  	[tilespmem:s12+$0x2DA0] =	vst v0  }
0x77: {  	[tilespmem:s12+$0x2DB0] =	vst v0  }
0x78: {  	[tilespmem:s12+$0x2DC0] =	vst v0  }
0x79: {  	[tilespmem:s12+$0x2DD0] =	vst v0  }
0x7a: {  	[tilespmem:s12+$0x2DE0] =	vst v0  }
0x7b: {  	[tilespmem:s12+$0x2DF0] =	vst v0  }
0x7c: {  	[tilespmem:s12+$0x2E00] =	vst v0  }
0x7d: {  	[tilespmem:s12+$0x2E10] =	vst v0  }
0x7e: {  	[tilespmem:s12+$0x2E20] =	vst v0  }
0x7f: {  	[tilespmem:s12+$0x2E30] =	vst v0  }
0x80: {  	[tilespmem:s12+$0x2E40] =	vst v0  }
0x81: {  	[tilespmem:s12+$0x2E50] =	vst v0  }
0x82: {  	[tilespmem:s12+$0x2E60] =	vst v0  }
0x83: {  	[tilespmem:s12+$0x2E70] =	vst v0  }
0x84: {  	[tilespmem:s12+$0x2E80] =	vst v0  }
0x85: {  	[tilespmem:s12+$0x2E90] =	vst v0  }
0x86: {  	[tilespmem:s12+$0x2EA0] =	vst v0  }
0x87: {  	[tilespmem:s12+$0x2EB0] =	vst v0  }
0x88: {  	[tilespmem:s12+$0x2EC0] =	vst v0  }
0x89: {  	[tilespmem:s12+$0x2ED0] =	vst v0  }
0x8a: {  	[tilespmem:s12+$0x2EE0] =	vst v0  }
0x8b: {  	[tilespmem:s12+$0x2EF0] =	vst v0  }
0x8c: {  	[tilespmem:s12+$0x2F00] =	vst v0  }
0x8d: {  	[tilespmem:s12+$0x2F10] =	vst v0  }
0x8e: {  	[tilespmem:s12+$0x2F20] =	vst v0  }
0x8f: {  	[tilespmem:s12+$0x2F30] =	vst v0  }
0x90: {  	[tilespmem:s12+$0x2F40] =	vst v0  }
0x91: {  	[tilespmem:s12+$0x2F50] =	vst v0  }
0x92: {  	[tilespmem:s12+$0x2F60] =	vst v0  }
0x93: {  	[tilespmem:s12+$0x2F70] =	vst v0  }
0x94: {  	[tilespmem:s12+$0x2F80] =	vst v0  }
0x95: {  	[tilespmem:s12+$0x2F90] =	vst v0  }
.Ltmp0:
0x96: {  	[tilespmem:s12+$0x2FA0] =	vst v0;
	(pc) =	sbr.rel @p0 .LBB2_2-.Ltmp0, $4  }
0x97: {  	[tilespmem:s12+$0x2FB0] =	vst v0  }
0x98: {  	[tilespmem:s12+$0x2FC0] =	vst v0  }
0x99: {  	[tilespmem:s12+$0x2FD0] =	vst v0  }
0x9a: {  	[tilespmem:s12+$0x2FE0] =	vst v0;
	s12 =	sshra.s32 s13, $0x2;
	s13 =	sadd.s32 $0x2000, s13  }
0x9b: {  	[tilespmem:s12+$0x2FF0] =	vst v0  }
0x9c: {  	[tilespmem:s12+$0x2800] =	vst v0  }
0x9d: {  	[tilespmem:s12+$0x2810] =	vst v0  }
0x9e: {  	[tilespmem:s12+$0x2820] =	vst v0  }
0x9f: {  	[tilespmem:s12+$0x2830] =	vst v0  }
0xa0: {  	[tilespmem:s12+$0x2840] =	vst v0  }
0xa1: {  	[tilespmem:s12+$0x2850] =	vst v0  }
0xa2: {  	[tilespmem:s12+$0x2860] =	vst v0  }
0xa3: {  	[tilespmem:s12+$0x2870] =	vst v0  }
0xa4: {  	[tilespmem:s12+$0x2880] =	vst v0  }
0xa5: {  	[tilespmem:s12+$0x2890] =	vst v0  }
0xa6: {  	[tilespmem:s12+$0x28A0] =	vst v0  }
0xa7: {  	[tilespmem:s12+$0x28B0] =	vst v0  }
0xa8: {  	[tilespmem:s12+$0x28C0] =	vst v0  }
0xa9: {  	[tilespmem:s12+$0x28D0] =	vst v0  }
0xaa: {  	[tilespmem:s12+$0x28E0] =	vst v0  }
0xab: {  	[tilespmem:s12+$0x28F0] =	vst v0  }
0xac: {  	[tilespmem:s12+$0x2900] =	vst v0  }
0xad: {  	[tilespmem:s12+$0x2910] =	vst v0  }
0xae: {  	[tilespmem:s12+$0x2920] =	vst v0  }
0xaf: {  	[tilespmem:s12+$0x2930] =	vst v0  }
0xb0: {  	[tilespmem:s12+$0x2940] =	vst v0  }
0xb1: {  	[tilespmem:s12+$0x2950] =	vst v0  }
0xb2: {  	[tilespmem:s12+$0x2960] =	vst v0  }
0xb3: {  	[tilespmem:s12+$0x2970] =	vst v0  }
0xb4: {  	[tilespmem:s12+$0x2980] =	vst v0  }
0xb5: {  	[tilespmem:s12+$0x2990] =	vst v0  }
0xb6: {  	[tilespmem:s12+$0x29A0] =	vst v0  }
0xb7: {  	[tilespmem:s12+$0x29B0] =	vst v0  }
0xb8: {  	[tilespmem:s12+$0x29C0] =	vst v0  }
0xb9: {  	[tilespmem:s12+$0x29D0] =	vst v0  }
0xba: {  	[tilespmem:s12+$0x29E0] =	vst v0  }
0xbb: {  	[tilespmem:s12+$0x29F0] =	vst v0  }
0xbc: {  	[tilespmem:s12+$0x2A00] =	vst v0  }
0xbd: {  	[tilespmem:s12+$0x2A10] =	vst v0  }
0xbe: {  	[tilespmem:s12+$0x2A20] =	vst v0  }
0xbf: {  	[tilespmem:s12+$0x2A30] =	vst v0  }
0xc0: {  	[tilespmem:s12+$0x2A40] =	vst v0  }
0xc1: {  	[tilespmem:s12+$0x2A50] =	vst v0  }
0xc2: {  	[tilespmem:s12+$0x2A60] =	vst v0  }
0xc3: {  	[tilespmem:s12+$0x2A70] =	vst v0  }
0xc4: {  	[tilespmem:s12+$0x2A80] =	vst v0  }
0xc5: {  	[tilespmem:s12+$0x2A90] =	vst v0  }
0xc6: {  	[tilespmem:s12+$0x2AA0] =	vst v0  }
0xc7: {  	[tilespmem:s12+$0x2AB0] =	vst v0  }
0xc8: {  	[tilespmem:s12+$0x2AC0] =	vst v0  }
0xc9: {  	[tilespmem:s12+$0x2AD0] =	vst v0  }
0xca: {  	[tilespmem:s12+$0x2AE0] =	vst v0  }
0xcb: {  	[tilespmem:s12+$0x2AF0] =	vst v0  }
0xcc: {  	[tilespmem:s12+$0x2B00] =	vst v0  }
0xcd: {  	[tilespmem:s12+$0x2B10] =	vst v0  }
0xce: {  	[tilespmem:s12+$0x2B20] =	vst v0  }
0xcf: {  	[tilespmem:s12+$0x2B30] =	vst v0  }
0xd0: {  	[tilespmem:s12+$0x2B40] =	vst v0  }
0xd1: {  	[tilespmem:s12+$0x2B50] =	vst v0  }
0xd2: {  	[tilespmem:s12+$0x2B60] =	vst v0  }
0xd3: {  	[tilespmem:s12+$0x2B70] =	vst v0  }
0xd4: {  	[tilespmem:s12+$0x2B80] =	vst v0  }
0xd5: {  	[tilespmem:s12+$0x2B90] =	vst v0  }
0xd6: {  	[tilespmem:s12+$0x2BA0] =	vst v0  }
0xd7: {  	[tilespmem:s12+$0x2BB0] =	vst v0  }
0xd8: {  	[tilespmem:s12+$0x2BC0] =	vst v0  }
0xd9: {  	[tilespmem:s12+$0x2BD0] =	vst v0  }
0xda: {  	[tilespmem:s12+$0x2BE0] =	vst v0  }
0xdb: {  	[tilespmem:s12+$0x2BF0] =	vst v0  }
0xdc: {  	[tilespmem:s12+$0x2C00] =	vst v0  }
0xdd: {  	[tilespmem:s12+$0x2C10] =	vst v0  }
0xde: {  	[tilespmem:s12+$0x2C20] =	vst v0  }
0xdf: {  	[tilespmem:s12+$0x2C30] =	vst v0  }
0xe0: {  	[tilespmem:s12+$0x2C40] =	vst v0  }
0xe1: {  	[tilespmem:s12+$0x2C50] =	vst v0  }
0xe2: {  	[tilespmem:s12+$0x2C60] =	vst v0  }
0xe3: {  	[tilespmem:s12+$0x2C70] =	vst v0  }
0xe4: {  	[tilespmem:s12+$0x2C80] =	vst v0  }
0xe5: {  	[tilespmem:s12+$0x2C90] =	vst v0  }
0xe6: {  	[tilespmem:s12+$0x2CA0] =	vst v0  }
0xe7: {  	[tilespmem:s12+$0x2CB0] =	vst v0  }
0xe8: {  	[tilespmem:s12+$0x2CC0] =	vst v0  }
0xe9: {  	[tilespmem:s12+$0x2CD0] =	vst v0  }
0xea: {  	[tilespmem:s12+$0x2CE0] =	vst v0  }
0xeb: {  	[tilespmem:s12+$0x2CF0] =	vst v0  }
0xec: {  	[tilespmem:s12+$0x2D00] =	vst v0  }
0xed: {  	[tilespmem:s12+$0x2D10] =	vst v0  }
0xee: {  	[tilespmem:s12+$0x2D20] =	vst v0  }
0xef: {  	[tilespmem:s12+$0x2D30] =	vst v0  }
0xf0: {  	[tilespmem:s12+$0x2D40] =	vst v0  }
0xf1: {  	[tilespmem:s12+$0x2D50] =	vst v0  }
0xf2: {  	[tilespmem:s12+$0x2D60] =	vst v0  }
0xf3: {  	[tilespmem:s12+$0x2D70] =	vst v0  }
0xf4: {  	[tilespmem:s12+$0x2D80] =	vst v0  }
0xf5: {  	[tilespmem:s12+$0x2D90] =	vst v0  }
0xf6: {  	[tilespmem:s12+$0x2DA0] =	vst v0  }
0xf7: {  	[tilespmem:s12+$0x2DB0] =	vst v0  }
0xf8: {  	[tilespmem:s12+$0x2DC0] =	vst v0  }
0xf9: {  	[tilespmem:s12+$0x2DD0] =	vst v0  }
0xfa: {  	[tilespmem:s12+$0x2DE0] =	vst v0  }
0xfb: {  	[tilespmem:s12+$0x2DF0] =	vst v0  }
0xfc: {  	[tilespmem:s12+$0x2E00] =	vst v0  }
0xfd: {  	[tilespmem:s12+$0x2E10] =	vst v0  }
0xfe: {  	[tilespmem:s12+$0x2E20] =	vst v0  }
0xff: {  	[tilespmem:s12+$0x2E30] =	vst v0  }
0x100: {  	[tilespmem:s12+$0x2E40] =	vst v0  }
0x101: {  	[tilespmem:s12+$0x2E50] =	vst v0  }
0x102: {  	[tilespmem:s12+$0x2E60] =	vst v0  }
0x103: {  	[tilespmem:s12+$0x2E70] =	vst v0  }
0x104: {  	[tilespmem:s12+$0x2E80] =	vst v0  }
0x105: {  	[tilespmem:s12+$0x2E90] =	vst v0  }
0x106: {  	[tilespmem:s12+$0x2EA0] =	vst v0  }
0x107: {  	[tilespmem:s12+$0x2EB0] =	vst v0  }
0x108: {  	[tilespmem:s12+$0x2EC0] =	vst v0  }
0x109: {  	[tilespmem:s12+$0x2ED0] =	vst v0  }
0x10a: {  	[tilespmem:s12+$0x2EE0] =	vst v0  }
0x10b: {  	[tilespmem:s12+$0x2EF0] =	vst v0  }
0x10c: {  	[tilespmem:s12+$0x2F00] =	vst v0  }
0x10d: {  	[tilespmem:s12+$0x2F10] =	vst v0  }
0x10e: {  	[tilespmem:s12+$0x2F20] =	vst v0  }
0x10f: {  	[tilespmem:s12+$0x2F30] =	vst v0  }
0x110: {  	[tilespmem:s12+$0x2F40] =	vst v0  }
0x111: {  	[tilespmem:s12+$0x2F50] =	vst v0  }
0x112: {  	[tilespmem:s12+$0x2F60] =	vst v0  }
0x113: {  	[tilespmem:s12+$0x2F70] =	vst v0  }
0x114: {  	[tilespmem:s12+$0x2F80] =	vst v0  }
0x115: {  	[tilespmem:s12+$0x2F90] =	vst v0  }
0x116: {  	[tilespmem:s12+$0x2FA0] =	vst v0  }
0x117: {  	[tilespmem:s12+$0x2FB0] =	vst v0  }
0x118: {  	[tilespmem:s12+$0x2FC0] =	vst v0  }
0x119: {  	[tilespmem:s12+$0x2FD0] =	vst v0  }
0x11a: {  	[tilespmem:s12+$0x2FE0] =	vst v0  }
0x11b: {  	[spmem:s5] =	stream.linear.scatter [tilespmem:s20], [sflag:$0x5], $0x4000, $0x38;
	[tilespmem:$0x1E800] =	vst v63  }
0x11c: {  	_ =	swait.ge [sflag:s21], $0x4000  }
0x11d: {  	[sflag:s21] =	ssyncset.done $0x0  }
0x11e: {  	[sflag:s21] =	ssyncadd.s32 $0xFFFFC000  }
0x11f: {  	[spmem:s6] =	stream.linear.scatter [tilespmem:s20], [sflag:$0x5], $0x4000, $0x38;
	[tilespmem:$0x1E800] =	vst v63  }
0x120: {  	_ =	swait.ge [sflag:s21], $0x4000  }
0x121: {  	[sflag:s21] =	ssyncset.done $0x0  }
0x122: {  	[sflag:s21] =	ssyncadd.s32 $0xFFFFC000  }
0x123: {  	[spmem:s7] =	stream.linear.scatter [tilespmem:s20], [sflag:$0x5], $0x4000, $0x38;
	[tilespmem:$0x1E800] =	vst v63  }
0x124: {  	_ =	swait.ge [sflag:s21], $0x4000  }
0x125: {  	[sflag:s21] =	ssyncset.done $0x0  }
0x126: {  	[sflag:s21] =	ssyncadd.s32 $0xFFFFC000  }
0x127: {  	[spmem:s8] =	stream.linear.scatter [tilespmem:s20], [sflag:$0x5], $0x4000, $0x38;
	[tilespmem:$0x1E800] =	vst v63  }
0x128: {  	_ =	swait.ge [sflag:s21], $0x4000  }
0x129: {  	[sflag:s21] =	ssyncset.done $0x0  }
0x12a: {  	[sflag:s21] =	ssyncadd.s32 $0xFFFFC000  }
0x12b: {  	[spmem:s9] =	stream.linear.scatter [tilespmem:s20], [sflag:$0x5], $0x4000, $0x38;
	[tilespmem:$0x1E800] =	vst v63  }
0x12c: {  	_ =	swait.ge [sflag:s21], $0x4000  }
0x12d: {  	[sflag:s21] =	ssyncset.done $0x0  }
0x12e: {  	[sflag:s21] =	ssyncadd.s32 $0xFFFFC000  }
0x12f: {  	[bflag:$0x0] =	sbarrier.arrive $0xFFFF  }
0x130: {  	s14 =	rddreg [dreg:$0x3]  }
0x131: {  	[tilespmem:s2], [sflag:$0x5] =	stream.linear.gather [hbm4b:s14+s2], $0x1400, $0x38;
	[tilespmem:$0x1E800] =	vst v63  }
0x132: {  	_ =	swait.ge [sflag:s21], $0x1400  }
0x133: {  	[sflag:s21] =	ssyncset.done $0x0  }
0x134: {  	s13 =	rddreg [dreg:$0x4];
	[sflag:s21] =	ssyncadd.s32 $0xFFFFEC00  }
0x135: {  	[tilespmem:s22], [sflag:$0x5] =	stream.linear.gather [hbm4b:s13+s2], $0x1400, $0x38;
	[tilespmem:$0x1E800] =	vst v63  }
0x136: {  	_ =	swait.ge [sflag:s21], $0x1400  }
0x137: {  	[sflag:s21] =	ssyncset.done $0x0  }
0x138: {  	[sflag:s21] =	ssyncadd.s32 $0xFFFFEC00  }
0x139: {  	[tilespmem:s20], [sflag:$0x1] =	stream.indirect.gather [hbm4b:s4+s23], $0x80, s2, s23, $0xb8;
	[tilespmem:$0x1E800] =	vst v63  }
0x13a: {  	_ = 	snop  }
0x13b: {  	[tilespmem:s24], [sflag:$0x2] =	stream.indirect.gather [hbm4b:s4+s23], $0x80, s23, s23, $0xb8;
	[tilespmem:$0x1E800] =	vst v63  }
0x13c: {  	_ =	swait.ge [sflag:s25], $0x4000  }
0x13d: {  	[sflag:s25] =	ssyncset.done $0x0  }
0x13e: {  	[sflag:s25] =	ssyncadd.s32 $0xFFFFC000  }
0x13f: {  	[spmem:s1] =	stream.indirect.scatter.add.f32 [tilespmem:s20], [sflag:$0x3], $0x80, s22, s23, $0xb8;
	[tilespmem:$0x1E800] =	vst v63  }
0x140: {  	_ =	swait.ge [sflag:s26], $0x4000  }
0x141: {  	[sflag:s26] =	ssyncset.done $0x0  }
0x142: {  	[sflag:s26] =	ssyncadd.s32 $0xFFFFC000  }
0x143: {  	[tilespmem:s20], [sflag:$0x1] =	stream.indirect.gather [hbm4b:s4+s23], $0x80, s28, s23, $0xb8;
	[tilespmem:$0x1E800] =	vst v63  }
0x144: {  	_ =	swait.ge [sflag:s29], $0x4000  }
0x145: {  	[sflag:s29] =	ssyncset.done $0x0  }
0x146: {  	[sflag:s29] =	ssyncadd.s32 $0xFFFFC000  }
0x147: {  	[spmem:s1] =	stream.indirect.scatter.add.f32 [tilespmem:s24], [sflag:$0x4], $0x80, s30, s23, $0xb8;
	[tilespmem:$0x1E800] =	vst v63  }
0x148: {  	_ =	swait.ge [sflag:s31], $0x4000  }
0x149: {  	[sflag:s31] =	ssyncset.done $0x0  }
0x14a: {  	s14 =	simm.s32 $0x180;
	[sflag:s31] =	ssyncadd.s32 $0xFFFFC000  }
0x14b: {  	[tilespmem:s24], [sflag:$0x2] =	stream.indirect.gather [hbm4b:s4+s23], $0x80, s14, s23, $0xb8;
	[tilespmem:$0x1E800] =	vst v63  }
0x14c: {  	_ =	swait.ge [sflag:s25], $0x4000  }
0x14d: {  	[sflag:s25] =	ssyncset.done $0x0  }
0x14e: {  	s13 =	simm.s32 $0x1500;
	[sflag:s25] =	ssyncadd.s32 $0xFFFFC000  }
0x14f: {  	[spmem:s1] =	stream.indirect.scatter.add.f32 [tilespmem:s20], [sflag:$0x3], $0x80, s13, s23, $0xb8;
	[tilespmem:$0x1E800] =	vst v63  }
0x150: {  	_ =	swait.ge [sflag:s26], $0x4000  }
0x151: {  	[sflag:s26] =	ssyncset.done $0x0  }
0x152: {  	s14 =	simm.s32 $0x200;
	[sflag:s26] =	ssyncadd.s32 $0xFFFFC000  }
0x153: {  	[tilespmem:s20], [sflag:$0x1] =	stream.indirect.gather [hbm4b:s4+s23], $0x80, s14, s23, $0xb8;
	[tilespmem:$0x1E800] =	vst v63  }
0x154: {  	_ =	swait.ge [sflag:s29], $0x4000  }
0x155: {  	[sflag:s29] =	ssyncset.done $0x0  }
0x156: {  	s12 =	simm.s32 $0xFFFFBC00;
	s13 =	simm.s32 $0x1580;
	[sflag:s29] =	ssyncadd.s32 $0xFFFFC000  }
.LBB2_4:
0x157: {  	[spmem:s1] =	stream.indirect.scatter.add.f32 [tilespmem:s24], [sflag:$0x4], $0x80, s13, s23, $0xb8;
	[tilespmem:$0x1E800] =	vst v63  }
0x158: {  	s13 =	smov.u32 s12  }
0x159: {  	p0 =	sne.s32 s12, $0xFFFFFC00;
	s12 =	sadd.s32 $0x400, s12;
	_ =	swait.ge [sflag:s31], $0x4000  }
0x15a: {  	s13 =	sshra.s32 s13, $0x2;
	[sflag:s31] =	ssyncset.done $0x0  }
0x15b: {  	s14 =	sadd.s32 $0x1380, s13;
	[sflag:s31] =	ssyncadd.s32 $0xFFFFC000  }
0x15c: {  	[tilespmem:s24], [sflag:$0x2] =	stream.indirect.gather [hbm4b:s4+s23], $0x80, s14, s23, $0xb8;
	[tilespmem:$0x1E800] =	vst v63  }
0x15d: {  	_ =	swait.ge [sflag:s25], $0x4000  }
0x15e: {  	[sflag:s25] =	ssyncset.done $0x0  }
0x15f: {  	s14 =	sadd.s32 $0x2700, s13;
	[sflag:s25] =	ssyncadd.s32 $0xFFFFC000  }
0x160: {  	[spmem:s1] =	stream.indirect.scatter.add.f32 [tilespmem:s20], [sflag:$0x3], $0x80, s14, s23, $0xb8;
	[tilespmem:$0x1E800] =	vst v63  }
0x161: {  	_ =	swait.ge [sflag:s26], $0x4000  }
0x162: {  	[sflag:s26] =	ssyncset.done $0x0  }
.Ltmp1:
0x163: {  	s14 =	sadd.s32 $0x1400, s13;
	[sflag:s26] =	ssyncadd.s32 $0xFFFFC000;
	(pc) =	sbr.rel @p0 .LBB2_4-.Ltmp1, $4  }
0x164: {  	[tilespmem:s20], [sflag:$0x1] =	stream.indirect.gather [hbm4b:s4+s23], $0x80, s14, s23, $0xb8;
	[tilespmem:$0x1E800] =	vst v63  }
0x165: {  	_ =	swait.ge [sflag:s29], $0x4000  }
0x166: {  	[sflag:s29] =	ssyncset.done $0x0  }
0x167: {  	s13 =	sadd.s32 $0x2780, s13;
	[sflag:s29] =	ssyncadd.s32 $0xFFFFC000  }
0x168: {  	[spmem:s1] =	stream.indirect.scatter.add.f32 [tilespmem:s24], [sflag:$0x4], $0x80, s13, s23, $0xb8;
	[tilespmem:$0x1E800] =	vst v63  }
0x169: {  	_ =	swait.ge [sflag:s31], $0x4000  }
0x16a: {  	[sflag:s31] =	ssyncset.done $0x0  }
0x16b: {  	[sflag:s31] =	ssyncadd.s32 $0xFFFFC000  }
0x16c: {  	[tilespmem:s24], [sflag:$0x2] =	stream.indirect.gather [hbm4b:s4+s23], $0x80, s0, s23, $0xb8;
	[tilespmem:$0x1E800] =	vst v63  }
0x16d: {  	_ =	swait.ge [sflag:s25], $0x4000  }
0x16e: {  	[sflag:s25] =	ssyncset.done $0x0  }
0x16f: {  	[sflag:s25] =	ssyncadd.s32 $0xFFFFC000  }
0x170: {  	[spmem:s1] =	stream.indirect.scatter.add.f32 [tilespmem:s20], [sflag:$0x3], $0x80, s3, s23, $0xb8;
	[tilespmem:$0x1E800] =	vst v63  }
0x171: {  	_ =	swait.ge [sflag:s26], $0x4000  }
0x172: {  	[sflag:s26] =	ssyncset.done $0x0  }
0x173: {  	[sflag:s26] =	ssyncadd.s32 $0xFFFFC000  }
0x174: {  	_ =	swait.ge [sflag:s29], $0x4000  }
0x175: {  	[sflag:s29] =	ssyncset.done $0x0  }
0x176: {  	[sflag:s29] =	ssyncadd.s32 $0xFFFFC000  }
0x177: {  	[spmem:s1] =	stream.indirect.scatter.add.f32 [tilespmem:s24], [sflag:$0x4], $0x80, s10, s23, $0xb8;
	[tilespmem:$0x1E800] =	vst v63  }
0x178: {  	_ =	swait.ge [sflag:s31], $0x4000  }
0x179: {  	[sflag:s31] =	ssyncset.done $0x0  }
0x17a: {  	s12 =	rddreg [dreg:$0x5];
	[sflag:s31] =	ssyncadd.s32 $0xFFFFC000  }
0x17b: {  	[tilespmem:s2], [sflag:$0x5] =	stream.linear.gather [hbm4b:s12+s2], $0x1400, $0x38;
	[tilespmem:$0x1E800] =	vst v63  }
0x17c: {  	_ =	swait.ge [sflag:s21], $0x1400  }
0x17d: {  	[sflag:s21] =	ssyncset.done $0x0  }
0x17e: {  	s13 =	rddreg [dreg:$0x6];
	[sflag:s21] =	ssyncadd.s32 $0xFFFFEC00  }
0x17f: {  	[tilespmem:s22], [sflag:$0x5] =	stream.linear.gather [hbm4b:s13+s2], $0x1400, $0x38;
	[tilespmem:$0x1E800] =	vst v63  }
0x180: {  	_ =	swait.ge [sflag:s21], $0x1400  }
0x181: {  	[sflag:s21] =	ssyncset.done $0x0  }
0x182: {  	[sflag:s21] =	ssyncadd.s32 $0xFFFFEC00  }
0x183: {  	[tilespmem:s20], [sflag:$0x1] =	stream.indirect.gather [hbm4b:s4+s23], $0x80, s2, s23, $0xb8;
	[tilespmem:$0x1E800] =	vst v63  }
0x184: {  	_ = 	snop  }
0x185: {  	[tilespmem:s24], [sflag:$0x2] =	stream.indirect.gather [hbm4b:s4+s23], $0x80, s23, s23, $0xb8;
	[tilespmem:$0x1E800] =	vst v63  }
0x186: {  	_ =	swait.ge [sflag:s25], $0x4000  }
0x187: {  	[sflag:s25] =	ssyncset.done $0x0  }
0x188: {  	[sflag:s25] =	ssyncadd.s32 $0xFFFFC000  }
0x189: {  	[spmem:s1] =	stream.indirect.scatter.add.f32 [tilespmem:s20], [sflag:$0x3], $0x80, s22, s23, $0xb8;
	[tilespmem:$0x1E800] =	vst v63  }
0x18a: {  	_ =	swait.ge [sflag:s26], $0x4000  }
0x18b: {  	[sflag:s26] =	ssyncset.done $0x0  }
0x18c: {  	[sflag:s26] =	ssyncadd.s32 $0xFFFFC000  }
0x18d: {  	[tilespmem:s20], [sflag:$0x1] =	stream.indirect.gather [hbm4b:s4+s23], $0x80, s28, s23, $0xb8;
	[tilespmem:$0x1E800] =	vst v63  }
0x18e: {  	_ =	swait.ge [sflag:s29], $0x4000  }
0x18f: {  	[sflag:s29] =	ssyncset.done $0x0  }
0x190: {  	[sflag:s29] =	ssyncadd.s32 $0xFFFFC000  }
0x191: {  	[spmem:s1] =	stream.indirect.scatter.add.f32 [tilespmem:s24], [sflag:$0x4], $0x80, s30, s23, $0xb8;
	[tilespmem:$0x1E800] =	vst v63  }
0x192: {  	_ =	swait.ge [sflag:s31], $0x4000  }
0x193: {  	[sflag:s31] =	ssyncset.done $0x0  }
0x194: {  	s14 =	simm.s32 $0x180;
	[sflag:s31] =	ssyncadd.s32 $0xFFFFC000  }
0x195: {  	[tilespmem:s24], [sflag:$0x2] =	stream.indirect.gather [hbm4b:s4+s23], $0x80, s14, s23, $0xb8;
	[tilespmem:$0x1E800] =	vst v63  }
0x196: {  	_ =	swait.ge [sflag:s25], $0x4000  }
0x197: {  	[sflag:s25] =	ssyncset.done $0x0  }
0x198: {  	s13 =	simm.s32 $0x1500;
	[sflag:s25] =	ssyncadd.s32 $0xFFFFC000  }
0x199: {  	[spmem:s1] =	stream.indirect.scatter.add.f32 [tilespmem:s20], [sflag:$0x3], $0x80, s13, s23, $0xb8;
	[tilespmem:$0x1E800] =	vst v63  }
0x19a: {  	_ =	swait.ge [sflag:s26], $0x4000  }
0x19b: {  	[sflag:s26] =	ssyncset.done $0x0  }
0x19c: {  	s14 =	simm.s32 $0x200;
	[sflag:s26] =	ssyncadd.s32 $0xFFFFC000  }
0x19d: {  	[tilespmem:s20], [sflag:$0x1] =	stream.indirect.gather [hbm4b:s4+s23], $0x80, s14, s23, $0xb8;
	[tilespmem:$0x1E800] =	vst v63  }
0x19e: {  	_ =	swait.ge [sflag:s29], $0x4000  }
0x19f: {  	[sflag:s29] =	ssyncset.done $0x0  }
0x1a0: {  	s12 =	simm.s32 $0xFFFFBC00;
	s13 =	simm.s32 $0x1580;
	[sflag:s29] =	ssyncadd.s32 $0xFFFFC000  }
.LBB2_6:
0x1a1: {  	[spmem:s1] =	stream.indirect.scatter.add.f32 [tilespmem:s24], [sflag:$0x4], $0x80, s13, s23, $0xb8;
	[tilespmem:$0x1E800] =	vst v63  }
0x1a2: {  	s13 =	smov.u32 s12  }
0x1a3: {  	p0 =	sne.s32 s12, $0xFFFFFC00;
	s12 =	sadd.s32 $0x400, s12;
	_ =	swait.ge [sflag:s31], $0x4000  }
0x1a4: {  	s13 =	sshra.s32 s13, $0x2;
	[sflag:s31] =	ssyncset.done $0x0  }
0x1a5: {  	s14 =	sadd.s32 $0x1380, s13;
	[sflag:s31] =	ssyncadd.s32 $0xFFFFC000  }
0x1a6: {  	[tilespmem:s24], [sflag:$0x2] =	stream.indirect.gather [hbm4b:s4+s23], $0x80, s14, s23, $0xb8;
	[tilespmem:$0x1E800] =	vst v63  }
0x1a7: {  	_ =	swait.ge [sflag:s25], $0x4000  }
0x1a8: {  	[sflag:s25] =	ssyncset.done $0x0  }
0x1a9: {  	s14 =	sadd.s32 $0x2700, s13;
	[sflag:s25] =	ssyncadd.s32 $0xFFFFC000  }
0x1aa: {  	[spmem:s1] =	stream.indirect.scatter.add.f32 [tilespmem:s20], [sflag:$0x3], $0x80, s14, s23, $0xb8;
	[tilespmem:$0x1E800] =	vst v63  }
0x1ab: {  	_ =	swait.ge [sflag:s26], $0x4000  }
0x1ac: {  	[sflag:s26] =	ssyncset.done $0x0  }
.Ltmp2:
0x1ad: {  	s14 =	sadd.s32 $0x1400, s13;
	[sflag:s26] =	ssyncadd.s32 $0xFFFFC000;
	(pc) =	sbr.rel @p0 .LBB2_6-.Ltmp2, $4  }
0x1ae: {  	[tilespmem:s20], [sflag:$0x1] =	stream.indirect.gather [hbm4b:s4+s23], $0x80, s14, s23, $0xb8;
	[tilespmem:$0x1E800] =	vst v63  }
0x1af: {  	_ =	swait.ge [sflag:s29], $0x4000  }
0x1b0: {  	[sflag:s29] =	ssyncset.done $0x0  }
0x1b1: {  	s13 =	sadd.s32 $0x2780, s13;
	[sflag:s29] =	ssyncadd.s32 $0xFFFFC000  }
0x1b2: {  	[spmem:s1] =	stream.indirect.scatter.add.f32 [tilespmem:s24], [sflag:$0x4], $0x80, s13, s23, $0xb8;
	[tilespmem:$0x1E800] =	vst v63  }
0x1b3: {  	_ =	swait.ge [sflag:s31], $0x4000  }
0x1b4: {  	[sflag:s31] =	ssyncset.done $0x0  }
0x1b5: {  	[sflag:s31] =	ssyncadd.s32 $0xFFFFC000  }
0x1b6: {  	[tilespmem:s24], [sflag:$0x2] =	stream.indirect.gather [hbm4b:s4+s23], $0x80, s0, s23, $0xb8;
	[tilespmem:$0x1E800] =	vst v63  }
0x1b7: {  	_ =	swait.ge [sflag:s25], $0x4000  }
0x1b8: {  	[sflag:s25] =	ssyncset.done $0x0  }
0x1b9: {  	[sflag:s25] =	ssyncadd.s32 $0xFFFFC000  }
0x1ba: {  	[spmem:s1] =	stream.indirect.scatter.add.f32 [tilespmem:s20], [sflag:$0x3], $0x80, s3, s23, $0xb8;
	[tilespmem:$0x1E800] =	vst v63  }
0x1bb: {  	_ =	swait.ge [sflag:s26], $0x4000  }
0x1bc: {  	[sflag:s26] =	ssyncset.done $0x0  }
0x1bd: {  	[sflag:s26] =	ssyncadd.s32 $0xFFFFC000  }
0x1be: {  	_ =	swait.ge [sflag:s29], $0x4000  }
0x1bf: {  	[sflag:s29] =	ssyncset.done $0x0  }
0x1c0: {  	[sflag:s29] =	ssyncadd.s32 $0xFFFFC000  }
0x1c1: {  	[spmem:s1] =	stream.indirect.scatter.add.f32 [tilespmem:s24], [sflag:$0x4], $0x80, s10, s23, $0xb8;
	[tilespmem:$0x1E800] =	vst v63  }
0x1c2: {  	_ =	swait.ge [sflag:s31], $0x4000  }
0x1c3: {  	[sflag:s31] =	ssyncset.done $0x0  }
0x1c4: {  	[sflag:s31] =	ssyncadd.s32 $0xFFFFC000  }
0x1c5: {  	[bflag:$0x0] =	sbarrier.arrive $0xFFFF  }
0x1c6: {  	[tilespmem:s20], [sflag:$0x5] =	stream.linear.gather [spmem:s5], $0x4000, $0x38;
	[tilespmem:$0x1E800] =	vst v63  }
0x1c7: {  	_ =	swait.ge [sflag:s21], $0x4000  }
0x1c8: {  	[sflag:s21] =	ssyncset.done $0x0  }
0x1c9: {  	s12 =	rddreg [dreg:$0x7];
	[sflag:s21] =	ssyncadd.s32 $0xFFFFC000  }
0x1ca: {  	[hbm4b:s12+s2] =	stream.linear.scatter [tilespmem:s20], [sflag:$0x5], $0x4000, $0x38;
	[tilespmem:$0x1E800] =	vst v63  }
0x1cb: {  	_ =	swait.ge [sflag:s21], $0x4000  }
0x1cc: {  	[sflag:s21] =	ssyncset.done $0x0  }
0x1cd: {  	[sflag:s21] =	ssyncadd.s32 $0xFFFFC000  }
0x1ce: {  	[tilespmem:s24], [sflag:$0x5] =	stream.linear.gather [spmem:s6], $0x4000, $0x38;
	[tilespmem:$0x1E800] =	vst v63  }
0x1cf: {  	_ =	swait.ge [sflag:s21], $0x4000  }
0x1d0: {  	[sflag:s21] =	ssyncset.done $0x0  }
0x1d1: {  	[sflag:s21] =	ssyncadd.s32 $0xFFFFC000  }
0x1d2: {  	[hbm4b:s15+s2] =	stream.linear.scatter [tilespmem:s24], [sflag:$0x5], $0x4000, $0x38;
	[tilespmem:$0x1E800] =	vst v63  }
0x1d3: {  	_ =	swait.ge [sflag:s21], $0x4000  }
0x1d4: {  	[sflag:s21] =	ssyncset.done $0x0  }
0x1d5: {  	[sflag:s21] =	ssyncadd.s32 $0xFFFFC000  }
0x1d6: {  	[tilespmem:s20], [sflag:$0x5] =	stream.linear.gather [spmem:s7], $0x4000, $0x38;
	[tilespmem:$0x1E800] =	vst v63  }
0x1d7: {  	_ =	swait.ge [sflag:s21], $0x4000  }
0x1d8: {  	[sflag:s21] =	ssyncset.done $0x0  }
0x1d9: {  	[sflag:s21] =	ssyncadd.s32 $0xFFFFC000  }
0x1da: {  	[hbm4b:s16+s2] =	stream.linear.scatter [tilespmem:s20], [sflag:$0x5], $0x4000, $0x38;
	[tilespmem:$0x1E800] =	vst v63  }
0x1db: {  	_ =	swait.ge [sflag:s21], $0x4000  }
0x1dc: {  	[sflag:s21] =	ssyncset.done $0x0  }
0x1dd: {  	[sflag:s21] =	ssyncadd.s32 $0xFFFFC000  }
0x1de: {  	[tilespmem:s24], [sflag:$0x5] =	stream.linear.gather [spmem:s8], $0x4000, $0x38;
	[tilespmem:$0x1E800] =	vst v63  }
0x1df: {  	_ =	swait.ge [sflag:s21], $0x4000  }
0x1e0: {  	[sflag:s21] =	ssyncset.done $0x0  }
0x1e1: {  	[sflag:s21] =	ssyncadd.s32 $0xFFFFC000  }
0x1e2: {  	[hbm4b:s17+s2] =	stream.linear.scatter [tilespmem:s24], [sflag:$0x5], $0x4000, $0x38;
	[tilespmem:$0x1E800] =	vst v63  }
0x1e3: {  	_ =	swait.ge [sflag:s21], $0x4000  }
0x1e4: {  	[sflag:s21] =	ssyncset.done $0x0  }
0x1e5: {  	[sflag:s21] =	ssyncadd.s32 $0xFFFFC000  }
0x1e6: {  	[tilespmem:s20], [sflag:$0x5] =	stream.linear.gather [spmem:s9], $0x4000, $0x38;
	[tilespmem:$0x1E800] =	vst v63  }
0x1e7: {  	s11 =	sadd.s32 $0x1, s11;
	_ =	swait.ge [sflag:s21], $0x4000  }
0x1e8: {  	p0 =	sne.s32 s11, s19;
	[sflag:s21] =	ssyncset.done $0x0  }
.Ltmp3:
0x1e9: {  	[sflag:s21] =	ssyncadd.s32 $0xFFFFC000;
	(pc) =	sbr.rel @p0 .LBB2_1-.Ltmp3, $4  }
0x1ea: {  	[hbm4b:s18+s2] =	stream.linear.scatter [tilespmem:s20], [sflag:$0x5], $0x4000, $0x38;
	[tilespmem:$0x1E800] =	vst v63  }
0x1eb: {  	_ =	swait.ge [sflag:s21], $0x4000  }
0x1ec: {  	[sflag:s21] =	ssyncset.done $0x0  }
0x1ed: {  	[sflag:s21] =	ssyncadd.s32 $0xFFFFC000  }
0x1ee: {  	_ =	sfence.sel $0x180000  }
0x1ef: {  	[bflag:$0x0] =	sbarrier.arrive $0xFFFF  }
0x1f0: {  	_ =	strace $0x9000004A  }
0x1f1: {  	s0 =	stileid.u32;
	[bflag:$0x2] =	sbarrier.arrive $0xFFFF  }
0x1f2: {  	p0 =	sne.s32 s0, $0x0;
	s0 =	rddreg [dreg:$0x2]  }
0x1f3: {  	s0 =	sadd.s32 @!p0 $0x100000, s0  }
0x1f4: {  	[sflag:s0] =	ssyncadd.tile.s32 @!p0 $0x1;
	_ =	shalt  }
.Lfunc_end2:
_tile_overlayer_lowered:
.L_overlay_start_2:
0x1f5: {  	(tag) =	ssettag $0x2  }
0x1f6: {  	s0 =	rddreg [dreg:$0x0];
	s2 =	stileid.u32  }
0x1f7: {  	s1 =	rddreg [dreg:$0x1];
	p0 =	sne.s32 s2, $0x0  }
0x1f8: {  	s3 =	rddreg [dreg:$0x2];
	[bflag:$0x3] =	sbarrier.arrive $0xFFFF;
	s2 =	simm.s32 @!p0 $0x1C05  }
0x1f9: {  	[timem:s3], [sflag:s2] =	dma.local @!p0 [hbm:s0], s1  }
0x1fa: {  	s0 =	simm.s32 @!p0 $0x5  }
0x1fb: {  	_ =	swait.ge @!p0 [sflag:s0], s1  }
0x1fc: {  	s1 =	ssub.s32 @!p0 $0x0, s1;
	[sflag:s0] =	ssyncset.done @!p0 $0x0  }
0x1fd: {  	[sflag:s0] =	ssyncadd.s32 @!p0 s1  }
0x1fe: {  	[bflag:$0x3] =	sbarrier.arrive $0xFFFF  }
0x1ff: {  	_ =	shalt  }

// kernel: kernel.15.cloned.1.call-start
scs
__scs_entry_jumppad:
0x0: {  	(pc) =	sbr.rel $0x88, $3  }
0x1: {  	(tag) =	ssettag $0x0;
	lr =	simm.s32 $0x1  }
0x2: {  	[smem:$0x3F97] =	sst lr;
	_ =	strace $0xD0000000  }
0x3: {  	_ = 	snop  }
0x4: {  	_ = 	snop  }
0x5: {  	_ = 	snop  }
0x6: {  	_ = 	snop  }
0x7: {  	_ = 	snop  }
__scs_overlays_trampoline_lowered:
0x8: {  	[smem:$0x3FA6] =	sst s0  }
0x9: {  	[smem:$0x3FA7] =	sst s1  }
0xa: {  	[smem:$0x3FA8] =	sst s2  }
0xb: {  	[smem:$0x3FA9] =	sst s3  }
0xc: {  	[smem:$0x3FAA] =	sst s4  }
0xd: {  	[smem:$0x3FAB] =	sst s5  }
0xe: {  	[smem:$0x3FAC] =	sst s6  }
0xf: {  	[smem:$0x3FAD] =	sst s7  }
0x10: {  	[smem:$0x3FAE] =	sst s8  }
0x11: {  	[smem:$0x3FAF] =	sst s9;
	s0 =	simm.s32 @!p0 $0x0  }
0x12: {  	s1 =	sld [smem:$0x3F95];
	s0 =	simm.s32 @p0 $0x1  }
0x13: {  	[smem:$0x3FB0] =	sst s0;
	s0 =	simm.s32 @!p1 $0x0  }
0x14: {  	s2 =	sld [smem:$0x3F94];
	s0 =	simm.s32 @p1 $0x1  }
0x15: {  	[smem:$0x3FB1] =	sst s0;
	s0 =	simm.s32 @!p2 $0x0  }
0x16: {  	s3 =	sld [smem:$0x3FDB];
	s0 =	simm.s32 @p2 $0x1  }
0x17: {  	s4 =	simm.s32 $0x1BF5;
	[smem:$0x3FB3] =	sst s0  }
0x18: {  	s0 =	sld [smem:$0x3F96];
	_ =	swait.ge [sflag:s4], $0x0  }
0x19: {  	s7 =	sld [smem:$0x3F97]  }
0x1a: {  	s8 =	sadd.s32 $0xFFFFE003, lr  }
0x1b: {  	s9 =	sadd.s32 $0xFFFFFEF7, lr;
	s5 =	simm.s32 $0xFFFFFFFF;
	p2 =	slt.u32 s8, $0xFFFFF086  }
0x1c: {  	p1 =	slt.u32 s9, $0xF7A;
	s5 =	simm.s32 @!p2 $0x0  }
0x1d: {  	s5 =	simm.s32 @p1 $0x1;
	p0 =	seq.s32 s7, s2  }
0x1e: {  	s7 =	smul.u32 @!p0 $0xF7A, s2;
	p2 =	seq.s32 @!p0 s5, $0x0  }
0x1f: {  	s9 =	smul.u32 $0xF7A, s1;
	s8 =	simm.s32 @!p0 $0x1BF5;
	p2 =	por !p2, p0  }
0x20: {  	[sflag:s8] =	ssyncset.s32 @!p0 $0xFFFFF086;
	s6 =	sadd.s32 @!p0 s3, s7;
	s7 =	simm.s32 @!p0 $0x108  }
0x21: {  	s3 =	sadd.s32 s3, s9;
	s6 =	sadd.s32 @!p0 $0x88, s6;
	s7 =	simm.s32 @p2 $0x1082  }
0x22: {  	[simem:s7], [sflag:s8] =	dma.local @!p0 [hbm:s6], $0xF7A  }
0x23: {  	s9 =	sor.u32 $0xD0000000, s2;
	s6 =	simm.s32 $0x108;
	_ =	swait.ge @!p0 [sflag:s8], $0x0  }
0x24: {  	s3 =	sadd.s32 $0x88, s3;
	s6 =	simm.s32 @!p1 $0x1082;
	[sflag:s4] =	ssyncset.s32 $0xFFFFF086  }
0x25: {  	[simem:s6], [sflag:s4] =	dma.local [hbm:s3], $0xF7A  }
0x26: {  	[smem:$0x3F97] =	sst s1;
	(tag) =	ssettag s2;
	_ =	strace s9  }
0x27: {  	s1 =	sld [smem:$0x3FA7]  }
0x28: {  	s2 =	sld [smem:$0x3FA8]  }
0x29: {  	s4 =	sld [smem:$0x3FAA]  }
0x2a: {  	p0 =	seq.s32 s5, $0x0;
	s5 =	sld [smem:$0x3FAB]  }
0x2b: {  	s6 =	sld [smem:$0x3FAC]  }
0x2c: {  	s7 =	sld [smem:$0x3FAD]  }
0x2d: {  	s3 =	simm.s32 $0x108;
	s8 =	sld [smem:$0x3FAE]  }
0x2e: {  	s3 =	simm.s32 @!p0 $0x1082;
	s9 =	sld [smem:$0x3FAF]  }
0x2f: {  	lr =	sadd.s32 s0, s3;
	s0 =	sld [smem:$0x3FA6]  }
0x30: {  	s3 =	sld [smem:$0x3FA9]  }
0x31: {  	[smem:$0x3FB2] =	sst s10  }
0x32: {  	s10 =	sld [smem:$0x3FB0];
	_ =	sdelay $0x3  }
0x33: {  	p0 =	seq.s32 s10, $0x1;
	s10 =	sld [smem:$0x3FB2];
	_ =	sdelay $0x3  }
0x34: {  	[smem:$0x3FB2] =	sst s10  }
0x35: {  	s10 =	sld [smem:$0x3FB1];
	_ =	sdelay $0x3  }
0x36: {  	p1 =	seq.s32 s10, $0x1;
	s10 =	sld [smem:$0x3FB2];
	_ =	sdelay $0x3  }
0x37: {  	[smem:$0x3FB2] =	sst s10  }
0x38: {  	s10 =	sld [smem:$0x3FB3]  }
0x39: {  	_ = 	snop;
	(pc) =	sbr.ind lr, $3  }
0x3a: {  	_ = 	snop  }
0x3b: {  	_ = 	snop  }
0x3c: {  	p2 =	seq.s32 s10, $0x1;
	s10 =	sld [smem:$0x3FB2]  }
0x3d: {  	_ =	shalt  }
0x3e: {  	_ =	shalt  }
0x3f: {  	_ =	shalt  }
0x40: {  	_ =	shalt  }
0x41: {  	_ =	shalt  }
0x42: {  	_ =	shalt  }
0x43: {  	_ =	shalt  }
0x44: {  	_ =	shalt  }
0x45: {  	_ =	shalt  }
0x46: {  	_ =	shalt  }
0x47: {  	_ =	shalt  }
0x48: {  	_ =	shalt  }
0x49: {  	_ =	shalt  }
0x4a: {  	_ =	shalt  }
0x4b: {  	_ =	shalt  }
0x4c: {  	_ =	shalt  }
0x4d: {  	_ =	shalt  }
0x4e: {  	_ =	shalt  }
0x4f: {  	_ =	shalt  }
0x50: {  	_ =	shalt  }
0x51: {  	_ =	shalt  }
0x52: {  	_ =	shalt  }
0x53: {  	_ =	shalt  }
0x54: {  	_ =	shalt  }
0x55: {  	_ =	shalt  }
0x56: {  	_ =	shalt  }
0x57: {  	_ =	shalt  }
0x58: {  	_ =	shalt  }
0x59: {  	_ =	shalt  }
0x5a: {  	_ =	shalt  }
0x5b: {  	_ =	shalt  }
0x5c: {  	_ =	shalt  }
0x5d: {  	_ =	shalt  }
0x5e: {  	_ =	shalt  }
0x5f: {  	_ =	shalt  }
0x60: {  	_ =	shalt  }
0x61: {  	_ =	shalt  }
0x62: {  	_ =	shalt  }
0x63: {  	_ =	shalt  }
0x64: {  	_ =	shalt  }
0x65: {  	_ =	shalt  }
0x66: {  	_ =	shalt  }
0x67: {  	_ =	shalt  }
0x68: {  	_ =	shalt  }
0x69: {  	_ =	shalt  }
0x6a: {  	_ =	shalt  }
0x6b: {  	_ =	shalt  }
0x6c: {  	_ =	shalt  }
0x6d: {  	_ =	shalt  }
0x6e: {  	_ =	shalt  }
0x6f: {  	_ =	shalt  }
0x70: {  	_ =	shalt  }
0x71: {  	_ =	shalt  }
0x72: {  	_ =	shalt  }
0x73: {  	_ =	shalt  }
0x74: {  	_ =	shalt  }
0x75: {  	_ =	shalt  }
0x76: {  	_ =	shalt  }
0x77: {  	_ =	shalt  }
0x78: {  	_ =	shalt  }
0x79: {  	_ =	shalt  }
0x7a: {  	_ =	shalt  }
0x7b: {  	_ =	shalt  }
0x7c: {  	_ =	shalt  }
0x7d: {  	_ =	shalt  }
0x7e: {  	_ =	shalt  }
0x7f: {  	_ =	shalt  }
0x80: {  	_ =	shalt  }
0x81: {  	_ =	shalt  }
0x82: {  	_ =	shalt  }
0x83: {  	_ =	shalt  }
0x84: {  	_ =	shalt  }
0x85: {  	_ =	shalt  }
0x86: {  	_ =	shalt  }
0x87: {  	_ =	shalt  }
.Lfunc_end0:
.L_simem_size_0:
called_computation.2_lowered:
.L_overlay_start_0:
0x88: {  	s2 =	sld [smem:$0x3FD9]  }
0x89: {  	s3 =	sld [smem:$0x3FFE];
	_ =	sdelay $0x1  }
0x8a: {  	s1 =	srdreg.scid  }
0x8b: {  	s0 =	sand.u32 $0x1, s1  }
0x8c: {  	s16 =	sshll.u32 s0, $0xA;
	s2 =	sadd.s32 s3, s2  }
0x8d: {  	s2 =	sadd.s32 s2, s16  }
0x8e: {  	[smem:$0x3FBE] =	sst s2  }
0x8f: {  	_ = 	snop  }
0x90: {  	(tm) =	ssettm $0x1  }
0x91: {  	s17 =	sld [smem:$0x3FFB];
	_ =	sdelay $0x3  }
0x92: {  	_ =	strace s17  }
0x93: {  	s2 =	sld [smem:$0x3FFC];
	_ =	sdelay $0x3  }
0x94: {  	_ =	strace s2  }
0x95: {  	s2 =	sld [smem:$0x3FFD];
	_ =	sdelay $0x3  }
0x96: {  	_ =	strace s2  }
0x97: {  	_ =	strace $0x8FFFFFFF  }
0x98: {  	s18 =	sld [smem:$0x3FDB];
	_ =	sdelay $0x1  }
0x99: {  	s19 =	simm.s32 $_scs_section_size  }
0x9a: {  	s4 =	simm.s32 $_size__tile_overlayer_lowered;
	s5 =	simm.s32 $_tile_overlayer_lowered  }
0x9b: {  	s22 =	simm.s32 $0x1BFF;
	s21 =	sshll.u32 s5, $0x1;
	s2 =	sadd.s32 s19, s18  }
0x9c: {  	s6 =	simm.s32 $0x0;
	s20 =	sshll.u32 s4, $0x1;
	s4 =	sadd.s32 s21, s2  }
0x9d: {  	[timem:s6], [sflag:s22] =	dma.local [hbm:s4], s20  }
0x9e: {  	_ =	swait.ge [sflag:s22], s20  }
0x9f: {  	s3 =	ssub.s32 $0x0, s20;
	[sflag:s22] =	ssyncset.done $0x0  }
0xa0: {  	[sflag:s22] =	ssyncadd.s32 s3;
	_ =	sdelay $0x1  }
0xa1: {  	s23 =	simm.s32 $0x1B8B  }
0xa2: {  	_ =	swait.ge [sflag:s23], $0x1  }
0xa3: {  	[sflag:s23] =	ssyncset.done $0x0  }
0xa4: {  	s25 =	simm.s32 $0x1B8E;
	s24 =	sld [smem:$0x3FFE];
	[sflag:s23] =	ssyncadd.s32 $0xFFFFFFFF  }
0xa5: {  	s26 =	simm.s32 $execute0_lowered;
	[smem:$0x3FD2] =	sst s25  }
0xa6: {  	s4 =	sshll.u32 s26, $0x1;
	_ =	strace $0x8000004C;
	[dreg:$0x1] =	wrdreg $0xFFFFFFFF  }
0xa7: {  	s28 =	simm.s32 $_size_execute0_lowered;
	s2 =	sadd.s32 s2, s4;
	[dreg:$0x0] =	wrdreg $0x0  }
0xa8: {  	s4 =	sshll.u32 s28, $0x1;
	[dreg:$0x2] =	wrdreg s2  }
0xa9: {  	[dreg:$0x3] =	wrdreg s4  }
0xaa: {  	[dreg:$0x4] =	wrdreg $0xC0  }
0xab: {  	_ =	task [dreg:s6], $0x5FFFF  }
0xac: {  	[dreg:$0x1] =	wrdreg $0xFFFFFFFF  }
0xad: {  	[dreg:$0x0] =	wrdreg $0x60  }
0xae: {  	[dreg:$0x2] =	wrdreg s24  }
0xaf: {  	[dreg:$0x3] =	wrdreg $0xA8000  }
0xb0: {  	[dreg:$0x4] =	wrdreg $0x9  }
0xb1: {  	_ =	task.clear_ibuf [dreg:s6], $0x5FFFF;
	_ =	strace $0x9000004C  }
0xb2: {  	s29 =	simm.s32 $0x9;
	_ =	strace $0x8000004E  }
0xb3: {  	_ =	swait.ge [sflag:s29], $0x1  }
0xb4: {  	[sflag:s29] =	ssyncadd.s32 $0xFFFFFFFF  }
0xb5: {  	_ =	strace $0x9000004E  }
0xb6: {  	_ =	sfence  }
0xb7: {  	s30 =	sld [smem:$0x0];
	_ =	sdelay $0x2  }
0xb8: {  	s31 =	sshll.u32 s1, $0xD;
	s1 =	sshrl.u32 s1, $0x2  }
0xb9: {  	s3 =	sand.u32 $0x4000, s31;
	s1 =	sadd.s32 s1, s30  }
0xba: {  	s0 =	sor.u32 s3, s0;
	s1 =	sshll.u32 s1, $0x11  }
0xbb: {  	s0 =	sor.u32 s1, s0  }
0xbc: {  	s0 =	sadd.s32 $0x8F2B, s0  }
0xbd: {  	[sflag:s0] =	ssyncadd.remote.s32 $0x1  }
0xbe: {  	_ =	sfence.sel $0xFFFF  }
0xbf: {  	[dreg:$0x0] =	wrdreg $0xFFFFFFFF;
	(pc) =	sbr.abs _section_cstart, $3  }
0xc0: {  	[dreg:$0x1] =	wrdreg $0xFFFFFFFF  }
0xc1: {  	_ =	task.clear_ibuf [dreg:s6], $0x2FFFF;
	_ =	strace $0x9FFFFFFF  }
0xc2: {  	(tm) =	ssettm $0x7FFFFFFF  }
0xc3: {  	_ =	shalt  }
tec
execute0_lowered:
.L_overlay_start_1:
0x0: {  	(tag) =	ssettag $0x1  }
0x1: {  	s0 =	rddreg [dreg:$0x0]  }
0x2: {  	s1 =	rddreg [dreg:$0x1];
	s2 =	simm.s32 $0x0;
	s4 =	srdreg.scid  }
0x3: {  	s8 =	stileid.u32;
	s28 =	simm.s32 $0x100;
	s29 =	simm.s32 $0x2  }
0x4: {  	s30 =	simm.s32 $0x1480;
	s31 =	simm.s32 $0x4;
	s5 =	smul.u32 $0x50000, s8  }
0x5: {  	[smem:$0x7FF] =	sst s2;
	s3 =	sadd.s32 $0x3000, s0;
	s12 =	smul.u32 $0x14000, s8  }
0x6: {  	s10 =	sadd.s32 $0xD000, s0;
	s11 =	sand.u32 $0x1, s4;
	s15 =	smul.u32 $0x2800, s8  }
0x7: {  	s4 =	sadd.s32 $0x17000, s0;
	s0 =	sadd.s32 $0x3E200, s0;
	s9 =	smul.u32 $0x28000, s11  }
0x8: {  	_ =	strace $0x8000004D;
	s6 =	ssub.s32 $0x2, s11;
	s11 =	smul.u32 $0x140000, s11  }
0x9: {  	s7 =	sshrl.u32 s6, $0x1;
	s5 =	sshrl.u32 s5, $0x2;
	s14 =	sadd.s32 $0x4000, s12  }
0xa: {  	s16 =	sadd.s32 $0x8000, s12;
	s17 =	sadd.s32 $0xC000, s12;
	s18 =	sadd.s32 $0x10000, s12  }
0xb: {  	s13 =	ssub.s32 s6, s7;
	s5 =	sadd.s32 s5, s1;
	s6 =	sadd.s32 s14, s1  }
0xc: {  	s7 =	sadd.s32 s16, s1;
	s8 =	sadd.s32 s17, s1;
	s15 =	sadd.s32 s15, s9  }
0xd: {  	s9 =	sadd.s32 s18, s1;
	s20 =	sadd.s32 s12, s11;
	s21 =	sadd.s32 s11, s14  }
0xe: {  	s23 =	sadd.s32 s11, s16;
	s24 =	sadd.s32 s11, s17;
	s11 =	sadd.s32 s11, s18  }
0xf: {  	s15 =	sshrl.u32 s15, $0x3;
	s22 =	sshrl.u32 s21, $0x3;
	s25 =	sshrl.u32 s24, $0x3  }
0x10: {  	s21 =	simm.s32 $0x5;
	s24 =	simm.s32 $0x6800;
	s19 =	sadd.s32 s3, s15  }
0x11: {  	s26 =	sadd.s32 s10, s15;
	s15 =	sadd.s32 $0x280, s15;
	[dreg:$0x3] =	wrdreg s19  }
0x12: {  	s17 =	sadd.s32 s0, s25;
	s25 =	simm.s32 $0x1;
	[dreg:$0x4] =	wrdreg s26  }
0x13: {  	s3 =	sadd.s32 s3, s15;
	s10 =	sadd.s32 s10, s15;
	s15 =	sadd.s32 s0, s22  }
0x14: {  	s26 =	sshrl.u32 s11, $0x3;
	s19 =	smax.u32 s13, $0x1;
	[dreg:$0x5] =	wrdreg s3  }
0x15: {  	s22 =	simm.s32 $0x1400;
	s11 =	simm.s32 $0x0;
	[dreg:$0x6] =	wrdreg s10  }
0x16: {  	s3 =	sshrl.u32 s20, $0x3;
	s18 =	sadd.s32 s0, s26;
	s20 =	simm.s32 $0x2800  }
0x17: {  	s26 =	simm.s32 $0x3;
	s10 =	simm.s32 $0x2780;
	s3 =	sadd.s32 s0, s3  }
0x18: {  	[dreg:$0x7] =	wrdreg s3;
	s3 =	sshrl.u32 s23, $0x3;
	s23 =	simm.s32 $0x80  }
0x19: {  	v0 =	vimm.f32 $0.0e+00;
	s16 =	sadd.s32 s0, s3;
	s0 =	simm.s32 $0x1380;
	s3 =	simm.s32 $0x2700  }
.LBB2_1:
0x1a: {  	s12 =	simm.s32 $0x0;
	s13 =	simm.s32 $0x2000  }
.LBB2_2:
0x1b: {  	p0 =	sne.s32 s13, $0xE000;
	[tilespmem:s12+$0x2FF0] =	vst v0  }
0x1c: {  	[tilespmem:s12+$0x2800] =	vst v0  }
0x1d: {  	[tilespmem:s12+$0x2810] =	vst v0  }
0x1e: {  	[tilespmem:s12+$0x2820] =	vst v0  }
0x1f: {  	[tilespmem:s12+$0x2830] =	vst v0  }
0x20: {  	[tilespmem:s12+$0x2840] =	vst v0  }
0x21: {  	[tilespmem:s12+$0x2850] =	vst v0  }
0x22: {  	[tilespmem:s12+$0x2860] =	vst v0  }
0x23: {  	[tilespmem:s12+$0x2870] =	vst v0  }
0x24: {  	[tilespmem:s12+$0x2880] =	vst v0  }
0x25: {  	[tilespmem:s12+$0x2890] =	vst v0  }
0x26: {  	[tilespmem:s12+$0x28A0] =	vst v0  }
0x27: {  	[tilespmem:s12+$0x28B0] =	vst v0  }
0x28: {  	[tilespmem:s12+$0x28C0] =	vst v0  }
0x29: {  	[tilespmem:s12+$0x28D0] =	vst v0  }
0x2a: {  	[tilespmem:s12+$0x28E0] =	vst v0  }
0x2b: {  	[tilespmem:s12+$0x28F0] =	vst v0  }
0x2c: {  	[tilespmem:s12+$0x2900] =	vst v0  }
0x2d: {  	[tilespmem:s12+$0x2910] =	vst v0  }
0x2e: {  	[tilespmem:s12+$0x2920] =	vst v0  }
0x2f: {  	[tilespmem:s12+$0x2930] =	vst v0  }
0x30: {  	[tilespmem:s12+$0x2940] =	vst v0  }
0x31: {  	[tilespmem:s12+$0x2950] =	vst v0  }
0x32: {  	[tilespmem:s12+$0x2960] =	vst v0  }
0x33: {  	[tilespmem:s12+$0x2970] =	vst v0  }
0x34: {  	[tilespmem:s12+$0x2980] =	vst v0  }
0x35: {  	[tilespmem:s12+$0x2990] =	vst v0  }
0x36: {  	[tilespmem:s12+$0x29A0] =	vst v0  }
0x37: {  	[tilespmem:s12+$0x29B0] =	vst v0  }
0x38: {  	[tilespmem:s12+$0x29C0] =	vst v0  }
0x39: {  	[tilespmem:s12+$0x29D0] =	vst v0  }
0x3a: {  	[tilespmem:s12+$0x29E0] =	vst v0  }
0x3b: {  	[tilespmem:s12+$0x29F0] =	vst v0  }
0x3c: {  	[tilespmem:s12+$0x2A00] =	vst v0  }
0x3d: {  	[tilespmem:s12+$0x2A10] =	vst v0  }
0x3e: {  	[tilespmem:s12+$0x2A20] =	vst v0  }
0x3f: {  	[tilespmem:s12+$0x2A30] =	vst v0  }
0x40: {  	[tilespmem:s12+$0x2A40] =	vst v0  }
0x41: {  	[tilespmem:s12+$0x2A50] =	vst v0  }
0x42: {  	[tilespmem:s12+$0x2A60] =	vst v0  }
0x43: {  	[tilespmem:s12+$0x2A70] =	vst v0  }
0x44: {  	[tilespmem:s12+$0x2A80] =	vst v0  }
0x45: {  	[tilespmem:s12+$0x2A90] =	vst v0  }
0x46: {  	[tilespmem:s12+$0x2AA0] =	vst v0  }
0x47: {  	[tilespmem:s12+$0x2AB0] =	vst v0  }
0x48: {  	[tilespmem:s12+$0x2AC0] =	vst v0  }
0x49: {  	[tilespmem:s12+$0x2AD0] =	vst v0  }
0x4a: {  	[tilespmem:s12+$0x2AE0] =	vst v0  }
0x4b: {  	[tilespmem:s12+$0x2AF0] =	vst v0  }
0x4c: {  	[tilespmem:s12+$0x2B00] =	vst v0  }
0x4d: {  	[tilespmem:s12+$0x2B10] =	vst v0  }
0x4e: {  	[tilespmem:s12+$0x2B20] =	vst v0  }
0x4f: {  	[tilespmem:s12+$0x2B30] =	vst v0  }
0x50: {  	[tilespmem:s12+$0x2B40] =	vst v0  }
0x51: {  	[tilespmem:s12+$0x2B50] =	vst v0  }
0x52: {  	[tilespmem:s12+$0x2B60] =	vst v0  }
0x53: {  	[tilespmem:s12+$0x2B70] =	vst v0  }
0x54: {  	[tilespmem:s12+$0x2B80] =	vst v0  }
0x55: {  	[tilespmem:s12+$0x2B90] =	vst v0  }
0x56: {  	[tilespmem:s12+$0x2BA0] =	vst v0  }
0x57: {  	[tilespmem:s12+$0x2BB0] =	vst v0  }
0x58: {  	[tilespmem:s12+$0x2BC0] =	vst v0  }
0x59: {  	[tilespmem:s12+$0x2BD0] =	vst v0  }
0x5a: {  	[tilespmem:s12+$0x2BE0] =	vst v0  }
0x5b: {  	[tilespmem:s12+$0x2BF0] =	vst v0  }
0x5c: {  	[tilespmem:s12+$0x2C00] =	vst v0  }
0x5d: {  	[tilespmem:s12+$0x2C10] =	vst v0  }
0x5e: {  	[tilespmem:s12+$0x2C20] =	vst v0  }
0x5f: {  	[tilespmem:s12+$0x2C30] =	vst v0  }
0x60: {  	[tilespmem:s12+$0x2C40] =	vst v0  }
0x61: {  	[tilespmem:s12+$0x2C50] =	vst v0  }
0x62: {  	[tilespmem:s12+$0x2C60] =	vst v0  }
0x63: {  	[tilespmem:s12+$0x2C70] =	vst v0  }
0x64: {  	[tilespmem:s12+$0x2C80] =	vst v0  }
0x65: {  	[tilespmem:s12+$0x2C90] =	vst v0  }
0x66: {  	[tilespmem:s12+$0x2CA0] =	vst v0  }
0x67: {  	[tilespmem:s12+$0x2CB0] =	vst v0  }
0x68: {  	[tilespmem:s12+$0x2CC0] =	vst v0  }
0x69: {  	[tilespmem:s12+$0x2CD0] =	vst v0  }
0x6a: {  	[tilespmem:s12+$0x2CE0] =	vst v0  }
0x6b: {  	[tilespmem:s12+$0x2CF0] =	vst v0  }
0x6c: {  	[tilespmem:s12+$0x2D00] =	vst v0  }
0x6d: {  	[tilespmem:s12+$0x2D10] =	vst v0  }
0x6e: {  	[tilespmem:s12+$0x2D20] =	vst v0  }
0x6f: {  	[tilespmem:s12+$0x2D30] =	vst v0  }
0x70: {  	[tilespmem:s12+$0x2D40] =	vst v0  }
0x71: {  	[tilespmem:s12+$0x2D50] =	vst v0  }
0x72: {  	[tilespmem:s12+$0x2D60] =	vst v0  }
0x73: {  	[tilespmem:s12+$0x2D70] =	vst v0  }
0x74: {  	[tilespmem:s12+$0x2D80] =	vst v0  }
0x75: {  	[tilespmem:s12+$0x2D90] =	vst v0  }
0x76: {  	[tilespmem:s12+$0x2DA0] =	vst v0  }
0x77: {  	[tilespmem:s12+$0x2DB0] =	vst v0  }
0x78: {  	[tilespmem:s12+$0x2DC0] =	vst v0  }
0x79: {  	[tilespmem:s12+$0x2DD0] =	vst v0  }
0x7a: {  	[tilespmem:s12+$0x2DE0] =	vst v0  }
0x7b: {  	[tilespmem:s12+$0x2DF0] =	vst v0  }
0x7c: {  	[tilespmem:s12+$0x2E00] =	vst v0  }
0x7d: {  	[tilespmem:s12+$0x2E10] =	vst v0  }
0x7e: {  	[tilespmem:s12+$0x2E20] =	vst v0  }
0x7f: {  	[tilespmem:s12+$0x2E30] =	vst v0  }
0x80: {  	[tilespmem:s12+$0x2E40] =	vst v0  }
0x81: {  	[tilespmem:s12+$0x2E50] =	vst v0  }
0x82: {  	[tilespmem:s12+$0x2E60] =	vst v0  }
0x83: {  	[tilespmem:s12+$0x2E70] =	vst v0  }
0x84: {  	[tilespmem:s12+$0x2E80] =	vst v0  }
0x85: {  	[tilespmem:s12+$0x2E90] =	vst v0  }
0x86: {  	[tilespmem:s12+$0x2EA0] =	vst v0  }
0x87: {  	[tilespmem:s12+$0x2EB0] =	vst v0  }
0x88: {  	[tilespmem:s12+$0x2EC0] =	vst v0  }
0x89: {  	[tilespmem:s12+$0x2ED0] =	vst v0  }
0x8a: {  	[tilespmem:s12+$0x2EE0] =	vst v0  }
0x8b: {  	[tilespmem:s12+$0x2EF0] =	vst v0  }
0x8c: {  	[tilespmem:s12+$0x2F00] =	vst v0  }
0x8d: {  	[tilespmem:s12+$0x2F10] =	vst v0  }
0x8e: {  	[tilespmem:s12+$0x2F20] =	vst v0  }
0x8f: {  	[tilespmem:s12+$0x2F30] =	vst v0  }
0x90: {  	[tilespmem:s12+$0x2F40] =	vst v0  }
0x91: {  	[tilespmem:s12+$0x2F50] =	vst v0  }
0x92: {  	[tilespmem:s12+$0x2F60] =	vst v0  }
0x93: {  	[tilespmem:s12+$0x2F70] =	vst v0  }
0x94: {  	[tilespmem:s12+$0x2F80] =	vst v0  }
0x95: {  	[tilespmem:s12+$0x2F90] =	vst v0  }
.Ltmp0:
0x96: {  	[tilespmem:s12+$0x2FA0] =	vst v0;
	(pc) =	sbr.rel @p0 .LBB2_2-.Ltmp0, $4  }
0x97: {  	[tilespmem:s12+$0x2FB0] =	vst v0  }
0x98: {  	[tilespmem:s12+$0x2FC0] =	vst v0  }
0x99: {  	[tilespmem:s12+$0x2FD0] =	vst v0  }
0x9a: {  	[tilespmem:s12+$0x2FE0] =	vst v0;
	s12 =	sshra.s32 s13, $0x2;
	s13 =	sadd.s32 $0x2000, s13  }
0x9b: {  	[tilespmem:s12+$0x2FF0] =	vst v0  }
0x9c: {  	[tilespmem:s12+$0x2800] =	vst v0  }
0x9d: {  	[tilespmem:s12+$0x2810] =	vst v0  }
0x9e: {  	[tilespmem:s12+$0x2820] =	vst v0  }
0x9f: {  	[tilespmem:s12+$0x2830] =	vst v0  }
0xa0: {  	[tilespmem:s12+$0x2840] =	vst v0  }
0xa1: {  	[tilespmem:s12+$0x2850] =	vst v0  }
0xa2: {  	[tilespmem:s12+$0x2860] =	vst v0  }
0xa3: {  	[tilespmem:s12+$0x2870] =	vst v0  }
0xa4: {  	[tilespmem:s12+$0x2880] =	vst v0  }
0xa5: {  	[tilespmem:s12+$0x2890] =	vst v0  }
0xa6: {  	[tilespmem:s12+$0x28A0] =	vst v0  }
0xa7: {  	[tilespmem:s12+$0x28B0] =	vst v0  }
0xa8: {  	[tilespmem:s12+$0x28C0] =	vst v0  }
0xa9: {  	[tilespmem:s12+$0x28D0] =	vst v0  }
0xaa: {  	[tilespmem:s12+$0x28E0] =	vst v0  }
0xab: {  	[tilespmem:s12+$0x28F0] =	vst v0  }
0xac: {  	[tilespmem:s12+$0x2900] =	vst v0  }
0xad: {  	[tilespmem:s12+$0x2910] =	vst v0  }
0xae: {  	[tilespmem:s12+$0x2920] =	vst v0  }
0xaf: {  	[tilespmem:s12+$0x2930] =	vst v0  }
0xb0: {  	[tilespmem:s12+$0x2940] =	vst v0  }
0xb1: {  	[tilespmem:s12+$0x2950] =	vst v0  }
0xb2: {  	[tilespmem:s12+$0x2960] =	vst v0  }
0xb3: {  	[tilespmem:s12+$0x2970] =	vst v0  }
0xb4: {  	[tilespmem:s12+$0x2980] =	vst v0  }
0xb5: {  	[tilespmem:s12+$0x2990] =	vst v0  }
0xb6: {  	[tilespmem:s12+$0x29A0] =	vst v0  }
0xb7: {  	[tilespmem:s12+$0x29B0] =	vst v0  }
0xb8: {  	[tilespmem:s12+$0x29C0] =	vst v0  }
0xb9: {  	[tilespmem:s12+$0x29D0] =	vst v0  }
0xba: {  	[tilespmem:s12+$0x29E0] =	vst v0  }
0xbb: {  	[tilespmem:s12+$0x29F0] =	vst v0  }
0xbc: {  	[tilespmem:s12+$0x2A00] =	vst v0  }
0xbd: {  	[tilespmem:s12+$0x2A10] =	vst v0  }
0xbe: {  	[tilespmem:s12+$0x2A20] =	vst v0  }
0xbf: {  	[tilespmem:s12+$0x2A30] =	vst v0  }
0xc0: {  	[tilespmem:s12+$0x2A40] =	vst v0  }
0xc1: {  	[tilespmem:s12+$0x2A50] =	vst v0  }
0xc2: {  	[tilespmem:s12+$0x2A60] =	vst v0  }
0xc3: {  	[tilespmem:s12+$0x2A70] =	vst v0  }
0xc4: {  	[tilespmem:s12+$0x2A80] =	vst v0  }
0xc5: {  	[tilespmem:s12+$0x2A90] =	vst v0  }
0xc6: {  	[tilespmem:s12+$0x2AA0] =	vst v0  }
0xc7: {  	[tilespmem:s12+$0x2AB0] =	vst v0  }
0xc8: {  	[tilespmem:s12+$0x2AC0] =	vst v0  }
0xc9: {  	[tilespmem:s12+$0x2AD0] =	vst v0  }
0xca: {  	[tilespmem:s12+$0x2AE0] =	vst v0  }
0xcb: {  	[tilespmem:s12+$0x2AF0] =	vst v0  }
0xcc: {  	[tilespmem:s12+$0x2B00] =	vst v0  }
0xcd: {  	[tilespmem:s12+$0x2B10] =	vst v0  }
0xce: {  	[tilespmem:s12+$0x2B20] =	vst v0  }
0xcf: {  	[tilespmem:s12+$0x2B30] =	vst v0  }
0xd0: {  	[tilespmem:s12+$0x2B40] =	vst v0  }
0xd1: {  	[tilespmem:s12+$0x2B50] =	vst v0  }
0xd2: {  	[tilespmem:s12+$0x2B60] =	vst v0  }
0xd3: {  	[tilespmem:s12+$0x2B70] =	vst v0  }
0xd4: {  	[tilespmem:s12+$0x2B80] =	vst v0  }
0xd5: {  	[tilespmem:s12+$0x2B90] =	vst v0  }
0xd6: {  	[tilespmem:s12+$0x2BA0] =	vst v0  }
0xd7: {  	[tilespmem:s12+$0x2BB0] =	vst v0  }
0xd8: {  	[tilespmem:s12+$0x2BC0] =	vst v0  }
0xd9: {  	[tilespmem:s12+$0x2BD0] =	vst v0  }
0xda: {  	[tilespmem:s12+$0x2BE0] =	vst v0  }
0xdb: {  	[tilespmem:s12+$0x2BF0] =	vst v0  }
0xdc: {  	[tilespmem:s12+$0x2C00] =	vst v0  }
0xdd: {  	[tilespmem:s12+$0x2C10] =	vst v0  }
0xde: {  	[tilespmem:s12+$0x2C20] =	vst v0  }
0xdf: {  	[tilespmem:s12+$0x2C30] =	vst v0  }
0xe0: {  	[tilespmem:s12+$0x2C40] =	vst v0  }
0xe1: {  	[tilespmem:s12+$0x2C50] =	vst v0  }
0xe2: {  	[tilespmem:s12+$0x2C60] =	vst v0  }
0xe3: {  	[tilespmem:s12+$0x2C70] =	vst v0  }
0xe4: {  	[tilespmem:s12+$0x2C80] =	vst v0  }
0xe5: {  	[tilespmem:s12+$0x2C90] =	vst v0  }
0xe6: {  	[tilespmem:s12+$0x2CA0] =	vst v0  }
0xe7: {  	[tilespmem:s12+$0x2CB0] =	vst v0  }
0xe8: {  	[tilespmem:s12+$0x2CC0] =	vst v0  }
0xe9: {  	[tilespmem:s12+$0x2CD0] =	vst v0  }
0xea: {  	[tilespmem:s12+$0x2CE0] =	vst v0  }
0xeb: {  	[tilespmem:s12+$0x2CF0] =	vst v0  }
0xec: {  	[tilespmem:s12+$0x2D00] =	vst v0  }
0xed: {  	[tilespmem:s12+$0x2D10] =	vst v0  }
0xee: {  	[tilespmem:s12+$0x2D20] =	vst v0  }
0xef: {  	[tilespmem:s12+$0x2D30] =	vst v0  }
0xf0: {  	[tilespmem:s12+$0x2D40] =	vst v0  }
0xf1: {  	[tilespmem:s12+$0x2D50] =	vst v0  }
0xf2: {  	[tilespmem:s12+$0x2D60] =	vst v0  }
0xf3: {  	[tilespmem:s12+$0x2D70] =	vst v0  }
0xf4: {  	[tilespmem:s12+$0x2D80] =	vst v0  }
0xf5: {  	[tilespmem:s12+$0x2D90] =	vst v0  }
0xf6: {  	[tilespmem:s12+$0x2DA0] =	vst v0  }
0xf7: {  	[tilespmem:s12+$0x2DB0] =	vst v0  }
0xf8: {  	[tilespmem:s12+$0x2DC0] =	vst v0  }
0xf9: {  	[tilespmem:s12+$0x2DD0] =	vst v0  }
0xfa: {  	[tilespmem:s12+$0x2DE0] =	vst v0  }
0xfb: {  	[tilespmem:s12+$0x2DF0] =	vst v0  }
0xfc: {  	[tilespmem:s12+$0x2E00] =	vst v0  }
0xfd: {  	[tilespmem:s12+$0x2E10] =	vst v0  }
0xfe: {  	[tilespmem:s12+$0x2E20] =	vst v0  }
0xff: {  	[tilespmem:s12+$0x2E30] =	vst v0  }
0x100: {  	[tilespmem:s12+$0x2E40] =	vst v0  }
0x101: {  	[tilespmem:s12+$0x2E50] =	vst v0  }
0x102: {  	[tilespmem:s12+$0x2E60] =	vst v0  }
0x103: {  	[tilespmem:s12+$0x2E70] =	vst v0  }
0x104: {  	[tilespmem:s12+$0x2E80] =	vst v0  }
0x105: {  	[tilespmem:s12+$0x2E90] =	vst v0  }
0x106: {  	[tilespmem:s12+$0x2EA0] =	vst v0  }
0x107: {  	[tilespmem:s12+$0x2EB0] =	vst v0  }
0x108: {  	[tilespmem:s12+$0x2EC0] =	vst v0  }
0x109: {  	[tilespmem:s12+$0x2ED0] =	vst v0  }
0x10a: {  	[tilespmem:s12+$0x2EE0] =	vst v0  }
0x10b: {  	[tilespmem:s12+$0x2EF0] =	vst v0  }
0x10c: {  	[tilespmem:s12+$0x2F00] =	vst v0  }
0x10d: {  	[tilespmem:s12+$0x2F10] =	vst v0  }
0x10e: {  	[tilespmem:s12+$0x2F20] =	vst v0  }
0x10f: {  	[tilespmem:s12+$0x2F30] =	vst v0  }
0x110: {  	[tilespmem:s12+$0x2F40] =	vst v0  }
0x111: {  	[tilespmem:s12+$0x2F50] =	vst v0  }
0x112: {  	[tilespmem:s12+$0x2F60] =	vst v0  }
0x113: {  	[tilespmem:s12+$0x2F70] =	vst v0  }
0x114: {  	[tilespmem:s12+$0x2F80] =	vst v0  }
0x115: {  	[tilespmem:s12+$0x2F90] =	vst v0  }
0x116: {  	[tilespmem:s12+$0x2FA0] =	vst v0  }
0x117: {  	[tilespmem:s12+$0x2FB0] =	vst v0  }
0x118: {  	[tilespmem:s12+$0x2FC0] =	vst v0  }
0x119: {  	[tilespmem:s12+$0x2FD0] =	vst v0  }
0x11a: {  	[tilespmem:s12+$0x2FE0] =	vst v0  }
0x11b: {  	[spmem:s5] =	stream.linear.scatter [tilespmem:s20], [sflag:$0x5], $0x4000, $0x38;
	[tilespmem:$0x1E800] =	vst v63  }
0x11c: {  	_ =	swait.ge [sflag:s21], $0x4000  }
0x11d: {  	[sflag:s21] =	ssyncset.done $0x0  }
0x11e: {  	[sflag:s21] =	ssyncadd.s32 $0xFFFFC000  }
0x11f: {  	[spmem:s6] =	stream.linear.scatter [tilespmem:s20], [sflag:$0x5], $0x4000, $0x38;
	[tilespmem:$0x1E800] =	vst v63  }
0x120: {  	_ =	swait.ge [sflag:s21], $0x4000  }
0x121: {  	[sflag:s21] =	ssyncset.done $0x0  }
0x122: {  	[sflag:s21] =	ssyncadd.s32 $0xFFFFC000  }
0x123: {  	[spmem:s7] =	stream.linear.scatter [tilespmem:s20], [sflag:$0x5], $0x4000, $0x38;
	[tilespmem:$0x1E800] =	vst v63  }
0x124: {  	_ =	swait.ge [sflag:s21], $0x4000  }
0x125: {  	[sflag:s21] =	ssyncset.done $0x0  }
0x126: {  	[sflag:s21] =	ssyncadd.s32 $0xFFFFC000  }
0x127: {  	[spmem:s8] =	stream.linear.scatter [tilespmem:s20], [sflag:$0x5], $0x4000, $0x38;
	[tilespmem:$0x1E800] =	vst v63  }
0x128: {  	_ =	swait.ge [sflag:s21], $0x4000  }
0x129: {  	[sflag:s21] =	ssyncset.done $0x0  }
0x12a: {  	[sflag:s21] =	ssyncadd.s32 $0xFFFFC000  }
0x12b: {  	[spmem:s9] =	stream.linear.scatter [tilespmem:s20], [sflag:$0x5], $0x4000, $0x38;
	[tilespmem:$0x1E800] =	vst v63  }
0x12c: {  	_ =	swait.ge [sflag:s21], $0x4000  }
0x12d: {  	[sflag:s21] =	ssyncset.done $0x0  }
0x12e: {  	[sflag:s21] =	ssyncadd.s32 $0xFFFFC000  }
0x12f: {  	[bflag:$0x0] =	sbarrier.arrive $0xFFFF  }
0x130: {  	s14 =	rddreg [dreg:$0x3]  }
0x131: {  	[tilespmem:s2], [sflag:$0x5] =	stream.linear.gather [hbm4b:s14+s2], $0x1400, $0x38;
	[tilespmem:$0x1E800] =	vst v63  }
0x132: {  	_ =	swait.ge [sflag:s21], $0x1400  }
0x133: {  	[sflag:s21] =	ssyncset.done $0x0  }
0x134: {  	s13 =	rddreg [dreg:$0x4];
	[sflag:s21] =	ssyncadd.s32 $0xFFFFEC00  }
0x135: {  	[tilespmem:s22], [sflag:$0x5] =	stream.linear.gather [hbm4b:s13+s2], $0x1400, $0x38;
	[tilespmem:$0x1E800] =	vst v63  }
0x136: {  	_ =	swait.ge [sflag:s21], $0x1400  }
0x137: {  	[sflag:s21] =	ssyncset.done $0x0  }
0x138: {  	[sflag:s21] =	ssyncadd.s32 $0xFFFFEC00  }
0x139: {  	[tilespmem:s20], [sflag:$0x1] =	stream.indirect.gather [hbm4b:s4+s23], $0x80, s2, s23, $0xb8;
	[tilespmem:$0x1E800] =	vst v63  }
0x13a: {  	_ = 	snop  }
0x13b: {  	[tilespmem:s24], [sflag:$0x2] =	stream.indirect.gather [hbm4b:s4+s23], $0x80, s23, s23, $0xb8;
	[tilespmem:$0x1E800] =	vst v63  }
0x13c: {  	_ =	swait.ge [sflag:s25], $0x4000  }
0x13d: {  	[sflag:s25] =	ssyncset.done $0x0  }
0x13e: {  	[sflag:s25] =	ssyncadd.s32 $0xFFFFC000  }
0x13f: {  	[spmem:s1] =	stream.indirect.scatter.add.f32 [tilespmem:s20], [sflag:$0x3], $0x80, s22, s23, $0xb8;
	[tilespmem:$0x1E800] =	vst v63  }
0x140: {  	_ =	swait.ge [sflag:s26], $0x4000  }
0x141: {  	[sflag:s26] =	ssyncset.done $0x0  }
0x142: {  	[sflag:s26] =	ssyncadd.s32 $0xFFFFC000  }
0x143: {  	[tilespmem:s20], [sflag:$0x1] =	stream.indirect.gather [hbm4b:s4+s23], $0x80, s28, s23, $0xb8;
	[tilespmem:$0x1E800] =	vst v63  }
0x144: {  	_ =	swait.ge [sflag:s29], $0x4000  }
0x145: {  	[sflag:s29] =	ssyncset.done $0x0  }
0x146: {  	[sflag:s29] =	ssyncadd.s32 $0xFFFFC000  }
0x147: {  	[spmem:s1] =	stream.indirect.scatter.add.f32 [tilespmem:s24], [sflag:$0x4], $0x80, s30, s23, $0xb8;
	[tilespmem:$0x1E800] =	vst v63  }
0x148: {  	_ =	swait.ge [sflag:s31], $0x4000  }
0x149: {  	[sflag:s31] =	ssyncset.done $0x0  }
0x14a: {  	s14 =	simm.s32 $0x180;
	[sflag:s31] =	ssyncadd.s32 $0xFFFFC000  }
0x14b: {  	[tilespmem:s24], [sflag:$0x2] =	stream.indirect.gather [hbm4b:s4+s23], $0x80, s14, s23, $0xb8;
	[tilespmem:$0x1E800] =	vst v63  }
0x14c: {  	_ =	swait.ge [sflag:s25], $0x4000  }
0x14d: {  	[sflag:s25] =	ssyncset.done $0x0  }
0x14e: {  	s13 =	simm.s32 $0x1500;
	[sflag:s25] =	ssyncadd.s32 $0xFFFFC000  }
0x14f: {  	[spmem:s1] =	stream.indirect.scatter.add.f32 [tilespmem:s20], [sflag:$0x3], $0x80, s13, s23, $0xb8;
	[tilespmem:$0x1E800] =	vst v63  }
0x150: {  	_ =	swait.ge [sflag:s26], $0x4000  }
0x151: {  	[sflag:s26] =	ssyncset.done $0x0  }
0x152: {  	s14 =	simm.s32 $0x200;
	[sflag:s26] =	ssyncadd.s32 $0xFFFFC000  }
0x153: {  	[tilespmem:s20], [sflag:$0x1] =	stream.indirect.gather [hbm4b:s4+s23], $0x80, s14, s23, $0xb8;
	[tilespmem:$0x1E800] =	vst v63  }
0x154: {  	_ =	swait.ge [sflag:s29], $0x4000  }
0x155: {  	[sflag:s29] =	ssyncset.done $0x0  }
0x156: {  	s12 =	simm.s32 $0xFFFFBC00;
	s13 =	simm.s32 $0x1580;
	[sflag:s29] =	ssyncadd.s32 $0xFFFFC000  }
.LBB2_4:
0x157: {  	[spmem:s1] =	stream.indirect.scatter.add.f32 [tilespmem:s24], [sflag:$0x4], $0x80, s13, s23, $0xb8;
	[tilespmem:$0x1E800] =	vst v63  }
0x158: {  	s13 =	smov.u32 s12  }
0x159: {  	p0 =	sne.s32 s12, $0xFFFFFC00;
	s12 =	sadd.s32 $0x400, s12;
	_ =	swait.ge [sflag:s31], $0x4000  }
0x15a: {  	s13 =	sshra.s32 s13, $0x2;
	[sflag:s31] =	ssyncset.done $0x0  }
0x15b: {  	s14 =	sadd.s32 $0x1380, s13;
	[sflag:s31] =	ssyncadd.s32 $0xFFFFC000  }
0x15c: {  	[tilespmem:s24], [sflag:$0x2] =	stream.indirect.gather [hbm4b:s4+s23], $0x80, s14, s23, $0xb8;
	[tilespmem:$0x1E800] =	vst v63  }
0x15d: {  	_ =	swait.ge [sflag:s25], $0x4000  }
0x15e: {  	[sflag:s25] =	ssyncset.done $0x0  }
0x15f: {  	s14 =	sadd.s32 $0x2700, s13;
	[sflag:s25] =	ssyncadd.s32 $0xFFFFC000  }
0x160: {  	[spmem:s1] =	stream.indirect.scatter.add.f32 [tilespmem:s20], [sflag:$0x3], $0x80, s14, s23, $0xb8;
	[tilespmem:$0x1E800] =	vst v63  }
0x161: {  	_ =	swait.ge [sflag:s26], $0x4000  }
0x162: {  	[sflag:s26] =	ssyncset.done $0x0  }
.Ltmp1:
0x163: {  	s14 =	sadd.s32 $0x1400, s13;
	[sflag:s26] =	ssyncadd.s32 $0xFFFFC000;
	(pc) =	sbr.rel @p0 .LBB2_4-.Ltmp1, $4  }
0x164: {  	[tilespmem:s20], [sflag:$0x1] =	stream.indirect.gather [hbm4b:s4+s23], $0x80, s14, s23, $0xb8;
	[tilespmem:$0x1E800] =	vst v63  }
0x165: {  	_ =	swait.ge [sflag:s29], $0x4000  }
0x166: {  	[sflag:s29] =	ssyncset.done $0x0  }
0x167: {  	s13 =	sadd.s32 $0x2780, s13;
	[sflag:s29] =	ssyncadd.s32 $0xFFFFC000  }
0x168: {  	[spmem:s1] =	stream.indirect.scatter.add.f32 [tilespmem:s24], [sflag:$0x4], $0x80, s13, s23, $0xb8;
	[tilespmem:$0x1E800] =	vst v63  }
0x169: {  	_ =	swait.ge [sflag:s31], $0x4000  }
0x16a: {  	[sflag:s31] =	ssyncset.done $0x0  }
0x16b: {  	[sflag:s31] =	ssyncadd.s32 $0xFFFFC000  }
0x16c: {  	[tilespmem:s24], [sflag:$0x2] =	stream.indirect.gather [hbm4b:s4+s23], $0x80, s0, s23, $0xb8;
	[tilespmem:$0x1E800] =	vst v63  }
0x16d: {  	_ =	swait.ge [sflag:s25], $0x4000  }
0x16e: {  	[sflag:s25] =	ssyncset.done $0x0  }
0x16f: {  	[sflag:s25] =	ssyncadd.s32 $0xFFFFC000  }
0x170: {  	[spmem:s1] =	stream.indirect.scatter.add.f32 [tilespmem:s20], [sflag:$0x3], $0x80, s3, s23, $0xb8;
	[tilespmem:$0x1E800] =	vst v63  }
0x171: {  	_ =	swait.ge [sflag:s26], $0x4000  }
0x172: {  	[sflag:s26] =	ssyncset.done $0x0  }
0x173: {  	[sflag:s26] =	ssyncadd.s32 $0xFFFFC000  }
0x174: {  	_ =	swait.ge [sflag:s29], $0x4000  }
0x175: {  	[sflag:s29] =	ssyncset.done $0x0  }
0x176: {  	[sflag:s29] =	ssyncadd.s32 $0xFFFFC000  }
0x177: {  	[spmem:s1] =	stream.indirect.scatter.add.f32 [tilespmem:s24], [sflag:$0x4], $0x80, s10, s23, $0xb8;
	[tilespmem:$0x1E800] =	vst v63  }
0x178: {  	_ =	swait.ge [sflag:s31], $0x4000  }
0x179: {  	[sflag:s31] =	ssyncset.done $0x0  }
0x17a: {  	s12 =	rddreg [dreg:$0x5];
	[sflag:s31] =	ssyncadd.s32 $0xFFFFC000  }
0x17b: {  	[tilespmem:s2], [sflag:$0x5] =	stream.linear.gather [hbm4b:s12+s2], $0x1400, $0x38;
	[tilespmem:$0x1E800] =	vst v63  }
0x17c: {  	_ =	swait.ge [sflag:s21], $0x1400  }
0x17d: {  	[sflag:s21] =	ssyncset.done $0x0  }
0x17e: {  	s13 =	rddreg [dreg:$0x6];
	[sflag:s21] =	ssyncadd.s32 $0xFFFFEC00  }
0x17f: {  	[tilespmem:s22], [sflag:$0x5] =	stream.linear.gather [hbm4b:s13+s2], $0x1400, $0x38;
	[tilespmem:$0x1E800] =	vst v63  }
0x180: {  	_ =	swait.ge [sflag:s21], $0x1400  }
0x181: {  	[sflag:s21] =	ssyncset.done $0x0  }
0x182: {  	[sflag:s21] =	ssyncadd.s32 $0xFFFFEC00  }
0x183: {  	[tilespmem:s20], [sflag:$0x1] =	stream.indirect.gather [hbm4b:s4+s23], $0x80, s2, s23, $0xb8;
	[tilespmem:$0x1E800] =	vst v63  }
0x184: {  	_ = 	snop  }
0x185: {  	[tilespmem:s24], [sflag:$0x2] =	stream.indirect.gather [hbm4b:s4+s23], $0x80, s23, s23, $0xb8;
	[tilespmem:$0x1E800] =	vst v63  }
0x186: {  	_ =	swait.ge [sflag:s25], $0x4000  }
0x187: {  	[sflag:s25] =	ssyncset.done $0x0  }
0x188: {  	[sflag:s25] =	ssyncadd.s32 $0xFFFFC000  }
0x189: {  	[spmem:s1] =	stream.indirect.scatter.add.f32 [tilespmem:s20], [sflag:$0x3], $0x80, s22, s23, $0xb8;
	[tilespmem:$0x1E800] =	vst v63  }
0x18a: {  	_ =	swait.ge [sflag:s26], $0x4000  }
0x18b: {  	[sflag:s26] =	ssyncset.done $0x0  }
0x18c: {  	[sflag:s26] =	ssyncadd.s32 $0xFFFFC000  }
0x18d: {  	[tilespmem:s20], [sflag:$0x1] =	stream.indirect.gather [hbm4b:s4+s23], $0x80, s28, s23, $0xb8;
	[tilespmem:$0x1E800] =	vst v63  }
0x18e: {  	_ =	swait.ge [sflag:s29], $0x4000  }
0x18f: {  	[sflag:s29] =	ssyncset.done $0x0  }
0x190: {  	[sflag:s29] =	ssyncadd.s32 $0xFFFFC000  }
0x191: {  	[spmem:s1] =	stream.indirect.scatter.add.f32 [tilespmem:s24], [sflag:$0x4], $0x80, s30, s23, $0xb8;
	[tilespmem:$0x1E800] =	vst v63  }
0x192: {  	_ =	swait.ge [sflag:s31], $0x4000  }
0x193: {  	[sflag:s31] =	ssyncset.done $0x0  }
0x194: {  	s14 =	simm.s32 $0x180;
	[sflag:s31] =	ssyncadd.s32 $0xFFFFC000  }
0x195: {  	[tilespmem:s24], [sflag:$0x2] =	stream.indirect.gather [hbm4b:s4+s23], $0x80, s14, s23, $0xb8;
	[tilespmem:$0x1E800] =	vst v63  }
0x196: {  	_ =	swait.ge [sflag:s25], $0x4000  }
0x197: {  	[sflag:s25] =	ssyncset.done $0x0  }
0x198: {  	s13 =	simm.s32 $0x1500;
	[sflag:s25] =	ssyncadd.s32 $0xFFFFC000  }
0x199: {  	[spmem:s1] =	stream.indirect.scatter.add.f32 [tilespmem:s20], [sflag:$0x3], $0x80, s13, s23, $0xb8;
	[tilespmem:$0x1E800] =	vst v63  }
0x19a: {  	_ =	swait.ge [sflag:s26], $0x4000  }
0x19b: {  	[sflag:s26] =	ssyncset.done $0x0  }
0x19c: {  	s14 =	simm.s32 $0x200;
	[sflag:s26] =	ssyncadd.s32 $0xFFFFC000  }
0x19d: {  	[tilespmem:s20], [sflag:$0x1] =	stream.indirect.gather [hbm4b:s4+s23], $0x80, s14, s23, $0xb8;
	[tilespmem:$0x1E800] =	vst v63  }
0x19e: {  	_ =	swait.ge [sflag:s29], $0x4000  }
0x19f: {  	[sflag:s29] =	ssyncset.done $0x0  }
0x1a0: {  	s12 =	simm.s32 $0xFFFFBC00;
	s13 =	simm.s32 $0x1580;
	[sflag:s29] =	ssyncadd.s32 $0xFFFFC000  }
.LBB2_6:
0x1a1: {  	[spmem:s1] =	stream.indirect.scatter.add.f32 [tilespmem:s24], [sflag:$0x4], $0x80, s13, s23, $0xb8;
	[tilespmem:$0x1E800] =	vst v63  }
0x1a2: {  	s13 =	smov.u32 s12  }
0x1a3: {  	p0 =	sne.s32 s12, $0xFFFFFC00;
	s12 =	sadd.s32 $0x400, s12;
	_ =	swait.ge [sflag:s31], $0x4000  }
0x1a4: {  	s13 =	sshra.s32 s13, $0x2;
	[sflag:s31] =	ssyncset.done $0x0  }
0x1a5: {  	s14 =	sadd.s32 $0x1380, s13;
	[sflag:s31] =	ssyncadd.s32 $0xFFFFC000  }
0x1a6: {  	[tilespmem:s24], [sflag:$0x2] =	stream.indirect.gather [hbm4b:s4+s23], $0x80, s14, s23, $0xb8;
	[tilespmem:$0x1E800] =	vst v63  }
0x1a7: {  	_ =	swait.ge [sflag:s25], $0x4000  }
0x1a8: {  	[sflag:s25] =	ssyncset.done $0x0  }
0x1a9: {  	s14 =	sadd.s32 $0x2700, s13;
	[sflag:s25] =	ssyncadd.s32 $0xFFFFC000  }
0x1aa: {  	[spmem:s1] =	stream.indirect.scatter.add.f32 [tilespmem:s20], [sflag:$0x3], $0x80, s14, s23, $0xb8;
	[tilespmem:$0x1E800] =	vst v63  }
0x1ab: {  	_ =	swait.ge [sflag:s26], $0x4000  }
0x1ac: {  	[sflag:s26] =	ssyncset.done $0x0  }
.Ltmp2:
0x1ad: {  	s14 =	sadd.s32 $0x1400, s13;
	[sflag:s26] =	ssyncadd.s32 $0xFFFFC000;
	(pc) =	sbr.rel @p0 .LBB2_6-.Ltmp2, $4  }
0x1ae: {  	[tilespmem:s20], [sflag:$0x1] =	stream.indirect.gather [hbm4b:s4+s23], $0x80, s14, s23, $0xb8;
	[tilespmem:$0x1E800] =	vst v63  }
0x1af: {  	_ =	swait.ge [sflag:s29], $0x4000  }
0x1b0: {  	[sflag:s29] =	ssyncset.done $0x0  }
0x1b1: {  	s13 =	sadd.s32 $0x2780, s13;
	[sflag:s29] =	ssyncadd.s32 $0xFFFFC000  }
0x1b2: {  	[spmem:s1] =	stream.indirect.scatter.add.f32 [tilespmem:s24], [sflag:$0x4], $0x80, s13, s23, $0xb8;
	[tilespmem:$0x1E800] =	vst v63  }
0x1b3: {  	_ =	swait.ge [sflag:s31], $0x4000  }
0x1b4: {  	[sflag:s31] =	ssyncset.done $0x0  }
0x1b5: {  	[sflag:s31] =	ssyncadd.s32 $0xFFFFC000  }
0x1b6: {  	[tilespmem:s24], [sflag:$0x2] =	stream.indirect.gather [hbm4b:s4+s23], $0x80, s0, s23, $0xb8;
	[tilespmem:$0x1E800] =	vst v63  }
0x1b7: {  	_ =	swait.ge [sflag:s25], $0x4000  }
0x1b8: {  	[sflag:s25] =	ssyncset.done $0x0  }
0x1b9: {  	[sflag:s25] =	ssyncadd.s32 $0xFFFFC000  }
0x1ba: {  	[spmem:s1] =	stream.indirect.scatter.add.f32 [tilespmem:s20], [sflag:$0x3], $0x80, s3, s23, $0xb8;
	[tilespmem:$0x1E800] =	vst v63  }
0x1bb: {  	_ =	swait.ge [sflag:s26], $0x4000  }
0x1bc: {  	[sflag:s26] =	ssyncset.done $0x0  }
0x1bd: {  	[sflag:s26] =	ssyncadd.s32 $0xFFFFC000  }
0x1be: {  	_ =	swait.ge [sflag:s29], $0x4000  }
0x1bf: {  	[sflag:s29] =	ssyncset.done $0x0  }
0x1c0: {  	[sflag:s29] =	ssyncadd.s32 $0xFFFFC000  }
0x1c1: {  	[spmem:s1] =	stream.indirect.scatter.add.f32 [tilespmem:s24], [sflag:$0x4], $0x80, s10, s23, $0xb8;
	[tilespmem:$0x1E800] =	vst v63  }
0x1c2: {  	_ =	swait.ge [sflag:s31], $0x4000  }
0x1c3: {  	[sflag:s31] =	ssyncset.done $0x0  }
0x1c4: {  	[sflag:s31] =	ssyncadd.s32 $0xFFFFC000  }
0x1c5: {  	[bflag:$0x0] =	sbarrier.arrive $0xFFFF  }
0x1c6: {  	[tilespmem:s20], [sflag:$0x5] =	stream.linear.gather [spmem:s5], $0x4000, $0x38;
	[tilespmem:$0x1E800] =	vst v63  }
0x1c7: {  	_ =	swait.ge [sflag:s21], $0x4000  }
0x1c8: {  	[sflag:s21] =	ssyncset.done $0x0  }
0x1c9: {  	s12 =	rddreg [dreg:$0x7];
	[sflag:s21] =	ssyncadd.s32 $0xFFFFC000  }
0x1ca: {  	[hbm4b:s12+s2] =	stream.linear.scatter [tilespmem:s20], [sflag:$0x5], $0x4000, $0x38;
	[tilespmem:$0x1E800] =	vst v63  }
0x1cb: {  	_ =	swait.ge [sflag:s21], $0x4000  }
0x1cc: {  	[sflag:s21] =	ssyncset.done $0x0  }
0x1cd: {  	[sflag:s21] =	ssyncadd.s32 $0xFFFFC000  }
0x1ce: {  	[tilespmem:s24], [sflag:$0x5] =	stream.linear.gather [spmem:s6], $0x4000, $0x38;
	[tilespmem:$0x1E800] =	vst v63  }
0x1cf: {  	_ =	swait.ge [sflag:s21], $0x4000  }
0x1d0: {  	[sflag:s21] =	ssyncset.done $0x0  }
0x1d1: {  	[sflag:s21] =	ssyncadd.s32 $0xFFFFC000  }
0x1d2: {  	[hbm4b:s15+s2] =	stream.linear.scatter [tilespmem:s24], [sflag:$0x5], $0x4000, $0x38;
	[tilespmem:$0x1E800] =	vst v63  }
0x1d3: {  	_ =	swait.ge [sflag:s21], $0x4000  }
0x1d4: {  	[sflag:s21] =	ssyncset.done $0x0  }
0x1d5: {  	[sflag:s21] =	ssyncadd.s32 $0xFFFFC000  }
0x1d6: {  	[tilespmem:s20], [sflag:$0x5] =	stream.linear.gather [spmem:s7], $0x4000, $0x38;
	[tilespmem:$0x1E800] =	vst v63  }
0x1d7: {  	_ =	swait.ge [sflag:s21], $0x4000  }
0x1d8: {  	[sflag:s21] =	ssyncset.done $0x0  }
0x1d9: {  	[sflag:s21] =	ssyncadd.s32 $0xFFFFC000  }
0x1da: {  	[hbm4b:s16+s2] =	stream.linear.scatter [tilespmem:s20], [sflag:$0x5], $0x4000, $0x38;
	[tilespmem:$0x1E800] =	vst v63  }
0x1db: {  	_ =	swait.ge [sflag:s21], $0x4000  }
0x1dc: {  	[sflag:s21] =	ssyncset.done $0x0  }
0x1dd: {  	[sflag:s21] =	ssyncadd.s32 $0xFFFFC000  }
0x1de: {  	[tilespmem:s24], [sflag:$0x5] =	stream.linear.gather [spmem:s8], $0x4000, $0x38;
	[tilespmem:$0x1E800] =	vst v63  }
0x1df: {  	_ =	swait.ge [sflag:s21], $0x4000  }
0x1e0: {  	[sflag:s21] =	ssyncset.done $0x0  }
0x1e1: {  	[sflag:s21] =	ssyncadd.s32 $0xFFFFC000  }
0x1e2: {  	[hbm4b:s17+s2] =	stream.linear.scatter [tilespmem:s24], [sflag:$0x5], $0x4000, $0x38;
	[tilespmem:$0x1E800] =	vst v63  }
0x1e3: {  	_ =	swait.ge [sflag:s21], $0x4000  }
0x1e4: {  	[sflag:s21] =	ssyncset.done $0x0  }
0x1e5: {  	[sflag:s21] =	ssyncadd.s32 $0xFFFFC000  }
0x1e6: {  	[tilespmem:s20], [sflag:$0x5] =	stream.linear.gather [spmem:s9], $0x4000, $0x38;
	[tilespmem:$0x1E800] =	vst v63  }
0x1e7: {  	s11 =	sadd.s32 $0x1, s11;
	_ =	swait.ge [sflag:s21], $0x4000  }
0x1e8: {  	p0 =	sne.s32 s11, s19;
	[sflag:s21] =	ssyncset.done $0x0  }
.Ltmp3:
0x1e9: {  	[sflag:s21] =	ssyncadd.s32 $0xFFFFC000;
	(pc) =	sbr.rel @p0 .LBB2_1-.Ltmp3, $4  }
0x1ea: {  	[hbm4b:s18+s2] =	stream.linear.scatter [tilespmem:s20], [sflag:$0x5], $0x4000, $0x38;
	[tilespmem:$0x1E800] =	vst v63  }
0x1eb: {  	_ =	swait.ge [sflag:s21], $0x4000  }
0x1ec: {  	[sflag:s21] =	ssyncset.done $0x0  }
0x1ed: {  	[sflag:s21] =	ssyncadd.s32 $0xFFFFC000  }
0x1ee: {  	_ =	sfence.sel $0x180000  }
0x1ef: {  	[bflag:$0x0] =	sbarrier.arrive $0xFFFF  }
0x1f0: {  	_ =	strace $0x9000004D  }
0x1f1: {  	s0 =	stileid.u32;
	[bflag:$0x2] =	sbarrier.arrive $0xFFFF  }
0x1f2: {  	p0 =	sne.s32 s0, $0x0;
	s0 =	rddreg [dreg:$0x2]  }
0x1f3: {  	s0 =	sadd.s32 @!p0 $0x100000, s0  }
0x1f4: {  	[sflag:s0] =	ssyncadd.tile.s32 @!p0 $0x1;
	_ =	shalt  }
.Lfunc_end2:
_tile_overlayer_lowered:
.L_overlay_start_2:
0x1f5: {  	(tag) =	ssettag $0x2  }
0x1f6: {  	s0 =	rddreg [dreg:$0x0];
	s2 =	stileid.u32  }
0x1f7: {  	s1 =	rddreg [dreg:$0x1];
	p0 =	sne.s32 s2, $0x0  }
0x1f8: {  	s3 =	rddreg [dreg:$0x2];
	[bflag:$0x3] =	sbarrier.arrive $0xFFFF;
	s2 =	simm.s32 @!p0 $0x1C05  }
0x1f9: {  	[timem:s3], [sflag:s2] =	dma.local @!p0 [hbm:s0], s1  }
0x1fa: {  	s0 =	simm.s32 @!p0 $0x5  }
0x1fb: {  	_ =	swait.ge @!p0 [sflag:s0], s1  }
0x1fc: {  	s1 =	ssub.s32 @!p0 $0x0, s1;
	[sflag:s0] =	ssyncset.done @!p0 $0x0  }
0x1fd: {  	[sflag:s0] =	ssyncadd.s32 @!p0 s1  }
0x1fe: {  	[bflag:$0x3] =	sbarrier.arrive $0xFFFF  }
0x1ff: {  	_ =	shalt  }

// kernel: kernel.9.cloned.1.call-start
scs
__scs_entry_jumppad:
0x0: {  	(pc) =	sbr.rel $0x88, $3  }
0x1: {  	(tag) =	ssettag $0x0;
	lr =	simm.s32 $0x1  }
0x2: {  	[smem:$0x3F97] =	sst lr;
	_ =	strace $0xD0000000  }
0x3: {  	_ = 	snop  }
0x4: {  	_ = 	snop  }
0x5: {  	_ = 	snop  }
0x6: {  	_ = 	snop  }
0x7: {  	_ = 	snop  }
__scs_overlays_trampoline_lowered:
0x8: {  	[smem:$0x3FA6] =	sst s0  }
0x9: {  	[smem:$0x3FA7] =	sst s1  }
0xa: {  	[smem:$0x3FA8] =	sst s2  }
0xb: {  	[smem:$0x3FA9] =	sst s3  }
0xc: {  	[smem:$0x3FAA] =	sst s4  }
0xd: {  	[smem:$0x3FAB] =	sst s5  }
0xe: {  	[smem:$0x3FAC] =	sst s6  }
0xf: {  	[smem:$0x3FAD] =	sst s7  }
0x10: {  	[smem:$0x3FAE] =	sst s8  }
0x11: {  	[smem:$0x3FAF] =	sst s9;
	s0 =	simm.s32 @!p0 $0x0  }
0x12: {  	s1 =	sld [smem:$0x3F95];
	s0 =	simm.s32 @p0 $0x1  }
0x13: {  	[smem:$0x3FB0] =	sst s0;
	s0 =	simm.s32 @!p1 $0x0  }
0x14: {  	s2 =	sld [smem:$0x3F94];
	s0 =	simm.s32 @p1 $0x1  }
0x15: {  	[smem:$0x3FB1] =	sst s0;
	s0 =	simm.s32 @!p2 $0x0  }
0x16: {  	s3 =	sld [smem:$0x3FDB];
	s0 =	simm.s32 @p2 $0x1  }
0x17: {  	s4 =	simm.s32 $0x1BF5;
	[smem:$0x3FB3] =	sst s0  }
0x18: {  	s0 =	sld [smem:$0x3F96];
	_ =	swait.ge [sflag:s4], $0x0  }
0x19: {  	s7 =	sld [smem:$0x3F97]  }
0x1a: {  	s8 =	sadd.s32 $0xFFFFE003, lr  }
0x1b: {  	s9 =	sadd.s32 $0xFFFFFEF7, lr;
	s5 =	simm.s32 $0xFFFFFFFF;
	p2 =	slt.u32 s8, $0xFFFFF086  }
0x1c: {  	p1 =	slt.u32 s9, $0xF7A;
	s5 =	simm.s32 @!p2 $0x0  }
0x1d: {  	s5 =	simm.s32 @p1 $0x1;
	p0 =	seq.s32 s7, s2  }
0x1e: {  	s7 =	smul.u32 @!p0 $0xF7A, s2;
	p2 =	seq.s32 @!p0 s5, $0x0  }
0x1f: {  	s9 =	smul.u32 $0xF7A, s1;
	s8 =	simm.s32 @!p0 $0x1BF5;
	p2 =	por !p2, p0  }
0x20: {  	[sflag:s8] =	ssyncset.s32 @!p0 $0xFFFFF086;
	s6 =	sadd.s32 @!p0 s3, s7;
	s7 =	simm.s32 @!p0 $0x108  }
0x21: {  	s3 =	sadd.s32 s3, s9;
	s6 =	sadd.s32 @!p0 $0x88, s6;
	s7 =	simm.s32 @p2 $0x1082  }
0x22: {  	[simem:s7], [sflag:s8] =	dma.local @!p0 [hbm:s6], $0xF7A  }
0x23: {  	s9 =	sor.u32 $0xD0000000, s2;
	s6 =	simm.s32 $0x108;
	_ =	swait.ge @!p0 [sflag:s8], $0x0  }
0x24: {  	s3 =	sadd.s32 $0x88, s3;
	s6 =	simm.s32 @!p1 $0x1082;
	[sflag:s4] =	ssyncset.s32 $0xFFFFF086  }
0x25: {  	[simem:s6], [sflag:s4] =	dma.local [hbm:s3], $0xF7A  }
0x26: {  	[smem:$0x3F97] =	sst s1;
	(tag) =	ssettag s2;
	_ =	strace s9  }
0x27: {  	s1 =	sld [smem:$0x3FA7]  }
0x28: {  	s2 =	sld [smem:$0x3FA8]  }
0x29: {  	s4 =	sld [smem:$0x3FAA]  }
0x2a: {  	p0 =	seq.s32 s5, $0x0;
	s5 =	sld [smem:$0x3FAB]  }
0x2b: {  	s6 =	sld [smem:$0x3FAC]  }
0x2c: {  	s7 =	sld [smem:$0x3FAD]  }
0x2d: {  	s3 =	simm.s32 $0x108;
	s8 =	sld [smem:$0x3FAE]  }
0x2e: {  	s3 =	simm.s32 @!p0 $0x1082;
	s9 =	sld [smem:$0x3FAF]  }
0x2f: {  	lr =	sadd.s32 s0, s3;
	s0 =	sld [smem:$0x3FA6]  }
0x30: {  	s3 =	sld [smem:$0x3FA9]  }
0x31: {  	[smem:$0x3FB2] =	sst s10  }
0x32: {  	s10 =	sld [smem:$0x3FB0];
	_ =	sdelay $0x3  }
0x33: {  	p0 =	seq.s32 s10, $0x1;
	s10 =	sld [smem:$0x3FB2];
	_ =	sdelay $0x3  }
0x34: {  	[smem:$0x3FB2] =	sst s10  }
0x35: {  	s10 =	sld [smem:$0x3FB1];
	_ =	sdelay $0x3  }
0x36: {  	p1 =	seq.s32 s10, $0x1;
	s10 =	sld [smem:$0x3FB2];
	_ =	sdelay $0x3  }
0x37: {  	[smem:$0x3FB2] =	sst s10  }
0x38: {  	s10 =	sld [smem:$0x3FB3]  }
0x39: {  	_ = 	snop;
	(pc) =	sbr.ind lr, $3  }
0x3a: {  	_ = 	snop  }
0x3b: {  	_ = 	snop  }
0x3c: {  	p2 =	seq.s32 s10, $0x1;
	s10 =	sld [smem:$0x3FB2]  }
0x3d: {  	_ =	shalt  }
0x3e: {  	_ =	shalt  }
0x3f: {  	_ =	shalt  }
0x40: {  	_ =	shalt  }
0x41: {  	_ =	shalt  }
0x42: {  	_ =	shalt  }
0x43: {  	_ =	shalt  }
0x44: {  	_ =	shalt  }
0x45: {  	_ =	shalt  }
0x46: {  	_ =	shalt  }
0x47: {  	_ =	shalt  }
0x48: {  	_ =	shalt  }
0x49: {  	_ =	shalt  }
0x4a: {  	_ =	shalt  }
0x4b: {  	_ =	shalt  }
0x4c: {  	_ =	shalt  }
0x4d: {  	_ =	shalt  }
0x4e: {  	_ =	shalt  }
0x4f: {  	_ =	shalt  }
0x50: {  	_ =	shalt  }
0x51: {  	_ =	shalt  }
0x52: {  	_ =	shalt  }
0x53: {  	_ =	shalt  }
0x54: {  	_ =	shalt  }
0x55: {  	_ =	shalt  }
0x56: {  	_ =	shalt  }
0x57: {  	_ =	shalt  }
0x58: {  	_ =	shalt  }
0x59: {  	_ =	shalt  }
0x5a: {  	_ =	shalt  }
0x5b: {  	_ =	shalt  }
0x5c: {  	_ =	shalt  }
0x5d: {  	_ =	shalt  }
0x5e: {  	_ =	shalt  }
0x5f: {  	_ =	shalt  }
0x60: {  	_ =	shalt  }
0x61: {  	_ =	shalt  }
0x62: {  	_ =	shalt  }
0x63: {  	_ =	shalt  }
0x64: {  	_ =	shalt  }
0x65: {  	_ =	shalt  }
0x66: {  	_ =	shalt  }
0x67: {  	_ =	shalt  }
0x68: {  	_ =	shalt  }
0x69: {  	_ =	shalt  }
0x6a: {  	_ =	shalt  }
0x6b: {  	_ =	shalt  }
0x6c: {  	_ =	shalt  }
0x6d: {  	_ =	shalt  }
0x6e: {  	_ =	shalt  }
0x6f: {  	_ =	shalt  }
0x70: {  	_ =	shalt  }
0x71: {  	_ =	shalt  }
0x72: {  	_ =	shalt  }
0x73: {  	_ =	shalt  }
0x74: {  	_ =	shalt  }
0x75: {  	_ =	shalt  }
0x76: {  	_ =	shalt  }
0x77: {  	_ =	shalt  }
0x78: {  	_ =	shalt  }
0x79: {  	_ =	shalt  }
0x7a: {  	_ =	shalt  }
0x7b: {  	_ =	shalt  }
0x7c: {  	_ =	shalt  }
0x7d: {  	_ =	shalt  }
0x7e: {  	_ =	shalt  }
0x7f: {  	_ =	shalt  }
0x80: {  	_ =	shalt  }
0x81: {  	_ =	shalt  }
0x82: {  	_ =	shalt  }
0x83: {  	_ =	shalt  }
0x84: {  	_ =	shalt  }
0x85: {  	_ =	shalt  }
0x86: {  	_ =	shalt  }
0x87: {  	_ =	shalt  }
.Lfunc_end0:
.L_simem_size_0:
called_computation_lowered:
.L_overlay_start_0:
0x88: {  	s2 =	sld [smem:$0x3FD9]  }
0x89: {  	s3 =	sld [smem:$0x3FFE];
	_ =	sdelay $0x1  }
0x8a: {  	s1 =	srdreg.scid  }
0x8b: {  	s0 =	sand.u32 $0x1, s1  }
0x8c: {  	s16 =	sshll.u32 s0, $0xA;
	s2 =	sadd.s32 s3, s2  }
0x8d: {  	s2 =	sadd.s32 s2, s16  }
0x8e: {  	[smem:$0x3FBE] =	sst s2  }
0x8f: {  	_ = 	snop  }
0x90: {  	(tm) =	ssettm $0x1  }
0x91: {  	s17 =	sld [smem:$0x3FFB];
	_ =	sdelay $0x3  }
0x92: {  	_ =	strace s17  }
0x93: {  	s2 =	sld [smem:$0x3FFC];
	_ =	sdelay $0x3  }
0x94: {  	_ =	strace s2  }
0x95: {  	s2 =	sld [smem:$0x3FFD];
	_ =	sdelay $0x3  }
0x96: {  	_ =	strace s2  }
0x97: {  	_ =	strace $0x8FFFFFFF  }
0x98: {  	s18 =	sld [smem:$0x3FDB];
	_ =	sdelay $0x1  }
0x99: {  	s19 =	simm.s32 $_scs_section_size  }
0x9a: {  	s4 =	simm.s32 $_size__tile_overlayer_lowered;
	s5 =	simm.s32 $_tile_overlayer_lowered  }
0x9b: {  	s22 =	simm.s32 $0x1BFF;
	s21 =	sshll.u32 s5, $0x1;
	s2 =	sadd.s32 s19, s18  }
0x9c: {  	s6 =	simm.s32 $0x0;
	s20 =	sshll.u32 s4, $0x1;
	s4 =	sadd.s32 s21, s2  }
0x9d: {  	[timem:s6], [sflag:s22] =	dma.local [hbm:s4], s20  }
0x9e: {  	_ =	swait.ge [sflag:s22], s20  }
0x9f: {  	s3 =	ssub.s32 $0x0, s20;
	[sflag:s22] =	ssyncset.done $0x0  }
0xa0: {  	[sflag:s22] =	ssyncadd.s32 s3;
	_ =	sdelay $0x1  }
0xa1: {  	s23 =	simm.s32 $0x1B8B  }
0xa2: {  	_ =	swait.ge [sflag:s23], $0x1  }
0xa3: {  	[sflag:s23] =	ssyncset.done $0x0  }
0xa4: {  	s25 =	simm.s32 $0x1B8E;
	s24 =	sld [smem:$0x3FFE];
	[sflag:s23] =	ssyncadd.s32 $0xFFFFFFFF  }
0xa5: {  	s26 =	simm.s32 $execute0_lowered;
	[smem:$0x3FD2] =	sst s25  }
0xa6: {  	s4 =	sshll.u32 s26, $0x1;
	_ =	strace $0x80000046;
	[dreg:$0x1] =	wrdreg $0xFFFFFFFF  }
0xa7: {  	s28 =	simm.s32 $_size_execute0_lowered;
	s2 =	sadd.s32 s2, s4;
	[dreg:$0x0] =	wrdreg $0x0  }
0xa8: {  	s4 =	sshll.u32 s28, $0x1;
	[dreg:$0x2] =	wrdreg s2  }
0xa9: {  	[dreg:$0x3] =	wrdreg s4  }
0xaa: {  	[dreg:$0x4] =	wrdreg $0xC0  }
0xab: {  	_ =	task [dreg:s6], $0x5FFFF  }
0xac: {  	[dreg:$0x1] =	wrdreg $0xFFFFFFFF  }
0xad: {  	[dreg:$0x0] =	wrdreg $0x60  }
0xae: {  	[dreg:$0x2] =	wrdreg s24  }
0xaf: {  	[dreg:$0x3] =	wrdreg $0x9  }
0xb0: {  	_ =	task.clear_ibuf [dreg:s6], $0x4FFFF;
	_ =	strace $0x90000046  }
0xb1: {  	s29 =	simm.s32 $0x9;
	_ =	strace $0x80000048  }
0xb2: {  	_ =	swait.ge [sflag:s29], $0x1  }
0xb3: {  	[sflag:s29] =	ssyncadd.s32 $0xFFFFFFFF  }
0xb4: {  	_ =	strace $0x90000048  }
0xb5: {  	_ =	sfence  }
0xb6: {  	s30 =	sld [smem:$0x0];
	_ =	sdelay $0x2  }
0xb7: {  	s31 =	sshll.u32 s1, $0xD;
	s1 =	sshrl.u32 s1, $0x2  }
0xb8: {  	s3 =	sand.u32 $0x4000, s31;
	s1 =	sadd.s32 s1, s30  }
0xb9: {  	s0 =	sor.u32 s3, s0;
	s1 =	sshll.u32 s1, $0x11  }
0xba: {  	s0 =	sor.u32 s1, s0  }
0xbb: {  	s0 =	sadd.s32 $0x8F2B, s0  }
0xbc: {  	[sflag:s0] =	ssyncadd.remote.s32 $0x1  }
0xbd: {  	_ =	sfence.sel $0xFFFF  }
0xbe: {  	[dreg:$0x0] =	wrdreg $0xFFFFFFFF;
	(pc) =	sbr.abs _section_cstart, $3  }
0xbf: {  	[dreg:$0x1] =	wrdreg $0xFFFFFFFF  }
0xc0: {  	_ =	task.clear_ibuf [dreg:s6], $0x2FFFF;
	_ =	strace $0x9FFFFFFF  }
0xc1: {  	(tm) =	ssettm $0x7FFFFFFF  }
tec
execute0_lowered:
.L_overlay_start_1:
0x0: {  	(tag) =	ssettag $0x1  }
0x1: {  	s0 =	srdreg.scid  }
0x2: {  	s5 =	rddreg [dreg:$0x0];
	s3 =	sand.u32 $0x1, s0  }
0x3: {  	s0 =	stileid.u32;
	s4 =	smul.u32 $0x28000, s3  }
0x4: {  	s1 =	rddreg [dreg:$0x1];
	s6 =	smul.u32 $0x2800, s0  }
0x5: {  	s2 =	simm.s32 $0x0;
	s9 =	simm.s32 $0x2800;
	s10 =	simm.s32 $0x16800  }
0x6: {  	s11 =	simm.s32 $0x0;
	[smem:$0x7FF] =	sst s2;
	s4 =	sadd.s32 s6, s4  }
0x7: {  	v0 =	vlaneseq.u32;
	_ =	strace $0x80000047;
	s30 =	ssub.s32 $0x2, s3;
	s4 =	sshrl.u32 s4, $0x3  }
0x8: {  	v0 =	vmul.u32 $0x1400, v0;
	s3 =	sadd.s32 $0x17000, s5;
	s31 =	sshrl.u32 s30, $0x1;
	s7 =	sadd.s32 s4, s5  }
0x9: {  	s8 =	ssub.s32 s30, s31;
	s4 =	sadd.s32 $0xD000, s7;
	s5 =	sadd.s32 $0x19800, s7  }
0xa: {  	v1 =	vimm.f32 $1.000000000e+00;
	v2 =	vadd.s32 $0xFFFFEC00, v0;
	s6 =	sadd.s32 $0x19A80, s7;
	s7 =	smax.u32 s8, $0x1;
	s8 =	simm.s32 $0x1  }
.LBB2_1:
0xb: {  	[tilespmem:s2], [sflag:$0x1] =	stream.linear.gather [hbm4b:s4+s2], $0x2800, $0x38;
	[tilespmem:$0x17C00] =	vst v63  }
0xc: {  	_ =	swait.ge [sflag:s8], $0x2800  }
0xd: {  	[sflag:s8] =	ssyncset.done $0x0  }
0xe: {  	[sflag:s8] =	ssyncadd.s32 $0xFFFFD800  }
0xf: {  	[tilespmem:s9], [sflag:$0x1] =	stream.linear.gather [hbm4b:s3+s2], $0x14000, $0x38;
	[tilespmem:$0x17C00] =	vst v63  }
0x10: {  	_ =	swait.ge [sflag:s8], $0x14000  }
0x11: {  	[sflag:s8] =	ssyncset.done $0x0  }
0x12: {  	s12 =	simm.s32 $0x1C0;
	[sflag:s8] =	ssyncadd.s32 $0xFFFEC000  }
.LBB2_2:
0x13: {  	s13 =	sshra.s32 s12, $0x2  }
0x14: {  	v3 =	vld [tilespmem:s13+$0xFFFFFF90];
	_ =	sdelay $0x4  }
0x15: {  	vm0 =	vlt.u32 v3, $0x1400  }
0x16: {  	v3 =	vadd.s32 v0, v3;
	_ =	sdelay $0x4  }
0x17: {  	[tilespmem:v3+s9+$0x0] =	vst.idx.add.f32.msk vm0, v1  }
0x18: {  	v3 =	vld [tilespmem:s13+$0xFFFFFFA0];
	_ =	sdelay $0x4  }
0x19: {  	vm9 =	vlt.u32 v3, $0x1400  }
0x1a: {  	v3 =	vadd.s32 v0, v3;
	_ =	sdelay $0x4  }
0x1b: {  	[tilespmem:v3+s9+$0x0] =	vst.idx.add.f32.msk vm9, v1  }
0x1c: {  	v3 =	vld [tilespmem:s13+$0xFFFFFFB0];
	_ =	sdelay $0x4  }
0x1d: {  	vm10 =	vlt.u32 v3, $0x1400  }
0x1e: {  	v3 =	vadd.s32 v0, v3;
	_ =	sdelay $0x4  }
0x1f: {  	[tilespmem:v3+s9+$0x0] =	vst.idx.add.f32.msk vm10, v1  }
0x20: {  	v3 =	vld [tilespmem:s13+$0xFFFFFFC0];
	_ =	sdelay $0x4  }
0x21: {  	vm11 =	vlt.u32 v3, $0x1400  }
0x22: {  	v3 =	vadd.s32 v0, v3;
	_ =	sdelay $0x4  }
0x23: {  	[tilespmem:v3+s9+$0x0] =	vst.idx.add.f32.msk vm11, v1  }
0x24: {  	v3 =	vld [tilespmem:s13+$0xFFFFFFD0];
	_ =	sdelay $0x4  }
0x25: {  	vm12 =	vlt.u32 v3, $0x1400  }
0x26: {  	v3 =	vadd.s32 v0, v3;
	_ =	sdelay $0x4  }
0x27: {  	[tilespmem:v3+s9+$0x0] =	vst.idx.add.f32.msk vm12, v1  }
0x28: {  	v3 =	vld [tilespmem:s13+$0xFFFFFFE0];
	_ =	sdelay $0x4  }
0x29: {  	vm13 =	vlt.u32 v3, $0x1400  }
0x2a: {  	v3 =	vadd.s32 v0, v3;
	_ =	sdelay $0x4  }
0x2b: {  	[tilespmem:v3+s9+$0x0] =	vst.idx.add.f32.msk vm13, v1  }
0x2c: {  	v3 =	vld [tilespmem:s13+$0xFFFFFFF0];
	_ =	sdelay $0x4  }
0x2d: {  	vm14 =	vlt.u32 v3, $0x1400  }
0x2e: {  	v3 =	vadd.s32 v0, v3;
	_ =	sdelay $0x4  }
0x2f: {  	[tilespmem:v3+s9+$0x0] =	vst.idx.add.f32.msk vm14, v1  }
0x30: {  	v3 =	vld [tilespmem:s13+$0x0];
	_ =	sdelay $0x4  }
0x31: {  	vm15 =	vlt.u32 v3, $0x1400  }
0x32: {  	p0 =	sne.s32 s12, $0x9FC0;
	v3 =	vadd.s32 v0, v3  }
.Ltmp0:
0x33: {  	_ = 	snop;
	(pc) =	sbr.rel @p0 .LBB2_2-.Ltmp0, $2  }
0x34: {  	_ =	sdelay $0x2  }
0x35: {  	s12 =	sadd.s32 $0x200, s12;
	[tilespmem:v3+s9+$0x0] =	vst.idx.add.f32.msk vm15, v1  }
0x36: {  	s12 =	simm.s32 $0x0  }
0x37: {  	v3 =	vld [tilespmem:s12+$0x2870]  }
0x38: {  	v4 =	vld [tilespmem:s12+$0x3C70]  }
0x39: {  	v9 =	vld [tilespmem:s12+$0x2800]  }
0x3a: {  	v6 =	vld [tilespmem:s12+$0x5070]  }
0x3b: {  	v11 =	vld [tilespmem:s12+$0x3C00]  }
0x3c: {  	v8 =	vld [tilespmem:s12+$0x6470]  }
0x3d: {  	v5 =	vld [tilespmem:s12+$0x2810]  }
0x3e: {  	v12 =	vld [tilespmem:s12+$0x3C20]  }
0x3f: {  	v13 =	vld [tilespmem:s12+$0x2830]  }
0x40: {  	v14 =	vld [tilespmem:s12+$0x3C30]  }
0x41: {  	v15 =	vld [tilespmem:s12+$0x2840]  }
0x42: {  	v16 =	vld [tilespmem:s12+$0x3C40]  }
0x43: {  	v17 =	vld [tilespmem:s12+$0x2850]  }
0x44: {  	v18 =	vld [tilespmem:s12+$0x3C50]  }
0x45: {  	v19 =	vld [tilespmem:s12+$0x2860]  }
0x46: {  	v20 =	vld [tilespmem:s12+$0x3C60]  }
0x47: {  	v21 =	vld [tilespmem:s12+$0x5000]  }
0x48: {  	v7 =	vld [tilespmem:s12+$0x5010]  }
0x49: {  	v22 =	vld [tilespmem:s12+$0x5020]  }
0x4a: {  	v23 =	vld [tilespmem:s12+$0x5040]  }
0x4b: {  	v24 =	vld [tilespmem:s12+$0x5060]  }
0x4c: {  	v25 =	vld [tilespmem:s12+$0x6410]  }
0x4d: {  	v26 =	vld [tilespmem:s12+$0x6420]  }
0x4e: {  	v27 =	vld [tilespmem:s12+$0x6430]  }
0x4f: {  	v28 =	vld [tilespmem:s12+$0x6440]  }
0x50: {  	v29 =	vld [tilespmem:s12+$0x6450]  }
0x51: {  	v30 =	vld [tilespmem:s12+$0x6460]  }
0x52: {  	v31 =	vld [tilespmem:s12+$0x7800]  }
0x53: {  	v32 =	vld [tilespmem:s12+$0x7810]  }
0x54: {  	v33 =	vld [tilespmem:s12+$0x7820]  }
0x55: {  	v34 =	vld [tilespmem:s12+$0x7830]  }
0x56: {  	v35 =	vld [tilespmem:s12+$0x7840]  }
0x57: {  	v36 =	vld [tilespmem:s12+$0x7850]  }
0x58: {  	v37 =	vld [tilespmem:s12+$0x7860]  }
0x59: {  	v38 =	vld [tilespmem:s12+$0x8C00]  }
0x5a: {  	v39 =	vld [tilespmem:s12+$0x8C10]  }
0x5b: {  	v40 =	vld [tilespmem:s12+$0x8C20]  }
0x5c: {  	v41 =	vld [tilespmem:s12+$0x8C30]  }
0x5d: {  	v42 =	vld [tilespmem:s12+$0x8C40]  }
0x5e: {  	v43 =	vld [tilespmem:s12+$0x8C50]  }
0x5f: {  	v44 =	vld [tilespmem:s12+$0x8C60]  }
0x60: {  	v45 =	vld [tilespmem:s12+$0xA000]  }
0x61: {  	v46 =	vld [tilespmem:s12+$0xA010]  }
0x62: {  	v47 =	vld [tilespmem:s12+$0xA020]  }
0x63: {  	v48 =	vld [tilespmem:s12+$0xA030]  }
0x64: {  	v49 =	vld [tilespmem:s12+$0xA040]  }
0x65: {  	v50 =	vld [tilespmem:s12+$0xA050]  }
0x66: {  	v51 =	vld [tilespmem:s12+$0xA060]  }
0x67: {  	v52 =	vld [tilespmem:s12+$0xB400]  }
0x68: {  	v53 =	vld [tilespmem:s12+$0xB410]  }
0x69: {  	v54 =	vld [tilespmem:s12+$0xB420]  }
0x6a: {  	v55 =	vld [tilespmem:s12+$0xB430]  }
0x6b: {  	v56 =	vld [tilespmem:s12+$0xB440]  }
0x6c: {  	v57 =	vld [tilespmem:s12+$0xB450]  }
0x6d: {  	v58 =	vld [tilespmem:s12+$0xB460]  }
0x6e: {  	v59 =	vld [tilespmem:s12+$0xC800]  }
0x6f: {  	v60 =	vld [tilespmem:s12+$0xC810]  }
0x70: {  	v61 =	vld [tilespmem:s12+$0xC820]  }
0x71: {  	v62 =	vld [tilespmem:s12+$0xC830]  }
0x72: {  	v63 =	vld [tilespmem:s12+$0xC840];
	v3 =	vadd.f32 v4, v3  }
0x73: {  	v4 =	vld [tilespmem:s12+$0x7870]  }
0x74: {  	v10 =	vld [tilespmem:s12+$0xC850];
	v3 =	vadd.f32 v6, v3  }
0x75: {  	v6 =	vld [tilespmem:s12+$0x8C70]  }
0x76: {  	[tilespmem:$0x1FFC0] =	vst v5;
	v5 =	vld [tilespmem:s12+$0x3C10];
	v3 =	vadd.f32 v8, v3  }
0x77: {  	v13 =	vadd.f32 v14, v13;
	v8 =	vld [tilespmem:s12+$0xA070]  }
0x78: {  	v14 =	vadd.f32 v16, v15;
	v15 =	vld [tilespmem:s12+$0xDC20];
	v3 =	vadd.f32 v4, v3  }
0x79: {  	v4 =	vld [tilespmem:s12+$0xB470]  }
0x7a: {  	v16 =	vadd.f32 v18, v17;
	v18 =	vld [tilespmem:s12+$0xDC30];
	v3 =	vadd.f32 v6, v3  }
0x7b: {  	v6 =	vld [tilespmem:s12+$0xC870]  }
0x7c: {  	v17 =	vadd.f32 v20, v19;
	v19 =	vld [tilespmem:s12+$0xF010];
	v3 =	vadd.f32 v8, v3  }
0x7d: {  	v8 =	vld [tilespmem:s12+$0xDC70]  }
0x7e: {  	v20 =	vld [tilespmem:s12+$0xF020];
	v3 =	vadd.f32 v4, v3  }
0x7f: {  	v4 =	vld [tilespmem:s12+$0xF070]  }
0x80: {  	v14 =	vadd.f32 v23, v14;
	v23 =	vld [tilespmem:s12+$0xF050];
	v3 =	vadd.f32 v6, v3  }
0x81: {  	v17 =	vadd.f32 v24, v17;
	v6 =	vld [tilespmem:s12+$0x10470]  }
0x82: {  	v24 =	vld [tilespmem:s12+$0xF060];
	v14 =	vadd.f32 v28, v14;
	v3 =	vadd.f32 v8, v3  }
0x83: {  	v17 =	vadd.f32 v30, v17;
	v8 =	vld [tilespmem:s12+$0x11870]  }
0x84: {  	[tilespmem:$0x1FFD0] =	vst v5;
	v5 =	vld [tilespmem:s12+$0x2820];
	v14 =	vadd.f32 v35, v14;
	v3 =	vadd.f32 v4, v3  }
0x85: {  	v17 =	vadd.f32 v37, v17;
	v4 =	vld [tilespmem:s12+$0x12C70]  }
0x86: {  	v14 =	vadd.f32 v42, v14;
	v42 =	vld [tilespmem:s12+$0x10430];
	v3 =	vadd.f32 v6, v3  }
0x87: {  	v6 =	vld [tilespmem:s12+$0x14070]  }
0x88: {  	v17 =	vadd.f32 v44, v17;
	v44 =	vld [tilespmem:s12+$0x10450];
	v3 =	vadd.f32 v8, v3  }
0x89: {  	v8 =	vld [tilespmem:s12+$0x15470]  }
0x8a: {  	[tilespmem:$0x1FFE0] =	vst v5;
	v5 =	vld [tilespmem:s12+$0x6400];
	v3 =	vadd.f32 v4, v3  }
0x8b: {  	v14 =	vadd.f32 v49, v14;
	v49 =	vld [tilespmem:s12+$0x11830];
	v4 =	vadd.f32 v11, v9  }
0x8c: {  	v17 =	vadd.f32 v51, v17;
	v51 =	vld [tilespmem:s12+$0x11850];
	v3 =	vadd.f32 v6, v3  }
0x8d: {  	v6 =	vld [tilespmem:s12+$0x5030];
	v4 =	vadd.f32 v21, v4  }
0x8e: {  	v3 =	vadd.f32 v8, v3;
	v8 =	vld [tilespmem:s12+$0x5050]  }
0x8f: {  	v14 =	vadd.f32 v56, v14;
	v56 =	vld [tilespmem:s12+$0x14010];
	v4 =	vadd.f32 v5, v4  }
0x90: {  	[tilespmem:s12+$0x16870] =	vst v3;
	v3 =	vld [tilespmem:s12+$0xC860]  }
0x91: {  	v17 =	vadd.f32 v58, v17;
	v58 =	vld [tilespmem:s12+$0x14030];
	v4 =	vadd.f32 v31, v4  }
0x92: {  	v11 =	vld [tilespmem:s12+$0xDC00];
	v6 =	vadd.f32 v6, v13  }
0x93: {  	v9 =	vld [tilespmem:$0x1FFD0];
	v4 =	vadd.f32 v38, v4;
	v8 =	vadd.f32 v8, v16  }
0x94: {  	v21 =	vld [tilespmem:s12+$0xF030];
	v6 =	vadd.f32 v27, v6  }
0x95: {  	v4 =	vadd.f32 v45, v4;
	[tilespmem:$0x1FFF0] =	vst v3;
	v3 =	vld [tilespmem:$0x1FFC0];
	v8 =	vadd.f32 v29, v8  }
0x96: {  	v5 =	vld [tilespmem:s12+$0xF000];
	v6 =	vadd.f32 v34, v6  }
0x97: {  	v4 =	vadd.f32 v52, v4;
	v52 =	vld [tilespmem:$0x1FFF0];
	v8 =	vadd.f32 v36, v8  }
0x98: {  	v14 =	vadd.f32 v63, v14;
	v13 =	vld [tilespmem:s12+$0xDC50];
	v6 =	vadd.f32 v41, v6  }
0x99: {  	v16 =	vld [tilespmem:s12+$0xDC60];
	v4 =	vadd.f32 v59, v4;
	v8 =	vadd.f32 v43, v8  }
0x9a: {  	v6 =	vadd.f32 v48, v6;
	v3 =	vadd.f32 v9, v3;
	v9 =	vld [tilespmem:$0x1FFE0]  }
0x9b: {  	v45 =	vld [tilespmem:s12+$0x10460];
	v4 =	vadd.f32 v11, v4;
	v8 =	vadd.f32 v50, v8  }
0x9c: {  	v41 =	vld [tilespmem:s12+$0x10420];
	v6 =	vadd.f32 v55, v6;
	v17 =	vadd.f32 v52, v17  }
0x9d: {  	v3 =	vadd.f32 v7, v3;
	v7 =	vld [tilespmem:s12+$0xDC40];
	v4 =	vadd.f32 v5, v4  }
0x9e: {  	v59 =	vld [tilespmem:s12+$0x14040];
	v8 =	vadd.f32 v57, v8;
	v6 =	vadd.f32 v62, v6  }
0x9f: {  	v43 =	vld [tilespmem:s12+$0x10440];
	v3 =	vadd.f32 v25, v3;
	v12 =	vadd.f32 v12, v9  }
0xa0: {  	v48 =	vld [tilespmem:s12+$0x11820];
	v8 =	vadd.f32 v10, v8;
	v6 =	vadd.f32 v18, v6  }
0xa1: {  	v25 =	vld [tilespmem:s12+$0x10400];
	v3 =	vadd.f32 v32, v3;
	v12 =	vadd.f32 v22, v12  }
0xa2: {  	v11 =	vld [tilespmem:s12+$0x12C00];
	v7 =	vadd.f32 v7, v14;
	v8 =	vadd.f32 v13, v8  }
0xa3: {  	v50 =	vld [tilespmem:s12+$0x11840];
	v13 =	vadd.f32 v16, v17;
	v12 =	vadd.f32 v26, v12  }
0xa4: {  	v55 =	vld [tilespmem:s12+$0x14000];
	v6 =	vadd.f32 v21, v6;
	v3 =	vadd.f32 v39, v3  }
0xa5: {  	v5 =	vld [tilespmem:s12+$0x12C40];
	v8 =	vadd.f32 v23, v8;
	v12 =	vadd.f32 v33, v12  }
0xa6: {  	v57 =	vld [tilespmem:s12+$0x14020];
	v13 =	vadd.f32 v24, v13;
	v4 =	vadd.f32 v25, v4  }
0xa7: {  	v22 =	vld [tilespmem:s12+$0xF040];
	v3 =	vadd.f32 v46, v3;
	v12 =	vadd.f32 v40, v12  }
0xa8: {  	v9 =	vld [tilespmem:s12+$0xDC10];
	v6 =	vadd.f32 v42, v6;
	v8 =	vadd.f32 v44, v8  }
0xa9: {  	v10 =	vld [tilespmem:s12+$0x11860];
	v3 =	vadd.f32 v53, v3;
	v12 =	vadd.f32 v47, v12  }
0xaa: {  	v14 =	vld [tilespmem:s12+$0x12C20];
	v13 =	vadd.f32 v45, v13;
	v6 =	vadd.f32 v49, v6  }
0xab: {  	v46 =	vld [tilespmem:s12+$0x11800];
	v3 =	vadd.f32 v60, v3;
	v12 =	vadd.f32 v54, v12  }
0xac: {  	v7 =	vadd.f32 v22, v7;
	v40 =	vld [tilespmem:s12+$0x10410];
	v8 =	vadd.f32 v51, v8  }
0xad: {  	v53 =	vld [tilespmem:s12+$0x12C50];
	v3 =	vadd.f32 v9, v3;
	v12 =	vadd.f32 v61, v12  }
0xae: {  	v10 =	vadd.f32 v10, v13;
	v7 =	vadd.f32 v43, v7;
	v47 =	vld [tilespmem:s12+$0x11810]  }
0xaf: {  	v54 =	vld [tilespmem:s12+$0x12C60];
	v3 =	vadd.f32 v19, v3;
	v9 =	vadd.f32 v15, v12  }
0xb0: {  	v4 =	vadd.f32 v46, v4;
	v7 =	vadd.f32 v50, v7;
	v12 =	vld [tilespmem:s12+$0x12C10]  }
0xb1: {  	v3 =	vadd.f32 v40, v3;
	v15 =	vld [tilespmem:s12+$0x12C30];
	v9 =	vadd.f32 v20, v9  }
0xb2: {  	v4 =	vadd.f32 v11, v4;
	v11 =	vld [tilespmem:s12+$0x15400];
	v5 =	vadd.f32 v5, v7  }
0xb3: {  	v61 =	vld [tilespmem:s12+$0x14060];
	v3 =	vadd.f32 v47, v3;
	v9 =	vadd.f32 v41, v9  }
0xb4: {  	v13 =	vld [tilespmem:s12+$0x15420];
	v4 =	vadd.f32 v55, v4;
	v5 =	vadd.f32 v59, v5  }
0xb5: {  	v3 =	vadd.f32 v12, v3;
	v12 =	vld [tilespmem:s12+$0x15410];
	v9 =	vadd.f32 v48, v9  }
0xb6: {  	v60 =	vld [tilespmem:s12+$0x14050];
	v6 =	vadd.f32 v15, v6;
	v15 =	vadd.f32 v54, v10  }
0xb7: {  	v18 =	vadd.f32 v11, v4;
	v10 =	vld [tilespmem:s12+$0x15430];
	v9 =	vadd.f32 v14, v9  }
0xb8: {  	v7 =	vld [tilespmem:s12+$0x15440];
	v62 =	vadd.f32 v56, v3;
	v3 =	vadd.f32 v61, v15  }
0xb9: {  	v14 =	vadd.f32 v53, v8;
	v8 =	vld [tilespmem:s12+$0x15450];
	v63 =	vadd.f32 v57, v9  }
0xba: {  	s14 =	simm.s32 $0x80;
	v11 =	vld [tilespmem:s12+$0x15460];
	v9 =	vadd.f32 v58, v6;
	v12 =	vadd.f32 v12, v62  }
0xbb: {  	s13 =	simm.s32 $0x400;
	v4 =	vld [tilespmem:s14+$0x2870];
	[tilespmem:s12+$0x16800] =	vst v18;
	v6 =	vadd.f32 v60, v14;
	v13 =	vadd.f32 v13, v63  }
.LBB2_4:
0xbc: {  	p0 =	sne.s32 s13, $0x4E00;
	v14 =	vld [tilespmem:s14+$0x3C70];
	[tilespmem:s12+$0x16810] =	vst v12;
	v9 =	vadd.f32 v10, v9  }
0xbd: {  	v10 =	vld [tilespmem:s14+$0x2800];
	[tilespmem:s12+$0x16820] =	vst v13;
	v5 =	vadd.f32 v7, v5  }
0xbe: {  	v7 =	vld [tilespmem:s14+$0x5070];
	[tilespmem:s12+$0x16830] =	vst v9;
	v6 =	vadd.f32 v8, v6  }
0xbf: {  	v8 =	vld [tilespmem:s14+$0x3C00];
	[tilespmem:s12+$0x16840] =	vst v5;
	v3 =	vadd.f32 v11, v3  }
0xc0: {  	v5 =	vld [tilespmem:s14+$0x6470];
	[tilespmem:s12+$0x16850] =	vst v6  }
0xc1: {  	v6 =	vld [tilespmem:s14+$0x2810];
	v4 =	vadd.f32 v14, v4;
	[tilespmem:s12+$0x16860] =	vst v3;
	s12 =	smov.u32 s14  }
0xc2: {  	v3 =	vld [tilespmem:s12+$0x7870]  }
0xc3: {  	v9 =	vld [tilespmem:s12+$0x3C10];
	v4 =	vadd.f32 v7, v4  }
0xc4: {  	v7 =	vadd.f32 v8, v10;
	v8 =	vld [tilespmem:s12+$0x8C70]  }
0xc5: {  	v10 =	vld [tilespmem:s12+$0x2820];
	v4 =	vadd.f32 v5, v4  }
0xc6: {  	v5 =	vld [tilespmem:s12+$0xA070]  }
0xc7: {  	v11 =	vld [tilespmem:s12+$0x3C20];
	v3 =	vadd.f32 v3, v4  }
0xc8: {  	v4 =	vadd.f32 v9, v6;
	v6 =	vld [tilespmem:s12+$0xB470]  }
0xc9: {  	v9 =	vld [tilespmem:s12+$0x2830];
	v3 =	vadd.f32 v8, v3  }
0xca: {  	v8 =	vld [tilespmem:s12+$0xC870]  }
0xcb: {  	v12 =	vld [tilespmem:s12+$0x3C30];
	v3 =	vadd.f32 v5, v3  }
0xcc: {  	v5 =	vadd.f32 v11, v10;
	v10 =	vld [tilespmem:s12+$0xDC70]  }
0xcd: {  	v11 =	vld [tilespmem:s12+$0x2840];
	v3 =	vadd.f32 v6, v3  }
0xce: {  	v6 =	vld [tilespmem:s12+$0xF070]  }
0xcf: {  	v13 =	vld [tilespmem:s12+$0x3C40];
	v3 =	vadd.f32 v8, v3  }
0xd0: {  	v8 =	vadd.f32 v12, v9;
	v9 =	vld [tilespmem:s12+$0x10470]  }
0xd1: {  	v12 =	vld [tilespmem:s12+$0x2850];
	v3 =	vadd.f32 v10, v3  }
0xd2: {  	v10 =	vld [tilespmem:s12+$0x11870]  }
0xd3: {  	v14 =	vld [tilespmem:s12+$0x3C50];
	v3 =	vadd.f32 v6, v3  }
0xd4: {  	v6 =	vadd.f32 v13, v11;
	v11 =	vld [tilespmem:s12+$0x12C70]  }
0xd5: {  	v13 =	vld [tilespmem:s12+$0x2860];
	v3 =	vadd.f32 v9, v3  }
0xd6: {  	v9 =	vld [tilespmem:s12+$0x14070]  }
0xd7: {  	v15 =	vld [tilespmem:s12+$0x3C60];
	v3 =	vadd.f32 v10, v3  }
0xd8: {  	v10 =	vadd.f32 v14, v12;
	v12 =	vld [tilespmem:s12+$0x15470]  }
0xd9: {  	v14 =	vld [tilespmem:s12+$0x5000];
	v3 =	vadd.f32 v11, v3  }
0xda: {  	v11 =	vld [tilespmem:s12+$0x5010]  }
0xdb: {  	v16 =	vld [tilespmem:s12+$0x5020];
	v3 =	vadd.f32 v9, v3  }
0xdc: {  	v9 =	vld [tilespmem:s12+$0x5030];
	v13 =	vadd.f32 v15, v13  }
0xdd: {  	v15 =	vld [tilespmem:s12+$0x5040];
	v3 =	vadd.f32 v12, v3  }
0xde: {  	v7 =	vadd.f32 v14, v7;
	v12 =	vld [tilespmem:s12+$0x5050]  }
0xdf: {  	v4 =	vadd.f32 v11, v4;
	v11 =	vld [tilespmem:s12+$0x5060];
	[tilespmem:s12+$0x16870] =	vst v3  }
0xe0: {  	v3 =	vld [tilespmem:s12+$0x6400];
	v5 =	vadd.f32 v16, v5  }
0xe1: {  	v14 =	vld [tilespmem:s12+$0x6410];
	v8 =	vadd.f32 v9, v8  }
0xe2: {  	v9 =	vld [tilespmem:s12+$0x6420];
	v6 =	vadd.f32 v15, v6  }
0xe3: {  	v15 =	vld [tilespmem:s12+$0x6430];
	v10 =	vadd.f32 v12, v10  }
0xe4: {  	v12 =	vld [tilespmem:s12+$0x6440];
	v11 =	vadd.f32 v11, v13  }
0xe5: {  	v3 =	vadd.f32 v3, v7;
	v7 =	vld [tilespmem:s12+$0x6450]  }
0xe6: {  	v4 =	vadd.f32 v14, v4;
	v13 =	vld [tilespmem:s12+$0x6460]  }
0xe7: {  	v14 =	vld [tilespmem:s12+$0x7800];
	v5 =	vadd.f32 v9, v5  }
0xe8: {  	v9 =	vld [tilespmem:s12+$0x7810];
	v8 =	vadd.f32 v15, v8  }
0xe9: {  	v15 =	vld [tilespmem:s12+$0x7820];
	v6 =	vadd.f32 v12, v6  }
0xea: {  	v12 =	vld [tilespmem:s12+$0x7830];
	v7 =	vadd.f32 v7, v10  }
0xeb: {  	v10 =	vld [tilespmem:s12+$0x7840];
	v11 =	vadd.f32 v13, v11  }
0xec: {  	v3 =	vadd.f32 v14, v3;
	v13 =	vld [tilespmem:s12+$0x7850]  }
0xed: {  	v4 =	vadd.f32 v9, v4;
	v9 =	vld [tilespmem:s12+$0x7860]  }
0xee: {  	v14 =	vld [tilespmem:s12+$0x8C00];
	v5 =	vadd.f32 v15, v5  }
0xef: {  	v15 =	vld [tilespmem:s12+$0x8C10];
	v8 =	vadd.f32 v12, v8  }
0xf0: {  	v12 =	vld [tilespmem:s12+$0x8C20];
	v6 =	vadd.f32 v10, v6  }
0xf1: {  	v10 =	vld [tilespmem:s12+$0x8C30];
	v7 =	vadd.f32 v13, v7  }
0xf2: {  	v13 =	vld [tilespmem:s12+$0x8C40];
	v9 =	vadd.f32 v9, v11  }
0xf3: {  	v3 =	vadd.f32 v14, v3;
	v11 =	vld [tilespmem:s12+$0x8C50]  }
0xf4: {  	v4 =	vadd.f32 v15, v4;
	v14 =	vld [tilespmem:s12+$0x8C60]  }
0xf5: {  	v15 =	vld [tilespmem:s12+$0xA000];
	v5 =	vadd.f32 v12, v5  }
0xf6: {  	v12 =	vld [tilespmem:s12+$0xA010];
	v8 =	vadd.f32 v10, v8  }
0xf7: {  	v10 =	vld [tilespmem:s12+$0xA020];
	v6 =	vadd.f32 v13, v6  }
0xf8: {  	v13 =	vld [tilespmem:s12+$0xA030];
	v7 =	vadd.f32 v11, v7  }
0xf9: {  	v11 =	vld [tilespmem:s12+$0xA040];
	v9 =	vadd.f32 v14, v9  }
0xfa: {  	v3 =	vadd.f32 v15, v3;
	v14 =	vld [tilespmem:s12+$0xA050]  }
0xfb: {  	v4 =	vadd.f32 v12, v4;
	v12 =	vld [tilespmem:s12+$0xA060]  }
0xfc: {  	v15 =	vld [tilespmem:s12+$0xB400];
	v5 =	vadd.f32 v10, v5  }
0xfd: {  	v10 =	vld [tilespmem:s12+$0xB410];
	v8 =	vadd.f32 v13, v8  }
0xfe: {  	v13 =	vld [tilespmem:s12+$0xB420];
	v6 =	vadd.f32 v11, v6  }
0xff: {  	v11 =	vld [tilespmem:s12+$0xB430];
	v7 =	vadd.f32 v14, v7  }
0x100: {  	v14 =	vld [tilespmem:s12+$0xB440];
	v9 =	vadd.f32 v12, v9  }
0x101: {  	v3 =	vadd.f32 v15, v3;
	v12 =	vld [tilespmem:s12+$0xB450]  }
0x102: {  	v4 =	vadd.f32 v10, v4;
	v10 =	vld [tilespmem:s12+$0xB460]  }
0x103: {  	v15 =	vld [tilespmem:s12+$0xC800];
	v5 =	vadd.f32 v13, v5  }
0x104: {  	v13 =	vld [tilespmem:s12+$0xC810];
	v8 =	vadd.f32 v11, v8  }
0x105: {  	v11 =	vld [tilespmem:s12+$0xC820];
	v6 =	vadd.f32 v14, v6  }
0x106: {  	v14 =	vld [tilespmem:s12+$0xC830];
	v7 =	vadd.f32 v12, v7  }
0x107: {  	v12 =	vld [tilespmem:s12+$0xC840];
	v9 =	vadd.f32 v10, v9  }
0x108: {  	v3 =	vadd.f32 v15, v3;
	v10 =	vld [tilespmem:s12+$0xC850]  }
0x109: {  	v4 =	vadd.f32 v13, v4;
	v13 =	vld [tilespmem:s12+$0xC860]  }
0x10a: {  	v15 =	vld [tilespmem:s12+$0xDC00];
	v5 =	vadd.f32 v11, v5  }
0x10b: {  	v11 =	vld [tilespmem:s12+$0xDC10];
	v8 =	vadd.f32 v14, v8  }
0x10c: {  	v14 =	vld [tilespmem:s12+$0xDC20];
	v6 =	vadd.f32 v12, v6  }
0x10d: {  	v12 =	vld [tilespmem:s12+$0xDC30];
	v7 =	vadd.f32 v10, v7  }
0x10e: {  	v10 =	vld [tilespmem:s12+$0xDC40];
	v9 =	vadd.f32 v13, v9  }
0x10f: {  	v3 =	vadd.f32 v15, v3;
	v13 =	vld [tilespmem:s12+$0xDC50]  }
0x110: {  	v4 =	vadd.f32 v11, v4;
	v11 =	vld [tilespmem:s12+$0xDC60]  }
0x111: {  	v15 =	vld [tilespmem:s12+$0xF000];
	v5 =	vadd.f32 v14, v5  }
0x112: {  	v14 =	vld [tilespmem:s12+$0xF010];
	v8 =	vadd.f32 v12, v8  }
0x113: {  	v12 =	vld [tilespmem:s12+$0xF020];
	v6 =	vadd.f32 v10, v6  }
0x114: {  	v10 =	vld [tilespmem:s12+$0xF030];
	v7 =	vadd.f32 v13, v7  }
0x115: {  	v13 =	vld [tilespmem:s12+$0xF040];
	v9 =	vadd.f32 v11, v9  }
0x116: {  	v3 =	vadd.f32 v15, v3;
	v11 =	vld [tilespmem:s12+$0xF050]  }
0x117: {  	v4 =	vadd.f32 v14, v4;
	v14 =	vld [tilespmem:s12+$0xF060]  }
0x118: {  	v15 =	vld [tilespmem:s12+$0x10400];
	v5 =	vadd.f32 v12, v5  }
0x119: {  	v12 =	vld [tilespmem:s12+$0x10410];
	v8 =	vadd.f32 v10, v8  }
0x11a: {  	v10 =	vld [tilespmem:s12+$0x10420];
	v6 =	vadd.f32 v13, v6  }
0x11b: {  	v13 =	vld [tilespmem:s12+$0x10430];
	v7 =	vadd.f32 v11, v7  }
0x11c: {  	v11 =	vld [tilespmem:s12+$0x10440];
	v9 =	vadd.f32 v14, v9  }
0x11d: {  	v3 =	vadd.f32 v15, v3;
	v14 =	vld [tilespmem:s12+$0x10450]  }
0x11e: {  	v4 =	vadd.f32 v12, v4;
	v12 =	vld [tilespmem:s12+$0x10460]  }
0x11f: {  	v15 =	vld [tilespmem:s12+$0x11800];
	v5 =	vadd.f32 v10, v5  }
0x120: {  	v10 =	vld [tilespmem:s12+$0x11810];
	v8 =	vadd.f32 v13, v8  }
0x121: {  	v13 =	vld [tilespmem:s12+$0x11820];
	v6 =	vadd.f32 v11, v6  }
0x122: {  	v11 =	vld [tilespmem:s12+$0x11830];
	v7 =	vadd.f32 v14, v7  }
0x123: {  	v14 =	vld [tilespmem:s12+$0x11840];
	v9 =	vadd.f32 v12, v9  }
0x124: {  	v3 =	vadd.f32 v15, v3;
	v12 =	vld [tilespmem:s12+$0x11850]  }
0x125: {  	v4 =	vadd.f32 v10, v4;
	v10 =	vld [tilespmem:s12+$0x11860]  }
0x126: {  	v15 =	vld [tilespmem:s12+$0x12C00];
	v5 =	vadd.f32 v13, v5  }
0x127: {  	v13 =	vld [tilespmem:s12+$0x12C10];
	v8 =	vadd.f32 v11, v8  }
0x128: {  	v11 =	vld [tilespmem:s12+$0x12C20];
	v6 =	vadd.f32 v14, v6  }
0x129: {  	v14 =	vld [tilespmem:s12+$0x12C30];
	v7 =	vadd.f32 v12, v7  }
0x12a: {  	v12 =	vld [tilespmem:s12+$0x12C40];
	v9 =	vadd.f32 v10, v9  }
0x12b: {  	v3 =	vadd.f32 v15, v3;
	v10 =	vld [tilespmem:s12+$0x12C50]  }
0x12c: {  	v4 =	vadd.f32 v13, v4;
	v13 =	vld [tilespmem:s12+$0x12C60]  }
0x12d: {  	v15 =	vld [tilespmem:s12+$0x14000];
	v5 =	vadd.f32 v11, v5  }
0x12e: {  	v11 =	vld [tilespmem:s12+$0x14010];
	v8 =	vadd.f32 v14, v8  }
0x12f: {  	v14 =	vld [tilespmem:s12+$0x14020];
	v6 =	vadd.f32 v12, v6  }
0x130: {  	v12 =	vld [tilespmem:s12+$0x14030];
	v7 =	vadd.f32 v10, v7  }
0x131: {  	v10 =	vld [tilespmem:s12+$0x14040];
	v13 =	vadd.f32 v13, v9  }
0x132: {  	v15 =	vadd.f32 v15, v3;
	v3 =	vld [tilespmem:s12+$0x14050]  }
0x133: {  	v4 =	vadd.f32 v11, v4;
	v11 =	vld [tilespmem:s12+$0x14060]  }
0x134: {  	v16 =	vld [tilespmem:s12+$0x15400];
	v14 =	vadd.f32 v14, v5  }
0x135: {  	v17 =	vld [tilespmem:s12+$0x15410];
	v9 =	vadd.f32 v12, v8  }
0x136: {  	v18 =	vld [tilespmem:s12+$0x15420];
	v5 =	vadd.f32 v10, v6  }
.Ltmp1:
0x137: {  	v10 =	vld [tilespmem:s12+$0x15430];
	v6 =	vadd.f32 v3, v7;
	(pc) =	sbr.rel @p0 .LBB2_4-.Ltmp1, $4  }
0x138: {  	v7 =	vld [tilespmem:s12+$0x15440];
	v3 =	vadd.f32 v11, v13  }
0x139: {  	v13 =	vadd.f32 v16, v15;
	v8 =	vld [tilespmem:s12+$0x15450]  }
0x13a: {  	s14 =	sshra.s32 s13, $0x2;
	v12 =	vadd.f32 v17, v4;
	v11 =	vld [tilespmem:s12+$0x15460]  }
0x13b: {  	s13 =	sadd.s32 $0x200, s13;
	v4 =	vld [tilespmem:s14+$0x2870];
	[tilespmem:s12+$0x16800] =	vst v13;
	v13 =	vadd.f32 v18, v14  }
0x13c: {  	v14 =	vld [tilespmem:s14+$0x3C70];
	[tilespmem:s12+$0x16810] =	vst v12;
	v9 =	vadd.f32 v10, v9  }
0x13d: {  	v12 =	vld [tilespmem:s14+$0x2800];
	[tilespmem:s12+$0x16820] =	vst v13;
	v5 =	vadd.f32 v7, v5  }
0x13e: {  	v36 =	vld [tilespmem:s14+$0x5070];
	[tilespmem:s12+$0x16830] =	vst v9;
	v6 =	vadd.f32 v8, v6  }
0x13f: {  	v37 =	vld [tilespmem:s14+$0x3C00];
	[tilespmem:s12+$0x16840] =	vst v5;
	v3 =	vadd.f32 v11, v3  }
0x140: {  	v5 =	vld [tilespmem:s14+$0x6470];
	[tilespmem:s12+$0x16850] =	vst v6  }
0x141: {  	v8 =	vld [tilespmem:s14+$0x2810];
	[tilespmem:s12+$0x16860] =	vst v3  }
0x142: {  	v38 =	vld [tilespmem:s14+$0x7870]  }
0x143: {  	v6 =	vld [tilespmem:s14+$0x3C10]  }
0x144: {  	v9 =	vld [tilespmem:s14+$0x8C70]  }
0x145: {  	v39 =	vld [tilespmem:s14+$0x2820]  }
0x146: {  	v40 =	vld [tilespmem:s14+$0xA070]  }
0x147: {  	v11 =	vld [tilespmem:s14+$0x3C20]  }
0x148: {  	v41 =	vld [tilespmem:s14+$0xB470]  }
0x149: {  	v13 =	vld [tilespmem:s14+$0x2830]  }
0x14a: {  	v42 =	vld [tilespmem:s14+$0xC870]  }
0x14b: {  	v3 =	vadd.f32 v14, v4;
	v14 =	vld [tilespmem:s14+$0x3C30]  }
0x14c: {  	v43 =	vld [tilespmem:s14+$0xDC70]  }
0x14d: {  	v15 =	vld [tilespmem:s14+$0x2840]  }
0x14e: {  	v44 =	vld [tilespmem:s14+$0xF070]  }
0x14f: {  	v16 =	vld [tilespmem:s14+$0x3C40]  }
0x150: {  	v45 =	vld [tilespmem:s14+$0x10470]  }
0x151: {  	v17 =	vld [tilespmem:s14+$0x2850]  }
0x152: {  	v46 =	vld [tilespmem:s14+$0x11870]  }
0x153: {  	v18 =	vld [tilespmem:s14+$0x3C50]  }
0x154: {  	v47 =	vld [tilespmem:s14+$0x12C70]  }
0x155: {  	v19 =	vld [tilespmem:s14+$0x2860]  }
0x156: {  	v48 =	vld [tilespmem:s14+$0x14070]  }
0x157: {  	v20 =	vld [tilespmem:s14+$0x3C60]  }
0x158: {  	v49 =	vld [tilespmem:s14+$0x15470]  }
0x159: {  	v21 =	vld [tilespmem:s14+$0x5000]  }
0x15a: {  	v7 =	vld [tilespmem:s14+$0x5010]  }
0x15b: {  	v22 =	vld [tilespmem:s14+$0x5020]  }
0x15c: {  	v23 =	vld [tilespmem:s14+$0x5040]  }
0x15d: {  	v24 =	vld [tilespmem:s14+$0x5060]  }
0x15e: {  	v25 =	vld [tilespmem:s14+$0x6410]  }
0x15f: {  	v26 =	vld [tilespmem:s14+$0x6420]  }
0x160: {  	v27 =	vld [tilespmem:s14+$0x6430]  }
0x161: {  	v28 =	vld [tilespmem:s14+$0x6440]  }
0x162: {  	v29 =	vld [tilespmem:s14+$0x6450]  }
0x163: {  	v30 =	vld [tilespmem:s14+$0x6460]  }
0x164: {  	v31 =	vld [tilespmem:s14+$0x7800]  }
0x165: {  	v32 =	vld [tilespmem:s14+$0x7810]  }
0x166: {  	v33 =	vld [tilespmem:s14+$0x7820]  }
0x167: {  	v34 =	vld [tilespmem:s14+$0x7830]  }
0x168: {  	v35 =	vld [tilespmem:s14+$0x7840]  }
0x169: {  	v50 =	vld [tilespmem:s14+$0xA050]  }
0x16a: {  	v51 =	vld [tilespmem:s14+$0xA060]  }
0x16b: {  	v52 =	vld [tilespmem:s14+$0xB400]  }
0x16c: {  	v53 =	vld [tilespmem:s14+$0xB410]  }
0x16d: {  	v54 =	vld [tilespmem:s14+$0xB420]  }
0x16e: {  	v55 =	vld [tilespmem:s14+$0xB430]  }
0x16f: {  	v56 =	vld [tilespmem:s14+$0xB440]  }
0x170: {  	v57 =	vld [tilespmem:s14+$0xB450]  }
0x171: {  	v58 =	vld [tilespmem:s14+$0xB460]  }
0x172: {  	v59 =	vld [tilespmem:s14+$0xC800]  }
0x173: {  	v60 =	vld [tilespmem:s14+$0xC810]  }
0x174: {  	v61 =	vld [tilespmem:s14+$0xC820]  }
0x175: {  	v62 =	vld [tilespmem:s14+$0xC830]  }
0x176: {  	v63 =	vld [tilespmem:s14+$0xC840];
	v3 =	vadd.f32 v36, v3  }
0x177: {  	v10 =	vld [tilespmem:s14+$0xC850]  }
0x178: {  	v36 =	vld [tilespmem:s14+$0x7850];
	v3 =	vadd.f32 v5, v3  }
0x179: {  	[tilespmem:$0x1FF80] =	vst v37;
	v37 =	vld [tilespmem:s14+$0x7860]  }
0x17a: {  	v5 =	vld [tilespmem:s14+$0x5050];
	v3 =	vadd.f32 v38, v3  }
0x17b: {  	[tilespmem:$0x1FF90] =	vst v6;
	v6 =	vld [tilespmem:s14+$0x6400]  }
0x17c: {  	v38 =	vld [tilespmem:s14+$0x8C00];
	v3 =	vadd.f32 v9, v3  }
0x17d: {  	[tilespmem:$0x1FFA0] =	vst v39;
	v39 =	vld [tilespmem:s14+$0x8C10];
	v13 =	vadd.f32 v14, v13  }
0x17e: {  	v14 =	vadd.f32 v16, v15;
	v15 =	vld [tilespmem:s14+$0xDC20];
	v3 =	vadd.f32 v40, v3  }
0x17f: {  	v16 =	vadd.f32 v18, v17;
	v18 =	vld [tilespmem:s14+$0xDC30]  }
0x180: {  	v17 =	vadd.f32 v20, v19;
	v19 =	vld [tilespmem:s14+$0xF010];
	v3 =	vadd.f32 v41, v3  }
0x181: {  	v20 =	vld [tilespmem:s14+$0xF020]  }
0x182: {  	v9 =	vld [tilespmem:s14+$0x5030];
	v3 =	vadd.f32 v42, v3  }
0x183: {  	v14 =	vadd.f32 v23, v14;
	v23 =	vld [tilespmem:s14+$0xF050]  }
0x184: {  	v17 =	vadd.f32 v24, v17;
	v24 =	vld [tilespmem:s14+$0xF060];
	v3 =	vadd.f32 v43, v3  }
0x185: {  	v5 =	vadd.f32 v5, v16;
	v16 =	vld [tilespmem:s14+$0xDC60]  }
0x186: {  	v40 =	vld [tilespmem:s14+$0x8C20];
	v3 =	vadd.f32 v44, v3  }
0x187: {  	v14 =	vadd.f32 v28, v14;
	v28 =	vld [tilespmem:s14+$0x10430]  }
0x188: {  	v17 =	vadd.f32 v30, v17;
	v30 =	vld [tilespmem:s14+$0x10450];
	v3 =	vadd.f32 v45, v3  }
0x189: {  	v5 =	vadd.f32 v29, v5;
	v29 =	vld [tilespmem:s14+$0x10440]  }
0x18a: {  	v41 =	vld [tilespmem:s14+$0x8C30];
	v3 =	vadd.f32 v46, v3  }
0x18b: {  	v9 =	vadd.f32 v9, v13;
	v13 =	vld [tilespmem:s14+$0xDC50]  }
0x18c: {  	v42 =	vld [tilespmem:s14+$0x8C40];
	v3 =	vadd.f32 v47, v3  }
0x18d: {  	v9 =	vadd.f32 v27, v9;
	v27 =	vld [tilespmem:s14+$0x10420]  }
0x18e: {  	v43 =	vld [tilespmem:s14+$0x8C50];
	v3 =	vadd.f32 v48, v3  }
0x18f: {  	v14 =	vadd.f32 v35, v14;
	v44 =	vld [tilespmem:s14+$0x8C60]  }
0x190: {  	v5 =	vadd.f32 v36, v5;
	v48 =	vld [tilespmem:s14+$0xA030];
	v3 =	vadd.f32 v49, v3  }
0x191: {  	v9 =	vadd.f32 v34, v9;
	v14 =	vadd.f32 v42, v14;
	v42 =	vld [tilespmem:s14+$0x12C30]  }
0x192: {  	[tilespmem:s14+$0x16870] =	vst v3;
	v3 =	vld [tilespmem:s14+$0xC860]  }
0x193: {  	v9 =	vadd.f32 v41, v9;
	v45 =	vld [tilespmem:s14+$0xA000];
	v5 =	vadd.f32 v43, v5  }
0x194: {  	v43 =	vld [tilespmem:s14+$0x12C40]  }
0x195: {  	v46 =	vld [tilespmem:s14+$0xA010];
	v5 =	vadd.f32 v50, v5;
	v9 =	vadd.f32 v48, v9  }
0x196: {  	v17 =	vadd.f32 v37, v17;
	v50 =	vld [tilespmem:s14+$0x10460]  }
0x197: {  	v5 =	vadd.f32 v57, v5;
	v9 =	vadd.f32 v55, v9;
	[tilespmem:$0x1FFB0] =	vst v3;
	v3 =	vld [tilespmem:$0x1FF80]  }
0x198: {  	v17 =	vadd.f32 v44, v17;
	v49 =	vld [tilespmem:s14+$0xA040]  }
0x199: {  	v5 =	vadd.f32 v10, v5;
	v9 =	vadd.f32 v62, v9;
	v62 =	vld [tilespmem:$0x1FFB0]  }
0x19a: {  	v44 =	vld [tilespmem:s14+$0x12C50];
	v17 =	vadd.f32 v51, v17  }
0x19b: {  	v47 =	vld [tilespmem:s14+$0xA020];
	v5 =	vadd.f32 v13, v5  }
0x19c: {  	v17 =	vadd.f32 v58, v17;
	v4 =	vadd.f32 v3, v12;
	v3 =	vld [tilespmem:$0x1FF90]  }
0x19d: {  	v51 =	vld [tilespmem:s14+$0x14050];
	v5 =	vadd.f32 v23, v5  }
0x19e: {  	v57 =	vld [tilespmem:s14+$0x15440];
	v14 =	vadd.f32 v49, v14;
	v17 =	vadd.f32 v62, v17  }
0x19f: {  	v5 =	vadd.f32 v30, v5;
	v4 =	vadd.f32 v21, v4;
	v21 =	vld [tilespmem:s14+$0xF030]  }
0x1a0: {  	v58 =	vld [tilespmem:s14+$0x11830];
	v14 =	vadd.f32 v56, v14;
	v41 =	vadd.f32 v16, v17  }
0x1a1: {  	v4 =	vadd.f32 v6, v4;
	v3 =	vadd.f32 v3, v8;
	v8 =	vld [tilespmem:$0x1FFA0]  }
0x1a2: {  	v48 =	vld [tilespmem:s14+$0x14020];
	v14 =	vadd.f32 v63, v14;
	v9 =	vadd.f32 v18, v9  }
0x1a3: {  	v49 =	vld [tilespmem:s14+$0x14030];
	v13 =	vadd.f32 v24, v41;
	v4 =	vadd.f32 v31, v4  }
0x1a4: {  	v56 =	vld [tilespmem:s14+$0x11820];
	v3 =	vadd.f32 v7, v3;
	v9 =	vadd.f32 v21, v9  }
0x1a5: {  	v7 =	vld [tilespmem:s14+$0xDC40];
	v13 =	vadd.f32 v50, v13;
	v4 =	vadd.f32 v38, v4  }
0x1a6: {  	v63 =	vld [tilespmem:s14+$0x12C00];
	v3 =	vadd.f32 v25, v3;
	v11 =	vadd.f32 v11, v8  }
0x1a7: {  	v12 =	vld [tilespmem:s14+$0xDC00];
	v9 =	vadd.f32 v28, v9;
	v4 =	vadd.f32 v45, v4  }
0x1a8: {  	v6 =	vld [tilespmem:s14+$0xF000];
	v3 =	vadd.f32 v32, v3;
	v11 =	vadd.f32 v22, v11  }
0x1a9: {  	v50 =	vld [tilespmem:s14+$0x14040];
	v9 =	vadd.f32 v58, v9;
	v4 =	vadd.f32 v52, v4  }
0x1aa: {  	v22 =	vld [tilespmem:s14+$0xF040];
	v7 =	vadd.f32 v7, v14;
	v11 =	vadd.f32 v26, v11  }
0x1ab: {  	v25 =	vld [tilespmem:s14+$0x10400];
	v3 =	vadd.f32 v39, v3;
	v9 =	vadd.f32 v42, v9  }
0x1ac: {  	v8 =	vld [tilespmem:s14+$0xDC10];
	v4 =	vadd.f32 v59, v4;
	v11 =	vadd.f32 v33, v11  }
0x1ad: {  	v45 =	vld [tilespmem:s14+$0x12C60];
	v3 =	vadd.f32 v46, v3;
	v9 =	vadd.f32 v49, v9  }
0x1ae: {  	v59 =	vld [tilespmem:s14+$0x11840];
	v4 =	vadd.f32 v12, v4;
	v11 =	vadd.f32 v40, v11  }
0x1af: {  	v52 =	vld [tilespmem:s14+$0x11800];
	v3 =	vadd.f32 v53, v3;
	v7 =	vadd.f32 v22, v7  }
0x1b0: {  	v39 =	vld [tilespmem:s14+$0x12C10];
	v4 =	vadd.f32 v6, v4;
	v11 =	vadd.f32 v47, v11  }
0x1b1: {  	v3 =	vadd.f32 v60, v3;
	v60 =	vld [tilespmem:s14+$0x11850];
	v7 =	vadd.f32 v29, v7  }
0x1b2: {  	v26 =	vld [tilespmem:s14+$0x10410];
	v4 =	vadd.f32 v25, v4;
	v11 =	vadd.f32 v54, v11  }
0x1b3: {  	v46 =	vld [tilespmem:s14+$0x14000];
	v3 =	vadd.f32 v8, v3;
	v7 =	vadd.f32 v59, v7  }
0x1b4: {  	v54 =	vld [tilespmem:s14+$0x11810];
	v4 =	vadd.f32 v52, v4;
	v11 =	vadd.f32 v61, v11  }
0x1b5: {  	v3 =	vadd.f32 v19, v3;
	v6 =	vadd.f32 v43, v7;
	v61 =	vld [tilespmem:s14+$0x11860]  }
0x1b6: {  	v53 =	vld [tilespmem:s14+$0x15400];
	v5 =	vadd.f32 v60, v5;
	v38 =	vadd.f32 v15, v11  }
0x1b7: {  	v40 =	vld [tilespmem:s14+$0x12C20];
	v4 =	vadd.f32 v63, v4;
	v3 =	vadd.f32 v26, v3  }
0x1b8: {  	v47 =	vld [tilespmem:s14+$0x14010];
	v6 =	vadd.f32 v50, v6;
	v8 =	vadd.f32 v20, v38  }
0x1b9: {  	v52 =	vld [tilespmem:s14+$0x14060];
	v4 =	vadd.f32 v46, v4;
	v3 =	vadd.f32 v54, v3  }
0x1ba: {  	v54 =	vld [tilespmem:s14+$0x15410];
	v10 =	vadd.f32 v61, v13;
	v8 =	vadd.f32 v27, v8  }
0x1bb: {  	v59 =	vld [tilespmem:s14+$0x15460];
	v62 =	vadd.f32 v57, v6;
	v3 =	vadd.f32 v39, v3  }
0x1bc: {  	v10 =	vadd.f32 v45, v10;
	v8 =	vadd.f32 v56, v8;
	v56 =	vld [tilespmem:s14+$0x15430]  }
0x1bd: {  	v55 =	vld [tilespmem:s14+$0x15420];
	v4 =	vadd.f32 v53, v4;
	v3 =	vadd.f32 v47, v3  }
0x1be: {  	v58 =	vld [tilespmem:s14+$0x15450];
	v61 =	vadd.f32 v52, v10;
	v8 =	vadd.f32 v40, v8  }
0x1bf: {  	v5 =	vadd.f32 v44, v5;
	[tilespmem:s14+$0x16840] =	vst v62;
	v3 =	vadd.f32 v54, v3  }
0x1c0: {  	[tilespmem:s14+$0x16800] =	vst v4;
	v63 =	vadd.f32 v59, v61;
	v8 =	vadd.f32 v48, v8  }
0x1c1: {  	v5 =	vadd.f32 v51, v5;
	[tilespmem:s14+$0x16810] =	vst v3;
	v3 =	vadd.f32 v56, v9  }
0x1c2: {  	[tilespmem:s14+$0x16860] =	vst v63;
	v60 =	vadd.f32 v55, v8  }
0x1c3: {  	[tilespmem:s14+$0x16830] =	vst v3;
	v3 =	vadd.f32 v58, v5  }
0x1c4: {  	[tilespmem:s14+$0x16820] =	vst v60  }
0x1c5: {  	[tilespmem:s14+$0x16850] =	vst v3  }
0x1c6: {  	[hbm4b:s5+s2] =	stream.linear.scatter [tilespmem:s10], [sflag:$0x1], $0x1400, $0x38;
	[tilespmem:$0x17C00] =	vst v63  }
0x1c7: {  	_ =	swait.ge [sflag:s8], $0x1400  }
0x1c8: {  	[sflag:s8] =	ssyncset.done $0x0  }
0x1c9: {  	[sflag:s8] =	ssyncadd.s32 $0xFFFFEC00  }
0x1ca: {  	[tilespmem:s9], [sflag:$0x1] =	stream.linear.gather [hbm4b:s3+s2], $0x14000, $0x38;
	[tilespmem:$0x17C00] =	vst v63  }
0x1cb: {  	_ =	swait.ge [sflag:s8], $0x14000  }
0x1cc: {  	[sflag:s8] =	ssyncset.done $0x0  }
0x1cd: {  	s12 =	simm.s32 $0x1C0;
	[sflag:s8] =	ssyncadd.s32 $0xFFFEC000  }
.LBB2_6:
0x1ce: {  	s13 =	sshra.s32 s12, $0x2  }
0x1cf: {  	v3 =	vld [tilespmem:s13+$0xFFFFFF90];
	_ =	sdelay $0x4  }
0x1d0: {  	v4 =	vadd.s32 $0xFFFFEC00, v3  }
0x1d1: {  	vm0 =	vlt.u32 v4, $0x1400  }
0x1d2: {  	v3 =	vadd.s32 v2, v3;
	_ =	sdelay $0x4  }
0x1d3: {  	[tilespmem:v3+s9+$0x0] =	vst.idx.add.f32.msk vm0, v1  }
0x1d4: {  	v3 =	vld [tilespmem:s13+$0xFFFFFFA0];
	_ =	sdelay $0x4  }
0x1d5: {  	v57 =	vadd.s32 $0xFFFFEC00, v3  }
0x1d6: {  	vm9 =	vlt.u32 v57, $0x1400  }
0x1d7: {  	v3 =	vadd.s32 v2, v3;
	_ =	sdelay $0x4  }
0x1d8: {  	[tilespmem:v3+s9+$0x0] =	vst.idx.add.f32.msk vm9, v1  }
0x1d9: {  	v3 =	vld [tilespmem:s13+$0xFFFFFFB0];
	_ =	sdelay $0x4  }
0x1da: {  	v58 =	vadd.s32 $0xFFFFEC00, v3  }
0x1db: {  	vm10 =	vlt.u32 v58, $0x1400  }
0x1dc: {  	v3 =	vadd.s32 v2, v3;
	_ =	sdelay $0x4  }
0x1dd: {  	[tilespmem:v3+s9+$0x0] =	vst.idx.add.f32.msk vm10, v1  }
0x1de: {  	v3 =	vld [tilespmem:s13+$0xFFFFFFC0];
	_ =	sdelay $0x4  }
0x1df: {  	v59 =	vadd.s32 $0xFFFFEC00, v3  }
0x1e0: {  	vm11 =	vlt.u32 v59, $0x1400  }
0x1e1: {  	v3 =	vadd.s32 v2, v3;
	_ =	sdelay $0x4  }
0x1e2: {  	[tilespmem:v3+s9+$0x0] =	vst.idx.add.f32.msk vm11, v1  }
0x1e3: {  	v3 =	vld [tilespmem:s13+$0xFFFFFFD0];
	_ =	sdelay $0x4  }
0x1e4: {  	v60 =	vadd.s32 $0xFFFFEC00, v3  }
0x1e5: {  	vm12 =	vlt.u32 v60, $0x1400  }
0x1e6: {  	v3 =	vadd.s32 v2, v3;
	_ =	sdelay $0x4  }
0x1e7: {  	[tilespmem:v3+s9+$0x0] =	vst.idx.add.f32.msk vm12, v1  }
0x1e8: {  	v3 =	vld [tilespmem:s13+$0xFFFFFFE0];
	_ =	sdelay $0x4  }
0x1e9: {  	v61 =	vadd.s32 $0xFFFFEC00, v3  }
0x1ea: {  	vm13 =	vlt.u32 v61, $0x1400  }
0x1eb: {  	v3 =	vadd.s32 v2, v3;
	_ =	sdelay $0x4  }
0x1ec: {  	[tilespmem:v3+s9+$0x0] =	vst.idx.add.f32.msk vm13, v1  }
0x1ed: {  	v3 =	vld [tilespmem:s13+$0xFFFFFFF0];
	_ =	sdelay $0x4  }
0x1ee: {  	v62 =	vadd.s32 $0xFFFFEC00, v3  }
0x1ef: {  	vm14 =	vlt.u32 v62, $0x1400  }
0x1f0: {  	v3 =	vadd.s32 v2, v3;
	_ =	sdelay $0x4  }
0x1f1: {  	[tilespmem:v3+s9+$0x0] =	vst.idx.add.f32.msk vm14, v1  }
0x1f2: {  	v3 =	vld [tilespmem:s13+$0x0];
	_ =	sdelay $0x4  }
0x1f3: {  	v63 =	vadd.s32 $0xFFFFEC00, v3  }
0x1f4: {  	vm15 =	vlt.u32 v63, $0x1400  }
0x1f5: {  	p0 =	sne.s32 s12, $0x9FC0;
	v3 =	vadd.s32 v2, v3  }
.Ltmp2:
0x1f6: {  	_ = 	snop;
	(pc) =	sbr.rel @p0 .LBB2_6-.Ltmp2, $2  }
0x1f7: {  	_ =	sdelay $0x2  }
0x1f8: {  	s12 =	sadd.s32 $0x200, s12;
	[tilespmem:v3+s9+$0x0] =	vst.idx.add.f32.msk vm15, v1  }
0x1f9: {  	s12 =	simm.s32 $0x0  }
0x1fa: {  	v3 =	vld [tilespmem:s12+$0x2870]  }
0x1fb: {  	v4 =	vld [tilespmem:s12+$0x3C70]  }
0x1fc: {  	v9 =	vld [tilespmem:s12+$0x2800]  }
0x1fd: {  	v6 =	vld [tilespmem:s12+$0x5070]  }
0x1fe: {  	v11 =	vld [tilespmem:s12+$0x3C00]  }
0x1ff: {  	v8 =	vld [tilespmem:s12+$0x6470]  }
0x200: {  	v5 =	vld [tilespmem:s12+$0x2810]  }
0x201: {  	v12 =	vld [tilespmem:s12+$0x3C20]  }
0x202: {  	v13 =	vld [tilespmem:s12+$0x2830]  }
0x203: {  	v14 =	vld [tilespmem:s12+$0x3C30]  }
0x204: {  	v15 =	vld [tilespmem:s12+$0x2840]  }
0x205: {  	v16 =	vld [tilespmem:s12+$0x3C40]  }
0x206: {  	v17 =	vld [tilespmem:s12+$0x2850]  }
0x207: {  	v18 =	vld [tilespmem:s12+$0x3C50]  }
0x208: {  	v19 =	vld [tilespmem:s12+$0x2860]  }
0x209: {  	v20 =	vld [tilespmem:s12+$0x3C60]  }
0x20a: {  	v21 =	vld [tilespmem:s12+$0x5000]  }
0x20b: {  	v7 =	vld [tilespmem:s12+$0x5010]  }
0x20c: {  	v22 =	vld [tilespmem:s12+$0x5020]  }
0x20d: {  	v23 =	vld [tilespmem:s12+$0x5040]  }
0x20e: {  	v24 =	vld [tilespmem:s12+$0x5060]  }
0x20f: {  	v25 =	vld [tilespmem:s12+$0x6410]  }
0x210: {  	v26 =	vld [tilespmem:s12+$0x6420]  }
0x211: {  	v27 =	vld [tilespmem:s12+$0x6430]  }
0x212: {  	v28 =	vld [tilespmem:s12+$0x6440]  }
0x213: {  	v29 =	vld [tilespmem:s12+$0x6450]  }
0x214: {  	v30 =	vld [tilespmem:s12+$0x6460]  }
0x215: {  	v31 =	vld [tilespmem:s12+$0x7800]  }
0x216: {  	v32 =	vld [tilespmem:s12+$0x7810]  }
0x217: {  	v33 =	vld [tilespmem:s12+$0x7820]  }
0x218: {  	v34 =	vld [tilespmem:s12+$0x7830]  }
0x219: {  	v35 =	vld [tilespmem:s12+$0x7840]  }
0x21a: {  	v36 =	vld [tilespmem:s12+$0x7850]  }
0x21b: {  	v37 =	vld [tilespmem:s12+$0x7860]  }
0x21c: {  	v38 =	vld [tilespmem:s12+$0x8C00]  }
0x21d: {  	v39 =	vld [tilespmem:s12+$0x8C10]  }
0x21e: {  	v40 =	vld [tilespmem:s12+$0x8C20]  }
0x21f: {  	v41 =	vld [tilespmem:s12+$0x8C30]  }
0x220: {  	v42 =	vld [tilespmem:s12+$0x8C40]  }
0x221: {  	v43 =	vld [tilespmem:s12+$0x8C50]  }
0x222: {  	v44 =	vld [tilespmem:s12+$0x8C60]  }
0x223: {  	v45 =	vld [tilespmem:s12+$0xA000]  }
0x224: {  	v46 =	vld [tilespmem:s12+$0xA010]  }
0x225: {  	v47 =	vld [tilespmem:s12+$0xA020]  }
0x226: {  	v48 =	vld [tilespmem:s12+$0xA030]  }
0x227: {  	v49 =	vld [tilespmem:s12+$0xA040]  }
0x228: {  	v50 =	vld [tilespmem:s12+$0xA050]  }
0x229: {  	v51 =	vld [tilespmem:s12+$0xA060]  }
0x22a: {  	v52 =	vld [tilespmem:s12+$0xB400]  }
0x22b: {  	v53 =	vld [tilespmem:s12+$0xB410]  }
0x22c: {  	v54 =	vld [tilespmem:s12+$0xB420]  }
0x22d: {  	v55 =	vld [tilespmem:s12+$0xB430]  }
0x22e: {  	v56 =	vld [tilespmem:s12+$0xB440]  }
0x22f: {  	v57 =	vld [tilespmem:s12+$0xB450]  }
0x230: {  	v58 =	vld [tilespmem:s12+$0xB460]  }
0x231: {  	v59 =	vld [tilespmem:s12+$0xC800]  }
0x232: {  	v60 =	vld [tilespmem:s12+$0xC810]  }
0x233: {  	v61 =	vld [tilespmem:s12+$0xC820]  }
0x234: {  	v62 =	vld [tilespmem:s12+$0xC830]  }
0x235: {  	v63 =	vld [tilespmem:s12+$0xC840];
	v3 =	vadd.f32 v4, v3  }
0x236: {  	v4 =	vld [tilespmem:s12+$0x7870]  }
0x237: {  	v10 =	vld [tilespmem:s12+$0xC850];
	v3 =	vadd.f32 v6, v3  }
0x238: {  	v6 =	vld [tilespmem:s12+$0x8C70]  }
0x239: {  	[tilespmem:$0x1FF40] =	vst v5;
	v5 =	vld [tilespmem:s12+$0x3C10];
	v3 =	vadd.f32 v8, v3  }
0x23a: {  	v13 =	vadd.f32 v14, v13;
	v8 =	vld [tilespmem:s12+$0xA070]  }
0x23b: {  	v14 =	vadd.f32 v16, v15;
	v15 =	vld [tilespmem:s12+$0xDC20];
	v3 =	vadd.f32 v4, v3  }
0x23c: {  	v4 =	vld [tilespmem:s12+$0xB470]  }
0x23d: {  	v16 =	vadd.f32 v18, v17;
	v18 =	vld [tilespmem:s12+$0xDC30];
	v3 =	vadd.f32 v6, v3  }
0x23e: {  	v6 =	vld [tilespmem:s12+$0xC870]  }
0x23f: {  	v17 =	vadd.f32 v20, v19;
	v19 =	vld [tilespmem:s12+$0xF010];
	v3 =	vadd.f32 v8, v3  }
0x240: {  	v8 =	vld [tilespmem:s12+$0xDC70]  }
0x241: {  	v20 =	vld [tilespmem:s12+$0xF020];
	v3 =	vadd.f32 v4, v3  }
0x242: {  	v4 =	vld [tilespmem:s12+$0xF070]  }
0x243: {  	v14 =	vadd.f32 v23, v14;
	v23 =	vld [tilespmem:s12+$0xF050];
	v3 =	vadd.f32 v6, v3  }
0x244: {  	v17 =	vadd.f32 v24, v17;
	v6 =	vld [tilespmem:s12+$0x10470]  }
0x245: {  	v24 =	vld [tilespmem:s12+$0xF060];
	v14 =	vadd.f32 v28, v14;
	v3 =	vadd.f32 v8, v3  }
0x246: {  	v17 =	vadd.f32 v30, v17;
	v8 =	vld [tilespmem:s12+$0x11870]  }
0x247: {  	[tilespmem:$0x1FF50] =	vst v5;
	v5 =	vld [tilespmem:s12+$0x2820];
	v14 =	vadd.f32 v35, v14;
	v3 =	vadd.f32 v4, v3  }
0x248: {  	v17 =	vadd.f32 v37, v17;
	v4 =	vld [tilespmem:s12+$0x12C70]  }
0x249: {  	v14 =	vadd.f32 v42, v14;
	v42 =	vld [tilespmem:s12+$0x10430];
	v3 =	vadd.f32 v6, v3  }
0x24a: {  	v6 =	vld [tilespmem:s12+$0x14070]  }
0x24b: {  	v17 =	vadd.f32 v44, v17;
	v44 =	vld [tilespmem:s12+$0x10450];
	v3 =	vadd.f32 v8, v3  }
0x24c: {  	v8 =	vld [tilespmem:s12+$0x15470]  }
0x24d: {  	[tilespmem:$0x1FF60] =	vst v5;
	v5 =	vld [tilespmem:s12+$0x6400];
	v3 =	vadd.f32 v4, v3  }
0x24e: {  	v14 =	vadd.f32 v49, v14;
	v49 =	vld [tilespmem:s12+$0x11830];
	v4 =	vadd.f32 v11, v9  }
0x24f: {  	v17 =	vadd.f32 v51, v17;
	v51 =	vld [tilespmem:s12+$0x11850];
	v3 =	vadd.f32 v6, v3  }
0x250: {  	v6 =	vld [tilespmem:s12+$0x5030];
	v4 =	vadd.f32 v21, v4  }
0x251: {  	v3 =	vadd.f32 v8, v3;
	v8 =	vld [tilespmem:s12+$0x5050]  }
0x252: {  	v14 =	vadd.f32 v56, v14;
	v56 =	vld [tilespmem:s12+$0x14010];
	v4 =	vadd.f32 v5, v4  }
0x253: {  	[tilespmem:s12+$0x16870] =	vst v3;
	v3 =	vld [tilespmem:s12+$0xC860]  }
0x254: {  	v17 =	vadd.f32 v58, v17;
	v58 =	vld [tilespmem:s12+$0x14030];
	v4 =	vadd.f32 v31, v4  }
0x255: {  	v11 =	vld [tilespmem:s12+$0xDC00];
	v6 =	vadd.f32 v6, v13  }
0x256: {  	v9 =	vld [tilespmem:$0x1FF50];
	v4 =	vadd.f32 v38, v4;
	v8 =	vadd.f32 v8, v16  }
0x257: {  	v21 =	vld [tilespmem:s12+$0xF030];
	v6 =	vadd.f32 v27, v6  }
0x258: {  	v4 =	vadd.f32 v45, v4;
	[tilespmem:$0x1FF70] =	vst v3;
	v3 =	vld [tilespmem:$0x1FF40];
	v8 =	vadd.f32 v29, v8  }
0x259: {  	v5 =	vld [tilespmem:s12+$0xF000];
	v6 =	vadd.f32 v34, v6  }
0x25a: {  	v4 =	vadd.f32 v52, v4;
	v52 =	vld [tilespmem:$0x1FF70];
	v8 =	vadd.f32 v36, v8  }
0x25b: {  	v14 =	vadd.f32 v63, v14;
	v13 =	vld [tilespmem:s12+$0xDC50];
	v6 =	vadd.f32 v41, v6  }
0x25c: {  	v16 =	vld [tilespmem:s12+$0xDC60];
	v4 =	vadd.f32 v59, v4;
	v8 =	vadd.f32 v43, v8  }
0x25d: {  	v6 =	vadd.f32 v48, v6;
	v3 =	vadd.f32 v9, v3;
	v9 =	vld [tilespmem:$0x1FF60]  }
0x25e: {  	v45 =	vld [tilespmem:s12+$0x10460];
	v4 =	vadd.f32 v11, v4;
	v8 =	vadd.f32 v50, v8  }
0x25f: {  	v41 =	vld [tilespmem:s12+$0x10420];
	v6 =	vadd.f32 v55, v6;
	v17 =	vadd.f32 v52, v17  }
0x260: {  	v3 =	vadd.f32 v7, v3;
	v7 =	vld [tilespmem:s12+$0xDC40];
	v4 =	vadd.f32 v5, v4  }
0x261: {  	v59 =	vld [tilespmem:s12+$0x14040];
	v8 =	vadd.f32 v57, v8;
	v6 =	vadd.f32 v62, v6  }
0x262: {  	v43 =	vld [tilespmem:s12+$0x10440];
	v3 =	vadd.f32 v25, v3;
	v12 =	vadd.f32 v12, v9  }
0x263: {  	v48 =	vld [tilespmem:s12+$0x11820];
	v8 =	vadd.f32 v10, v8;
	v6 =	vadd.f32 v18, v6  }
0x264: {  	v25 =	vld [tilespmem:s12+$0x10400];
	v3 =	vadd.f32 v32, v3;
	v12 =	vadd.f32 v22, v12  }
0x265: {  	v11 =	vld [tilespmem:s12+$0x12C00];
	v7 =	vadd.f32 v7, v14;
	v8 =	vadd.f32 v13, v8  }
0x266: {  	v50 =	vld [tilespmem:s12+$0x11840];
	v13 =	vadd.f32 v16, v17;
	v12 =	vadd.f32 v26, v12  }
0x267: {  	v55 =	vld [tilespmem:s12+$0x14000];
	v6 =	vadd.f32 v21, v6;
	v3 =	vadd.f32 v39, v3  }
0x268: {  	v5 =	vld [tilespmem:s12+$0x12C40];
	v8 =	vadd.f32 v23, v8;
	v12 =	vadd.f32 v33, v12  }
0x269: {  	v57 =	vld [tilespmem:s12+$0x14020];
	v13 =	vadd.f32 v24, v13;
	v4 =	vadd.f32 v25, v4  }
0x26a: {  	v22 =	vld [tilespmem:s12+$0xF040];
	v3 =	vadd.f32 v46, v3;
	v12 =	vadd.f32 v40, v12  }
0x26b: {  	v9 =	vld [tilespmem:s12+$0xDC10];
	v6 =	vadd.f32 v42, v6;
	v8 =	vadd.f32 v44, v8  }
0x26c: {  	v10 =	vld [tilespmem:s12+$0x11860];
	v3 =	vadd.f32 v53, v3;
	v12 =	vadd.f32 v47, v12  }
0x26d: {  	v14 =	vld [tilespmem:s12+$0x12C20];
	v13 =	vadd.f32 v45, v13;
	v6 =	vadd.f32 v49, v6  }
0x26e: {  	v46 =	vld [tilespmem:s12+$0x11800];
	v3 =	vadd.f32 v60, v3;
	v12 =	vadd.f32 v54, v12  }
0x26f: {  	v7 =	vadd.f32 v22, v7;
	v40 =	vld [tilespmem:s12+$0x10410];
	v8 =	vadd.f32 v51, v8  }
0x270: {  	v53 =	vld [tilespmem:s12+$0x12C50];
	v3 =	vadd.f32 v9, v3;
	v12 =	vadd.f32 v61, v12  }
0x271: {  	v10 =	vadd.f32 v10, v13;
	v7 =	vadd.f32 v43, v7;
	v47 =	vld [tilespmem:s12+$0x11810]  }
0x272: {  	v54 =	vld [tilespmem:s12+$0x12C60];
	v3 =	vadd.f32 v19, v3;
	v9 =	vadd.f32 v15, v12  }
0x273: {  	v4 =	vadd.f32 v46, v4;
	v7 =	vadd.f32 v50, v7;
	v12 =	vld [tilespmem:s12+$0x12C10]  }
0x274: {  	v3 =	vadd.f32 v40, v3;
	v15 =	vld [tilespmem:s12+$0x12C30];
	v9 =	vadd.f32 v20, v9  }
0x275: {  	v4 =	vadd.f32 v11, v4;
	v11 =	vld [tilespmem:s12+$0x15400];
	v5 =	vadd.f32 v5, v7  }
0x276: {  	v61 =	vld [tilespmem:s12+$0x14060];
	v3 =	vadd.f32 v47, v3;
	v9 =	vadd.f32 v41, v9  }
0x277: {  	v13 =	vld [tilespmem:s12+$0x15420];
	v4 =	vadd.f32 v55, v4;
	v5 =	vadd.f32 v59, v5  }
0x278: {  	v3 =	vadd.f32 v12, v3;
	v12 =	vld [tilespmem:s12+$0x15410];
	v9 =	vadd.f32 v48, v9  }
0x279: {  	v60 =	vld [tilespmem:s12+$0x14050];
	v6 =	vadd.f32 v15, v6;
	v15 =	vadd.f32 v54, v10  }
0x27a: {  	v18 =	vadd.f32 v11, v4;
	v10 =	vld [tilespmem:s12+$0x15430];
	v9 =	vadd.f32 v14, v9  }
0x27b: {  	v7 =	vld [tilespmem:s12+$0x15440];
	v62 =	vadd.f32 v56, v3;
	v3 =	vadd.f32 v61, v15  }
0x27c: {  	v14 =	vadd.f32 v53, v8;
	v8 =	vld [tilespmem:s12+$0x15450];
	v63 =	vadd.f32 v57, v9  }
0x27d: {  	s14 =	simm.s32 $0x80;
	v11 =	vld [tilespmem:s12+$0x15460];
	v9 =	vadd.f32 v58, v6;
	v12 =	vadd.f32 v12, v62  }
0x27e: {  	s13 =	simm.s32 $0x400;
	v4 =	vld [tilespmem:s14+$0x2870];
	[tilespmem:s12+$0x16800] =	vst v18;
	v6 =	vadd.f32 v60, v14;
	v13 =	vadd.f32 v13, v63  }
.LBB2_8:
0x27f: {  	p0 =	sne.s32 s13, $0x4E00;
	v14 =	vld [tilespmem:s14+$0x3C70];
	[tilespmem:s12+$0x16810] =	vst v12;
	v9 =	vadd.f32 v10, v9  }
0x280: {  	v10 =	vld [tilespmem:s14+$0x2800];
	[tilespmem:s12+$0x16820] =	vst v13;
	v5 =	vadd.f32 v7, v5  }
0x281: {  	v7 =	vld [tilespmem:s14+$0x5070];
	[tilespmem:s12+$0x16830] =	vst v9;
	v6 =	vadd.f32 v8, v6  }
0x282: {  	v8 =	vld [tilespmem:s14+$0x3C00];
	[tilespmem:s12+$0x16840] =	vst v5;
	v3 =	vadd.f32 v11, v3  }
0x283: {  	v5 =	vld [tilespmem:s14+$0x6470];
	[tilespmem:s12+$0x16850] =	vst v6  }
0x284: {  	v6 =	vld [tilespmem:s14+$0x2810];
	v4 =	vadd.f32 v14, v4;
	[tilespmem:s12+$0x16860] =	vst v3;
	s12 =	smov.u32 s14  }
0x285: {  	v3 =	vld [tilespmem:s12+$0x7870]  }
0x286: {  	v9 =	vld [tilespmem:s12+$0x3C10];
	v4 =	vadd.f32 v7, v4  }
0x287: {  	v7 =	vadd.f32 v8, v10;
	v8 =	vld [tilespmem:s12+$0x8C70]  }
0x288: {  	v10 =	vld [tilespmem:s12+$0x2820];
	v4 =	vadd.f32 v5, v4  }
0x289: {  	v5 =	vld [tilespmem:s12+$0xA070]  }
0x28a: {  	v11 =	vld [tilespmem:s12+$0x3C20];
	v3 =	vadd.f32 v3, v4  }
0x28b: {  	v4 =	vadd.f32 v9, v6;
	v6 =	vld [tilespmem:s12+$0xB470]  }
0x28c: {  	v9 =	vld [tilespmem:s12+$0x2830];
	v3 =	vadd.f32 v8, v3  }
0x28d: {  	v8 =	vld [tilespmem:s12+$0xC870]  }
0x28e: {  	v12 =	vld [tilespmem:s12+$0x3C30];
	v3 =	vadd.f32 v5, v3  }
0x28f: {  	v5 =	vadd.f32 v11, v10;
	v10 =	vld [tilespmem:s12+$0xDC70]  }
0x290: {  	v11 =	vld [tilespmem:s12+$0x2840];
	v3 =	vadd.f32 v6, v3  }
0x291: {  	v6 =	vld [tilespmem:s12+$0xF070]  }
0x292: {  	v13 =	vld [tilespmem:s12+$0x3C40];
	v3 =	vadd.f32 v8, v3  }
0x293: {  	v8 =	vadd.f32 v12, v9;
	v9 =	vld [tilespmem:s12+$0x10470]  }
0x294: {  	v12 =	vld [tilespmem:s12+$0x2850];
	v3 =	vadd.f32 v10, v3  }
0x295: {  	v10 =	vld [tilespmem:s12+$0x11870]  }
0x296: {  	v14 =	vld [tilespmem:s12+$0x3C50];
	v3 =	vadd.f32 v6, v3  }
0x297: {  	v6 =	vadd.f32 v13, v11;
	v11 =	vld [tilespmem:s12+$0x12C70]  }
0x298: {  	v13 =	vld [tilespmem:s12+$0x2860];
	v3 =	vadd.f32 v9, v3  }
0x299: {  	v9 =	vld [tilespmem:s12+$0x14070]  }
0x29a: {  	v15 =	vld [tilespmem:s12+$0x3C60];
	v3 =	vadd.f32 v10, v3  }
0x29b: {  	v10 =	vadd.f32 v14, v12;
	v12 =	vld [tilespmem:s12+$0x15470]  }
0x29c: {  	v14 =	vld [tilespmem:s12+$0x5000];
	v3 =	vadd.f32 v11, v3  }
0x29d: {  	v11 =	vld [tilespmem:s12+$0x5010]  }
0x29e: {  	v16 =	vld [tilespmem:s12+$0x5020];
	v3 =	vadd.f32 v9, v3  }
0x29f: {  	v9 =	vld [tilespmem:s12+$0x5030];
	v13 =	vadd.f32 v15, v13  }
0x2a0: {  	v15 =	vld [tilespmem:s12+$0x5040];
	v3 =	vadd.f32 v12, v3  }
0x2a1: {  	v7 =	vadd.f32 v14, v7;
	v12 =	vld [tilespmem:s12+$0x5050]  }
0x2a2: {  	v4 =	vadd.f32 v11, v4;
	v11 =	vld [tilespmem:s12+$0x5060];
	[tilespmem:s12+$0x16870] =	vst v3  }
0x2a3: {  	v3 =	vld [tilespmem:s12+$0x6400];
	v5 =	vadd.f32 v16, v5  }
0x2a4: {  	v14 =	vld [tilespmem:s12+$0x6410];
	v8 =	vadd.f32 v9, v8  }
0x2a5: {  	v9 =	vld [tilespmem:s12+$0x6420];
	v6 =	vadd.f32 v15, v6  }
0x2a6: {  	v15 =	vld [tilespmem:s12+$0x6430];
	v10 =	vadd.f32 v12, v10  }
0x2a7: {  	v12 =	vld [tilespmem:s12+$0x6440];
	v11 =	vadd.f32 v11, v13  }
0x2a8: {  	v3 =	vadd.f32 v3, v7;
	v7 =	vld [tilespmem:s12+$0x6450]  }
0x2a9: {  	v4 =	vadd.f32 v14, v4;
	v13 =	vld [tilespmem:s12+$0x6460]  }
0x2aa: {  	v14 =	vld [tilespmem:s12+$0x7800];
	v5 =	vadd.f32 v9, v5  }
0x2ab: {  	v9 =	vld [tilespmem:s12+$0x7810];
	v8 =	vadd.f32 v15, v8  }
0x2ac: {  	v15 =	vld [tilespmem:s12+$0x7820];
	v6 =	vadd.f32 v12, v6  }
0x2ad: {  	v12 =	vld [tilespmem:s12+$0x7830];
	v7 =	vadd.f32 v7, v10  }
0x2ae: {  	v10 =	vld [tilespmem:s12+$0x7840];
	v11 =	vadd.f32 v13, v11  }
0x2af: {  	v3 =	vadd.f32 v14, v3;
	v13 =	vld [tilespmem:s12+$0x7850]  }
0x2b0: {  	v4 =	vadd.f32 v9, v4;
	v9 =	vld [tilespmem:s12+$0x7860]  }
0x2b1: {  	v14 =	vld [tilespmem:s12+$0x8C00];
	v5 =	vadd.f32 v15, v5  }
0x2b2: {  	v15 =	vld [tilespmem:s12+$0x8C10];
	v8 =	vadd.f32 v12, v8  }
0x2b3: {  	v12 =	vld [tilespmem:s12+$0x8C20];
	v6 =	vadd.f32 v10, v6  }
0x2b4: {  	v10 =	vld [tilespmem:s12+$0x8C30];
	v7 =	vadd.f32 v13, v7  }
0x2b5: {  	v13 =	vld [tilespmem:s12+$0x8C40];
	v9 =	vadd.f32 v9, v11  }
0x2b6: {  	v3 =	vadd.f32 v14, v3;
	v11 =	vld [tilespmem:s12+$0x8C50]  }
0x2b7: {  	v4 =	vadd.f32 v15, v4;
	v14 =	vld [tilespmem:s12+$0x8C60]  }
0x2b8: {  	v15 =	vld [tilespmem:s12+$0xA000];
	v5 =	vadd.f32 v12, v5  }
0x2b9: {  	v12 =	vld [tilespmem:s12+$0xA010];
	v8 =	vadd.f32 v10, v8  }
0x2ba: {  	v10 =	vld [tilespmem:s12+$0xA020];
	v6 =	vadd.f32 v13, v6  }
0x2bb: {  	v13 =	vld [tilespmem:s12+$0xA030];
	v7 =	vadd.f32 v11, v7  }
0x2bc: {  	v11 =	vld [tilespmem:s12+$0xA040];
	v9 =	vadd.f32 v14, v9  }
0x2bd: {  	v3 =	vadd.f32 v15, v3;
	v14 =	vld [tilespmem:s12+$0xA050]  }
0x2be: {  	v4 =	vadd.f32 v12, v4;
	v12 =	vld [tilespmem:s12+$0xA060]  }
0x2bf: {  	v15 =	vld [tilespmem:s12+$0xB400];
	v5 =	vadd.f32 v10, v5  }
0x2c0: {  	v10 =	vld [tilespmem:s12+$0xB410];
	v8 =	vadd.f32 v13, v8  }
0x2c1: {  	v13 =	vld [tilespmem:s12+$0xB420];
	v6 =	vadd.f32 v11, v6  }
0x2c2: {  	v11 =	vld [tilespmem:s12+$0xB430];
	v7 =	vadd.f32 v14, v7  }
0x2c3: {  	v14 =	vld [tilespmem:s12+$0xB440];
	v9 =	vadd.f32 v12, v9  }
0x2c4: {  	v3 =	vadd.f32 v15, v3;
	v12 =	vld [tilespmem:s12+$0xB450]  }
0x2c5: {  	v4 =	vadd.f32 v10, v4;
	v10 =	vld [tilespmem:s12+$0xB460]  }
0x2c6: {  	v15 =	vld [tilespmem:s12+$0xC800];
	v5 =	vadd.f32 v13, v5  }
0x2c7: {  	v13 =	vld [tilespmem:s12+$0xC810];
	v8 =	vadd.f32 v11, v8  }
0x2c8: {  	v11 =	vld [tilespmem:s12+$0xC820];
	v6 =	vadd.f32 v14, v6  }
0x2c9: {  	v14 =	vld [tilespmem:s12+$0xC830];
	v7 =	vadd.f32 v12, v7  }
0x2ca: {  	v12 =	vld [tilespmem:s12+$0xC840];
	v9 =	vadd.f32 v10, v9  }
0x2cb: {  	v3 =	vadd.f32 v15, v3;
	v10 =	vld [tilespmem:s12+$0xC850]  }
0x2cc: {  	v4 =	vadd.f32 v13, v4;
	v13 =	vld [tilespmem:s12+$0xC860]  }
0x2cd: {  	v15 =	vld [tilespmem:s12+$0xDC00];
	v5 =	vadd.f32 v11, v5  }
0x2ce: {  	v11 =	vld [tilespmem:s12+$0xDC10];
	v8 =	vadd.f32 v14, v8  }
0x2cf: {  	v14 =	vld [tilespmem:s12+$0xDC20];
	v6 =	vadd.f32 v12, v6  }
0x2d0: {  	v12 =	vld [tilespmem:s12+$0xDC30];
	v7 =	vadd.f32 v10, v7  }
0x2d1: {  	v10 =	vld [tilespmem:s12+$0xDC40];
	v9 =	vadd.f32 v13, v9  }
0x2d2: {  	v3 =	vadd.f32 v15, v3;
	v13 =	vld [tilespmem:s12+$0xDC50]  }
0x2d3: {  	v4 =	vadd.f32 v11, v4;
	v11 =	vld [tilespmem:s12+$0xDC60]  }
0x2d4: {  	v15 =	vld [tilespmem:s12+$0xF000];
	v5 =	vadd.f32 v14, v5  }
0x2d5: {  	v14 =	vld [tilespmem:s12+$0xF010];
	v8 =	vadd.f32 v12, v8  }
0x2d6: {  	v12 =	vld [tilespmem:s12+$0xF020];
	v6 =	vadd.f32 v10, v6  }
0x2d7: {  	v10 =	vld [tilespmem:s12+$0xF030];
	v7 =	vadd.f32 v13, v7  }
0x2d8: {  	v13 =	vld [tilespmem:s12+$0xF040];
	v9 =	vadd.f32 v11, v9  }
0x2d9: {  	v3 =	vadd.f32 v15, v3;
	v11 =	vld [tilespmem:s12+$0xF050]  }
0x2da: {  	v4 =	vadd.f32 v14, v4;
	v14 =	vld [tilespmem:s12+$0xF060]  }
0x2db: {  	v15 =	vld [tilespmem:s12+$0x10400];
	v5 =	vadd.f32 v12, v5  }
0x2dc: {  	v12 =	vld [tilespmem:s12+$0x10410];
	v8 =	vadd.f32 v10, v8  }
0x2dd: {  	v10 =	vld [tilespmem:s12+$0x10420];
	v6 =	vadd.f32 v13, v6  }
0x2de: {  	v13 =	vld [tilespmem:s12+$0x10430];
	v7 =	vadd.f32 v11, v7  }
0x2df: {  	v11 =	vld [tilespmem:s12+$0x10440];
	v9 =	vadd.f32 v14, v9  }
0x2e0: {  	v3 =	vadd.f32 v15, v3;
	v14 =	vld [tilespmem:s12+$0x10450]  }
0x2e1: {  	v4 =	vadd.f32 v12, v4;
	v12 =	vld [tilespmem:s12+$0x10460]  }
0x2e2: {  	v15 =	vld [tilespmem:s12+$0x11800];
	v5 =	vadd.f32 v10, v5  }
0x2e3: {  	v10 =	vld [tilespmem:s12+$0x11810];
	v8 =	vadd.f32 v13, v8  }
0x2e4: {  	v13 =	vld [tilespmem:s12+$0x11820];
	v6 =	vadd.f32 v11, v6  }
0x2e5: {  	v11 =	vld [tilespmem:s12+$0x11830];
	v7 =	vadd.f32 v14, v7  }
0x2e6: {  	v14 =	vld [tilespmem:s12+$0x11840];
	v9 =	vadd.f32 v12, v9  }
0x2e7: {  	v3 =	vadd.f32 v15, v3;
	v12 =	vld [tilespmem:s12+$0x11850]  }
0x2e8: {  	v4 =	vadd.f32 v10, v4;
	v10 =	vld [tilespmem:s12+$0x11860]  }
0x2e9: {  	v15 =	vld [tilespmem:s12+$0x12C00];
	v5 =	vadd.f32 v13, v5  }
0x2ea: {  	v13 =	vld [tilespmem:s12+$0x12C10];
	v8 =	vadd.f32 v11, v8  }
0x2eb: {  	v11 =	vld [tilespmem:s12+$0x12C20];
	v6 =	vadd.f32 v14, v6  }
0x2ec: {  	v14 =	vld [tilespmem:s12+$0x12C30];
	v7 =	vadd.f32 v12, v7  }
0x2ed: {  	v12 =	vld [tilespmem:s12+$0x12C40];
	v9 =	vadd.f32 v10, v9  }
0x2ee: {  	v3 =	vadd.f32 v15, v3;
	v10 =	vld [tilespmem:s12+$0x12C50]  }
0x2ef: {  	v4 =	vadd.f32 v13, v4;
	v13 =	vld [tilespmem:s12+$0x12C60]  }
0x2f0: {  	v15 =	vld [tilespmem:s12+$0x14000];
	v5 =	vadd.f32 v11, v5  }
0x2f1: {  	v11 =	vld [tilespmem:s12+$0x14010];
	v8 =	vadd.f32 v14, v8  }
0x2f2: {  	v14 =	vld [tilespmem:s12+$0x14020];
	v6 =	vadd.f32 v12, v6  }
0x2f3: {  	v12 =	vld [tilespmem:s12+$0x14030];
	v7 =	vadd.f32 v10, v7  }
0x2f4: {  	v10 =	vld [tilespmem:s12+$0x14040];
	v13 =	vadd.f32 v13, v9  }
0x2f5: {  	v15 =	vadd.f32 v15, v3;
	v3 =	vld [tilespmem:s12+$0x14050]  }
0x2f6: {  	v4 =	vadd.f32 v11, v4;
	v11 =	vld [tilespmem:s12+$0x14060]  }
0x2f7: {  	v16 =	vld [tilespmem:s12+$0x15400];
	v14 =	vadd.f32 v14, v5  }
0x2f8: {  	v17 =	vld [tilespmem:s12+$0x15410];
	v9 =	vadd.f32 v12, v8  }
0x2f9: {  	v18 =	vld [tilespmem:s12+$0x15420];
	v5 =	vadd.f32 v10, v6  }
.Ltmp3:
0x2fa: {  	v10 =	vld [tilespmem:s12+$0x15430];
	v6 =	vadd.f32 v3, v7;
	(pc) =	sbr.rel @p0 .LBB2_8-.Ltmp3, $4  }
0x2fb: {  	v7 =	vld [tilespmem:s12+$0x15440];
	v3 =	vadd.f32 v11, v13  }
0x2fc: {  	v13 =	vadd.f32 v16, v15;
	v8 =	vld [tilespmem:s12+$0x15450]  }
0x2fd: {  	s14 =	sshra.s32 s13, $0x2;
	v12 =	vadd.f32 v17, v4;
	v11 =	vld [tilespmem:s12+$0x15460]  }
0x2fe: {  	s13 =	sadd.s32 $0x200, s13;
	v4 =	vld [tilespmem:s14+$0x2870];
	[tilespmem:s12+$0x16800] =	vst v13;
	v13 =	vadd.f32 v18, v14  }
0x2ff: {  	v14 =	vld [tilespmem:s14+$0x3C70];
	[tilespmem:s12+$0x16810] =	vst v12;
	v9 =	vadd.f32 v10, v9  }
0x300: {  	v12 =	vld [tilespmem:s14+$0x2800];
	[tilespmem:s12+$0x16820] =	vst v13;
	v5 =	vadd.f32 v7, v5  }
0x301: {  	v36 =	vld [tilespmem:s14+$0x5070];
	[tilespmem:s12+$0x16830] =	vst v9;
	v6 =	vadd.f32 v8, v6  }
0x302: {  	v37 =	vld [tilespmem:s14+$0x3C00];
	[tilespmem:s12+$0x16840] =	vst v5;
	v3 =	vadd.f32 v11, v3  }
0x303: {  	v5 =	vld [tilespmem:s14+$0x6470];
	[tilespmem:s12+$0x16850] =	vst v6  }
0x304: {  	v8 =	vld [tilespmem:s14+$0x2810];
	[tilespmem:s12+$0x16860] =	vst v3  }
0x305: {  	v38 =	vld [tilespmem:s14+$0x7870]  }
0x306: {  	v6 =	vld [tilespmem:s14+$0x3C10]  }
0x307: {  	v9 =	vld [tilespmem:s14+$0x8C70]  }
0x308: {  	v39 =	vld [tilespmem:s14+$0x2820]  }
0x309: {  	v40 =	vld [tilespmem:s14+$0xA070]  }
0x30a: {  	v11 =	vld [tilespmem:s14+$0x3C20]  }
0x30b: {  	v41 =	vld [tilespmem:s14+$0xB470]  }
0x30c: {  	v13 =	vld [tilespmem:s14+$0x2830]  }
0x30d: {  	v42 =	vld [tilespmem:s14+$0xC870]  }
0x30e: {  	v3 =	vadd.f32 v14, v4;
	v14 =	vld [tilespmem:s14+$0x3C30]  }
0x30f: {  	v43 =	vld [tilespmem:s14+$0xDC70]  }
0x310: {  	v15 =	vld [tilespmem:s14+$0x2840]  }
0x311: {  	v44 =	vld [tilespmem:s14+$0xF070]  }
0x312: {  	v16 =	vld [tilespmem:s14+$0x3C40]  }
0x313: {  	v45 =	vld [tilespmem:s14+$0x10470]  }
0x314: {  	v17 =	vld [tilespmem:s14+$0x2850]  }
0x315: {  	v46 =	vld [tilespmem:s14+$0x11870]  }
0x316: {  	v18 =	vld [tilespmem:s14+$0x3C50]  }
0x317: {  	v47 =	vld [tilespmem:s14+$0x12C70]  }
0x318: {  	v19 =	vld [tilespmem:s14+$0x2860]  }
0x319: {  	v48 =	vld [tilespmem:s14+$0x14070]  }
0x31a: {  	v20 =	vld [tilespmem:s14+$0x3C60]  }
0x31b: {  	v49 =	vld [tilespmem:s14+$0x15470]  }
0x31c: {  	v21 =	vld [tilespmem:s14+$0x5000]  }
0x31d: {  	v7 =	vld [tilespmem:s14+$0x5010]  }
0x31e: {  	v22 =	vld [tilespmem:s14+$0x5020]  }
0x31f: {  	v23 =	vld [tilespmem:s14+$0x5040]  }
0x320: {  	v24 =	vld [tilespmem:s14+$0x5060]  }
0x321: {  	v25 =	vld [tilespmem:s14+$0x6410]  }
0x322: {  	v26 =	vld [tilespmem:s14+$0x6420]  }
0x323: {  	v27 =	vld [tilespmem:s14+$0x6430]  }
0x324: {  	v28 =	vld [tilespmem:s14+$0x6440]  }
0x325: {  	v29 =	vld [tilespmem:s14+$0x6450]  }
0x326: {  	v30 =	vld [tilespmem:s14+$0x6460]  }
0x327: {  	v31 =	vld [tilespmem:s14+$0x7800]  }
0x328: {  	v32 =	vld [tilespmem:s14+$0x7810]  }
0x329: {  	v33 =	vld [tilespmem:s14+$0x7820]  }
0x32a: {  	v34 =	vld [tilespmem:s14+$0x7830]  }
0x32b: {  	v35 =	vld [tilespmem:s14+$0x7840]  }
0x32c: {  	v50 =	vld [tilespmem:s14+$0xA050]  }
0x32d: {  	v51 =	vld [tilespmem:s14+$0xA060]  }
0x32e: {  	v52 =	vld [tilespmem:s14+$0xB400]  }
0x32f: {  	v53 =	vld [tilespmem:s14+$0xB410]  }
0x330: {  	v54 =	vld [tilespmem:s14+$0xB420]  }
0x331: {  	v55 =	vld [tilespmem:s14+$0xB430]  }
0x332: {  	v56 =	vld [tilespmem:s14+$0xB440]  }
0x333: {  	v57 =	vld [tilespmem:s14+$0xB450]  }
0x334: {  	v58 =	vld [tilespmem:s14+$0xB460]  }
0x335: {  	v59 =	vld [tilespmem:s14+$0xC800]  }
0x336: {  	v60 =	vld [tilespmem:s14+$0xC810]  }
0x337: {  	v61 =	vld [tilespmem:s14+$0xC820]  }
0x338: {  	v62 =	vld [tilespmem:s14+$0xC830]  }
0x339: {  	v63 =	vld [tilespmem:s14+$0xC840];
	v3 =	vadd.f32 v36, v3  }
0x33a: {  	v10 =	vld [tilespmem:s14+$0xC850]  }
0x33b: {  	v36 =	vld [tilespmem:s14+$0x7850];
	v3 =	vadd.f32 v5, v3  }
0x33c: {  	[tilespmem:$0x1FF00] =	vst v37;
	v37 =	vld [tilespmem:s14+$0x7860]  }
0x33d: {  	v5 =	vld [tilespmem:s14+$0x5050];
	v3 =	vadd.f32 v38, v3  }
0x33e: {  	[tilespmem:$0x1FF10] =	vst v6;
	v6 =	vld [tilespmem:s14+$0x6400]  }
0x33f: {  	v38 =	vld [tilespmem:s14+$0x8C00];
	v3 =	vadd.f32 v9, v3  }
0x340: {  	[tilespmem:$0x1FF20] =	vst v39;
	v39 =	vld [tilespmem:s14+$0x8C10];
	v13 =	vadd.f32 v14, v13  }
0x341: {  	v14 =	vadd.f32 v16, v15;
	v15 =	vld [tilespmem:s14+$0xDC20];
	v3 =	vadd.f32 v40, v3  }
0x342: {  	v16 =	vadd.f32 v18, v17;
	v18 =	vld [tilespmem:s14+$0xDC30]  }
0x343: {  	v17 =	vadd.f32 v20, v19;
	v19 =	vld [tilespmem:s14+$0xF010];
	v3 =	vadd.f32 v41, v3  }
0x344: {  	v20 =	vld [tilespmem:s14+$0xF020]  }
0x345: {  	v9 =	vld [tilespmem:s14+$0x5030];
	v3 =	vadd.f32 v42, v3  }
0x346: {  	v14 =	vadd.f32 v23, v14;
	v23 =	vld [tilespmem:s14+$0xF050]  }
0x347: {  	v17 =	vadd.f32 v24, v17;
	v24 =	vld [tilespmem:s14+$0xF060];
	v3 =	vadd.f32 v43, v3  }
0x348: {  	v5 =	vadd.f32 v5, v16;
	v16 =	vld [tilespmem:s14+$0xDC60]  }
0x349: {  	v40 =	vld [tilespmem:s14+$0x8C20];
	v3 =	vadd.f32 v44, v3  }
0x34a: {  	v14 =	vadd.f32 v28, v14;
	v28 =	vld [tilespmem:s14+$0x10430]  }
0x34b: {  	v17 =	vadd.f32 v30, v17;
	v30 =	vld [tilespmem:s14+$0x10450];
	v3 =	vadd.f32 v45, v3  }
0x34c: {  	v5 =	vadd.f32 v29, v5;
	v29 =	vld [tilespmem:s14+$0x10440]  }
0x34d: {  	v41 =	vld [tilespmem:s14+$0x8C30];
	v3 =	vadd.f32 v46, v3  }
0x34e: {  	v9 =	vadd.f32 v9, v13;
	v13 =	vld [tilespmem:s14+$0xDC50]  }
0x34f: {  	v42 =	vld [tilespmem:s14+$0x8C40];
	v3 =	vadd.f32 v47, v3  }
0x350: {  	v9 =	vadd.f32 v27, v9;
	v27 =	vld [tilespmem:s14+$0x10420]  }
0x351: {  	v43 =	vld [tilespmem:s14+$0x8C50];
	v3 =	vadd.f32 v48, v3  }
0x352: {  	v14 =	vadd.f32 v35, v14;
	v44 =	vld [tilespmem:s14+$0x8C60]  }
0x353: {  	v5 =	vadd.f32 v36, v5;
	v48 =	vld [tilespmem:s14+$0xA030];
	v3 =	vadd.f32 v49, v3  }
0x354: {  	v9 =	vadd.f32 v34, v9;
	v14 =	vadd.f32 v42, v14;
	v42 =	vld [tilespmem:s14+$0x12C30]  }
0x355: {  	[tilespmem:s14+$0x16870] =	vst v3;
	v3 =	vld [tilespmem:s14+$0xC860]  }
0x356: {  	v9 =	vadd.f32 v41, v9;
	v45 =	vld [tilespmem:s14+$0xA000];
	v5 =	vadd.f32 v43, v5  }
0x357: {  	v43 =	vld [tilespmem:s14+$0x12C40]  }
0x358: {  	v46 =	vld [tilespmem:s14+$0xA010];
	v5 =	vadd.f32 v50, v5;
	v9 =	vadd.f32 v48, v9  }
0x359: {  	v17 =	vadd.f32 v37, v17;
	v50 =	vld [tilespmem:s14+$0x10460]  }
0x35a: {  	v5 =	vadd.f32 v57, v5;
	v9 =	vadd.f32 v55, v9;
	[tilespmem:$0x1FF30] =	vst v3;
	v3 =	vld [tilespmem:$0x1FF00]  }
0x35b: {  	v17 =	vadd.f32 v44, v17;
	v49 =	vld [tilespmem:s14+$0xA040]  }
0x35c: {  	v5 =	vadd.f32 v10, v5;
	v9 =	vadd.f32 v62, v9;
	v62 =	vld [tilespmem:$0x1FF30]  }
0x35d: {  	v44 =	vld [tilespmem:s14+$0x12C50];
	v17 =	vadd.f32 v51, v17  }
0x35e: {  	v47 =	vld [tilespmem:s14+$0xA020];
	v5 =	vadd.f32 v13, v5  }
0x35f: {  	v17 =	vadd.f32 v58, v17;
	v4 =	vadd.f32 v3, v12;
	v3 =	vld [tilespmem:$0x1FF10]  }
0x360: {  	v51 =	vld [tilespmem:s14+$0x14050];
	v5 =	vadd.f32 v23, v5  }
0x361: {  	v57 =	vld [tilespmem:s14+$0x15440];
	v14 =	vadd.f32 v49, v14;
	v17 =	vadd.f32 v62, v17  }
0x362: {  	v5 =	vadd.f32 v30, v5;
	v4 =	vadd.f32 v21, v4;
	v21 =	vld [tilespmem:s14+$0xF030]  }
0x363: {  	v58 =	vld [tilespmem:s14+$0x11830];
	v14 =	vadd.f32 v56, v14;
	v41 =	vadd.f32 v16, v17  }
0x364: {  	v4 =	vadd.f32 v6, v4;
	v3 =	vadd.f32 v3, v8;
	v8 =	vld [tilespmem:$0x1FF20]  }
0x365: {  	v48 =	vld [tilespmem:s14+$0x14020];
	v14 =	vadd.f32 v63, v14;
	v9 =	vadd.f32 v18, v9  }
0x366: {  	v49 =	vld [tilespmem:s14+$0x14030];
	v13 =	vadd.f32 v24, v41;
	v4 =	vadd.f32 v31, v4  }
0x367: {  	v56 =	vld [tilespmem:s14+$0x11820];
	v3 =	vadd.f32 v7, v3;
	v9 =	vadd.f32 v21, v9  }
0x368: {  	v7 =	vld [tilespmem:s14+$0xDC40];
	v13 =	vadd.f32 v50, v13;
	v4 =	vadd.f32 v38, v4  }
0x369: {  	v63 =	vld [tilespmem:s14+$0x12C00];
	v3 =	vadd.f32 v25, v3;
	v11 =	vadd.f32 v11, v8  }
0x36a: {  	v12 =	vld [tilespmem:s14+$0xDC00];
	v9 =	vadd.f32 v28, v9;
	v4 =	vadd.f32 v45, v4  }
0x36b: {  	v6 =	vld [tilespmem:s14+$0xF000];
	v3 =	vadd.f32 v32, v3;
	v11 =	vadd.f32 v22, v11  }
0x36c: {  	v50 =	vld [tilespmem:s14+$0x14040];
	v9 =	vadd.f32 v58, v9;
	v4 =	vadd.f32 v52, v4  }
0x36d: {  	v22 =	vld [tilespmem:s14+$0xF040];
	v7 =	vadd.f32 v7, v14;
	v11 =	vadd.f32 v26, v11  }
0x36e: {  	v25 =	vld [tilespmem:s14+$0x10400];
	v3 =	vadd.f32 v39, v3;
	v9 =	vadd.f32 v42, v9  }
0x36f: {  	v8 =	vld [tilespmem:s14+$0xDC10];
	v4 =	vadd.f32 v59, v4;
	v11 =	vadd.f32 v33, v11  }
0x370: {  	v45 =	vld [tilespmem:s14+$0x12C60];
	v3 =	vadd.f32 v46, v3;
	v9 =	vadd.f32 v49, v9  }
0x371: {  	v59 =	vld [tilespmem:s14+$0x11840];
	v4 =	vadd.f32 v12, v4;
	v11 =	vadd.f32 v40, v11  }
0x372: {  	v52 =	vld [tilespmem:s14+$0x11800];
	v3 =	vadd.f32 v53, v3;
	v7 =	vadd.f32 v22, v7  }
0x373: {  	v39 =	vld [tilespmem:s14+$0x12C10];
	v4 =	vadd.f32 v6, v4;
	v11 =	vadd.f32 v47, v11  }
0x374: {  	v3 =	vadd.f32 v60, v3;
	v60 =	vld [tilespmem:s14+$0x11850];
	v7 =	vadd.f32 v29, v7  }
0x375: {  	v26 =	vld [tilespmem:s14+$0x10410];
	v4 =	vadd.f32 v25, v4;
	v11 =	vadd.f32 v54, v11  }
0x376: {  	v46 =	vld [tilespmem:s14+$0x14000];
	v3 =	vadd.f32 v8, v3;
	v7 =	vadd.f32 v59, v7  }
0x377: {  	v54 =	vld [tilespmem:s14+$0x11810];
	v4 =	vadd.f32 v52, v4;
	v11 =	vadd.f32 v61, v11  }
0x378: {  	v3 =	vadd.f32 v19, v3;
	v6 =	vadd.f32 v43, v7;
	v61 =	vld [tilespmem:s14+$0x11860]  }
0x379: {  	v53 =	vld [tilespmem:s14+$0x15400];
	v5 =	vadd.f32 v60, v5;
	v38 =	vadd.f32 v15, v11  }
0x37a: {  	v40 =	vld [tilespmem:s14+$0x12C20];
	v4 =	vadd.f32 v63, v4;
	v3 =	vadd.f32 v26, v3  }
0x37b: {  	v47 =	vld [tilespmem:s14+$0x14010];
	v6 =	vadd.f32 v50, v6;
	v8 =	vadd.f32 v20, v38  }
0x37c: {  	v52 =	vld [tilespmem:s14+$0x14060];
	v4 =	vadd.f32 v46, v4;
	v3 =	vadd.f32 v54, v3  }
0x37d: {  	v54 =	vld [tilespmem:s14+$0x15410];
	v10 =	vadd.f32 v61, v13;
	v8 =	vadd.f32 v27, v8  }
0x37e: {  	v59 =	vld [tilespmem:s14+$0x15460];
	v62 =	vadd.f32 v57, v6;
	v3 =	vadd.f32 v39, v3  }
0x37f: {  	v10 =	vadd.f32 v45, v10;
	v8 =	vadd.f32 v56, v8;
	v56 =	vld [tilespmem:s14+$0x15430]  }
0x380: {  	v55 =	vld [tilespmem:s14+$0x15420];
	v4 =	vadd.f32 v53, v4;
	v3 =	vadd.f32 v47, v3  }
0x381: {  	v58 =	vld [tilespmem:s14+$0x15450];
	v61 =	vadd.f32 v52, v10;
	v8 =	vadd.f32 v40, v8  }
0x382: {  	v5 =	vadd.f32 v44, v5;
	[tilespmem:s14+$0x16840] =	vst v62;
	v3 =	vadd.f32 v54, v3  }
0x383: {  	[tilespmem:s14+$0x16800] =	vst v4;
	v63 =	vadd.f32 v59, v61;
	v8 =	vadd.f32 v48, v8  }
0x384: {  	v5 =	vadd.f32 v51, v5;
	[tilespmem:s14+$0x16810] =	vst v3;
	v3 =	vadd.f32 v56, v9  }
0x385: {  	[tilespmem:s14+$0x16860] =	vst v63;
	v60 =	vadd.f32 v55, v8  }
0x386: {  	s11 =	sadd.s32 $0x1, s11;
	[tilespmem:s14+$0x16830] =	vst v3;
	v3 =	vadd.f32 v58, v5  }
0x387: {  	p0 =	sne.s32 s11, s7;
	[tilespmem:s14+$0x16820] =	vst v60  }
.Ltmp4:
0x388: {  	[tilespmem:s14+$0x16850] =	vst v3;
	(pc) =	sbr.rel @p0 .LBB2_1-.Ltmp4, $4  }
0x389: {  	[hbm4b:s6+s2] =	stream.linear.scatter [tilespmem:s10], [sflag:$0x1], $0x1400, $0x38;
	[tilespmem:$0x17C00] =	vst v63  }
0x38a: {  	_ =	swait.ge [sflag:s8], $0x1400  }
0x38b: {  	[sflag:s8] =	ssyncset.done $0x0  }
0x38c: {  	[sflag:s8] =	ssyncadd.s32 $0xFFFFEC00  }
0x38d: {  	_ =	sfence.sel $0x180000  }
0x38e: {  	[bflag:$0x0] =	sbarrier.arrive $0xFFFF  }
0x38f: {  	p0 =	sne.s32 s0, $0x0;
	_ =	strace $0x90000047  }
0x390: {  	s0 =	sadd.s32 @!p0 $0x100000, s1;
	[bflag:$0x2] =	sbarrier.arrive $0xFFFF  }
0x391: {  	[sflag:s0] =	ssyncadd.tile.s32 @!p0 $0x1;
	_ =	shalt  }
.Lfunc_end2:
_tile_overlayer_lowered:
.L_overlay_start_2:
0x392: {  	(tag) =	ssettag $0x2  }
0x393: {  	s0 =	rddreg [dreg:$0x0];
	s2 =	stileid.u32  }
0x394: {  	s1 =	rddreg [dreg:$0x1];
	p0 =	sne.s32 s2, $0x0  }
0x395: {  	s3 =	rddreg [dreg:$0x2];
	[bflag:$0x3] =	sbarrier.arrive $0xFFFF;
	s2 =	simm.s32 @!p0 $0x1C01  }
0x396: {  	[timem:s3], [sflag:s2] =	dma.local @!p0 [hbm:s0], s1  }
0x397: {  	s0 =	simm.s32 @!p0 $0x1  }
0x398: {  	_ =	swait.ge @!p0 [sflag:s0], s1  }
0x399: {  	s1 =	ssub.s32 @!p0 $0x0, s1;
	[sflag:s0] =	ssyncset.done @!p0 $0x0  }
0x39a: {  	[sflag:s0] =	ssyncadd.s32 @!p0 s1  }
0x39b: {  	[bflag:$0x3] =	sbarrier.arrive $0xFFFF  }
0x39c: {  	_ =	shalt  }

</sc_bundles>
